<compile_context>
chip_gen: v7x
topology: tpu7x:2x2x1
jax: 0.10.2.dev20260603
libtpu: 0.0.44.dev20260713+nightly
codegen_flags: <defaults>
</compile_context>

<pallas_src>
import functools

import jax
import jax.numpy as jnp
from jax import lax
from jax.experimental import pallas as pl
from jax.experimental.pallas import tpu as pltpu
from jax.experimental.pallas import tpu_sc as plsc

T = 2048
D = 2048
QL = 1536
H = 32
HD = 128
RD = 64
TOPK = 1024

TM = 256


def _scores_kernel(q_ref, k_ref, w_ref, ks_ref, ke_ref, out_ref):
    scale = HD ** (-0.5) * H ** (-0.5)
    w = (w_ref[...] * scale).astype(jnp.bfloat16).astype(jnp.float32)
    k = k_ref[...]
    prods = []
    for h in range(H):
        qh = q_ref[:, h * HD:(h + 1) * HD]
        logits = lax.dot_general(qh, k, (((1,), (1,)), ((), ())),
                                 preferred_element_type=jnp.float32)
        rl = jnp.maximum(logits, 0.0).astype(jnp.bfloat16).astype(jnp.float32)
        prods.append(w[:, h:h + 1] * rl)
    acc = None
    for g in range(0, H, 8):
        ps = prods[g:g + 8]
        while len(ps) > 1:
            ps = [ps[i] + ps[i + 1] for i in range(0, len(ps), 2)]
        acc = ps[0] if acc is None else acc + ps[0]
    pos = lax.broadcasted_iota(jnp.int32, (TM, T), 1)
    valid = (pos >= ks_ref[0]) & (pos < ke_ref[0])
    ui = lax.bitcast_convert_type(acc, jnp.uint32)
    su = jnp.where(acc < 0.0, ~ui, ui | jnp.uint32(0x80000000))
    key = ~su
    key = jnp.where(valid, key, jnp.uint32(0xFFFFFFFF))
    out_ref[...] = lax.bitcast_convert_type(key, jnp.int32)


def _layernorm_host(x, w, b, eps=1e-06):
    mu = jnp.mean(x, axis=-1, keepdims=True)
    var = jnp.mean(jnp.square(x - mu), axis=-1, keepdims=True)
    return (x - mu) / jnp.sqrt(var + eps) * w + b


def _rope_interleave_host(x, cos, sin):
    d = x.shape[-1]
    xs = x.reshape(x.shape[:-1] + (d // 2, 2))
    xs = jnp.swapaxes(xs, -1, -2).reshape(x.shape)
    rot = jnp.concatenate([-xs[..., d // 2:], xs[..., :d // 2]], axis=-1)
    return xs * cos + rot * sin


def _scores(hidden_states, q_latent, ks, ke, cos, sin, Wq_b, Wk, ln_w, ln_b,
            Ww):
    x = hidden_states[0]
    ql = q_latent[0]
    cos_t = cos[0]
    sin_t = sin[0]

    nt = T // TM
    q_idx = (ql @ Wq_b.T).reshape(T, H, HD)
    k_idx = _layernorm_host(x @ Wk.T, ln_w, ln_b)
    w = x @ Ww.T
    q_pe = _rope_interleave_host(q_idx[..., :RD], cos_t[:, None, :],
                                 sin_t[:, None, :])
    k_pe = _rope_interleave_host(k_idx[:, :RD], cos_t, sin_t)
    q = jnp.concatenate([q_pe, q_idx[..., RD:]], -1).reshape(T, H * HD)
    k = jnp.concatenate([k_pe, k_idx[:, RD:]], -1)

    ks3 = ks.reshape(nt, TM, 1)
    ke3 = ke.reshape(nt, TM, 1)
    masked = pl.pallas_call(
        _scores_kernel,
        grid=(nt,),
        in_specs=[
            pl.BlockSpec((TM, H * HD), lambda i: (i, 0)),
            pl.BlockSpec((T, HD), lambda i: (0, 0)),
            pl.BlockSpec((TM, H), lambda i: (i, 0)),
            pl.BlockSpec((1, TM, 1), lambda i: (i, 0, 0)),
            pl.BlockSpec((1, TM, 1), lambda i: (i, 0, 0)),
        ],
        out_specs=pl.BlockSpec((TM, T), lambda i: (i, 0)),
        out_shape=jax.ShapeDtypeStruct((T, T), jnp.int32),
    )(q, k, w, ks3, ke3)
    return masked


NW = 32
RPW = T // NW


def _sc_topk(keys, ke):
    mesh = plsc.VectorSubcoreMesh(core_axis_name="c", subcore_axis_name="s")
    NV = T // 16

    @functools.partial(
        pl.kernel,
        out_type=jax.ShapeDtypeStruct((T, TOPK), jnp.int32),
        mesh=mesh,
        scratch_types=[
            pltpu.VMEM((T,), jnp.int32),
            pltpu.VMEM((T,), jnp.int32),
            pltpu.VMEM((T,), jnp.int32),
            pltpu.VMEM((T,), jnp.int32),
            pltpu.VMEM((512,), jnp.int32),
            pltpu.VMEM((512,), jnp.int32),
            pltpu.VMEM((T,), jnp.int32),
            pltpu.VMEM((T,), jnp.int32),
            pltpu.VMEM((T,), jnp.int32),
            pltpu.VMEM((T,), jnp.int32),
            pltpu.VMEM((512,), jnp.int32),
            pltpu.VMEM((512,), jnp.int32),
            pltpu.VMEM((TOPK,), jnp.int32),
            pltpu.VMEM((T,), jnp.int32),
        ],
        compiler_params=pltpu.CompilerParams(needs_layout_passes=False),
    )
    def body(keys_hbm, ke_hbm, out_hbm, ka0, va0, ka1, va1, hista, offsa,
             kb0, vb0, kb1, vb1, histb, offsb, outv, kev):
        wid = lax.axis_index("s") * 2 + lax.axis_index("c")
        lane = jax.lax.iota(jnp.int32, 16)
        ones = jnp.ones((16,), jnp.int32)
        zeros = jnp.zeros((16,), jnp.int32)
        pltpu.sync_copy(ke_hbm, kev)

        def do_pass(cs, ins, outs, shift, first):
            (kia, via, kib, vib) = ins
            (koa, voa, kob, vob) = outs

            def zbody(jj, c):
                hista[pl.ds(jj * 16, 16)] = zeros
                histb[pl.ds(jj * 16, 16)] = zeros
                return c
            lax.fori_loop(0, 32, zbody, 0)

            def hbody(i, c):
                idx = lane * cs + i
                ka = plsc.load_gather(kia, [idx])
                kb = plsc.load_gather(kib, [idx])
                addra = ((ka >> shift) & 31) * 16 + lane
                addrb = ((kb >> shift) & 31) * 16 + lane
                plsc.addupdate_scatter(hista, [addra], ones)
                plsc.addupdate_scatter(histb, [addrb], ones)
                return c
            lax.fori_loop(0, cs, hbody, 0)

            def obody(jj, carry):
                ca, cb = carry
                ha = hista[pl.ds(jj * 16, 16)]
                hb = histb[pl.ds(jj * 16, 16)]
                csa = plsc.cumsum(ha)
                csb = plsc.cumsum(hb)
                offsa[pl.ds(jj * 16, 16)] = csa - ha + ca
                offsb[pl.ds(jj * 16, 16)] = csb - hb + cb
                return (ca + jnp.sum(ha), cb + jnp.sum(hb))
            lax.fori_loop(0, 32, obody, (jnp.int32(0), jnp.int32(0)))

            def pbody(i, c):
                idx = lane * cs + i
                ka = plsc.load_gather(kia, [idx])
                kb = plsc.load_gather(kib, [idx])
                va = idx if first else plsc.load_gather(via, [idx])
                vb = idx if first else plsc.load_gather(vib, [idx])
                addra = ((ka >> shift) & 31) * 16 + lane
                addrb = ((kb >> shift) & 31) * 16 + lane
                cura = plsc.load_gather(offsa, [addra])
                curb = plsc.load_gather(offsb, [addrb])
                plsc.store_scatter(koa, [cura], ka)
                plsc.store_scatter(kob, [curb], kb)
                plsc.store_scatter(voa, [cura], va)
                plsc.store_scatter(vob, [curb], vb)
                plsc.store_scatter(offsa, [addra], cura + ones)
                plsc.store_scatter(offsb, [addrb], curb + ones)
                return c
            lax.fori_loop(0, cs, pbody, 0)

        def emit_row(r, kfin, vfin, cs):
            wlim = jnp.minimum(cs, TOPK // 16)

            def wbody(jo, c2):
                key = kfin[pl.ds(jo * 16, 16)]
                val = vfin[pl.ds(jo * 16, 16)]
                outv[pl.ds(jo * 16, 16)] = jnp.where(key != -1, val, -1)
                return c2
            lax.fori_loop(0, wlim, wbody, 0)

            def fbody(jo, c2):
                outv[pl.ds(jo * 16, 16)] = jnp.full((16,), -1, jnp.int32)
                return c2
            lax.fori_loop(wlim, TOPK // 16, fbody, 0)
            pltpu.sync_copy(outv, out_hbm.at[r])

        def row_body(jp, c):
            ra = wid + NW * (2 * jp)
            rb = wid + NW * (2 * jp + 1)
            wl = wid & 15
            kva = kev[pl.ds(ra - wl, 16)]
            kvb = kev[pl.ds(rb - wl, 16)]
            na = jnp.sum(jnp.where(lane == wl, kva, zeros))
            nb = jnp.sum(jnp.where(lane == wl, kvb, zeros))
            csa = (na + 15) // 16
            csb = (nb + 15) // 16
            cs = jnp.maximum(csa, csb)
            pltpu.sync_copy(keys_hbm.at[ra], ka0)
            pltpu.sync_copy(keys_hbm.at[rb], kb0)
            b0 = (ka0, va0, kb0, vb0)
            b1 = (ka1, va1, kb1, vb1)
            do_pass(cs, b0, b1, 0, True)
            do_pass(cs, b1, b0, 5, False)
            do_pass(cs, b0, b1, 10, False)
            do_pass(cs, b1, b0, 15, False)
            do_pass(cs, b0, b1, 20, False)
            do_pass(cs, b1, b0, 25, False)
            do_pass(cs, b0, b1, 30, False)
            emit_row(ra, ka1, va1, jnp.minimum(csa, cs))
            emit_row(rb, kb1, vb1, jnp.minimum(csb, cs))
            return c
        lax.fori_loop(0, RPW // 2, row_body, 0)

    return body(keys, ke)


def kernel(hidden_states, q_latent, ks, ke, index_topk, cos, sin, Wq_b, Wk,
           ln_w, ln_b, Ww):
    keys = _scores(hidden_states, q_latent, ks, ke, cos, sin, Wq_b, Wk,
                   ln_w, ln_b, Ww)
    top_idx = _sc_topk(keys, ke)
    indices = jnp.where(jnp.arange(TOPK)[None, :] < index_topk, top_idx, -1)
    return indices.reshape(1, T, 1, TOPK)

# --- scband reference (transcript-rebuilt; emitter-appended) ---
"""Pipeline reference for scband-indexer-33371895890037 (READ-ONLY COPY).

The authoritative reference and input builder live on the scoring server;
editing this copy changes nothing except your own understanding.
"""

import jax, jax.numpy as jnp
import numpy as np

T = 2048
D = 2048
QL = 1536
H = 32
HD = 128
RD = 64
TOPK = 1024


def _layernorm(x, w, b, eps=1e-06):
    mu = jnp.mean(x, axis=-1, keepdims=True)
    var = jnp.mean(jnp.square(x - mu), axis=-1, keepdims=True)
    return (x - mu) / jnp.sqrt(var + eps) * w + b


def _rope_interleave(x, cos, sin):
    # x: [..., d] interleaved layout; de-interleave then standard rotate_half
    d = x.shape[-1]
    xs = x.reshape(x.shape[:-1] + (d // 2, 2))
    xs = jnp.swapaxes(xs, -1, -2).reshape(x.shape)
    rot = jnp.concatenate([-xs[..., d // 2:], xs[..., :d // 2]], axis=-1)
    return xs * cos + rot * sin


def setup_inputs(seed: int = 0):
    key = jax.random.key(seed)
    k = [jax.random.fold_in(key, i) for i in range(10)]
    return {
        "hidden_states": jax.random.normal(k[0], (1, T, D), jnp.float32),
        "q_latent": jax.random.normal(k[1], (1, T, QL), jnp.float32),
        "ks": jnp.zeros((T,), jnp.int32),
        "ke": jnp.arange(T, dtype=jnp.int32),
        "index_topk": TOPK,
        "cos": jax.random.uniform(k[2], (1, T, RD), jnp.float32),
        "sin": jax.random.uniform(k[3], (1, T, RD), jnp.float32),
        "Wq_b": jax.random.normal(k[4], (H * HD, QL), jnp.float32) * 0.02,
        "Wk": jax.random.normal(k[5], (HD, D), jnp.float32) * 0.02,
        "ln_w": jnp.ones((HD,), jnp.float32),
        "ln_b": jnp.zeros((HD,), jnp.float32),
        "Ww": jax.random.normal(k[6], (H, D), jnp.float32) * 0.02,
    }


def reference(hidden_states, q_latent, ks, ke, index_topk, cos, sin, Wq_b, Wk, ln_w, ln_b, Ww):
    x = hidden_states[0]          # [T, D]
    ql = q_latent[0]              # [T, QL]
    q_idx = (ql @ Wq_b.T).reshape(T, H, HD)
    k_idx = _layernorm(x @ Wk.T, ln_w, ln_b)   # [T, HD]
    w = x @ Ww.T                               # [T, H]
    q_pe, q_nope = q_idx[..., :RD], q_idx[..., RD:]
    k_pe, k_nope = k_idx[..., :RD], k_idx[..., RD:]
    cos_t, sin_t = cos[0], sin[0]              # [T, RD]
    q_pe = _rope_interleave(q_pe, cos_t[:, None, :], sin_t[:, None, :])
    k_pe = _rope_interleave(k_pe, cos_t, sin_t)
    q = jnp.concatenate([q_pe, q_nope], axis=-1)   # [T, H, HD]
    k = jnp.concatenate([k_pe, k_nope], axis=-1)   # [T, HD]
    weight_scale = HD ** (-0.5) * H ** (-0.5)
    logits = jnp.einsum('thd,sd->ths', q, k)       # [T, H, T]
    scores = jnp.einsum('th,ths->ts', w * weight_scale, jax.nn.relu(logits))
    pos = jnp.arange(T)
    valid = (pos[None, :] >= ks[:, None]) & (pos[None, :] < ke[:, None])
    neg = jnp.finfo(scores.dtype).min
    masked = jnp.where(valid, scores, neg)
    top_vals, top_idx = jax.lax.top_k(masked, TOPK)
    keep = (top_vals > neg) & (jnp.arange(TOPK)[None, :] < index_topk)
    indices = jnp.where(keep, top_idx, -1)
    return indices.reshape(1, T, 1, TOPK)


if False:  # reference __main__ guard neutralized (emitter)
    out = reference(**setup_inputs())
    print(out.shape, out.dtype)

if __name__ == "__main__":
    import jax
    _d = setup_inputs()
    print(jax.jit(kernel)(*tuple(_d.values())))

</pallas_src>

<mosaic_0001>
#map = affine_map<(d0, d1) -> (0, 0)>
#map1 = affine_map<(d0, d1) -> (0)>
module attributes {stable_mosaic.version = 14 : i64} {
  func.func @body(%arg0: i32, %arg1: i32, %arg2: memref<2048x2048xi32, #tpu.memory_space<hbm>>, %arg3: memref<2048xi32, #tpu.memory_space<hbm>>, %arg4: memref<2048x1024xi32, #tpu.memory_space<hbm>>, %arg5: memref<2048xi32, #tpu.memory_space<vmem>>, %arg6: memref<2048xi32, #tpu.memory_space<vmem>>, %arg7: memref<2048xi32, #tpu.memory_space<vmem>>, %arg8: memref<2048xi32, #tpu.memory_space<vmem>>, %arg9: memref<512xi32, #tpu.memory_space<vmem>>, %arg10: memref<512xi32, #tpu.memory_space<vmem>>, %arg11: memref<2048xi32, #tpu.memory_space<vmem>>, %arg12: memref<2048xi32, #tpu.memory_space<vmem>>, %arg13: memref<2048xi32, #tpu.memory_space<vmem>>, %arg14: memref<2048xi32, #tpu.memory_space<vmem>>, %arg15: memref<512xi32, #tpu.memory_space<vmem>>, %arg16: memref<512xi32, #tpu.memory_space<vmem>>, %arg17: memref<1024xi32, #tpu.memory_space<vmem>>, %arg18: memref<2048xi32, #tpu.memory_space<vmem>>) attributes {dimension_semantics = [#tpu.dimension_semantics<core_parallel>, #tpu.dimension_semantics<subcore_parallel>], iteration_bounds = array<i64: 2, 16>, scalar_prefetch = 0 : i64, scratch_operands = 14 : i64, tpu.core_type = #tpu.core_type<sc_vector_subcore>, window_params = [{transform_indices = #map}, {transform_indices = #map1}, {transform_indices = #map}]} {
    %mul3A = arith.constant 2 : i32
    %mul3A_0 = arith.muli %arg1, %mul3A : i32
    %add3A = arith.addi %mul3A_0, %arg0 : i32
    %iota3A = tpu.iota {dimensions = array<i32: 0>} : vector<16xi32>
    %broadcast_in_dim3A = arith.constant 1 : i32
    %broadcast_in_dim3A_1 = vector.broadcast %broadcast_in_dim3A : i32 to vector<16xi32>
    %broadcast_in_dim3A_2 = arith.constant 0 : i32
    %broadcast_in_dim3A_3 = vector.broadcast %broadcast_in_dim3A_2 : i32 to vector<16xi32>
    "tpu.region"() ({
      %run_scoped3A = tpu.sem_alloc : memref<!tpu.dma_semaphore, #tpu.memory_space<semaphore_mem>>
      tpu.enqueue_dma source(%arg3 : memref<2048xi32, #tpu.memory_space<hbm>>) target(%arg18 : memref<2048xi32, #tpu.memory_space<vmem>>) target_semaphore(%run_scoped3A : memref<!tpu.dma_semaphore, #tpu.memory_space<semaphore_mem>>)
      tpu.wait_dma2 semaphore(%run_scoped3A : memref<!tpu.dma_semaphore, #tpu.memory_space<semaphore_mem>>) src(%arg3 : memref<2048xi32, #tpu.memory_space<hbm>>) dst(%arg18 : memref<2048xi32, #tpu.memory_space<vmem>>)
      tpu.yield
    }) : () -> ()
    %scan3A = arith.constant 0 : i32
    %scan3A_4 = arith.constant 0 : i32
    %scan3A_5 = arith.constant 32 : i32
    %scan3A_6 = arith.addi %scan3A_4, %scan3A_5 : i32
    %scan3A_7 = arith.constant 1 : i32
    scf.for %scan3A_9 = %scan3A_4 to %scan3A_6 step %scan3A_7  : i32 {
      %mul3A_10 = arith.constant 2 : i32
      %mul3A_11 = arith.muli %mul3A_10, %scan3A_9 : i32
      %mul3A_12 = arith.constant 32 : i32
      %mul3A_13 = arith.muli %mul3A_12, %mul3A_11 : i32
      %add3A_14 = arith.addi %add3A, %mul3A_13 : i32
      %mul3A_15 = arith.constant 2 : i32
      %mul3A_16 = arith.muli %mul3A_15, %scan3A_9 : i32
      %add3A_17 = arith.constant 1 : i32
      %add3A_18 = arith.addi %mul3A_16, %add3A_17 : i32
      %mul3A_19 = arith.constant 32 : i32
      %mul3A_20 = arith.muli %mul3A_19, %add3A_18 : i32
      %add3A_21 = arith.addi %add3A, %mul3A_20 : i32
      %and3A = arith.constant 15 : i32
      %and3A_22 = arith.andi %add3A, %and3A : i32
      %sub3A = arith.subi %add3A_14, %and3A_22 : i32
      %get3A = arith.index_cast %sub3A : i32 to index
      %get3A_23 = tpu.vector_load %arg18[%get3A] {strides = array<i32>} : memref<2048xi32, #tpu.memory_space<vmem>>, vector<16xi32>,
      %sub3A_24 = arith.subi %add3A_21, %and3A_22 : i32
      %get3A_25 = arith.index_cast %sub3A_24 : i32 to index
      %get3A_26 = tpu.vector_load %arg18[%get3A_25] {strides = array<i32>} : memref<2048xi32, #tpu.memory_space<vmem>>, vector<16xi32>,
      %eq3A = vector.broadcast %and3A_22 : i32 to vector<16xi32>
      %eq3A_27 = arith.cmpi eq, %iota3A, %eq3A : vector<16xi32>
      %select_n3A = arith.select %eq3A_27, %get3A_23, %broadcast_in_dim3A_3 : vector<16xi1>, vector<16xi32>
      %reduce_sum3A = arith.constant true
      %reduce_sum3A_28 = vector.broadcast %reduce_sum3A : i1 to vector<16xi1>
      %reduce_sum3A_29 = tpu.scan <sum>, %select_n3A masked %reduce_sum3A_28 : vector<16xi32>, vector<16xi1> -> vector<16xi32>
      %reduce_sum3A_30 = vector.extract %reduce_sum3A_29[15] : i32 from vector<16xi32>
      %eq3A_31 = vector.broadcast %and3A_22 : i32 to vector<16xi32>
      %eq3A_32 = arith.cmpi eq, %iota3A, %eq3A_31 : vector<16xi32>
      %select_n3A_33 = arith.select %eq3A_32, %get3A_26, %broadcast_in_dim3A_3 : vector<16xi1>, vector<16xi32>
      %reduce_sum3A_34 = arith.constant true
      %reduce_sum3A_35 = vector.broadcast %reduce_sum3A_34 : i1 to vector<16xi1>
      %reduce_sum3A_36 = tpu.scan <sum>, %select_n3A_33 masked %reduce_sum3A_35 : vector<16xi32>, vector<16xi1> -> vector<16xi32>
      %reduce_sum3A_37 = vector.extract %reduce_sum3A_36[15] : i32 from vector<16xi32>
      %add3A_38 = arith.constant 15 : i32
      %add3A_39 = arith.addi %reduce_sum3A_30, %add3A_38 : i32
      %jit3A = arith.constant 16 : i32
      %div3A = arith.divsi %add3A_39, %jit3A : i32
      %sign3A = arith.constant 0 : i32
      %sign3A_40 = arith.cmpi sgt, %add3A_39, %sign3A : i32
      %sign3A_41 = arith.extui %sign3A_40 : i1 to i32
      %sign3A_42 = arith.constant 0 : i32
      %sign3A_43 = arith.cmpi slt, %add3A_39, %sign3A_42 : i32
      %sign3A_44 = arith.extui %sign3A_43 : i1 to i32
      %sign3A_45 = arith.subi %sign3A_41, %sign3A_44 : i32
      %sign3A_46 = arith.constant 0 : i32
      %sign3A_47 = arith.cmpi sgt, %jit3A, %sign3A_46 : i32
      %sign3A_48 = arith.extui %sign3A_47 : i1 to i32
      %sign3A_49 = arith.constant 0 : i32
      %sign3A_50 = arith.cmpi slt, %jit3A, %sign3A_49 : i32
      %sign3A_51 = arith.extui %sign3A_50 : i1 to i32
      %sign3A_52 = arith.subi %sign3A_48, %sign3A_51 : i32
      %ne3A = arith.cmpi ne, %sign3A_45, %sign3A_52 : i32
      %rem3A = arith.remsi %add3A_39, %jit3A : i32
      %ne3A_53 = arith.constant 0 : i32
      %ne3A_54 = arith.cmpi ne, %rem3A, %ne3A_53 : i32
      %and3A_55 = arith.andi %ne3A, %ne3A_54 : i1
      %sub3A_56 = arith.constant 1 : i32
      %sub3A_57 = arith.subi %div3A, %sub3A_56 : i32
      %select_n3A_58 = arith.select %and3A_55, %sub3A_57, %div3A : i32
      %add3A_59 = arith.constant 15 : i32
      %add3A_60 = arith.addi %reduce_sum3A_37, %add3A_59 : i32
      %jit3A_61 = arith.constant 16 : i32
      %div3A_62 = arith.divsi %add3A_60, %jit3A_61 : i32
      %sign3A_63 = arith.constant 0 : i32
      %sign3A_64 = arith.cmpi sgt, %add3A_60, %sign3A_63 : i32
      %sign3A_65 = arith.extui %sign3A_64 : i1 to i32
      %sign3A_66 = arith.constant 0 : i32
      %sign3A_67 = arith.cmpi slt, %add3A_60, %sign3A_66 : i32
      %sign3A_68 = arith.extui %sign3A_67 : i1 to i32
      %sign3A_69 = arith.subi %sign3A_65, %sign3A_68 : i32
      %sign3A_70 = arith.constant 0 : i32
      %sign3A_71 = arith.cmpi sgt, %jit3A_61, %sign3A_70 : i32
      %sign3A_72 = arith.extui %sign3A_71 : i1 to i32
      %sign3A_73 = arith.constant 0 : i32
      %sign3A_74 = arith.cmpi slt, %jit3A_61, %sign3A_73 : i32
      %sign3A_75 = arith.extui %sign3A_74 : i1 to i32
      %sign3A_76 = arith.subi %sign3A_72, %sign3A_75 : i32
      %ne3A_77 = arith.cmpi ne, %sign3A_69, %sign3A_76 : i32
      %rem3A_78 = arith.remsi %add3A_60, %jit3A_61 : i32
      %ne3A_79 = arith.constant 0 : i32
      %ne3A_80 = arith.cmpi ne, %rem3A_78, %ne3A_79 : i32
      %and3A_81 = arith.andi %ne3A_77, %ne3A_80 : i1
      %sub3A_82 = arith.constant 1 : i32
      %sub3A_83 = arith.subi %div3A_62, %sub3A_82 : i32
      %select_n3A_84 = arith.select %and3A_81, %sub3A_83, %div3A_62 : i32
      %max3A = arith.maxsi %select_n3A_58, %select_n3A_84 : i32
      "tpu.region"() ({
        %run_scoped3A = tpu.sem_alloc : memref<!tpu.dma_semaphore, #tpu.memory_space<semaphore_mem>>
        %dma_start3A = arith.constant 0 : i32
        %dma_start3A_367 = tpu.memref_slice %arg2[%add3A_14, %dma_start3A] : memref<2048x2048xi32, #tpu.memory_space<hbm>> -> memref<1x2048xi32, #tpu.memory_space<hbm>>
        %dma_start3A_368 = tpu.memref_squeeze %dma_start3A_367 : memref<1x2048xi32, #tpu.memory_space<hbm>> -> memref<2048xi32, #tpu.memory_space<hbm>>
        %dma_start3A_369 = arith.constant 0 : i32
        %dma_start3A_370 = tpu.memref_slice %arg2[%add3A_14, %dma_start3A_369] : memref<2048x2048xi32, #tpu.memory_space<hbm>> -> memref<1x2048xi32, #tpu.memory_space<hbm>>
        %dma_start3A_371 = tpu.memref_squeeze %dma_start3A_370 : memref<1x2048xi32, #tpu.memory_space<hbm>> -> memref<2048xi32, #tpu.memory_space<hbm>>
        tpu.enqueue_dma source(%dma_start3A_371 : memref<2048xi32, #tpu.memory_space<hbm>>) target(%arg5 : memref<2048xi32, #tpu.memory_space<vmem>>) target_semaphore(%run_scoped3A : memref<!tpu.dma_semaphore, #tpu.memory_space<semaphore_mem>>)
        %dma_wait3A = arith.constant 0 : i32
        %dma_wait3A_372 = tpu.memref_slice %arg2[%add3A_14, %dma_wait3A] : memref<2048x2048xi32, #tpu.memory_space<hbm>> -> memref<1x2048xi32, #tpu.memory_space<hbm>>
        %dma_wait3A_373 = tpu.memref_squeeze %dma_wait3A_372 : memref<1x2048xi32, #tpu.memory_space<hbm>> -> memref<2048xi32, #tpu.memory_space<hbm>>
        %dma_wait3A_374 = arith.constant 0 : i32
        %dma_wait3A_375 = tpu.memref_slice %arg2[%add3A_14, %dma_wait3A_374] : memref<2048x2048xi32, #tpu.memory_space<hbm>> -> memref<1x2048xi32, #tpu.memory_space<hbm>>
        %dma_wait3A_376 = tpu.memref_squeeze %dma_wait3A_375 : memref<1x2048xi32, #tpu.memory_space<hbm>> -> memref<2048xi32, #tpu.memory_space<hbm>>
        tpu.wait_dma2 semaphore(%run_scoped3A : memref<!tpu.dma_semaphore, #tpu.memory_space<semaphore_mem>>) src(%dma_wait3A_376 : memref<2048xi32, #tpu.memory_space<hbm>>) dst(%arg5 : memref<2048xi32, #tpu.memory_space<vmem>>)
        tpu.yield
      }) : () -> ()
      "tpu.region"() ({
        %run_scoped3A = tpu.sem_alloc : memref<!tpu.dma_semaphore, #tpu.memory_space<semaphore_mem>>
        %dma_start3A = arith.constant 0 : i32
        %dma_start3A_367 = tpu.memref_slice %arg2[%add3A_21, %dma_start3A] : memref<2048x2048xi32, #tpu.memory_space<hbm>> -> memref<1x2048xi32, #tpu.memory_space<hbm>>
        %dma_start3A_368 = tpu.memref_squeeze %dma_start3A_367 : memref<1x2048xi32, #tpu.memory_space<hbm>> -> memref<2048xi32, #tpu.memory_space<hbm>>
        %dma_start3A_369 = arith.constant 0 : i32
        %dma_start3A_370 = tpu.memref_slice %arg2[%add3A_21, %dma_start3A_369] : memref<2048x2048xi32, #tpu.memory_space<hbm>> -> memref<1x2048xi32, #tpu.memory_space<hbm>>
        %dma_start3A_371 = tpu.memref_squeeze %dma_start3A_370 : memref<1x2048xi32, #tpu.memory_space<hbm>> -> memref<2048xi32, #tpu.memory_space<hbm>>
        tpu.enqueue_dma source(%dma_start3A_371 : memref<2048xi32, #tpu.memory_space<hbm>>) target(%arg11 : memref<2048xi32, #tpu.memory_space<vmem>>) target_semaphore(%run_scoped3A : memref<!tpu.dma_semaphore, #tpu.memory_space<semaphore_mem>>)
        %dma_wait3A = arith.constant 0 : i32
        %dma_wait3A_372 = tpu.memref_slice %arg2[%add3A_21, %dma_wait3A] : memref<2048x2048xi32, #tpu.memory_space<hbm>> -> memref<1x2048xi32, #tpu.memory_space<hbm>>
        %dma_wait3A_373 = tpu.memref_squeeze %dma_wait3A_372 : memref<1x2048xi32, #tpu.memory_space<hbm>> -> memref<2048xi32, #tpu.memory_space<hbm>>
        %dma_wait3A_374 = arith.constant 0 : i32
        %dma_wait3A_375 = tpu.memref_slice %arg2[%add3A_21, %dma_wait3A_374] : memref<2048x2048xi32, #tpu.memory_space<hbm>> -> memref<1x2048xi32, #tpu.memory_space<hbm>>
        %dma_wait3A_376 = tpu.memref_squeeze %dma_wait3A_375 : memref<1x2048xi32, #tpu.memory_space<hbm>> -> memref<2048xi32, #tpu.memory_space<hbm>>
        tpu.wait_dma2 semaphore(%run_scoped3A : memref<!tpu.dma_semaphore, #tpu.memory_space<semaphore_mem>>) src(%dma_wait3A_376 : memref<2048xi32, #tpu.memory_space<hbm>>) dst(%arg11 : memref<2048xi32, #tpu.memory_space<vmem>>)
        tpu.yield
      }) : () -> ()
      %scan3A_85 = arith.constant 0 : i32
      %scan3A_86 = arith.constant 0 : i32
      %scan3A_87 = arith.constant 32 : i32
      %scan3A_88 = arith.addi %scan3A_86, %scan3A_87 : i32
      %scan3A_89 = arith.constant 1 : i32
      scf.for %scan3A_367 = %scan3A_86 to %scan3A_88 step %scan3A_89  : i32 {
        %mul3A_368 = arith.constant 16 : i32
        %mul3A_369 = arith.muli %scan3A_367, %mul3A_368 : i32
        %swap3A = arith.index_cast %mul3A_369 : i32 to index
        %swap3A_370 = tpu.vector_load %arg9[%swap3A] {strides = array<i32>} : memref<512xi32, #tpu.memory_space<vmem>>, vector<16xi32>,
        tpu.vector_store %arg9[%swap3A], %broadcast_in_dim3A_3 {strides = array<i32>} : memref<512xi32, #tpu.memory_space<vmem>>, vector<16xi32>,
        %mul3A_371 = arith.constant 16 : i32
        %mul3A_372 = arith.muli %scan3A_367, %mul3A_371 : i32
        %swap3A_373 = arith.index_cast %mul3A_372 : i32 to index
        %swap3A_374 = tpu.vector_load %arg15[%swap3A_373] {strides = array<i32>} : memref<512xi32, #tpu.memory_space<vmem>>, vector<16xi32>,
        tpu.vector_store %arg15[%swap3A_373], %broadcast_in_dim3A_3 {strides = array<i32>} : memref<512xi32, #tpu.memory_space<vmem>>, vector<16xi32>,
      }
      %scan3A_90 = arith.constant 32 : i32
      %while3A = arith.constant 0 : i32
      %while3A_91 = arith.constant 0 : i32
      %while3A_92 = arith.subi %max3A, %while3A_91 : i32
      %while3A_93 = arith.addi %while3A_91, %while3A_92 : i32
      %while3A_94 = arith.constant 1 : i32
      %while3A_95 = arith.divsi %while3A_92, %while3A_94 : i32
      %while3A_96 = arith.muli %while3A_95, %while3A_94 : i32
      %while3A_97 = arith.addi %while3A_91, %while3A_96 : i32
      %while3A_98 = arith.constant 1 : i32
      scf.for %while3A_367 = %while3A_91 to %while3A_97 step %while3A_98  : i32 {
        %mul3A_368 = vector.broadcast %max3A : i32 to vector<16xi32>
        %mul3A_369 = arith.muli %iota3A, %mul3A_368 : vector<16xi32>
        %add3A_370 = vector.broadcast %while3A_367 : i32 to vector<16xi32>
        %add3A_371 = arith.addi %mul3A_369, %add3A_370 : vector<16xi32>
        %gather3A = tpu.vector_load_idx %arg5[%add3A_371] : memref<2048xi32, #tpu.memory_space<vmem>>[vector<16xi32>], vector<16xi32>,
        %gather3A_372 = tpu.vector_load_idx %arg11[%add3A_371] : memref<2048xi32, #tpu.memory_space<vmem>>[vector<16xi32>], vector<16xi32>,
        %shift_right_arithmetic3A = arith.constant 0 : i32
        %shift_right_arithmetic3A_373 = vector.broadcast %shift_right_arithmetic3A : i32 to vector<16xi32>
        %shift_right_arithmetic3A_374 = arith.shrsi %gather3A, %shift_right_arithmetic3A_373 : vector<16xi32>
        %and3A_375 = arith.constant 31 : i32
        %and3A_376 = vector.broadcast %and3A_375 : i32 to vector<16xi32>
        %and3A_377 = arith.andi %shift_right_arithmetic3A_374, %and3A_376 : vector<16xi32>
        %mul3A_378 = arith.constant 16 : i32
        %mul3A_379 = vector.broadcast %mul3A_378 : i32 to vector<16xi32>
        %mul3A_380 = arith.muli %and3A_377, %mul3A_379 : vector<16xi32>
        %add3A_381 = arith.addi %mul3A_380, %iota3A : vector<16xi32>
        %shift_right_arithmetic3A_382 = arith.constant 0 : i32
        %shift_right_arithmetic3A_383 = vector.broadcast %shift_right_arithmetic3A_382 : i32 to vector<16xi32>
        %shift_right_arithmetic3A_384 = arith.shrsi %gather3A_372, %shift_right_arithmetic3A_383 : vector<16xi32>
        %and3A_385 = arith.constant 31 : i32
        %and3A_386 = vector.broadcast %and3A_385 : i32 to vector<16xi32>
        %and3A_387 = arith.andi %shift_right_arithmetic3A_384, %and3A_386 : vector<16xi32>
        %mul3A_388 = arith.constant 16 : i32
        %mul3A_389 = vector.broadcast %mul3A_388 : i32 to vector<16xi32>
        %mul3A_390 = arith.muli %and3A_387, %mul3A_389 : vector<16xi32>
        %add3A_391 = arith.addi %mul3A_390, %iota3A : vector<16xi32>
        tpu.vector_store_idx %arg9[%add3A_381], %broadcast_in_dim3A_1 {add = true} : memref<512xi32, #tpu.memory_space<vmem>>[vector<16xi32>], vector<16xi32>,
        tpu.vector_store_idx %arg15[%add3A_391], %broadcast_in_dim3A_1 {add = true} : memref<512xi32, #tpu.memory_space<vmem>>[vector<16xi32>], vector<16xi32>,
      }
      %while3A_99 = arith.constant 1 : i32
      scf.for %while3A_367 = %while3A_97 to %while3A_93 step %while3A_99  : i32 {
        %mul3A_368 = vector.broadcast %max3A : i32 to vector<16xi32>
        %mul3A_369 = arith.muli %iota3A, %mul3A_368 : vector<16xi32>
        %add3A_370 = vector.broadcast %while3A_367 : i32 to vector<16xi32>
        %add3A_371 = arith.addi %mul3A_369, %add3A_370 : vector<16xi32>
        %gather3A = tpu.vector_load_idx %arg5[%add3A_371] : memref<2048xi32, #tpu.memory_space<vmem>>[vector<16xi32>], vector<16xi32>,
        %gather3A_372 = tpu.vector_load_idx %arg11[%add3A_371] : memref<2048xi32, #tpu.memory_space<vmem>>[vector<16xi32>], vector<16xi32>,
        %shift_right_arithmetic3A = arith.constant 0 : i32
        %shift_right_arithmetic3A_373 = vector.broadcast %shift_right_arithmetic3A : i32 to vector<16xi32>
        %shift_right_arithmetic3A_374 = arith.shrsi %gather3A, %shift_right_arithmetic3A_373 : vector<16xi32>
        %and3A_375 = arith.constant 31 : i32
        %and3A_376 = vector.broadcast %and3A_375 : i32 to vector<16xi32>
        %and3A_377 = arith.andi %shift_right_arithmetic3A_374, %and3A_376 : vector<16xi32>
        %mul3A_378 = arith.constant 16 : i32
        %mul3A_379 = vector.broadcast %mul3A_378 : i32 to vector<16xi32>
        %mul3A_380 = arith.muli %and3A_377, %mul3A_379 : vector<16xi32>
        %add3A_381 = arith.addi %mul3A_380, %iota3A : vector<16xi32>
        %shift_right_arithmetic3A_382 = arith.constant 0 : i32
        %shift_right_arithmetic3A_383 = vector.broadcast %shift_right_arithmetic3A_382 : i32 to vector<16xi32>
        %shift_right_arithmetic3A_384 = arith.shrsi %gather3A_372, %shift_right_arithmetic3A_383 : vector<16xi32>
        %and3A_385 = arith.constant 31 : i32
        %and3A_386 = vector.broadcast %and3A_385 : i32 to vector<16xi32>
        %and3A_387 = arith.andi %shift_right_arithmetic3A_384, %and3A_386 : vector<16xi32>
        %mul3A_388 = arith.constant 16 : i32
        %mul3A_389 = vector.broadcast %mul3A_388 : i32 to vector<16xi32>
        %mul3A_390 = arith.muli %and3A_387, %mul3A_389 : vector<16xi32>
        %add3A_391 = arith.addi %mul3A_390, %iota3A : vector<16xi32>
        tpu.vector_store_idx %arg9[%add3A_381], %broadcast_in_dim3A_1 {add = true} : memref<512xi32, #tpu.memory_space<vmem>>[vector<16xi32>], vector<16xi32>,
        tpu.vector_store_idx %arg15[%add3A_391], %broadcast_in_dim3A_1 {add = true} : memref<512xi32, #tpu.memory_space<vmem>>[vector<16xi32>], vector<16xi32>,
      }
      %scan3A_100 = arith.constant 0 : i32
      %scan3A_101 = arith.constant 0 : i32
      %scan3A_102 = arith.constant 0 : i32
      %scan3A_103 = arith.constant 32 : i32
      %scan3A_104 = arith.addi %scan3A_102, %scan3A_103 : i32
      %scan3A_105 = arith.constant 1 : i32
      %scan3A_106:2 = scf.for %scan3A_367 = %scan3A_102 to %scan3A_104 step %scan3A_105 iter_args(%scan3A_368 = %scan3A_100, %scan3A_369 = %scan3A_101) -> (i32, i32)  : i32 {
        %mul3A_370 = arith.constant 16 : i32
        %mul3A_371 = arith.muli %scan3A_367, %mul3A_370 : i32
        %get3A_372 = arith.index_cast %mul3A_371 : i32 to index
        %get3A_373 = tpu.vector_load %arg9[%get3A_372] {strides = array<i32>} : memref<512xi32, #tpu.memory_space<vmem>>, vector<16xi32>,
        %mul3A_374 = arith.constant 16 : i32
        %mul3A_375 = arith.muli %scan3A_367, %mul3A_374 : i32
        %get3A_376 = arith.index_cast %mul3A_375 : i32 to index
        %get3A_377 = tpu.vector_load %arg15[%get3A_376] {strides = array<i32>} : memref<512xi32, #tpu.memory_space<vmem>>, vector<16xi32>,
        %broadcast_in_dim3A_378 = arith.constant true
        %broadcast_in_dim3A_379 = vector.broadcast %broadcast_in_dim3A_378 : i1 to vector<16xi1>
        %masked_cumsum3A = tpu.scan <sum>, %get3A_373 masked %broadcast_in_dim3A_379 : vector<16xi32>, vector<16xi1> -> vector<16xi32>
        %broadcast_in_dim3A_380 = arith.constant true
        %broadcast_in_dim3A_381 = vector.broadcast %broadcast_in_dim3A_380 : i1 to vector<16xi1>
        %masked_cumsum3A_382 = tpu.scan <sum>, %get3A_377 masked %broadcast_in_dim3A_381 : vector<16xi32>, vector<16xi1> -> vector<16xi32>
        %sub3A_383 = arith.subi %masked_cumsum3A, %get3A_373 : vector<16xi32>
        %add3A_384 = vector.broadcast %scan3A_368 : i32 to vector<16xi32>
        %add3A_385 = arith.addi %sub3A_383, %add3A_384 : vector<16xi32>
        %mul3A_386 = arith.constant 16 : i32
        %mul3A_387 = arith.muli %scan3A_367, %mul3A_386 : i32
        %swap3A = arith.index_cast %mul3A_387 : i32 to index
        %swap3A_388 = tpu.vector_load %arg10[%swap3A] {strides = array<i32>} : memref<512xi32, #tpu.memory_space<vmem>>, vector<16xi32>,
        tpu.vector_store %arg10[%swap3A], %add3A_385 {strides = array<i32>} : memref<512xi32, #tpu.memory_space<vmem>>, vector<16xi32>,
        %sub3A_389 = arith.subi %masked_cumsum3A_382, %get3A_377 : vector<16xi32>
        %add3A_390 = vector.broadcast %scan3A_369 : i32 to vector<16xi32>
        %add3A_391 = arith.addi %sub3A_389, %add3A_390 : vector<16xi32>
        %mul3A_392 = arith.constant 16 : i32
        %mul3A_393 = arith.muli %scan3A_367, %mul3A_392 : i32
        %swap3A_394 = arith.index_cast %mul3A_393 : i32 to index
        %swap3A_395 = tpu.vector_load %arg16[%swap3A_394] {strides = array<i32>} : memref<512xi32, #tpu.memory_space<vmem>>, vector<16xi32>,
        tpu.vector_store %arg16[%swap3A_394], %add3A_391 {strides = array<i32>} : memref<512xi32, #tpu.memory_space<vmem>>, vector<16xi32>,
        %reduce_sum3A_396 = arith.constant true
        %reduce_sum3A_397 = vector.broadcast %reduce_sum3A_396 : i1 to vector<16xi1>
        %reduce_sum3A_398 = tpu.scan <sum>, %get3A_373 masked %reduce_sum3A_397 : vector<16xi32>, vector<16xi1> -> vector<16xi32>
        %reduce_sum3A_399 = vector.extract %reduce_sum3A_398[15] : i32 from vector<16xi32>
        %add3A_400 = arith.addi %scan3A_368, %reduce_sum3A_399 : i32
        %reduce_sum3A_401 = arith.constant true
        %reduce_sum3A_402 = vector.broadcast %reduce_sum3A_401 : i1 to vector<16xi1>
        %reduce_sum3A_403 = tpu.scan <sum>, %get3A_377 masked %reduce_sum3A_402 : vector<16xi32>, vector<16xi1> -> vector<16xi32>
        %reduce_sum3A_404 = vector.extract %reduce_sum3A_403[15] : i32 from vector<16xi32>
        %add3A_405 = arith.addi %scan3A_369, %reduce_sum3A_404 : i32
        scf.yield %add3A_400, %add3A_405 : i32, i32
      }
      %scan3A_107 = arith.constant 32 : i32
      %while3A_108 = arith.constant 0 : i32
      %while3A_109 = arith.constant 0 : i32
      %while3A_110 = arith.subi %max3A, %while3A_109 : i32
      %while3A_111 = arith.addi %while3A_109, %while3A_110 : i32
      %while3A_112 = arith.constant 1 : i32
      %while3A_113 = arith.divsi %while3A_110, %while3A_112 : i32
      %while3A_114 = arith.muli %while3A_113, %while3A_112 : i32
      %while3A_115 = arith.addi %while3A_109, %while3A_114 : i32
      %while3A_116 = arith.constant 1 : i32
      scf.for %while3A_367 = %while3A_109 to %while3A_115 step %while3A_116  : i32 {
        %mul3A_368 = vector.broadcast %max3A : i32 to vector<16xi32>
        %mul3A_369 = arith.muli %iota3A, %mul3A_368 : vector<16xi32>
        %add3A_370 = vector.broadcast %while3A_367 : i32 to vector<16xi32>
        %add3A_371 = arith.addi %mul3A_369, %add3A_370 : vector<16xi32>
        %gather3A = tpu.vector_load_idx %arg5[%add3A_371] : memref<2048xi32, #tpu.memory_space<vmem>>[vector<16xi32>], vector<16xi32>,
        %gather3A_372 = tpu.vector_load_idx %arg11[%add3A_371] : memref<2048xi32, #tpu.memory_space<vmem>>[vector<16xi32>], vector<16xi32>,
        %shift_right_arithmetic3A = arith.constant 0 : i32
        %shift_right_arithmetic3A_373 = vector.broadcast %shift_right_arithmetic3A : i32 to vector<16xi32>
        %shift_right_arithmetic3A_374 = arith.shrsi %gather3A, %shift_right_arithmetic3A_373 : vector<16xi32>
        %and3A_375 = arith.constant 31 : i32
        %and3A_376 = vector.broadcast %and3A_375 : i32 to vector<16xi32>
        %and3A_377 = arith.andi %shift_right_arithmetic3A_374, %and3A_376 : vector<16xi32>
        %mul3A_378 = arith.constant 16 : i32
        %mul3A_379 = vector.broadcast %mul3A_378 : i32 to vector<16xi32>
        %mul3A_380 = arith.muli %and3A_377, %mul3A_379 : vector<16xi32>
        %add3A_381 = arith.addi %mul3A_380, %iota3A : vector<16xi32>
        %shift_right_arithmetic3A_382 = arith.constant 0 : i32
        %shift_right_arithmetic3A_383 = vector.broadcast %shift_right_arithmetic3A_382 : i32 to vector<16xi32>
        %shift_right_arithmetic3A_384 = arith.shrsi %gather3A_372, %shift_right_arithmetic3A_383 : vector<16xi32>
        %and3A_385 = arith.constant 31 : i32
        %and3A_386 = vector.broadcast %and3A_385 : i32 to vector<16xi32>
        %and3A_387 = arith.andi %shift_right_arithmetic3A_384, %and3A_386 : vector<16xi32>
        %mul3A_388 = arith.constant 16 : i32
        %mul3A_389 = vector.broadcast %mul3A_388 : i32 to vector<16xi32>
        %mul3A_390 = arith.muli %and3A_387, %mul3A_389 : vector<16xi32>
        %add3A_391 = arith.addi %mul3A_390, %iota3A : vector<16xi32>
        %gather3A_392 = tpu.vector_load_idx %arg10[%add3A_381] : memref<512xi32, #tpu.memory_space<vmem>>[vector<16xi32>], vector<16xi32>,
        %gather3A_393 = tpu.vector_load_idx %arg16[%add3A_391] : memref<512xi32, #tpu.memory_space<vmem>>[vector<16xi32>], vector<16xi32>,
        tpu.vector_store_idx %arg7[%gather3A_392], %gather3A : memref<2048xi32, #tpu.memory_space<vmem>>[vector<16xi32>], vector<16xi32>,
        tpu.vector_store_idx %arg13[%gather3A_393], %gather3A_372 : memref<2048xi32, #tpu.memory_space<vmem>>[vector<16xi32>], vector<16xi32>,
        tpu.vector_store_idx %arg8[%gather3A_392], %add3A_371 : memref<2048xi32, #tpu.memory_space<vmem>>[vector<16xi32>], vector<16xi32>,
        tpu.vector_store_idx %arg14[%gather3A_393], %add3A_371 : memref<2048xi32, #tpu.memory_space<vmem>>[vector<16xi32>], vector<16xi32>,
        %add3A_394 = arith.addi %gather3A_392, %broadcast_in_dim3A_1 : vector<16xi32>
        tpu.vector_store_idx %arg10[%add3A_381], %add3A_394 : memref<512xi32, #tpu.memory_space<vmem>>[vector<16xi32>], vector<16xi32>,
        %add3A_395 = arith.addi %gather3A_393, %broadcast_in_dim3A_1 : vector<16xi32>
        tpu.vector_store_idx %arg16[%add3A_391], %add3A_395 : memref<512xi32, #tpu.memory_space<vmem>>[vector<16xi32>], vector<16xi32>,
      }
      %while3A_117 = arith.constant 1 : i32
      scf.for %while3A_367 = %while3A_115 to %while3A_111 step %while3A_117  : i32 {
        %mul3A_368 = vector.broadcast %max3A : i32 to vector<16xi32>
        %mul3A_369 = arith.muli %iota3A, %mul3A_368 : vector<16xi32>
        %add3A_370 = vector.broadcast %while3A_367 : i32 to vector<16xi32>
        %add3A_371 = arith.addi %mul3A_369, %add3A_370 : vector<16xi32>
        %gather3A = tpu.vector_load_idx %arg5[%add3A_371] : memref<2048xi32, #tpu.memory_space<vmem>>[vector<16xi32>], vector<16xi32>,
        %gather3A_372 = tpu.vector_load_idx %arg11[%add3A_371] : memref<2048xi32, #tpu.memory_space<vmem>>[vector<16xi32>], vector<16xi32>,
        %shift_right_arithmetic3A = arith.constant 0 : i32
        %shift_right_arithmetic3A_373 = vector.broadcast %shift_right_arithmetic3A : i32 to vector<16xi32>
        %shift_right_arithmetic3A_374 = arith.shrsi %gather3A, %shift_right_arithmetic3A_373 : vector<16xi32>
        %and3A_375 = arith.constant 31 : i32
        %and3A_376 = vector.broadcast %and3A_375 : i32 to vector<16xi32>
        %and3A_377 = arith.andi %shift_right_arithmetic3A_374, %and3A_376 : vector<16xi32>
        %mul3A_378 = arith.constant 16 : i32
        %mul3A_379 = vector.broadcast %mul3A_378 : i32 to vector<16xi32>
        %mul3A_380 = arith.muli %and3A_377, %mul3A_379 : vector<16xi32>
        %add3A_381 = arith.addi %mul3A_380, %iota3A : vector<16xi32>
        %shift_right_arithmetic3A_382 = arith.constant 0 : i32
        %shift_right_arithmetic3A_383 = vector.broadcast %shift_right_arithmetic3A_382 : i32 to vector<16xi32>
        %shift_right_arithmetic3A_384 = arith.shrsi %gather3A_372, %shift_right_arithmetic3A_383 : vector<16xi32>
        %and3A_385 = arith.constant 31 : i32
        %and3A_386 = vector.broadcast %and3A_385 : i32 to vector<16xi32>
        %and3A_387 = arith.andi %shift_right_arithmetic3A_384, %and3A_386 : vector<16xi32>
        %mul3A_388 = arith.constant 16 : i32
        %mul3A_389 = vector.broadcast %mul3A_388 : i32 to vector<16xi32>
        %mul3A_390 = arith.muli %and3A_387, %mul3A_389 : vector<16xi32>
        %add3A_391 = arith.addi %mul3A_390, %iota3A : vector<16xi32>
        %gather3A_392 = tpu.vector_load_idx %arg10[%add3A_381] : memref<512xi32, #tpu.memory_space<vmem>>[vector<16xi32>], vector<16xi32>,
        %gather3A_393 = tpu.vector_load_idx %arg16[%add3A_391] : memref<512xi32, #tpu.memory_space<vmem>>[vector<16xi32>], vector<16xi32>,
        tpu.vector_store_idx %arg7[%gather3A_392], %gather3A : memref<2048xi32, #tpu.memory_space<vmem>>[vector<16xi32>], vector<16xi32>,
        tpu.vector_store_idx %arg13[%gather3A_393], %gather3A_372 : memref<2048xi32, #tpu.memory_space<vmem>>[vector<16xi32>], vector<16xi32>,
        tpu.vector_store_idx %arg8[%gather3A_392], %add3A_371 : memref<2048xi32, #tpu.memory_space<vmem>>[vector<16xi32>], vector<16xi32>,
        tpu.vector_store_idx %arg14[%gather3A_393], %add3A_371 : memref<2048xi32, #tpu.memory_space<vmem>>[vector<16xi32>], vector<16xi32>,
        %add3A_394 = arith.addi %gather3A_392, %broadcast_in_dim3A_1 : vector<16xi32>
        tpu.vector_store_idx %arg10[%add3A_381], %add3A_394 : memref<512xi32, #tpu.memory_space<vmem>>[vector<16xi32>], vector<16xi32>,
        %add3A_395 = arith.addi %gather3A_393, %broadcast_in_dim3A_1 : vector<16xi32>
        tpu.vector_store_idx %arg16[%add3A_391], %add3A_395 : memref<512xi32, #tpu.memory_space<vmem>>[vector<16xi32>], vector<16xi32>,
      }
      %scan3A_118 = arith.constant 0 : i32
      %scan3A_119 = arith.constant 0 : i32
      %scan3A_120 = arith.constant 32 : i32
      %scan3A_121 = arith.addi %scan3A_119, %scan3A_120 : i32
      %scan3A_122 = arith.constant 1 : i32
      scf.for %scan3A_367 = %scan3A_119 to %scan3A_121 step %scan3A_122  : i32 {
        %mul3A_368 = arith.constant 16 : i32
        %mul3A_369 = arith.muli %scan3A_367, %mul3A_368 : i32
        %swap3A = arith.index_cast %mul3A_369 : i32 to index
        %swap3A_370 = tpu.vector_load %arg9[%swap3A] {strides = array<i32>} : memref<512xi32, #tpu.memory_space<vmem>>, vector<16xi32>,
        tpu.vector_store %arg9[%swap3A], %broadcast_in_dim3A_3 {strides = array<i32>} : memref<512xi32, #tpu.memory_space<vmem>>, vector<16xi32>,
        %mul3A_371 = arith.constant 16 : i32
        %mul3A_372 = arith.muli %scan3A_367, %mul3A_371 : i32
        %swap3A_373 = arith.index_cast %mul3A_372 : i32 to index
        %swap3A_374 = tpu.vector_load %arg15[%swap3A_373] {strides = array<i32>} : memref<512xi32, #tpu.memory_space<vmem>>, vector<16xi32>,
        tpu.vector_store %arg15[%swap3A_373], %broadcast_in_dim3A_3 {strides = array<i32>} : memref<512xi32, #tpu.memory_space<vmem>>, vector<16xi32>,
      }
      %scan3A_123 = arith.constant 32 : i32
      %while3A_124 = arith.constant 0 : i32
      %while3A_125 = arith.constant 0 : i32
      %while3A_126 = arith.subi %max3A, %while3A_125 : i32
      %while3A_127 = arith.addi %while3A_125, %while3A_126 : i32
      %while3A_128 = arith.constant 1 : i32
      %while3A_129 = arith.divsi %while3A_126, %while3A_128 : i32
      %while3A_130 = arith.muli %while3A_129, %while3A_128 : i32
      %while3A_131 = arith.addi %while3A_125, %while3A_130 : i32
      %while3A_132 = arith.constant 1 : i32
      scf.for %while3A_367 = %while3A_125 to %while3A_131 step %while3A_132  : i32 {
        %mul3A_368 = vector.broadcast %max3A : i32 to vector<16xi32>
        %mul3A_369 = arith.muli %iota3A, %mul3A_368 : vector<16xi32>
        %add3A_370 = vector.broadcast %while3A_367 : i32 to vector<16xi32>
        %add3A_371 = arith.addi %mul3A_369, %add3A_370 : vector<16xi32>
        %gather3A = tpu.vector_load_idx %arg7[%add3A_371] : memref<2048xi32, #tpu.memory_space<vmem>>[vector<16xi32>], vector<16xi32>,
        %gather3A_372 = tpu.vector_load_idx %arg13[%add3A_371] : memref<2048xi32, #tpu.memory_space<vmem>>[vector<16xi32>], vector<16xi32>,
        %shift_right_arithmetic3A = arith.constant 5 : i32
        %shift_right_arithmetic3A_373 = vector.broadcast %shift_right_arithmetic3A : i32 to vector<16xi32>
        %shift_right_arithmetic3A_374 = arith.shrsi %gather3A, %shift_right_arithmetic3A_373 : vector<16xi32>
        %and3A_375 = arith.constant 31 : i32
        %and3A_376 = vector.broadcast %and3A_375 : i32 to vector<16xi32>
        %and3A_377 = arith.andi %shift_right_arithmetic3A_374, %and3A_376 : vector<16xi32>
        %mul3A_378 = arith.constant 16 : i32
        %mul3A_379 = vector.broadcast %mul3A_378 : i32 to vector<16xi32>
        %mul3A_380 = arith.muli %and3A_377, %mul3A_379 : vector<16xi32>
        %add3A_381 = arith.addi %mul3A_380, %iota3A : vector<16xi32>
        %shift_right_arithmetic3A_382 = arith.constant 5 : i32
        %shift_right_arithmetic3A_383 = vector.broadcast %shift_right_arithmetic3A_382 : i32 to vector<16xi32>
        %shift_right_arithmetic3A_384 = arith.shrsi %gather3A_372, %shift_right_arithmetic3A_383 : vector<16xi32>
        %and3A_385 = arith.constant 31 : i32
        %and3A_386 = vector.broadcast %and3A_385 : i32 to vector<16xi32>
        %and3A_387 = arith.andi %shift_right_arithmetic3A_384, %and3A_386 : vector<16xi32>
        %mul3A_388 = arith.constant 16 : i32
        %mul3A_389 = vector.broadcast %mul3A_388 : i32 to vector<16xi32>
        %mul3A_390 = arith.muli %and3A_387, %mul3A_389 : vector<16xi32>
        %add3A_391 = arith.addi %mul3A_390, %iota3A : vector<16xi32>
        tpu.vector_store_idx %arg9[%add3A_381], %broadcast_in_dim3A_1 {add = true} : memref<512xi32, #tpu.memory_space<vmem>>[vector<16xi32>], vector<16xi32>,
        tpu.vector_store_idx %arg15[%add3A_391], %broadcast_in_dim3A_1 {add = true} : memref<512xi32, #tpu.memory_space<vmem>>[vector<16xi32>], vector<16xi32>,
      }
      %while3A_133 = arith.constant 1 : i32
      scf.for %while3A_367 = %while3A_131 to %while3A_127 step %while3A_133  : i32 {
        %mul3A_368 = vector.broadcast %max3A : i32 to vector<16xi32>
        %mul3A_369 = arith.muli %iota3A, %mul3A_368 : vector<16xi32>
        %add3A_370 = vector.broadcast %while3A_367 : i32 to vector<16xi32>
        %add3A_371 = arith.addi %mul3A_369, %add3A_370 : vector<16xi32>
        %gather3A = tpu.vector_load_idx %arg7[%add3A_371] : memref<2048xi32, #tpu.memory_space<vmem>>[vector<16xi32>], vector<16xi32>,
        %gather3A_372 = tpu.vector_load_idx %arg13[%add3A_371] : memref<2048xi32, #tpu.memory_space<vmem>>[vector<16xi32>], vector<16xi32>,
        %shift_right_arithmetic3A = arith.constant 5 : i32
        %shift_right_arithmetic3A_373 = vector.broadcast %shift_right_arithmetic3A : i32 to vector<16xi32>
        %shift_right_arithmetic3A_374 = arith.shrsi %gather3A, %shift_right_arithmetic3A_373 : vector<16xi32>
        %and3A_375 = arith.constant 31 : i32
        %and3A_376 = vector.broadcast %and3A_375 : i32 to vector<16xi32>
        %and3A_377 = arith.andi %shift_right_arithmetic3A_374, %and3A_376 : vector<16xi32>
        %mul3A_378 = arith.constant 16 : i32
        %mul3A_379 = vector.broadcast %mul3A_378 : i32 to vector<16xi32>
        %mul3A_380 = arith.muli %and3A_377, %mul3A_379 : vector<16xi32>
        %add3A_381 = arith.addi %mul3A_380, %iota3A : vector<16xi32>
        %shift_right_arithmetic3A_382 = arith.constant 5 : i32
        %shift_right_arithmetic3A_383 = vector.broadcast %shift_right_arithmetic3A_382 : i32 to vector<16xi32>
        %shift_right_arithmetic3A_384 = arith.shrsi %gather3A_372, %shift_right_arithmetic3A_383 : vector<16xi32>
        %and3A_385 = arith.constant 31 : i32
        %and3A_386 = vector.broadcast %and3A_385 : i32 to vector<16xi32>
        %and3A_387 = arith.andi %shift_right_arithmetic3A_384, %and3A_386 : vector<16xi32>
        %mul3A_388 = arith.constant 16 : i32
        %mul3A_389 = vector.broadcast %mul3A_388 : i32 to vector<16xi32>
        %mul3A_390 = arith.muli %and3A_387, %mul3A_389 : vector<16xi32>
        %add3A_391 = arith.addi %mul3A_390, %iota3A : vector<16xi32>
        tpu.vector_store_idx %arg9[%add3A_381], %broadcast_in_dim3A_1 {add = true} : memref<512xi32, #tpu.memory_space<vmem>>[vector<16xi32>], vector<16xi32>,
        tpu.vector_store_idx %arg15[%add3A_391], %broadcast_in_dim3A_1 {add = true} : memref<512xi32, #tpu.memory_space<vmem>>[vector<16xi32>], vector<16xi32>,
      }
      %scan3A_134 = arith.constant 0 : i32
      %scan3A_135 = arith.constant 0 : i32
      %scan3A_136 = arith.constant 0 : i32
      %scan3A_137 = arith.constant 32 : i32
      %scan3A_138 = arith.addi %scan3A_136, %scan3A_137 : i32
      %scan3A_139 = arith.constant 1 : i32
      %scan3A_140:2 = scf.for %scan3A_367 = %scan3A_136 to %scan3A_138 step %scan3A_139 iter_args(%scan3A_368 = %scan3A_134, %scan3A_369 = %scan3A_135) -> (i32, i32)  : i32 {
        %mul3A_370 = arith.constant 16 : i32
        %mul3A_371 = arith.muli %scan3A_367, %mul3A_370 : i32
        %get3A_372 = arith.index_cast %mul3A_371 : i32 to index
        %get3A_373 = tpu.vector_load %arg9[%get3A_372] {strides = array<i32>} : memref<512xi32, #tpu.memory_space<vmem>>, vector<16xi32>,
        %mul3A_374 = arith.constant 16 : i32
        %mul3A_375 = arith.muli %scan3A_367, %mul3A_374 : i32
        %get3A_376 = arith.index_cast %mul3A_375 : i32 to index
        %get3A_377 = tpu.vector_load %arg15[%get3A_376] {strides = array<i32>} : memref<512xi32, #tpu.memory_space<vmem>>, vector<16xi32>,
        %broadcast_in_dim3A_378 = arith.constant true
        %broadcast_in_dim3A_379 = vector.broadcast %broadcast_in_dim3A_378 : i1 to vector<16xi1>
        %masked_cumsum3A = tpu.scan <sum>, %get3A_373 masked %broadcast_in_dim3A_379 : vector<16xi32>, vector<16xi1> -> vector<16xi32>
        %broadcast_in_dim3A_380 = arith.constant true
        %broadcast_in_dim3A_381 = vector.broadcast %broadcast_in_dim3A_380 : i1 to vector<16xi1>
        %masked_cumsum3A_382 = tpu.scan <sum>, %get3A_377 masked %broadcast_in_dim3A_381 : vector<16xi32>, vector<16xi1> -> vector<16xi32>
        %sub3A_383 = arith.subi %masked_cumsum3A, %get3A_373 : vector<16xi32>
        %add3A_384 = vector.broadcast %scan3A_368 : i32 to vector<16xi32>
        %add3A_385 = arith.addi %sub3A_383, %add3A_384 : vector<16xi32>
        %mul3A_386 = arith.constant 16 : i32
        %mul3A_387 = arith.muli %scan3A_367, %mul3A_386 : i32
        %swap3A = arith.index_cast %mul3A_387 : i32 to index
        %swap3A_388 = tpu.vector_load %arg10[%swap3A] {strides = array<i32>} : memref<512xi32, #tpu.memory_space<vmem>>, vector<16xi32>,
        tpu.vector_store %arg10[%swap3A], %add3A_385 {strides = array<i32>} : memref<512xi32, #tpu.memory_space<vmem>>, vector<16xi32>,
        %sub3A_389 = arith.subi %masked_cumsum3A_382, %get3A_377 : vector<16xi32>
        %add3A_390 = vector.broadcast %scan3A_369 : i32 to vector<16xi32>
        %add3A_391 = arith.addi %sub3A_389, %add3A_390 : vector<16xi32>
        %mul3A_392 = arith.constant 16 : i32
        %mul3A_393 = arith.muli %scan3A_367, %mul3A_392 : i32
        %swap3A_394 = arith.index_cast %mul3A_393 : i32 to index
        %swap3A_395 = tpu.vector_load %arg16[%swap3A_394] {strides = array<i32>} : memref<512xi32, #tpu.memory_space<vmem>>, vector<16xi32>,
        tpu.vector_store %arg16[%swap3A_394], %add3A_391 {strides = array<i32>} : memref<512xi32, #tpu.memory_space<vmem>>, vector<16xi32>,
        %reduce_sum3A_396 = arith.constant true
        %reduce_sum3A_397 = vector.broadcast %reduce_sum3A_396 : i1 to vector<16xi1>
        %reduce_sum3A_398 = tpu.scan <sum>, %get3A_373 masked %reduce_sum3A_397 : vector<16xi32>, vector<16xi1> -> vector<16xi32>
        %reduce_sum3A_399 = vector.extract %reduce_sum3A_398[15] : i32 from vector<16xi32>
        %add3A_400 = arith.addi %scan3A_368, %reduce_sum3A_399 : i32
        %reduce_sum3A_401 = arith.constant true
        %reduce_sum3A_402 = vector.broadcast %reduce_sum3A_401 : i1 to vector<16xi1>
        %reduce_sum3A_403 = tpu.scan <sum>, %get3A_377 masked %reduce_sum3A_402 : vector<16xi32>, vector<16xi1> -> vector<16xi32>
        %reduce_sum3A_404 = vector.extract %reduce_sum3A_403[15] : i32 from vector<16xi32>
        %add3A_405 = arith.addi %scan3A_369, %reduce_sum3A_404 : i32
        scf.yield %add3A_400, %add3A_405 : i32, i32
      }
      %scan3A_141 = arith.constant 32 : i32
      %while3A_142 = arith.constant 0 : i32
      %while3A_143 = arith.constant 0 : i32
      %while3A_144 = arith.subi %max3A, %while3A_143 : i32
      %while3A_145 = arith.addi %while3A_143, %while3A_144 : i32
      %while3A_146 = arith.constant 1 : i32
      %while3A_147 = arith.divsi %while3A_144, %while3A_146 : i32
      %while3A_148 = arith.muli %while3A_147, %while3A_146 : i32
      %while3A_149 = arith.addi %while3A_143, %while3A_148 : i32
      %while3A_150 = arith.constant 1 : i32
      scf.for %while3A_367 = %while3A_143 to %while3A_149 step %while3A_150  : i32 {
        %mul3A_368 = vector.broadcast %max3A : i32 to vector<16xi32>
        %mul3A_369 = arith.muli %iota3A, %mul3A_368 : vector<16xi32>
        %add3A_370 = vector.broadcast %while3A_367 : i32 to vector<16xi32>
        %add3A_371 = arith.addi %mul3A_369, %add3A_370 : vector<16xi32>
        %gather3A = tpu.vector_load_idx %arg7[%add3A_371] : memref<2048xi32, #tpu.memory_space<vmem>>[vector<16xi32>], vector<16xi32>,
        %gather3A_372 = tpu.vector_load_idx %arg13[%add3A_371] : memref<2048xi32, #tpu.memory_space<vmem>>[vector<16xi32>], vector<16xi32>,
        %gather3A_373 = tpu.vector_load_idx %arg8[%add3A_371] : memref<2048xi32, #tpu.memory_space<vmem>>[vector<16xi32>], vector<16xi32>,
        %gather3A_374 = tpu.vector_load_idx %arg14[%add3A_371] : memref<2048xi32, #tpu.memory_space<vmem>>[vector<16xi32>], vector<16xi32>,
        %shift_right_arithmetic3A = arith.constant 5 : i32
        %shift_right_arithmetic3A_375 = vector.broadcast %shift_right_arithmetic3A : i32 to vector<16xi32>
        %shift_right_arithmetic3A_376 = arith.shrsi %gather3A, %shift_right_arithmetic3A_375 : vector<16xi32>
        %and3A_377 = arith.constant 31 : i32
        %and3A_378 = vector.broadcast %and3A_377 : i32 to vector<16xi32>
        %and3A_379 = arith.andi %shift_right_arithmetic3A_376, %and3A_378 : vector<16xi32>
        %mul3A_380 = arith.constant 16 : i32
        %mul3A_381 = vector.broadcast %mul3A_380 : i32 to vector<16xi32>
        %mul3A_382 = arith.muli %and3A_379, %mul3A_381 : vector<16xi32>
        %add3A_383 = arith.addi %mul3A_382, %iota3A : vector<16xi32>
        %shift_right_arithmetic3A_384 = arith.constant 5 : i32
        %shift_right_arithmetic3A_385 = vector.broadcast %shift_right_arithmetic3A_384 : i32 to vector<16xi32>
        %shift_right_arithmetic3A_386 = arith.shrsi %gather3A_372, %shift_right_arithmetic3A_385 : vector<16xi32>
        %and3A_387 = arith.constant 31 : i32
        %and3A_388 = vector.broadcast %and3A_387 : i32 to vector<16xi32>
        %and3A_389 = arith.andi %shift_right_arithmetic3A_386, %and3A_388 : vector<16xi32>
        %mul3A_390 = arith.constant 16 : i32
        %mul3A_391 = vector.broadcast %mul3A_390 : i32 to vector<16xi32>
        %mul3A_392 = arith.muli %and3A_389, %mul3A_391 : vector<16xi32>
        %add3A_393 = arith.addi %mul3A_392, %iota3A : vector<16xi32>
        %gather3A_394 = tpu.vector_load_idx %arg10[%add3A_383] : memref<512xi32, #tpu.memory_space<vmem>>[vector<16xi32>], vector<16xi32>,
        %gather3A_395 = tpu.vector_load_idx %arg16[%add3A_393] : memref<512xi32, #tpu.memory_space<vmem>>[vector<16xi32>], vector<16xi32>,
        tpu.vector_store_idx %arg5[%gather3A_394], %gather3A : memref<2048xi32, #tpu.memory_space<vmem>>[vector<16xi32>], vector<16xi32>,
        tpu.vector_store_idx %arg11[%gather3A_395], %gather3A_372 : memref<2048xi32, #tpu.memory_space<vmem>>[vector<16xi32>], vector<16xi32>,
        tpu.vector_store_idx %arg6[%gather3A_394], %gather3A_373 : memref<2048xi32, #tpu.memory_space<vmem>>[vector<16xi32>], vector<16xi32>,
        tpu.vector_store_idx %arg12[%gather3A_395], %gather3A_374 : memref<2048xi32, #tpu.memory_space<vmem>>[vector<16xi32>], vector<16xi32>,
        %add3A_396 = arith.addi %gather3A_394, %broadcast_in_dim3A_1 : vector<16xi32>
        tpu.vector_store_idx %arg10[%add3A_383], %add3A_396 : memref<512xi32, #tpu.memory_space<vmem>>[vector<16xi32>], vector<16xi32>,
        %add3A_397 = arith.addi %gather3A_395, %broadcast_in_dim3A_1 : vector<16xi32>
        tpu.vector_store_idx %arg16[%add3A_393], %add3A_397 : memref<512xi32, #tpu.memory_space<vmem>>[vector<16xi32>], vector<16xi32>,
      }
      %while3A_151 = arith.constant 1 : i32
      scf.for %while3A_367 = %while3A_149 to %while3A_145 step %while3A_151  : i32 {
        %mul3A_368 = vector.broadcast %max3A : i32 to vector<16xi32>
        %mul3A_369 = arith.muli %iota3A, %mul3A_368 : vector<16xi32>
        %add3A_370 = vector.broadcast %while3A_367 : i32 to vector<16xi32>
        %add3A_371 = arith.addi %mul3A_369, %add3A_370 : vector<16xi32>
        %gather3A = tpu.vector_load_idx %arg7[%add3A_371] : memref<2048xi32, #tpu.memory_space<vmem>>[vector<16xi32>], vector<16xi32>,
        %gather3A_372 = tpu.vector_load_idx %arg13[%add3A_371] : memref<2048xi32, #tpu.memory_space<vmem>>[vector<16xi32>], vector<16xi32>,
        %gather3A_373 = tpu.vector_load_idx %arg8[%add3A_371] : memref<2048xi32, #tpu.memory_space<vmem>>[vector<16xi32>], vector<16xi32>,
        %gather3A_374 = tpu.vector_load_idx %arg14[%add3A_371] : memref<2048xi32, #tpu.memory_space<vmem>>[vector<16xi32>], vector<16xi32>,
        %shift_right_arithmetic3A = arith.constant 5 : i32
        %shift_right_arithmetic3A_375 = vector.broadcast %shift_right_arithmetic3A : i32 to vector<16xi32>
        %shift_right_arithmetic3A_376 = arith.shrsi %gather3A, %shift_right_arithmetic3A_375 : vector<16xi32>
        %and3A_377 = arith.constant 31 : i32
        %and3A_378 = vector.broadcast %and3A_377 : i32 to vector<16xi32>
        %and3A_379 = arith.andi %shift_right_arithmetic3A_376, %and3A_378 : vector<16xi32>
        %mul3A_380 = arith.constant 16 : i32
        %mul3A_381 = vector.broadcast %mul3A_380 : i32 to vector<16xi32>
        %mul3A_382 = arith.muli %and3A_379, %mul3A_381 : vector<16xi32>
        %add3A_383 = arith.addi %mul3A_382, %iota3A : vector<16xi32>
        %shift_right_arithmetic3A_384 = arith.constant 5 : i32
        %shift_right_arithmetic3A_385 = vector.broadcast %shift_right_arithmetic3A_384 : i32 to vector<16xi32>
        %shift_right_arithmetic3A_386 = arith.shrsi %gather3A_372, %shift_right_arithmetic3A_385 : vector<16xi32>
        %and3A_387 = arith.constant 31 : i32
        %and3A_388 = vector.broadcast %and3A_387 : i32 to vector<16xi32>
        %and3A_389 = arith.andi %shift_right_arithmetic3A_386, %and3A_388 : vector<16xi32>
        %mul3A_390 = arith.constant 16 : i32
        %mul3A_391 = vector.broadcast %mul3A_390 : i32 to vector<16xi32>
        %mul3A_392 = arith.muli %and3A_389, %mul3A_391 : vector<16xi32>
        %add3A_393 = arith.addi %mul3A_392, %iota3A : vector<16xi32>
        %gather3A_394 = tpu.vector_load_idx %arg10[%add3A_383] : memref<512xi32, #tpu.memory_space<vmem>>[vector<16xi32>], vector<16xi32>,
        %gather3A_395 = tpu.vector_load_idx %arg16[%add3A_393] : memref<512xi32, #tpu.memory_space<vmem>>[vector<16xi32>], vector<16xi32>,
        tpu.vector_store_idx %arg5[%gather3A_394], %gather3A : memref<2048xi32, #tpu.memory_space<vmem>>[vector<16xi32>], vector<16xi32>,
        tpu.vector_store_idx %arg11[%gather3A_395], %gather3A_372 : memref<2048xi32, #tpu.memory_space<vmem>>[vector<16xi32>], vector<16xi32>,
        tpu.vector_store_idx %arg6[%gather3A_394], %gather3A_373 : memref<2048xi32, #tpu.memory_space<vmem>>[vector<16xi32>], vector<16xi32>,
        tpu.vector_store_idx %arg12[%gather3A_395], %gather3A_374 : memref<2048xi32, #tpu.memory_space<vmem>>[vector<16xi32>], vector<16xi32>,
        %add3A_396 = arith.addi %gather3A_394, %broadcast_in_dim3A_1 : vector<16xi32>
        tpu.vector_store_idx %arg10[%add3A_383], %add3A_396 : memref<512xi32, #tpu.memory_space<vmem>>[vector<16xi32>], vector<16xi32>,
        %add3A_397 = arith.addi %gather3A_395, %broadcast_in_dim3A_1 : vector<16xi32>
        tpu.vector_store_idx %arg16[%add3A_393], %add3A_397 : memref<512xi32, #tpu.memory_space<vmem>>[vector<16xi32>], vector<16xi32>,
      }
      %scan3A_152 = arith.constant 0 : i32
      %scan3A_153 = arith.constant 0 : i32
      %scan3A_154 = arith.constant 32 : i32
      %scan3A_155 = arith.addi %scan3A_153, %scan3A_154 : i32
      %scan3A_156 = arith.constant 1 : i32
      scf.for %scan3A_367 = %scan3A_153 to %scan3A_155 step %scan3A_156  : i32 {
        %mul3A_368 = arith.constant 16 : i32
        %mul3A_369 = arith.muli %scan3A_367, %mul3A_368 : i32
        %swap3A = arith.index_cast %mul3A_369 : i32 to index
        %swap3A_370 = tpu.vector_load %arg9[%swap3A] {strides = array<i32>} : memref<512xi32, #tpu.memory_space<vmem>>, vector<16xi32>,
        tpu.vector_store %arg9[%swap3A], %broadcast_in_dim3A_3 {strides = array<i32>} : memref<512xi32, #tpu.memory_space<vmem>>, vector<16xi32>,
        %mul3A_371 = arith.constant 16 : i32
        %mul3A_372 = arith.muli %scan3A_367, %mul3A_371 : i32
        %swap3A_373 = arith.index_cast %mul3A_372 : i32 to index
        %swap3A_374 = tpu.vector_load %arg15[%swap3A_373] {strides = array<i32>} : memref<512xi32, #tpu.memory_space<vmem>>, vector<16xi32>,
        tpu.vector_store %arg15[%swap3A_373], %broadcast_in_dim3A_3 {strides = array<i32>} : memref<512xi32, #tpu.memory_space<vmem>>, vector<16xi32>,
      }
      %scan3A_157 = arith.constant 32 : i32
      %while3A_158 = arith.constant 0 : i32
      %while3A_159 = arith.constant 0 : i32
      %while3A_160 = arith.subi %max3A, %while3A_159 : i32
      %while3A_161 = arith.addi %while3A_159, %while3A_160 : i32
      %while3A_162 = arith.constant 1 : i32
      %while3A_163 = arith.divsi %while3A_160, %while3A_162 : i32
      %while3A_164 = arith.muli %while3A_163, %while3A_162 : i32
      %while3A_165 = arith.addi %while3A_159, %while3A_164 : i32
      %while3A_166 = arith.constant 1 : i32
      scf.for %while3A_367 = %while3A_159 to %while3A_165 step %while3A_166  : i32 {
        %mul3A_368 = vector.broadcast %max3A : i32 to vector<16xi32>
        %mul3A_369 = arith.muli %iota3A, %mul3A_368 : vector<16xi32>
        %add3A_370 = vector.broadcast %while3A_367 : i32 to vector<16xi32>
        %add3A_371 = arith.addi %mul3A_369, %add3A_370 : vector<16xi32>
        %gather3A = tpu.vector_load_idx %arg5[%add3A_371] : memref<2048xi32, #tpu.memory_space<vmem>>[vector<16xi32>], vector<16xi32>,
        %gather3A_372 = tpu.vector_load_idx %arg11[%add3A_371] : memref<2048xi32, #tpu.memory_space<vmem>>[vector<16xi32>], vector<16xi32>,
        %shift_right_arithmetic3A = arith.constant 10 : i32
        %shift_right_arithmetic3A_373 = vector.broadcast %shift_right_arithmetic3A : i32 to vector<16xi32>
        %shift_right_arithmetic3A_374 = arith.shrsi %gather3A, %shift_right_arithmetic3A_373 : vector<16xi32>
        %and3A_375 = arith.constant 31 : i32
        %and3A_376 = vector.broadcast %and3A_375 : i32 to vector<16xi32>
        %and3A_377 = arith.andi %shift_right_arithmetic3A_374, %and3A_376 : vector<16xi32>
        %mul3A_378 = arith.constant 16 : i32
        %mul3A_379 = vector.broadcast %mul3A_378 : i32 to vector<16xi32>
        %mul3A_380 = arith.muli %and3A_377, %mul3A_379 : vector<16xi32>
        %add3A_381 = arith.addi %mul3A_380, %iota3A : vector<16xi32>
        %shift_right_arithmetic3A_382 = arith.constant 10 : i32
        %shift_right_arithmetic3A_383 = vector.broadcast %shift_right_arithmetic3A_382 : i32 to vector<16xi32>
        %shift_right_arithmetic3A_384 = arith.shrsi %gather3A_372, %shift_right_arithmetic3A_383 : vector<16xi32>
        %and3A_385 = arith.constant 31 : i32
        %and3A_386 = vector.broadcast %and3A_385 : i32 to vector<16xi32>
        %and3A_387 = arith.andi %shift_right_arithmetic3A_384, %and3A_386 : vector<16xi32>
        %mul3A_388 = arith.constant 16 : i32
        %mul3A_389 = vector.broadcast %mul3A_388 : i32 to vector<16xi32>
        %mul3A_390 = arith.muli %and3A_387, %mul3A_389 : vector<16xi32>
        %add3A_391 = arith.addi %mul3A_390, %iota3A : vector<16xi32>
        tpu.vector_store_idx %arg9[%add3A_381], %broadcast_in_dim3A_1 {add = true} : memref<512xi32, #tpu.memory_space<vmem>>[vector<16xi32>], vector<16xi32>,
        tpu.vector_store_idx %arg15[%add3A_391], %broadcast_in_dim3A_1 {add = true} : memref<512xi32, #tpu.memory_space<vmem>>[vector<16xi32>], vector<16xi32>,
      }
      %while3A_167 = arith.constant 1 : i32
      scf.for %while3A_367 = %while3A_165 to %while3A_161 step %while3A_167  : i32 {
        %mul3A_368 = vector.broadcast %max3A : i32 to vector<16xi32>
        %mul3A_369 = arith.muli %iota3A, %mul3A_368 : vector<16xi32>
        %add3A_370 = vector.broadcast %while3A_367 : i32 to vector<16xi32>
        %add3A_371 = arith.addi %mul3A_369, %add3A_370 : vector<16xi32>
        %gather3A = tpu.vector_load_idx %arg5[%add3A_371] : memref<2048xi32, #tpu.memory_space<vmem>>[vector<16xi32>], vector<16xi32>,
        %gather3A_372 = tpu.vector_load_idx %arg11[%add3A_371] : memref<2048xi32, #tpu.memory_space<vmem>>[vector<16xi32>], vector<16xi32>,
        %shift_right_arithmetic3A = arith.constant 10 : i32
        %shift_right_arithmetic3A_373 = vector.broadcast %shift_right_arithmetic3A : i32 to vector<16xi32>
        %shift_right_arithmetic3A_374 = arith.shrsi %gather3A, %shift_right_arithmetic3A_373 : vector<16xi32>
        %and3A_375 = arith.constant 31 : i32
        %and3A_376 = vector.broadcast %and3A_375 : i32 to vector<16xi32>
        %and3A_377 = arith.andi %shift_right_arithmetic3A_374, %and3A_376 : vector<16xi32>
        %mul3A_378 = arith.constant 16 : i32
        %mul3A_379 = vector.broadcast %mul3A_378 : i32 to vector<16xi32>
        %mul3A_380 = arith.muli %and3A_377, %mul3A_379 : vector<16xi32>
        %add3A_381 = arith.addi %mul3A_380, %iota3A : vector<16xi32>
        %shift_right_arithmetic3A_382 = arith.constant 10 : i32
        %shift_right_arithmetic3A_383 = vector.broadcast %shift_right_arithmetic3A_382 : i32 to vector<16xi32>
        %shift_right_arithmetic3A_384 = arith.shrsi %gather3A_372, %shift_right_arithmetic3A_383 : vector<16xi32>
        %and3A_385 = arith.constant 31 : i32
        %and3A_386 = vector.broadcast %and3A_385 : i32 to vector<16xi32>
        %and3A_387 = arith.andi %shift_right_arithmetic3A_384, %and3A_386 : vector<16xi32>
        %mul3A_388 = arith.constant 16 : i32
        %mul3A_389 = vector.broadcast %mul3A_388 : i32 to vector<16xi32>
        %mul3A_390 = arith.muli %and3A_387, %mul3A_389 : vector<16xi32>
        %add3A_391 = arith.addi %mul3A_390, %iota3A : vector<16xi32>
        tpu.vector_store_idx %arg9[%add3A_381], %broadcast_in_dim3A_1 {add = true} : memref<512xi32, #tpu.memory_space<vmem>>[vector<16xi32>], vector<16xi32>,
        tpu.vector_store_idx %arg15[%add3A_391], %broadcast_in_dim3A_1 {add = true} : memref<512xi32, #tpu.memory_space<vmem>>[vector<16xi32>], vector<16xi32>,
      }
      %scan3A_168 = arith.constant 0 : i32
      %scan3A_169 = arith.constant 0 : i32
      %scan3A_170 = arith.constant 0 : i32
      %scan3A_171 = arith.constant 32 : i32
      %scan3A_172 = arith.addi %scan3A_170, %scan3A_171 : i32
      %scan3A_173 = arith.constant 1 : i32
      %scan3A_174:2 = scf.for %scan3A_367 = %scan3A_170 to %scan3A_172 step %scan3A_173 iter_args(%scan3A_368 = %scan3A_168, %scan3A_369 = %scan3A_169) -> (i32, i32)  : i32 {
        %mul3A_370 = arith.constant 16 : i32
        %mul3A_371 = arith.muli %scan3A_367, %mul3A_370 : i32
        %get3A_372 = arith.index_cast %mul3A_371 : i32 to index
        %get3A_373 = tpu.vector_load %arg9[%get3A_372] {strides = array<i32>} : memref<512xi32, #tpu.memory_space<vmem>>, vector<16xi32>,
        %mul3A_374 = arith.constant 16 : i32
        %mul3A_375 = arith.muli %scan3A_367, %mul3A_374 : i32
        %get3A_376 = arith.index_cast %mul3A_375 : i32 to index
        %get3A_377 = tpu.vector_load %arg15[%get3A_376] {strides = array<i32>} : memref<512xi32, #tpu.memory_space<vmem>>, vector<16xi32>,
        %broadcast_in_dim3A_378 = arith.constant true
        %broadcast_in_dim3A_379 = vector.broadcast %broadcast_in_dim3A_378 : i1 to vector<16xi1>
        %masked_cumsum3A = tpu.scan <sum>, %get3A_373 masked %broadcast_in_dim3A_379 : vector<16xi32>, vector<16xi1> -> vector<16xi32>
        %broadcast_in_dim3A_380 = arith.constant true
        %broadcast_in_dim3A_381 = vector.broadcast %broadcast_in_dim3A_380 : i1 to vector<16xi1>
        %masked_cumsum3A_382 = tpu.scan <sum>, %get3A_377 masked %broadcast_in_dim3A_381 : vector<16xi32>, vector<16xi1> -> vector<16xi32>
        %sub3A_383 = arith.subi %masked_cumsum3A, %get3A_373 : vector<16xi32>
        %add3A_384 = vector.broadcast %scan3A_368 : i32 to vector<16xi32>
        %add3A_385 = arith.addi %sub3A_383, %add3A_384 : vector<16xi32>
        %mul3A_386 = arith.constant 16 : i32
        %mul3A_387 = arith.muli %scan3A_367, %mul3A_386 : i32
        %swap3A = arith.index_cast %mul3A_387 : i32 to index
        %swap3A_388 = tpu.vector_load %arg10[%swap3A] {strides = array<i32>} : memref<512xi32, #tpu.memory_space<vmem>>, vector<16xi32>,
        tpu.vector_store %arg10[%swap3A], %add3A_385 {strides = array<i32>} : memref<512xi32, #tpu.memory_space<vmem>>, vector<16xi32>,
        %sub3A_389 = arith.subi %masked_cumsum3A_382, %get3A_377 : vector<16xi32>
        %add3A_390 = vector.broadcast %scan3A_369 : i32 to vector<16xi32>
        %add3A_391 = arith.addi %sub3A_389, %add3A_390 : vector<16xi32>
        %mul3A_392 = arith.constant 16 : i32
        %mul3A_393 = arith.muli %scan3A_367, %mul3A_392 : i32
        %swap3A_394 = arith.index_cast %mul3A_393 : i32 to index
        %swap3A_395 = tpu.vector_load %arg16[%swap3A_394] {strides = array<i32>} : memref<512xi32, #tpu.memory_space<vmem>>, vector<16xi32>,
        tpu.vector_store %arg16[%swap3A_394], %add3A_391 {strides = array<i32>} : memref<512xi32, #tpu.memory_space<vmem>>, vector<16xi32>,
        %reduce_sum3A_396 = arith.constant true
        %reduce_sum3A_397 = vector.broadcast %reduce_sum3A_396 : i1 to vector<16xi1>
        %reduce_sum3A_398 = tpu.scan <sum>, %get3A_373 masked %reduce_sum3A_397 : vector<16xi32>, vector<16xi1> -> vector<16xi32>
        %reduce_sum3A_399 = vector.extract %reduce_sum3A_398[15] : i32 from vector<16xi32>
        %add3A_400 = arith.addi %scan3A_368, %reduce_sum3A_399 : i32
        %reduce_sum3A_401 = arith.constant true
        %reduce_sum3A_402 = vector.broadcast %reduce_sum3A_401 : i1 to vector<16xi1>
        %reduce_sum3A_403 = tpu.scan <sum>, %get3A_377 masked %reduce_sum3A_402 : vector<16xi32>, vector<16xi1> -> vector<16xi32>
        %reduce_sum3A_404 = vector.extract %reduce_sum3A_403[15] : i32 from vector<16xi32>
        %add3A_405 = arith.addi %scan3A_369, %reduce_sum3A_404 : i32
        scf.yield %add3A_400, %add3A_405 : i32, i32
      }
      %scan3A_175 = arith.constant 32 : i32
      %while3A_176 = arith.constant 0 : i32
      %while3A_177 = arith.constant 0 : i32
      %while3A_178 = arith.subi %max3A, %while3A_177 : i32
      %while3A_179 = arith.addi %while3A_177, %while3A_178 : i32
      %while3A_180 = arith.constant 1 : i32
      %while3A_181 = arith.divsi %while3A_178, %while3A_180 : i32
      %while3A_182 = arith.muli %while3A_181, %while3A_180 : i32
      %while3A_183 = arith.addi %while3A_177, %while3A_182 : i32
      %while3A_184 = arith.constant 1 : i32
      scf.for %while3A_367 = %while3A_177 to %while3A_183 step %while3A_184  : i32 {
        %mul3A_368 = vector.broadcast %max3A : i32 to vector<16xi32>
        %mul3A_369 = arith.muli %iota3A, %mul3A_368 : vector<16xi32>
        %add3A_370 = vector.broadcast %while3A_367 : i32 to vector<16xi32>
        %add3A_371 = arith.addi %mul3A_369, %add3A_370 : vector<16xi32>
        %gather3A = tpu.vector_load_idx %arg5[%add3A_371] : memref<2048xi32, #tpu.memory_space<vmem>>[vector<16xi32>], vector<16xi32>,
        %gather3A_372 = tpu.vector_load_idx %arg11[%add3A_371] : memref<2048xi32, #tpu.memory_space<vmem>>[vector<16xi32>], vector<16xi32>,
        %gather3A_373 = tpu.vector_load_idx %arg6[%add3A_371] : memref<2048xi32, #tpu.memory_space<vmem>>[vector<16xi32>], vector<16xi32>,
        %gather3A_374 = tpu.vector_load_idx %arg12[%add3A_371] : memref<2048xi32, #tpu.memory_space<vmem>>[vector<16xi32>], vector<16xi32>,
        %shift_right_arithmetic3A = arith.constant 10 : i32
        %shift_right_arithmetic3A_375 = vector.broadcast %shift_right_arithmetic3A : i32 to vector<16xi32>
        %shift_right_arithmetic3A_376 = arith.shrsi %gather3A, %shift_right_arithmetic3A_375 : vector<16xi32>
        %and3A_377 = arith.constant 31 : i32
        %and3A_378 = vector.broadcast %and3A_377 : i32 to vector<16xi32>
        %and3A_379 = arith.andi %shift_right_arithmetic3A_376, %and3A_378 : vector<16xi32>
        %mul3A_380 = arith.constant 16 : i32
        %mul3A_381 = vector.broadcast %mul3A_380 : i32 to vector<16xi32>
        %mul3A_382 = arith.muli %and3A_379, %mul3A_381 : vector<16xi32>
        %add3A_383 = arith.addi %mul3A_382, %iota3A : vector<16xi32>
        %shift_right_arithmetic3A_384 = arith.constant 10 : i32
        %shift_right_arithmetic3A_385 = vector.broadcast %shift_right_arithmetic3A_384 : i32 to vector<16xi32>
        %shift_right_arithmetic3A_386 = arith.shrsi %gather3A_372, %shift_right_arithmetic3A_385 : vector<16xi32>
        %and3A_387 = arith.constant 31 : i32
        %and3A_388 = vector.broadcast %and3A_387 : i32 to vector<16xi32>
        %and3A_389 = arith.andi %shift_right_arithmetic3A_386, %and3A_388 : vector<16xi32>
        %mul3A_390 = arith.constant 16 : i32
        %mul3A_391 = vector.broadcast %mul3A_390 : i32 to vector<16xi32>
        %mul3A_392 = arith.muli %and3A_389, %mul3A_391 : vector<16xi32>
        %add3A_393 = arith.addi %mul3A_392, %iota3A : vector<16xi32>
        %gather3A_394 = tpu.vector_load_idx %arg10[%add3A_383] : memref<512xi32, #tpu.memory_space<vmem>>[vector<16xi32>], vector<16xi32>,
        %gather3A_395 = tpu.vector_load_idx %arg16[%add3A_393] : memref<512xi32, #tpu.memory_space<vmem>>[vector<16xi32>], vector<16xi32>,
        tpu.vector_store_idx %arg7[%gather3A_394], %gather3A : memref<2048xi32, #tpu.memory_space<vmem>>[vector<16xi32>], vector<16xi32>,
        tpu.vector_store_idx %arg13[%gather3A_395], %gather3A_372 : memref<2048xi32, #tpu.memory_space<vmem>>[vector<16xi32>], vector<16xi32>,
        tpu.vector_store_idx %arg8[%gather3A_394], %gather3A_373 : memref<2048xi32, #tpu.memory_space<vmem>>[vector<16xi32>], vector<16xi32>,
        tpu.vector_store_idx %arg14[%gather3A_395], %gather3A_374 : memref<2048xi32, #tpu.memory_space<vmem>>[vector<16xi32>], vector<16xi32>,
        %add3A_396 = arith.addi %gather3A_394, %broadcast_in_dim3A_1 : vector<16xi32>
        tpu.vector_store_idx %arg10[%add3A_383], %add3A_396 : memref<512xi32, #tpu.memory_space<vmem>>[vector<16xi32>], vector<16xi32>,
        %add3A_397 = arith.addi %gather3A_395, %broadcast_in_dim3A_1 : vector<16xi32>
        tpu.vector_store_idx %arg16[%add3A_393], %add3A_397 : memref<512xi32, #tpu.memory_space<vmem>>[vector<16xi32>], vector<16xi32>,
      }
      %while3A_185 = arith.constant 1 : i32
      scf.for %while3A_367 = %while3A_183 to %while3A_179 step %while3A_185  : i32 {
        %mul3A_368 = vector.broadcast %max3A : i32 to vector<16xi32>
        %mul3A_369 = arith.muli %iota3A, %mul3A_368 : vector<16xi32>
        %add3A_370 = vector.broadcast %while3A_367 : i32 to vector<16xi32>
        %add3A_371 = arith.addi %mul3A_369, %add3A_370 : vector<16xi32>
        %gather3A = tpu.vector_load_idx %arg5[%add3A_371] : memref<2048xi32, #tpu.memory_space<vmem>>[vector<16xi32>], vector<16xi32>,
        %gather3A_372 = tpu.vector_load_idx %arg11[%add3A_371] : memref<2048xi32, #tpu.memory_space<vmem>>[vector<16xi32>], vector<16xi32>,
        %gather3A_373 = tpu.vector_load_idx %arg6[%add3A_371] : memref<2048xi32, #tpu.memory_space<vmem>>[vector<16xi32>], vector<16xi32>,
        %gather3A_374 = tpu.vector_load_idx %arg12[%add3A_371] : memref<2048xi32, #tpu.memory_space<vmem>>[vector<16xi32>], vector<16xi32>,
        %shift_right_arithmetic3A = arith.constant 10 : i32
        %shift_right_arithmetic3A_375 = vector.broadcast %shift_right_arithmetic3A : i32 to vector<16xi32>
        %shift_right_arithmetic3A_376 = arith.shrsi %gather3A, %shift_right_arithmetic3A_375 : vector<16xi32>
        %and3A_377 = arith.constant 31 : i32
        %and3A_378 = vector.broadcast %and3A_377 : i32 to vector<16xi32>
        %and3A_379 = arith.andi %shift_right_arithmetic3A_376, %and3A_378 : vector<16xi32>
        %mul3A_380 = arith.constant 16 : i32
        %mul3A_381 = vector.broadcast %mul3A_380 : i32 to vector<16xi32>
        %mul3A_382 = arith.muli %and3A_379, %mul3A_381 : vector<16xi32>
        %add3A_383 = arith.addi %mul3A_382, %iota3A : vector<16xi32>
        %shift_right_arithmetic3A_384 = arith.constant 10 : i32
        %shift_right_arithmetic3A_385 = vector.broadcast %shift_right_arithmetic3A_384 : i32 to vector<16xi32>
        %shift_right_arithmetic3A_386 = arith.shrsi %gather3A_372, %shift_right_arithmetic3A_385 : vector<16xi32>
        %and3A_387 = arith.constant 31 : i32
        %and3A_388 = vector.broadcast %and3A_387 : i32 to vector<16xi32>
        %and3A_389 = arith.andi %shift_right_arithmetic3A_386, %and3A_388 : vector<16xi32>
        %mul3A_390 = arith.constant 16 : i32
        %mul3A_391 = vector.broadcast %mul3A_390 : i32 to vector<16xi32>
        %mul3A_392 = arith.muli %and3A_389, %mul3A_391 : vector<16xi32>
        %add3A_393 = arith.addi %mul3A_392, %iota3A : vector<16xi32>
        %gather3A_394 = tpu.vector_load_idx %arg10[%add3A_383] : memref<512xi32, #tpu.memory_space<vmem>>[vector<16xi32>], vector<16xi32>,
        %gather3A_395 = tpu.vector_load_idx %arg16[%add3A_393] : memref<512xi32, #tpu.memory_space<vmem>>[vector<16xi32>], vector<16xi32>,
        tpu.vector_store_idx %arg7[%gather3A_394], %gather3A : memref<2048xi32, #tpu.memory_space<vmem>>[vector<16xi32>], vector<16xi32>,
        tpu.vector_store_idx %arg13[%gather3A_395], %gather3A_372 : memref<2048xi32, #tpu.memory_space<vmem>>[vector<16xi32>], vector<16xi32>,
        tpu.vector_store_idx %arg8[%gather3A_394], %gather3A_373 : memref<2048xi32, #tpu.memory_space<vmem>>[vector<16xi32>], vector<16xi32>,
        tpu.vector_store_idx %arg14[%gather3A_395], %gather3A_374 : memref<2048xi32, #tpu.memory_space<vmem>>[vector<16xi32>], vector<16xi32>,
        %add3A_396 = arith.addi %gather3A_394, %broadcast_in_dim3A_1 : vector<16xi32>
        tpu.vector_store_idx %arg10[%add3A_383], %add3A_396 : memref<512xi32, #tpu.memory_space<vmem>>[vector<16xi32>], vector<16xi32>,
        %add3A_397 = arith.addi %gather3A_395, %broadcast_in_dim3A_1 : vector<16xi32>
        tpu.vector_store_idx %arg16[%add3A_393], %add3A_397 : memref<512xi32, #tpu.memory_space<vmem>>[vector<16xi32>], vector<16xi32>,
      }
      %scan3A_186 = arith.constant 0 : i32
      %scan3A_187 = arith.constant 0 : i32
      %scan3A_188 = arith.constant 32 : i32
      %scan3A_189 = arith.addi %scan3A_187, %scan3A_188 : i32
      %scan3A_190 = arith.constant 1 : i32
      scf.for %scan3A_367 = %scan3A_187 to %scan3A_189 step %scan3A_190  : i32 {
        %mul3A_368 = arith.constant 16 : i32
        %mul3A_369 = arith.muli %scan3A_367, %mul3A_368 : i32
        %swap3A = arith.index_cast %mul3A_369 : i32 to index
        %swap3A_370 = tpu.vector_load %arg9[%swap3A] {strides = array<i32>} : memref<512xi32, #tpu.memory_space<vmem>>, vector<16xi32>,
        tpu.vector_store %arg9[%swap3A], %broadcast_in_dim3A_3 {strides = array<i32>} : memref<512xi32, #tpu.memory_space<vmem>>, vector<16xi32>,
        %mul3A_371 = arith.constant 16 : i32
        %mul3A_372 = arith.muli %scan3A_367, %mul3A_371 : i32
        %swap3A_373 = arith.index_cast %mul3A_372 : i32 to index
        %swap3A_374 = tpu.vector_load %arg15[%swap3A_373] {strides = array<i32>} : memref<512xi32, #tpu.memory_space<vmem>>, vector<16xi32>,
        tpu.vector_store %arg15[%swap3A_373], %broadcast_in_dim3A_3 {strides = array<i32>} : memref<512xi32, #tpu.memory_space<vmem>>, vector<16xi32>,
      }
      %scan3A_191 = arith.constant 32 : i32
      %while3A_192 = arith.constant 0 : i32
      %while3A_193 = arith.constant 0 : i32
      %while3A_194 = arith.subi %max3A, %while3A_193 : i32
      %while3A_195 = arith.addi %while3A_193, %while3A_194 : i32
      %while3A_196 = arith.constant 1 : i32
      %while3A_197 = arith.divsi %while3A_194, %while3A_196 : i32
      %while3A_198 = arith.muli %while3A_197, %while3A_196 : i32
      %while3A_199 = arith.addi %while3A_193, %while3A_198 : i32
      %while3A_200 = arith.constant 1 : i32
      scf.for %while3A_367 = %while3A_193 to %while3A_199 step %while3A_200  : i32 {
        %mul3A_368 = vector.broadcast %max3A : i32 to vector<16xi32>
        %mul3A_369 = arith.muli %iota3A, %mul3A_368 : vector<16xi32>
        %add3A_370 = vector.broadcast %while3A_367 : i32 to vector<16xi32>
        %add3A_371 = arith.addi %mul3A_369, %add3A_370 : vector<16xi32>
        %gather3A = tpu.vector_load_idx %arg7[%add3A_371] : memref<2048xi32, #tpu.memory_space<vmem>>[vector<16xi32>], vector<16xi32>,
        %gather3A_372 = tpu.vector_load_idx %arg13[%add3A_371] : memref<2048xi32, #tpu.memory_space<vmem>>[vector<16xi32>], vector<16xi32>,
        %shift_right_arithmetic3A = arith.constant 15 : i32
        %shift_right_arithmetic3A_373 = vector.broadcast %shift_right_arithmetic3A : i32 to vector<16xi32>
        %shift_right_arithmetic3A_374 = arith.shrsi %gather3A, %shift_right_arithmetic3A_373 : vector<16xi32>
        %and3A_375 = arith.constant 31 : i32
        %and3A_376 = vector.broadcast %and3A_375 : i32 to vector<16xi32>
        %and3A_377 = arith.andi %shift_right_arithmetic3A_374, %and3A_376 : vector<16xi32>
        %mul3A_378 = arith.constant 16 : i32
        %mul3A_379 = vector.broadcast %mul3A_378 : i32 to vector<16xi32>
        %mul3A_380 = arith.muli %and3A_377, %mul3A_379 : vector<16xi32>
        %add3A_381 = arith.addi %mul3A_380, %iota3A : vector<16xi32>
        %shift_right_arithmetic3A_382 = arith.constant 15 : i32
        %shift_right_arithmetic3A_383 = vector.broadcast %shift_right_arithmetic3A_382 : i32 to vector<16xi32>
        %shift_right_arithmetic3A_384 = arith.shrsi %gather3A_372, %shift_right_arithmetic3A_383 : vector<16xi32>
        %and3A_385 = arith.constant 31 : i32
        %and3A_386 = vector.broadcast %and3A_385 : i32 to vector<16xi32>
        %and3A_387 = arith.andi %shift_right_arithmetic3A_384, %and3A_386 : vector<16xi32>
        %mul3A_388 = arith.constant 16 : i32
        %mul3A_389 = vector.broadcast %mul3A_388 : i32 to vector<16xi32>
        %mul3A_390 = arith.muli %and3A_387, %mul3A_389 : vector<16xi32>
        %add3A_391 = arith.addi %mul3A_390, %iota3A : vector<16xi32>
        tpu.vector_store_idx %arg9[%add3A_381], %broadcast_in_dim3A_1 {add = true} : memref<512xi32, #tpu.memory_space<vmem>>[vector<16xi32>], vector<16xi32>,
        tpu.vector_store_idx %arg15[%add3A_391], %broadcast_in_dim3A_1 {add = true} : memref<512xi32, #tpu.memory_space<vmem>>[vector<16xi32>], vector<16xi32>,
      }
      %while3A_201 = arith.constant 1 : i32
      scf.for %while3A_367 = %while3A_199 to %while3A_195 step %while3A_201  : i32 {
        %mul3A_368 = vector.broadcast %max3A : i32 to vector<16xi32>
        %mul3A_369 = arith.muli %iota3A, %mul3A_368 : vector<16xi32>
        %add3A_370 = vector.broadcast %while3A_367 : i32 to vector<16xi32>
        %add3A_371 = arith.addi %mul3A_369, %add3A_370 : vector<16xi32>
        %gather3A = tpu.vector_load_idx %arg7[%add3A_371] : memref<2048xi32, #tpu.memory_space<vmem>>[vector<16xi32>], vector<16xi32>,
        %gather3A_372 = tpu.vector_load_idx %arg13[%add3A_371] : memref<2048xi32, #tpu.memory_space<vmem>>[vector<16xi32>], vector<16xi32>,
        %shift_right_arithmetic3A = arith.constant 15 : i32
        %shift_right_arithmetic3A_373 = vector.broadcast %shift_right_arithmetic3A : i32 to vector<16xi32>
        %shift_right_arithmetic3A_374 = arith.shrsi %gather3A, %shift_right_arithmetic3A_373 : vector<16xi32>
        %and3A_375 = arith.constant 31 : i32
        %and3A_376 = vector.broadcast %and3A_375 : i32 to vector<16xi32>
        %and3A_377 = arith.andi %shift_right_arithmetic3A_374, %and3A_376 : vector<16xi32>
        %mul3A_378 = arith.constant 16 : i32
        %mul3A_379 = vector.broadcast %mul3A_378 : i32 to vector<16xi32>
        %mul3A_380 = arith.muli %and3A_377, %mul3A_379 : vector<16xi32>
        %add3A_381 = arith.addi %mul3A_380, %iota3A : vector<16xi32>
        %shift_right_arithmetic3A_382 = arith.constant 15 : i32
        %shift_right_arithmetic3A_383 = vector.broadcast %shift_right_arithmetic3A_382 : i32 to vector<16xi32>
        %shift_right_arithmetic3A_384 = arith.shrsi %gather3A_372, %shift_right_arithmetic3A_383 : vector<16xi32>
        %and3A_385 = arith.constant 31 : i32
        %and3A_386 = vector.broadcast %and3A_385 : i32 to vector<16xi32>
        %and3A_387 = arith.andi %shift_right_arithmetic3A_384, %and3A_386 : vector<16xi32>
        %mul3A_388 = arith.constant 16 : i32
        %mul3A_389 = vector.broadcast %mul3A_388 : i32 to vector<16xi32>
        %mul3A_390 = arith.muli %and3A_387, %mul3A_389 : vector<16xi32>
        %add3A_391 = arith.addi %mul3A_390, %iota3A : vector<16xi32>
        tpu.vector_store_idx %arg9[%add3A_381], %broadcast_in_dim3A_1 {add = true} : memref<512xi32, #tpu.memory_space<vmem>>[vector<16xi32>], vector<16xi32>,
        tpu.vector_store_idx %arg15[%add3A_391], %broadcast_in_dim3A_1 {add = true} : memref<512xi32, #tpu.memory_space<vmem>>[vector<16xi32>], vector<16xi32>,
      }
      %scan3A_202 = arith.constant 0 : i32
      %scan3A_203 = arith.constant 0 : i32
      %scan3A_204 = arith.constant 0 : i32
      %scan3A_205 = arith.constant 32 : i32
      %scan3A_206 = arith.addi %scan3A_204, %scan3A_205 : i32
      %scan3A_207 = arith.constant 1 : i32
      %scan3A_208:2 = scf.for %scan3A_367 = %scan3A_204 to %scan3A_206 step %scan3A_207 iter_args(%scan3A_368 = %scan3A_202, %scan3A_369 = %scan3A_203) -> (i32, i32)  : i32 {
        %mul3A_370 = arith.constant 16 : i32
        %mul3A_371 = arith.muli %scan3A_367, %mul3A_370 : i32
        %get3A_372 = arith.index_cast %mul3A_371 : i32 to index
        %get3A_373 = tpu.vector_load %arg9[%get3A_372] {strides = array<i32>} : memref<512xi32, #tpu.memory_space<vmem>>, vector<16xi32>,
        %mul3A_374 = arith.constant 16 : i32
        %mul3A_375 = arith.muli %scan3A_367, %mul3A_374 : i32
        %get3A_376 = arith.index_cast %mul3A_375 : i32 to index
        %get3A_377 = tpu.vector_load %arg15[%get3A_376] {strides = array<i32>} : memref<512xi32, #tpu.memory_space<vmem>>, vector<16xi32>,
        %broadcast_in_dim3A_378 = arith.constant true
        %broadcast_in_dim3A_379 = vector.broadcast %broadcast_in_dim3A_378 : i1 to vector<16xi1>
        %masked_cumsum3A = tpu.scan <sum>, %get3A_373 masked %broadcast_in_dim3A_379 : vector<16xi32>, vector<16xi1> -> vector<16xi32>
        %broadcast_in_dim3A_380 = arith.constant true
        %broadcast_in_dim3A_381 = vector.broadcast %broadcast_in_dim3A_380 : i1 to vector<16xi1>
        %masked_cumsum3A_382 = tpu.scan <sum>, %get3A_377 masked %broadcast_in_dim3A_381 : vector<16xi32>, vector<16xi1> -> vector<16xi32>
        %sub3A_383 = arith.subi %masked_cumsum3A, %get3A_373 : vector<16xi32>
        %add3A_384 = vector.broadcast %scan3A_368 : i32 to vector<16xi32>
        %add3A_385 = arith.addi %sub3A_383, %add3A_384 : vector<16xi32>
        %mul3A_386 = arith.constant 16 : i32
        %mul3A_387 = arith.muli %scan3A_367, %mul3A_386 : i32
        %swap3A = arith.index_cast %mul3A_387 : i32 to index
        %swap3A_388 = tpu.vector_load %arg10[%swap3A] {strides = array<i32>} : memref<512xi32, #tpu.memory_space<vmem>>, vector<16xi32>,
        tpu.vector_store %arg10[%swap3A], %add3A_385 {strides = array<i32>} : memref<512xi32, #tpu.memory_space<vmem>>, vector<16xi32>,
        %sub3A_389 = arith.subi %masked_cumsum3A_382, %get3A_377 : vector<16xi32>
        %add3A_390 = vector.broadcast %scan3A_369 : i32 to vector<16xi32>
        %add3A_391 = arith.addi %sub3A_389, %add3A_390 : vector<16xi32>
        %mul3A_392 = arith.constant 16 : i32
        %mul3A_393 = arith.muli %scan3A_367, %mul3A_392 : i32
        %swap3A_394 = arith.index_cast %mul3A_393 : i32 to index
        %swap3A_395 = tpu.vector_load %arg16[%swap3A_394] {strides = array<i32>} : memref<512xi32, #tpu.memory_space<vmem>>, vector<16xi32>,
        tpu.vector_store %arg16[%swap3A_394], %add3A_391 {strides = array<i32>} : memref<512xi32, #tpu.memory_space<vmem>>, vector<16xi32>,
        %reduce_sum3A_396 = arith.constant true
        %reduce_sum3A_397 = vector.broadcast %reduce_sum3A_396 : i1 to vector<16xi1>
        %reduce_sum3A_398 = tpu.scan <sum>, %get3A_373 masked %reduce_sum3A_397 : vector<16xi32>, vector<16xi1> -> vector<16xi32>
        %reduce_sum3A_399 = vector.extract %reduce_sum3A_398[15] : i32 from vector<16xi32>
        %add3A_400 = arith.addi %scan3A_368, %reduce_sum3A_399 : i32
        %reduce_sum3A_401 = arith.constant true
        %reduce_sum3A_402 = vector.broadcast %reduce_sum3A_401 : i1 to vector<16xi1>
        %reduce_sum3A_403 = tpu.scan <sum>, %get3A_377 masked %reduce_sum3A_402 : vector<16xi32>, vector<16xi1> -> vector<16xi32>
        %reduce_sum3A_404 = vector.extract %reduce_sum3A_403[15] : i32 from vector<16xi32>
        %add3A_405 = arith.addi %scan3A_369, %reduce_sum3A_404 : i32
        scf.yield %add3A_400, %add3A_405 : i32, i32
      }
      %scan3A_209 = arith.constant 32 : i32
      %while3A_210 = arith.constant 0 : i32
      %while3A_211 = arith.constant 0 : i32
      %while3A_212 = arith.subi %max3A, %while3A_211 : i32
      %while3A_213 = arith.addi %while3A_211, %while3A_212 : i32
      %while3A_214 = arith.constant 1 : i32
      %while3A_215 = arith.divsi %while3A_212, %while3A_214 : i32
      %while3A_216 = arith.muli %while3A_215, %while3A_214 : i32
      %while3A_217 = arith.addi %while3A_211, %while3A_216 : i32
      %while3A_218 = arith.constant 1 : i32
      scf.for %while3A_367 = %while3A_211 to %while3A_217 step %while3A_218  : i32 {
        %mul3A_368 = vector.broadcast %max3A : i32 to vector<16xi32>
        %mul3A_369 = arith.muli %iota3A, %mul3A_368 : vector<16xi32>
        %add3A_370 = vector.broadcast %while3A_367 : i32 to vector<16xi32>
        %add3A_371 = arith.addi %mul3A_369, %add3A_370 : vector<16xi32>
        %gather3A = tpu.vector_load_idx %arg7[%add3A_371] : memref<2048xi32, #tpu.memory_space<vmem>>[vector<16xi32>], vector<16xi32>,
        %gather3A_372 = tpu.vector_load_idx %arg13[%add3A_371] : memref<2048xi32, #tpu.memory_space<vmem>>[vector<16xi32>], vector<16xi32>,
        %gather3A_373 = tpu.vector_load_idx %arg8[%add3A_371] : memref<2048xi32, #tpu.memory_space<vmem>>[vector<16xi32>], vector<16xi32>,
        %gather3A_374 = tpu.vector_load_idx %arg14[%add3A_371] : memref<2048xi32, #tpu.memory_space<vmem>>[vector<16xi32>], vector<16xi32>,
        %shift_right_arithmetic3A = arith.constant 15 : i32
        %shift_right_arithmetic3A_375 = vector.broadcast %shift_right_arithmetic3A : i32 to vector<16xi32>
        %shift_right_arithmetic3A_376 = arith.shrsi %gather3A, %shift_right_arithmetic3A_375 : vector<16xi32>
        %and3A_377 = arith.constant 31 : i32
        %and3A_378 = vector.broadcast %and3A_377 : i32 to vector<16xi32>
        %and3A_379 = arith.andi %shift_right_arithmetic3A_376, %and3A_378 : vector<16xi32>
        %mul3A_380 = arith.constant 16 : i32
        %mul3A_381 = vector.broadcast %mul3A_380 : i32 to vector<16xi32>
        %mul3A_382 = arith.muli %and3A_379, %mul3A_381 : vector<16xi32>
        %add3A_383 = arith.addi %mul3A_382, %iota3A : vector<16xi32>
        %shift_right_arithmetic3A_384 = arith.constant 15 : i32
        %shift_right_arithmetic3A_385 = vector.broadcast %shift_right_arithmetic3A_384 : i32 to vector<16xi32>
        %shift_right_arithmetic3A_386 = arith.shrsi %gather3A_372, %shift_right_arithmetic3A_385 : vector<16xi32>
        %and3A_387 = arith.constant 31 : i32
        %and3A_388 = vector.broadcast %and3A_387 : i32 to vector<16xi32>
        %and3A_389 = arith.andi %shift_right_arithmetic3A_386, %and3A_388 : vector<16xi32>
        %mul3A_390 = arith.constant 16 : i32
        %mul3A_391 = vector.broadcast %mul3A_390 : i32 to vector<16xi32>
        %mul3A_392 = arith.muli %and3A_389, %mul3A_391 : vector<16xi32>
        %add3A_393 = arith.addi %mul3A_392, %iota3A : vector<16xi32>
        %gather3A_394 = tpu.vector_load_idx %arg10[%add3A_383] : memref<512xi32, #tpu.memory_space<vmem>>[vector<16xi32>], vector<16xi32>,
        %gather3A_395 = tpu.vector_load_idx %arg16[%add3A_393] : memref<512xi32, #tpu.memory_space<vmem>>[vector<16xi32>], vector<16xi32>,
        tpu.vector_store_idx %arg5[%gather3A_394], %gather3A : memref<2048xi32, #tpu.memory_space<vmem>>[vector<16xi32>], vector<16xi32>,
        tpu.vector_store_idx %arg11[%gather3A_395], %gather3A_372 : memref<2048xi32, #tpu.memory_space<vmem>>[vector<16xi32>], vector<16xi32>,
        tpu.vector_store_idx %arg6[%gather3A_394], %gather3A_373 : memref<2048xi32, #tpu.memory_space<vmem>>[vector<16xi32>], vector<16xi32>,
        tpu.vector_store_idx %arg12[%gather3A_395], %gather3A_374 : memref<2048xi32, #tpu.memory_space<vmem>>[vector<16xi32>], vector<16xi32>,
        %add3A_396 = arith.addi %gather3A_394, %broadcast_in_dim3A_1 : vector<16xi32>
        tpu.vector_store_idx %arg10[%add3A_383], %add3A_396 : memref<512xi32, #tpu.memory_space<vmem>>[vector<16xi32>], vector<16xi32>,
        %add3A_397 = arith.addi %gather3A_395, %broadcast_in_dim3A_1 : vector<16xi32>
        tpu.vector_store_idx %arg16[%add3A_393], %add3A_397 : memref<512xi32, #tpu.memory_space<vmem>>[vector<16xi32>], vector<16xi32>,
      }
      %while3A_219 = arith.constant 1 : i32
      scf.for %while3A_367 = %while3A_217 to %while3A_213 step %while3A_219  : i32 {
        %mul3A_368 = vector.broadcast %max3A : i32 to vector<16xi32>
        %mul3A_369 = arith.muli %iota3A, %mul3A_368 : vector<16xi32>
        %add3A_370 = vector.broadcast %while3A_367 : i32 to vector<16xi32>
        %add3A_371 = arith.addi %mul3A_369, %add3A_370 : vector<16xi32>
        %gather3A = tpu.vector_load_idx %arg7[%add3A_371] : memref<2048xi32, #tpu.memory_space<vmem>>[vector<16xi32>], vector<16xi32>,
        %gather3A_372 = tpu.vector_load_idx %arg13[%add3A_371] : memref<2048xi32, #tpu.memory_space<vmem>>[vector<16xi32>], vector<16xi32>,
        %gather3A_373 = tpu.vector_load_idx %arg8[%add3A_371] : memref<2048xi32, #tpu.memory_space<vmem>>[vector<16xi32>], vector<16xi32>,
        %gather3A_374 = tpu.vector_load_idx %arg14[%add3A_371] : memref<2048xi32, #tpu.memory_space<vmem>>[vector<16xi32>], vector<16xi32>,
        %shift_right_arithmetic3A = arith.constant 15 : i32
        %shift_right_arithmetic3A_375 = vector.broadcast %shift_right_arithmetic3A : i32 to vector<16xi32>
        %shift_right_arithmetic3A_376 = arith.shrsi %gather3A, %shift_right_arithmetic3A_375 : vector<16xi32>
        %and3A_377 = arith.constant 31 : i32
        %and3A_378 = vector.broadcast %and3A_377 : i32 to vector<16xi32>
        %and3A_379 = arith.andi %shift_right_arithmetic3A_376, %and3A_378 : vector<16xi32>
        %mul3A_380 = arith.constant 16 : i32
        %mul3A_381 = vector.broadcast %mul3A_380 : i32 to vector<16xi32>
        %mul3A_382 = arith.muli %and3A_379, %mul3A_381 : vector<16xi32>
        %add3A_383 = arith.addi %mul3A_382, %iota3A : vector<16xi32>
        %shift_right_arithmetic3A_384 = arith.constant 15 : i32
        %shift_right_arithmetic3A_385 = vector.broadcast %shift_right_arithmetic3A_384 : i32 to vector<16xi32>
        %shift_right_arithmetic3A_386 = arith.shrsi %gather3A_372, %shift_right_arithmetic3A_385 : vector<16xi32>
        %and3A_387 = arith.constant 31 : i32
        %and3A_388 = vector.broadcast %and3A_387 : i32 to vector<16xi32>
        %and3A_389 = arith.andi %shift_right_arithmetic3A_386, %and3A_388 : vector<16xi32>
        %mul3A_390 = arith.constant 16 : i32
        %mul3A_391 = vector.broadcast %mul3A_390 : i32 to vector<16xi32>
        %mul3A_392 = arith.muli %and3A_389, %mul3A_391 : vector<16xi32>
        %add3A_393 = arith.addi %mul3A_392, %iota3A : vector<16xi32>
        %gather3A_394 = tpu.vector_load_idx %arg10[%add3A_383] : memref<512xi32, #tpu.memory_space<vmem>>[vector<16xi32>], vector<16xi32>,
        %gather3A_395 = tpu.vector_load_idx %arg16[%add3A_393] : memref<512xi32, #tpu.memory_space<vmem>>[vector<16xi32>], vector<16xi32>,
        tpu.vector_store_idx %arg5[%gather3A_394], %gather3A : memref<2048xi32, #tpu.memory_space<vmem>>[vector<16xi32>], vector<16xi32>,
        tpu.vector_store_idx %arg11[%gather3A_395], %gather3A_372 : memref<2048xi32, #tpu.memory_space<vmem>>[vector<16xi32>], vector<16xi32>,
        tpu.vector_store_idx %arg6[%gather3A_394], %gather3A_373 : memref<2048xi32, #tpu.memory_space<vmem>>[vector<16xi32>], vector<16xi32>,
        tpu.vector_store_idx %arg12[%gather3A_395], %gather3A_374 : memref<2048xi32, #tpu.memory_space<vmem>>[vector<16xi32>], vector<16xi32>,
        %add3A_396 = arith.addi %gather3A_394, %broadcast_in_dim3A_1 : vector<16xi32>
        tpu.vector_store_idx %arg10[%add3A_383], %add3A_396 : memref<512xi32, #tpu.memory_space<vmem>>[vector<16xi32>], vector<16xi32>,
        %add3A_397 = arith.addi %gather3A_395, %broadcast_in_dim3A_1 : vector<16xi32>
        tpu.vector_store_idx %arg16[%add3A_393], %add3A_397 : memref<512xi32, #tpu.memory_space<vmem>>[vector<16xi32>], vector<16xi32>,
      }
      %scan3A_220 = arith.constant 0 : i32
      %scan3A_221 = arith.constant 0 : i32
      %scan3A_222 = arith.constant 32 : i32
      %scan3A_223 = arith.addi %scan3A_221, %scan3A_222 : i32
      %scan3A_224 = arith.constant 1 : i32
      scf.for %scan3A_367 = %scan3A_221 to %scan3A_223 step %scan3A_224  : i32 {
        %mul3A_368 = arith.constant 16 : i32
        %mul3A_369 = arith.muli %scan3A_367, %mul3A_368 : i32
        %swap3A = arith.index_cast %mul3A_369 : i32 to index
        %swap3A_370 = tpu.vector_load %arg9[%swap3A] {strides = array<i32>} : memref<512xi32, #tpu.memory_space<vmem>>, vector<16xi32>,
        tpu.vector_store %arg9[%swap3A], %broadcast_in_dim3A_3 {strides = array<i32>} : memref<512xi32, #tpu.memory_space<vmem>>, vector<16xi32>,
        %mul3A_371 = arith.constant 16 : i32
        %mul3A_372 = arith.muli %scan3A_367, %mul3A_371 : i32
        %swap3A_373 = arith.index_cast %mul3A_372 : i32 to index
        %swap3A_374 = tpu.vector_load %arg15[%swap3A_373] {strides = array<i32>} : memref<512xi32, #tpu.memory_space<vmem>>, vector<16xi32>,
        tpu.vector_store %arg15[%swap3A_373], %broadcast_in_dim3A_3 {strides = array<i32>} : memref<512xi32, #tpu.memory_space<vmem>>, vector<16xi32>,
      }
      %scan3A_225 = arith.constant 32 : i32
      %while3A_226 = arith.constant 0 : i32
      %while3A_227 = arith.constant 0 : i32
      %while3A_228 = arith.subi %max3A, %while3A_227 : i32
      %while3A_229 = arith.addi %while3A_227, %while3A_228 : i32
      %while3A_230 = arith.constant 1 : i32
      %while3A_231 = arith.divsi %while3A_228, %while3A_230 : i32
      %while3A_232 = arith.muli %while3A_231, %while3A_230 : i32
      %while3A_233 = arith.addi %while3A_227, %while3A_232 : i32
      %while3A_234 = arith.constant 1 : i32
      scf.for %while3A_367 = %while3A_227 to %while3A_233 step %while3A_234  : i32 {
        %mul3A_368 = vector.broadcast %max3A : i32 to vector<16xi32>
        %mul3A_369 = arith.muli %iota3A, %mul3A_368 : vector<16xi32>
        %add3A_370 = vector.broadcast %while3A_367 : i32 to vector<16xi32>
        %add3A_371 = arith.addi %mul3A_369, %add3A_370 : vector<16xi32>
        %gather3A = tpu.vector_load_idx %arg5[%add3A_371] : memref<2048xi32, #tpu.memory_space<vmem>>[vector<16xi32>], vector<16xi32>,
        %gather3A_372 = tpu.vector_load_idx %arg11[%add3A_371] : memref<2048xi32, #tpu.memory_space<vmem>>[vector<16xi32>], vector<16xi32>,
        %shift_right_arithmetic3A = arith.constant 20 : i32
        %shift_right_arithmetic3A_373 = vector.broadcast %shift_right_arithmetic3A : i32 to vector<16xi32>
        %shift_right_arithmetic3A_374 = arith.shrsi %gather3A, %shift_right_arithmetic3A_373 : vector<16xi32>
        %and3A_375 = arith.constant 31 : i32
        %and3A_376 = vector.broadcast %and3A_375 : i32 to vector<16xi32>
        %and3A_377 = arith.andi %shift_right_arithmetic3A_374, %and3A_376 : vector<16xi32>
        %mul3A_378 = arith.constant 16 : i32
        %mul3A_379 = vector.broadcast %mul3A_378 : i32 to vector<16xi32>
        %mul3A_380 = arith.muli %and3A_377, %mul3A_379 : vector<16xi32>
        %add3A_381 = arith.addi %mul3A_380, %iota3A : vector<16xi32>
        %shift_right_arithmetic3A_382 = arith.constant 20 : i32
        %shift_right_arithmetic3A_383 = vector.broadcast %shift_right_arithmetic3A_382 : i32 to vector<16xi32>
        %shift_right_arithmetic3A_384 = arith.shrsi %gather3A_372, %shift_right_arithmetic3A_383 : vector<16xi32>
        %and3A_385 = arith.constant 31 : i32
        %and3A_386 = vector.broadcast %and3A_385 : i32 to vector<16xi32>
        %and3A_387 = arith.andi %shift_right_arithmetic3A_384, %and3A_386 : vector<16xi32>
        %mul3A_388 = arith.constant 16 : i32
        %mul3A_389 = vector.broadcast %mul3A_388 : i32 to vector<16xi32>
        %mul3A_390 = arith.muli %and3A_387, %mul3A_389 : vector<16xi32>
        %add3A_391 = arith.addi %mul3A_390, %iota3A : vector<16xi32>
        tpu.vector_store_idx %arg9[%add3A_381], %broadcast_in_dim3A_1 {add = true} : memref<512xi32, #tpu.memory_space<vmem>>[vector<16xi32>], vector<16xi32>,
        tpu.vector_store_idx %arg15[%add3A_391], %broadcast_in_dim3A_1 {add = true} : memref<512xi32, #tpu.memory_space<vmem>>[vector<16xi32>], vector<16xi32>,
      }
      %while3A_235 = arith.constant 1 : i32
      scf.for %while3A_367 = %while3A_233 to %while3A_229 step %while3A_235  : i32 {
        %mul3A_368 = vector.broadcast %max3A : i32 to vector<16xi32>
        %mul3A_369 = arith.muli %iota3A, %mul3A_368 : vector<16xi32>
        %add3A_370 = vector.broadcast %while3A_367 : i32 to vector<16xi32>
        %add3A_371 = arith.addi %mul3A_369, %add3A_370 : vector<16xi32>
        %gather3A = tpu.vector_load_idx %arg5[%add3A_371] : memref<2048xi32, #tpu.memory_space<vmem>>[vector<16xi32>], vector<16xi32>,
        %gather3A_372 = tpu.vector_load_idx %arg11[%add3A_371] : memref<2048xi32, #tpu.memory_space<vmem>>[vector<16xi32>], vector<16xi32>,
        %shift_right_arithmetic3A = arith.constant 20 : i32
        %shift_right_arithmetic3A_373 = vector.broadcast %shift_right_arithmetic3A : i32 to vector<16xi32>
        %shift_right_arithmetic3A_374 = arith.shrsi %gather3A, %shift_right_arithmetic3A_373 : vector<16xi32>
        %and3A_375 = arith.constant 31 : i32
        %and3A_376 = vector.broadcast %and3A_375 : i32 to vector<16xi32>
        %and3A_377 = arith.andi %shift_right_arithmetic3A_374, %and3A_376 : vector<16xi32>
        %mul3A_378 = arith.constant 16 : i32
        %mul3A_379 = vector.broadcast %mul3A_378 : i32 to vector<16xi32>
        %mul3A_380 = arith.muli %and3A_377, %mul3A_379 : vector<16xi32>
        %add3A_381 = arith.addi %mul3A_380, %iota3A : vector<16xi32>
        %shift_right_arithmetic3A_382 = arith.constant 20 : i32
        %shift_right_arithmetic3A_383 = vector.broadcast %shift_right_arithmetic3A_382 : i32 to vector<16xi32>
        %shift_right_arithmetic3A_384 = arith.shrsi %gather3A_372, %shift_right_arithmetic3A_383 : vector<16xi32>
        %and3A_385 = arith.constant 31 : i32
        %and3A_386 = vector.broadcast %and3A_385 : i32 to vector<16xi32>
        %and3A_387 = arith.andi %shift_right_arithmetic3A_384, %and3A_386 : vector<16xi32>
        %mul3A_388 = arith.constant 16 : i32
        %mul3A_389 = vector.broadcast %mul3A_388 : i32 to vector<16xi32>
        %mul3A_390 = arith.muli %and3A_387, %mul3A_389 : vector<16xi32>
        %add3A_391 = arith.addi %mul3A_390, %iota3A : vector<16xi32>
        tpu.vector_store_idx %arg9[%add3A_381], %broadcast_in_dim3A_1 {add = true} : memref<512xi32, #tpu.memory_space<vmem>>[vector<16xi32>], vector<16xi32>,
        tpu.vector_store_idx %arg15[%add3A_391], %broadcast_in_dim3A_1 {add = true} : memref<512xi32, #tpu.memory_space<vmem>>[vector<16xi32>], vector<16xi32>,
      }
      %scan3A_236 = arith.constant 0 : i32
      %scan3A_237 = arith.constant 0 : i32
      %scan3A_238 = arith.constant 0 : i32
      %scan3A_239 = arith.constant 32 : i32
      %scan3A_240 = arith.addi %scan3A_238, %scan3A_239 : i32
      %scan3A_241 = arith.constant 1 : i32
      %scan3A_242:2 = scf.for %scan3A_367 = %scan3A_238 to %scan3A_240 step %scan3A_241 iter_args(%scan3A_368 = %scan3A_236, %scan3A_369 = %scan3A_237) -> (i32, i32)  : i32 {
        %mul3A_370 = arith.constant 16 : i32
        %mul3A_371 = arith.muli %scan3A_367, %mul3A_370 : i32
        %get3A_372 = arith.index_cast %mul3A_371 : i32 to index
        %get3A_373 = tpu.vector_load %arg9[%get3A_372] {strides = array<i32>} : memref<512xi32, #tpu.memory_space<vmem>>, vector<16xi32>,
        %mul3A_374 = arith.constant 16 : i32
        %mul3A_375 = arith.muli %scan3A_367, %mul3A_374 : i32
        %get3A_376 = arith.index_cast %mul3A_375 : i32 to index
        %get3A_377 = tpu.vector_load %arg15[%get3A_376] {strides = array<i32>} : memref<512xi32, #tpu.memory_space<vmem>>, vector<16xi32>,
        %broadcast_in_dim3A_378 = arith.constant true
        %broadcast_in_dim3A_379 = vector.broadcast %broadcast_in_dim3A_378 : i1 to vector<16xi1>
        %masked_cumsum3A = tpu.scan <sum>, %get3A_373 masked %broadcast_in_dim3A_379 : vector<16xi32>, vector<16xi1> -> vector<16xi32>
        %broadcast_in_dim3A_380 = arith.constant true
        %broadcast_in_dim3A_381 = vector.broadcast %broadcast_in_dim3A_380 : i1 to vector<16xi1>
        %masked_cumsum3A_382 = tpu.scan <sum>, %get3A_377 masked %broadcast_in_dim3A_381 : vector<16xi32>, vector<16xi1> -> vector<16xi32>
        %sub3A_383 = arith.subi %masked_cumsum3A, %get3A_373 : vector<16xi32>
        %add3A_384 = vector.broadcast %scan3A_368 : i32 to vector<16xi32>
        %add3A_385 = arith.addi %sub3A_383, %add3A_384 : vector<16xi32>
        %mul3A_386 = arith.constant 16 : i32
        %mul3A_387 = arith.muli %scan3A_367, %mul3A_386 : i32
        %swap3A = arith.index_cast %mul3A_387 : i32 to index
        %swap3A_388 = tpu.vector_load %arg10[%swap3A] {strides = array<i32>} : memref<512xi32, #tpu.memory_space<vmem>>, vector<16xi32>,
        tpu.vector_store %arg10[%swap3A], %add3A_385 {strides = array<i32>} : memref<512xi32, #tpu.memory_space<vmem>>, vector<16xi32>,
        %sub3A_389 = arith.subi %masked_cumsum3A_382, %get3A_377 : vector<16xi32>
        %add3A_390 = vector.broadcast %scan3A_369 : i32 to vector<16xi32>
        %add3A_391 = arith.addi %sub3A_389, %add3A_390 : vector<16xi32>
        %mul3A_392 = arith.constant 16 : i32
        %mul3A_393 = arith.muli %scan3A_367, %mul3A_392 : i32
        %swap3A_394 = arith.index_cast %mul3A_393 : i32 to index
        %swap3A_395 = tpu.vector_load %arg16[%swap3A_394] {strides = array<i32>} : memref<512xi32, #tpu.memory_space<vmem>>, vector<16xi32>,
        tpu.vector_store %arg16[%swap3A_394], %add3A_391 {strides = array<i32>} : memref<512xi32, #tpu.memory_space<vmem>>, vector<16xi32>,
        %reduce_sum3A_396 = arith.constant true
        %reduce_sum3A_397 = vector.broadcast %reduce_sum3A_396 : i1 to vector<16xi1>
        %reduce_sum3A_398 = tpu.scan <sum>, %get3A_373 masked %reduce_sum3A_397 : vector<16xi32>, vector<16xi1> -> vector<16xi32>
        %reduce_sum3A_399 = vector.extract %reduce_sum3A_398[15] : i32 from vector<16xi32>
        %add3A_400 = arith.addi %scan3A_368, %reduce_sum3A_399 : i32
        %reduce_sum3A_401 = arith.constant true
        %reduce_sum3A_402 = vector.broadcast %reduce_sum3A_401 : i1 to vector<16xi1>
        %reduce_sum3A_403 = tpu.scan <sum>, %get3A_377 masked %reduce_sum3A_402 : vector<16xi32>, vector<16xi1> -> vector<16xi32>
        %reduce_sum3A_404 = vector.extract %reduce_sum3A_403[15] : i32 from vector<16xi32>
        %add3A_405 = arith.addi %scan3A_369, %reduce_sum3A_404 : i32
        scf.yield %add3A_400, %add3A_405 : i32, i32
      }
      %scan3A_243 = arith.constant 32 : i32
      %while3A_244 = arith.constant 0 : i32
      %while3A_245 = arith.constant 0 : i32
      %while3A_246 = arith.subi %max3A, %while3A_245 : i32
      %while3A_247 = arith.addi %while3A_245, %while3A_246 : i32
      %while3A_248 = arith.constant 1 : i32
      %while3A_249 = arith.divsi %while3A_246, %while3A_248 : i32
      %while3A_250 = arith.muli %while3A_249, %while3A_248 : i32
      %while3A_251 = arith.addi %while3A_245, %while3A_250 : i32
      %while3A_252 = arith.constant 1 : i32
      scf.for %while3A_367 = %while3A_245 to %while3A_251 step %while3A_252  : i32 {
        %mul3A_368 = vector.broadcast %max3A : i32 to vector<16xi32>
        %mul3A_369 = arith.muli %iota3A, %mul3A_368 : vector<16xi32>
        %add3A_370 = vector.broadcast %while3A_367 : i32 to vector<16xi32>
        %add3A_371 = arith.addi %mul3A_369, %add3A_370 : vector<16xi32>
        %gather3A = tpu.vector_load_idx %arg5[%add3A_371] : memref<2048xi32, #tpu.memory_space<vmem>>[vector<16xi32>], vector<16xi32>,
        %gather3A_372 = tpu.vector_load_idx %arg11[%add3A_371] : memref<2048xi32, #tpu.memory_space<vmem>>[vector<16xi32>], vector<16xi32>,
        %gather3A_373 = tpu.vector_load_idx %arg6[%add3A_371] : memref<2048xi32, #tpu.memory_space<vmem>>[vector<16xi32>], vector<16xi32>,
        %gather3A_374 = tpu.vector_load_idx %arg12[%add3A_371] : memref<2048xi32, #tpu.memory_space<vmem>>[vector<16xi32>], vector<16xi32>,
        %shift_right_arithmetic3A = arith.constant 20 : i32
        %shift_right_arithmetic3A_375 = vector.broadcast %shift_right_arithmetic3A : i32 to vector<16xi32>
        %shift_right_arithmetic3A_376 = arith.shrsi %gather3A, %shift_right_arithmetic3A_375 : vector<16xi32>
        %and3A_377 = arith.constant 31 : i32
        %and3A_378 = vector.broadcast %and3A_377 : i32 to vector<16xi32>
        %and3A_379 = arith.andi %shift_right_arithmetic3A_376, %and3A_378 : vector<16xi32>
        %mul3A_380 = arith.constant 16 : i32
        %mul3A_381 = vector.broadcast %mul3A_380 : i32 to vector<16xi32>
        %mul3A_382 = arith.muli %and3A_379, %mul3A_381 : vector<16xi32>
        %add3A_383 = arith.addi %mul3A_382, %iota3A : vector<16xi32>
        %shift_right_arithmetic3A_384 = arith.constant 20 : i32
        %shift_right_arithmetic3A_385 = vector.broadcast %shift_right_arithmetic3A_384 : i32 to vector<16xi32>
        %shift_right_arithmetic3A_386 = arith.shrsi %gather3A_372, %shift_right_arithmetic3A_385 : vector<16xi32>
        %and3A_387 = arith.constant 31 : i32
        %and3A_388 = vector.broadcast %and3A_387 : i32 to vector<16xi32>
        %and3A_389 = arith.andi %shift_right_arithmetic3A_386, %and3A_388 : vector<16xi32>
        %mul3A_390 = arith.constant 16 : i32
        %mul3A_391 = vector.broadcast %mul3A_390 : i32 to vector<16xi32>
        %mul3A_392 = arith.muli %and3A_389, %mul3A_391 : vector<16xi32>
        %add3A_393 = arith.addi %mul3A_392, %iota3A : vector<16xi32>
        %gather3A_394 = tpu.vector_load_idx %arg10[%add3A_383] : memref<512xi32, #tpu.memory_space<vmem>>[vector<16xi32>], vector<16xi32>,
        %gather3A_395 = tpu.vector_load_idx %arg16[%add3A_393] : memref<512xi32, #tpu.memory_space<vmem>>[vector<16xi32>], vector<16xi32>,
        tpu.vector_store_idx %arg7[%gather3A_394], %gather3A : memref<2048xi32, #tpu.memory_space<vmem>>[vector<16xi32>], vector<16xi32>,
        tpu.vector_store_idx %arg13[%gather3A_395], %gather3A_372 : memref<2048xi32, #tpu.memory_space<vmem>>[vector<16xi32>], vector<16xi32>,
        tpu.vector_store_idx %arg8[%gather3A_394], %gather3A_373 : memref<2048xi32, #tpu.memory_space<vmem>>[vector<16xi32>], vector<16xi32>,
        tpu.vector_store_idx %arg14[%gather3A_395], %gather3A_374 : memref<2048xi32, #tpu.memory_space<vmem>>[vector<16xi32>], vector<16xi32>,
        %add3A_396 = arith.addi %gather3A_394, %broadcast_in_dim3A_1 : vector<16xi32>
        tpu.vector_store_idx %arg10[%add3A_383], %add3A_396 : memref<512xi32, #tpu.memory_space<vmem>>[vector<16xi32>], vector<16xi32>,
        %add3A_397 = arith.addi %gather3A_395, %broadcast_in_dim3A_1 : vector<16xi32>
        tpu.vector_store_idx %arg16[%add3A_393], %add3A_397 : memref<512xi32, #tpu.memory_space<vmem>>[vector<16xi32>], vector<16xi32>,
      }
      %while3A_253 = arith.constant 1 : i32
      scf.for %while3A_367 = %while3A_251 to %while3A_247 step %while3A_253  : i32 {
        %mul3A_368 = vector.broadcast %max3A : i32 to vector<16xi32>
        %mul3A_369 = arith.muli %iota3A, %mul3A_368 : vector<16xi32>
        %add3A_370 = vector.broadcast %while3A_367 : i32 to vector<16xi32>
        %add3A_371 = arith.addi %mul3A_369, %add3A_370 : vector<16xi32>
        %gather3A = tpu.vector_load_idx %arg5[%add3A_371] : memref<2048xi32, #tpu.memory_space<vmem>>[vector<16xi32>], vector<16xi32>,
        %gather3A_372 = tpu.vector_load_idx %arg11[%add3A_371] : memref<2048xi32, #tpu.memory_space<vmem>>[vector<16xi32>], vector<16xi32>,
        %gather3A_373 = tpu.vector_load_idx %arg6[%add3A_371] : memref<2048xi32, #tpu.memory_space<vmem>>[vector<16xi32>], vector<16xi32>,
        %gather3A_374 = tpu.vector_load_idx %arg12[%add3A_371] : memref<2048xi32, #tpu.memory_space<vmem>>[vector<16xi32>], vector<16xi32>,
        %shift_right_arithmetic3A = arith.constant 20 : i32
        %shift_right_arithmetic3A_375 = vector.broadcast %shift_right_arithmetic3A : i32 to vector<16xi32>
        %shift_right_arithmetic3A_376 = arith.shrsi %gather3A, %shift_right_arithmetic3A_375 : vector<16xi32>
        %and3A_377 = arith.constant 31 : i32
        %and3A_378 = vector.broadcast %and3A_377 : i32 to vector<16xi32>
        %and3A_379 = arith.andi %shift_right_arithmetic3A_376, %and3A_378 : vector<16xi32>
        %mul3A_380 = arith.constant 16 : i32
        %mul3A_381 = vector.broadcast %mul3A_380 : i32 to vector<16xi32>
        %mul3A_382 = arith.muli %and3A_379, %mul3A_381 : vector<16xi32>
        %add3A_383 = arith.addi %mul3A_382, %iota3A : vector<16xi32>
        %shift_right_arithmetic3A_384 = arith.constant 20 : i32
        %shift_right_arithmetic3A_385 = vector.broadcast %shift_right_arithmetic3A_384 : i32 to vector<16xi32>
        %shift_right_arithmetic3A_386 = arith.shrsi %gather3A_372, %shift_right_arithmetic3A_385 : vector<16xi32>
        %and3A_387 = arith.constant 31 : i32
        %and3A_388 = vector.broadcast %and3A_387 : i32 to vector<16xi32>
        %and3A_389 = arith.andi %shift_right_arithmetic3A_386, %and3A_388 : vector<16xi32>
        %mul3A_390 = arith.constant 16 : i32
        %mul3A_391 = vector.broadcast %mul3A_390 : i32 to vector<16xi32>
        %mul3A_392 = arith.muli %and3A_389, %mul3A_391 : vector<16xi32>
        %add3A_393 = arith.addi %mul3A_392, %iota3A : vector<16xi32>
        %gather3A_394 = tpu.vector_load_idx %arg10[%add3A_383] : memref<512xi32, #tpu.memory_space<vmem>>[vector<16xi32>], vector<16xi32>,
        %gather3A_395 = tpu.vector_load_idx %arg16[%add3A_393] : memref<512xi32, #tpu.memory_space<vmem>>[vector<16xi32>], vector<16xi32>,
        tpu.vector_store_idx %arg7[%gather3A_394], %gather3A : memref<2048xi32, #tpu.memory_space<vmem>>[vector<16xi32>], vector<16xi32>,
        tpu.vector_store_idx %arg13[%gather3A_395], %gather3A_372 : memref<2048xi32, #tpu.memory_space<vmem>>[vector<16xi32>], vector<16xi32>,
        tpu.vector_store_idx %arg8[%gather3A_394], %gather3A_373 : memref<2048xi32, #tpu.memory_space<vmem>>[vector<16xi32>], vector<16xi32>,
        tpu.vector_store_idx %arg14[%gather3A_395], %gather3A_374 : memref<2048xi32, #tpu.memory_space<vmem>>[vector<16xi32>], vector<16xi32>,
        %add3A_396 = arith.addi %gather3A_394, %broadcast_in_dim3A_1 : vector<16xi32>
        tpu.vector_store_idx %arg10[%add3A_383], %add3A_396 : memref<512xi32, #tpu.memory_space<vmem>>[vector<16xi32>], vector<16xi32>,
        %add3A_397 = arith.addi %gather3A_395, %broadcast_in_dim3A_1 : vector<16xi32>
        tpu.vector_store_idx %arg16[%add3A_393], %add3A_397 : memref<512xi32, #tpu.memory_space<vmem>>[vector<16xi32>], vector<16xi32>,
      }
      %scan3A_254 = arith.constant 0 : i32
      %scan3A_255 = arith.constant 0 : i32
      %scan3A_256 = arith.constant 32 : i32
      %scan3A_257 = arith.addi %scan3A_255, %scan3A_256 : i32
      %scan3A_258 = arith.constant 1 : i32
      scf.for %scan3A_367 = %scan3A_255 to %scan3A_257 step %scan3A_258  : i32 {
        %mul3A_368 = arith.constant 16 : i32
        %mul3A_369 = arith.muli %scan3A_367, %mul3A_368 : i32
        %swap3A = arith.index_cast %mul3A_369 : i32 to index
        %swap3A_370 = tpu.vector_load %arg9[%swap3A] {strides = array<i32>} : memref<512xi32, #tpu.memory_space<vmem>>, vector<16xi32>,
        tpu.vector_store %arg9[%swap3A], %broadcast_in_dim3A_3 {strides = array<i32>} : memref<512xi32, #tpu.memory_space<vmem>>, vector<16xi32>,
        %mul3A_371 = arith.constant 16 : i32
        %mul3A_372 = arith.muli %scan3A_367, %mul3A_371 : i32
        %swap3A_373 = arith.index_cast %mul3A_372 : i32 to index
        %swap3A_374 = tpu.vector_load %arg15[%swap3A_373] {strides = array<i32>} : memref<512xi32, #tpu.memory_space<vmem>>, vector<16xi32>,
        tpu.vector_store %arg15[%swap3A_373], %broadcast_in_dim3A_3 {strides = array<i32>} : memref<512xi32, #tpu.memory_space<vmem>>, vector<16xi32>,
      }
      %scan3A_259 = arith.constant 32 : i32
      %while3A_260 = arith.constant 0 : i32
      %while3A_261 = arith.constant 0 : i32
      %while3A_262 = arith.subi %max3A, %while3A_261 : i32
      %while3A_263 = arith.addi %while3A_261, %while3A_262 : i32
      %while3A_264 = arith.constant 1 : i32
      %while3A_265 = arith.divsi %while3A_262, %while3A_264 : i32
      %while3A_266 = arith.muli %while3A_265, %while3A_264 : i32
      %while3A_267 = arith.addi %while3A_261, %while3A_266 : i32
      %while3A_268 = arith.constant 1 : i32
      scf.for %while3A_367 = %while3A_261 to %while3A_267 step %while3A_268  : i32 {
        %mul3A_368 = vector.broadcast %max3A : i32 to vector<16xi32>
        %mul3A_369 = arith.muli %iota3A, %mul3A_368 : vector<16xi32>
        %add3A_370 = vector.broadcast %while3A_367 : i32 to vector<16xi32>
        %add3A_371 = arith.addi %mul3A_369, %add3A_370 : vector<16xi32>
        %gather3A = tpu.vector_load_idx %arg7[%add3A_371] : memref<2048xi32, #tpu.memory_space<vmem>>[vector<16xi32>], vector<16xi32>,
        %gather3A_372 = tpu.vector_load_idx %arg13[%add3A_371] : memref<2048xi32, #tpu.memory_space<vmem>>[vector<16xi32>], vector<16xi32>,
        %shift_right_arithmetic3A = arith.constant 25 : i32
        %shift_right_arithmetic3A_373 = vector.broadcast %shift_right_arithmetic3A : i32 to vector<16xi32>
        %shift_right_arithmetic3A_374 = arith.shrsi %gather3A, %shift_right_arithmetic3A_373 : vector<16xi32>
        %and3A_375 = arith.constant 31 : i32
        %and3A_376 = vector.broadcast %and3A_375 : i32 to vector<16xi32>
        %and3A_377 = arith.andi %shift_right_arithmetic3A_374, %and3A_376 : vector<16xi32>
        %mul3A_378 = arith.constant 16 : i32
        %mul3A_379 = vector.broadcast %mul3A_378 : i32 to vector<16xi32>
        %mul3A_380 = arith.muli %and3A_377, %mul3A_379 : vector<16xi32>
        %add3A_381 = arith.addi %mul3A_380, %iota3A : vector<16xi32>
        %shift_right_arithmetic3A_382 = arith.constant 25 : i32
        %shift_right_arithmetic3A_383 = vector.broadcast %shift_right_arithmetic3A_382 : i32 to vector<16xi32>
        %shift_right_arithmetic3A_384 = arith.shrsi %gather3A_372, %shift_right_arithmetic3A_383 : vector<16xi32>
        %and3A_385 = arith.constant 31 : i32
        %and3A_386 = vector.broadcast %and3A_385 : i32 to vector<16xi32>
        %and3A_387 = arith.andi %shift_right_arithmetic3A_384, %and3A_386 : vector<16xi32>
        %mul3A_388 = arith.constant 16 : i32
        %mul3A_389 = vector.broadcast %mul3A_388 : i32 to vector<16xi32>
        %mul3A_390 = arith.muli %and3A_387, %mul3A_389 : vector<16xi32>
        %add3A_391 = arith.addi %mul3A_390, %iota3A : vector<16xi32>
        tpu.vector_store_idx %arg9[%add3A_381], %broadcast_in_dim3A_1 {add = true} : memref<512xi32, #tpu.memory_space<vmem>>[vector<16xi32>], vector<16xi32>,
        tpu.vector_store_idx %arg15[%add3A_391], %broadcast_in_dim3A_1 {add = true} : memref<512xi32, #tpu.memory_space<vmem>>[vector<16xi32>], vector<16xi32>,
      }
      %while3A_269 = arith.constant 1 : i32
      scf.for %while3A_367 = %while3A_267 to %while3A_263 step %while3A_269  : i32 {
        %mul3A_368 = vector.broadcast %max3A : i32 to vector<16xi32>
        %mul3A_369 = arith.muli %iota3A, %mul3A_368 : vector<16xi32>
        %add3A_370 = vector.broadcast %while3A_367 : i32 to vector<16xi32>
        %add3A_371 = arith.addi %mul3A_369, %add3A_370 : vector<16xi32>
        %gather3A = tpu.vector_load_idx %arg7[%add3A_371] : memref<2048xi32, #tpu.memory_space<vmem>>[vector<16xi32>], vector<16xi32>,
        %gather3A_372 = tpu.vector_load_idx %arg13[%add3A_371] : memref<2048xi32, #tpu.memory_space<vmem>>[vector<16xi32>], vector<16xi32>,
        %shift_right_arithmetic3A = arith.constant 25 : i32
        %shift_right_arithmetic3A_373 = vector.broadcast %shift_right_arithmetic3A : i32 to vector<16xi32>
        %shift_right_arithmetic3A_374 = arith.shrsi %gather3A, %shift_right_arithmetic3A_373 : vector<16xi32>
        %and3A_375 = arith.constant 31 : i32
        %and3A_376 = vector.broadcast %and3A_375 : i32 to vector<16xi32>
        %and3A_377 = arith.andi %shift_right_arithmetic3A_374, %and3A_376 : vector<16xi32>
        %mul3A_378 = arith.constant 16 : i32
        %mul3A_379 = vector.broadcast %mul3A_378 : i32 to vector<16xi32>
        %mul3A_380 = arith.muli %and3A_377, %mul3A_379 : vector<16xi32>
        %add3A_381 = arith.addi %mul3A_380, %iota3A : vector<16xi32>
        %shift_right_arithmetic3A_382 = arith.constant 25 : i32
        %shift_right_arithmetic3A_383 = vector.broadcast %shift_right_arithmetic3A_382 : i32 to vector<16xi32>
        %shift_right_arithmetic3A_384 = arith.shrsi %gather3A_372, %shift_right_arithmetic3A_383 : vector<16xi32>
        %and3A_385 = arith.constant 31 : i32
        %and3A_386 = vector.broadcast %and3A_385 : i32 to vector<16xi32>
        %and3A_387 = arith.andi %shift_right_arithmetic3A_384, %and3A_386 : vector<16xi32>
        %mul3A_388 = arith.constant 16 : i32
        %mul3A_389 = vector.broadcast %mul3A_388 : i32 to vector<16xi32>
        %mul3A_390 = arith.muli %and3A_387, %mul3A_389 : vector<16xi32>
        %add3A_391 = arith.addi %mul3A_390, %iota3A : vector<16xi32>
        tpu.vector_store_idx %arg9[%add3A_381], %broadcast_in_dim3A_1 {add = true} : memref<512xi32, #tpu.memory_space<vmem>>[vector<16xi32>], vector<16xi32>,
        tpu.vector_store_idx %arg15[%add3A_391], %broadcast_in_dim3A_1 {add = true} : memref<512xi32, #tpu.memory_space<vmem>>[vector<16xi32>], vector<16xi32>,
      }
      %scan3A_270 = arith.constant 0 : i32
      %scan3A_271 = arith.constant 0 : i32
      %scan3A_272 = arith.constant 0 : i32
      %scan3A_273 = arith.constant 32 : i32
      %scan3A_274 = arith.addi %scan3A_272, %scan3A_273 : i32
      %scan3A_275 = arith.constant 1 : i32
      %scan3A_276:2 = scf.for %scan3A_367 = %scan3A_272 to %scan3A_274 step %scan3A_275 iter_args(%scan3A_368 = %scan3A_270, %scan3A_369 = %scan3A_271) -> (i32, i32)  : i32 {
        %mul3A_370 = arith.constant 16 : i32
        %mul3A_371 = arith.muli %scan3A_367, %mul3A_370 : i32
        %get3A_372 = arith.index_cast %mul3A_371 : i32 to index
        %get3A_373 = tpu.vector_load %arg9[%get3A_372] {strides = array<i32>} : memref<512xi32, #tpu.memory_space<vmem>>, vector<16xi32>,
        %mul3A_374 = arith.constant 16 : i32
        %mul3A_375 = arith.muli %scan3A_367, %mul3A_374 : i32
        %get3A_376 = arith.index_cast %mul3A_375 : i32 to index
        %get3A_377 = tpu.vector_load %arg15[%get3A_376] {strides = array<i32>} : memref<512xi32, #tpu.memory_space<vmem>>, vector<16xi32>,
        %broadcast_in_dim3A_378 = arith.constant true
        %broadcast_in_dim3A_379 = vector.broadcast %broadcast_in_dim3A_378 : i1 to vector<16xi1>
        %masked_cumsum3A = tpu.scan <sum>, %get3A_373 masked %broadcast_in_dim3A_379 : vector<16xi32>, vector<16xi1> -> vector<16xi32>
        %broadcast_in_dim3A_380 = arith.constant true
        %broadcast_in_dim3A_381 = vector.broadcast %broadcast_in_dim3A_380 : i1 to vector<16xi1>
        %masked_cumsum3A_382 = tpu.scan <sum>, %get3A_377 masked %broadcast_in_dim3A_381 : vector<16xi32>, vector<16xi1> -> vector<16xi32>
        %sub3A_383 = arith.subi %masked_cumsum3A, %get3A_373 : vector<16xi32>
        %add3A_384 = vector.broadcast %scan3A_368 : i32 to vector<16xi32>
        %add3A_385 = arith.addi %sub3A_383, %add3A_384 : vector<16xi32>
        %mul3A_386 = arith.constant 16 : i32
        %mul3A_387 = arith.muli %scan3A_367, %mul3A_386 : i32
        %swap3A = arith.index_cast %mul3A_387 : i32 to index
        %swap3A_388 = tpu.vector_load %arg10[%swap3A] {strides = array<i32>} : memref<512xi32, #tpu.memory_space<vmem>>, vector<16xi32>,
        tpu.vector_store %arg10[%swap3A], %add3A_385 {strides = array<i32>} : memref<512xi32, #tpu.memory_space<vmem>>, vector<16xi32>,
        %sub3A_389 = arith.subi %masked_cumsum3A_382, %get3A_377 : vector<16xi32>
        %add3A_390 = vector.broadcast %scan3A_369 : i32 to vector<16xi32>
        %add3A_391 = arith.addi %sub3A_389, %add3A_390 : vector<16xi32>
        %mul3A_392 = arith.constant 16 : i32
        %mul3A_393 = arith.muli %scan3A_367, %mul3A_392 : i32
        %swap3A_394 = arith.index_cast %mul3A_393 : i32 to index
        %swap3A_395 = tpu.vector_load %arg16[%swap3A_394] {strides = array<i32>} : memref<512xi32, #tpu.memory_space<vmem>>, vector<16xi32>,
        tpu.vector_store %arg16[%swap3A_394], %add3A_391 {strides = array<i32>} : memref<512xi32, #tpu.memory_space<vmem>>, vector<16xi32>,
        %reduce_sum3A_396 = arith.constant true
        %reduce_sum3A_397 = vector.broadcast %reduce_sum3A_396 : i1 to vector<16xi1>
        %reduce_sum3A_398 = tpu.scan <sum>, %get3A_373 masked %reduce_sum3A_397 : vector<16xi32>, vector<16xi1> -> vector<16xi32>
        %reduce_sum3A_399 = vector.extract %reduce_sum3A_398[15] : i32 from vector<16xi32>
        %add3A_400 = arith.addi %scan3A_368, %reduce_sum3A_399 : i32
        %reduce_sum3A_401 = arith.constant true
        %reduce_sum3A_402 = vector.broadcast %reduce_sum3A_401 : i1 to vector<16xi1>
        %reduce_sum3A_403 = tpu.scan <sum>, %get3A_377 masked %reduce_sum3A_402 : vector<16xi32>, vector<16xi1> -> vector<16xi32>
        %reduce_sum3A_404 = vector.extract %reduce_sum3A_403[15] : i32 from vector<16xi32>
        %add3A_405 = arith.addi %scan3A_369, %reduce_sum3A_404 : i32
        scf.yield %add3A_400, %add3A_405 : i32, i32
      }
      %scan3A_277 = arith.constant 32 : i32
      %while3A_278 = arith.constant 0 : i32
      %while3A_279 = arith.constant 0 : i32
      %while3A_280 = arith.subi %max3A, %while3A_279 : i32
      %while3A_281 = arith.addi %while3A_279, %while3A_280 : i32
      %while3A_282 = arith.constant 1 : i32
      %while3A_283 = arith.divsi %while3A_280, %while3A_282 : i32
      %while3A_284 = arith.muli %while3A_283, %while3A_282 : i32
      %while3A_285 = arith.addi %while3A_279, %while3A_284 : i32
      %while3A_286 = arith.constant 1 : i32
      scf.for %while3A_367 = %while3A_279 to %while3A_285 step %while3A_286  : i32 {
        %mul3A_368 = vector.broadcast %max3A : i32 to vector<16xi32>
        %mul3A_369 = arith.muli %iota3A, %mul3A_368 : vector<16xi32>
        %add3A_370 = vector.broadcast %while3A_367 : i32 to vector<16xi32>
        %add3A_371 = arith.addi %mul3A_369, %add3A_370 : vector<16xi32>
        %gather3A = tpu.vector_load_idx %arg7[%add3A_371] : memref<2048xi32, #tpu.memory_space<vmem>>[vector<16xi32>], vector<16xi32>,
        %gather3A_372 = tpu.vector_load_idx %arg13[%add3A_371] : memref<2048xi32, #tpu.memory_space<vmem>>[vector<16xi32>], vector<16xi32>,
        %gather3A_373 = tpu.vector_load_idx %arg8[%add3A_371] : memref<2048xi32, #tpu.memory_space<vmem>>[vector<16xi32>], vector<16xi32>,
        %gather3A_374 = tpu.vector_load_idx %arg14[%add3A_371] : memref<2048xi32, #tpu.memory_space<vmem>>[vector<16xi32>], vector<16xi32>,
        %shift_right_arithmetic3A = arith.constant 25 : i32
        %shift_right_arithmetic3A_375 = vector.broadcast %shift_right_arithmetic3A : i32 to vector<16xi32>
        %shift_right_arithmetic3A_376 = arith.shrsi %gather3A, %shift_right_arithmetic3A_375 : vector<16xi32>
        %and3A_377 = arith.constant 31 : i32
        %and3A_378 = vector.broadcast %and3A_377 : i32 to vector<16xi32>
        %and3A_379 = arith.andi %shift_right_arithmetic3A_376, %and3A_378 : vector<16xi32>
        %mul3A_380 = arith.constant 16 : i32
        %mul3A_381 = vector.broadcast %mul3A_380 : i32 to vector<16xi32>
        %mul3A_382 = arith.muli %and3A_379, %mul3A_381 : vector<16xi32>
        %add3A_383 = arith.addi %mul3A_382, %iota3A : vector<16xi32>
        %shift_right_arithmetic3A_384 = arith.constant 25 : i32
        %shift_right_arithmetic3A_385 = vector.broadcast %shift_right_arithmetic3A_384 : i32 to vector<16xi32>
        %shift_right_arithmetic3A_386 = arith.shrsi %gather3A_372, %shift_right_arithmetic3A_385 : vector<16xi32>
        %and3A_387 = arith.constant 31 : i32
        %and3A_388 = vector.broadcast %and3A_387 : i32 to vector<16xi32>
        %and3A_389 = arith.andi %shift_right_arithmetic3A_386, %and3A_388 : vector<16xi32>
        %mul3A_390 = arith.constant 16 : i32
        %mul3A_391 = vector.broadcast %mul3A_390 : i32 to vector<16xi32>
        %mul3A_392 = arith.muli %and3A_389, %mul3A_391 : vector<16xi32>
        %add3A_393 = arith.addi %mul3A_392, %iota3A : vector<16xi32>
        %gather3A_394 = tpu.vector_load_idx %arg10[%add3A_383] : memref<512xi32, #tpu.memory_space<vmem>>[vector<16xi32>], vector<16xi32>,
        %gather3A_395 = tpu.vector_load_idx %arg16[%add3A_393] : memref<512xi32, #tpu.memory_space<vmem>>[vector<16xi32>], vector<16xi32>,
        tpu.vector_store_idx %arg5[%gather3A_394], %gather3A : memref<2048xi32, #tpu.memory_space<vmem>>[vector<16xi32>], vector<16xi32>,
        tpu.vector_store_idx %arg11[%gather3A_395], %gather3A_372 : memref<2048xi32, #tpu.memory_space<vmem>>[vector<16xi32>], vector<16xi32>,
        tpu.vector_store_idx %arg6[%gather3A_394], %gather3A_373 : memref<2048xi32, #tpu.memory_space<vmem>>[vector<16xi32>], vector<16xi32>,
        tpu.vector_store_idx %arg12[%gather3A_395], %gather3A_374 : memref<2048xi32, #tpu.memory_space<vmem>>[vector<16xi32>], vector<16xi32>,
        %add3A_396 = arith.addi %gather3A_394, %broadcast_in_dim3A_1 : vector<16xi32>
        tpu.vector_store_idx %arg10[%add3A_383], %add3A_396 : memref<512xi32, #tpu.memory_space<vmem>>[vector<16xi32>], vector<16xi32>,
        %add3A_397 = arith.addi %gather3A_395, %broadcast_in_dim3A_1 : vector<16xi32>
        tpu.vector_store_idx %arg16[%add3A_393], %add3A_397 : memref<512xi32, #tpu.memory_space<vmem>>[vector<16xi32>], vector<16xi32>,
      }
      %while3A_287 = arith.constant 1 : i32
      scf.for %while3A_367 = %while3A_285 to %while3A_281 step %while3A_287  : i32 {
        %mul3A_368 = vector.broadcast %max3A : i32 to vector<16xi32>
        %mul3A_369 = arith.muli %iota3A, %mul3A_368 : vector<16xi32>
        %add3A_370 = vector.broadcast %while3A_367 : i32 to vector<16xi32>
        %add3A_371 = arith.addi %mul3A_369, %add3A_370 : vector<16xi32>
        %gather3A = tpu.vector_load_idx %arg7[%add3A_371] : memref<2048xi32, #tpu.memory_space<vmem>>[vector<16xi32>], vector<16xi32>,
        %gather3A_372 = tpu.vector_load_idx %arg13[%add3A_371] : memref<2048xi32, #tpu.memory_space<vmem>>[vector<16xi32>], vector<16xi32>,
        %gather3A_373 = tpu.vector_load_idx %arg8[%add3A_371] : memref<2048xi32, #tpu.memory_space<vmem>>[vector<16xi32>], vector<16xi32>,
        %gather3A_374 = tpu.vector_load_idx %arg14[%add3A_371] : memref<2048xi32, #tpu.memory_space<vmem>>[vector<16xi32>], vector<16xi32>,
        %shift_right_arithmetic3A = arith.constant 25 : i32
        %shift_right_arithmetic3A_375 = vector.broadcast %shift_right_arithmetic3A : i32 to vector<16xi32>
        %shift_right_arithmetic3A_376 = arith.shrsi %gather3A, %shift_right_arithmetic3A_375 : vector<16xi32>
        %and3A_377 = arith.constant 31 : i32
        %and3A_378 = vector.broadcast %and3A_377 : i32 to vector<16xi32>
        %and3A_379 = arith.andi %shift_right_arithmetic3A_376, %and3A_378 : vector<16xi32>
        %mul3A_380 = arith.constant 16 : i32
        %mul3A_381 = vector.broadcast %mul3A_380 : i32 to vector<16xi32>
        %mul3A_382 = arith.muli %and3A_379, %mul3A_381 : vector<16xi32>
        %add3A_383 = arith.addi %mul3A_382, %iota3A : vector<16xi32>
        %shift_right_arithmetic3A_384 = arith.constant 25 : i32
        %shift_right_arithmetic3A_385 = vector.broadcast %shift_right_arithmetic3A_384 : i32 to vector<16xi32>
        %shift_right_arithmetic3A_386 = arith.shrsi %gather3A_372, %shift_right_arithmetic3A_385 : vector<16xi32>
        %and3A_387 = arith.constant 31 : i32
        %and3A_388 = vector.broadcast %and3A_387 : i32 to vector<16xi32>
        %and3A_389 = arith.andi %shift_right_arithmetic3A_386, %and3A_388 : vector<16xi32>
        %mul3A_390 = arith.constant 16 : i32
        %mul3A_391 = vector.broadcast %mul3A_390 : i32 to vector<16xi32>
        %mul3A_392 = arith.muli %and3A_389, %mul3A_391 : vector<16xi32>
        %add3A_393 = arith.addi %mul3A_392, %iota3A : vector<16xi32>
        %gather3A_394 = tpu.vector_load_idx %arg10[%add3A_383] : memref<512xi32, #tpu.memory_space<vmem>>[vector<16xi32>], vector<16xi32>,
        %gather3A_395 = tpu.vector_load_idx %arg16[%add3A_393] : memref<512xi32, #tpu.memory_space<vmem>>[vector<16xi32>], vector<16xi32>,
        tpu.vector_store_idx %arg5[%gather3A_394], %gather3A : memref<2048xi32, #tpu.memory_space<vmem>>[vector<16xi32>], vector<16xi32>,
        tpu.vector_store_idx %arg11[%gather3A_395], %gather3A_372 : memref<2048xi32, #tpu.memory_space<vmem>>[vector<16xi32>], vector<16xi32>,
        tpu.vector_store_idx %arg6[%gather3A_394], %gather3A_373 : memref<2048xi32, #tpu.memory_space<vmem>>[vector<16xi32>], vector<16xi32>,
        tpu.vector_store_idx %arg12[%gather3A_395], %gather3A_374 : memref<2048xi32, #tpu.memory_space<vmem>>[vector<16xi32>], vector<16xi32>,
        %add3A_396 = arith.addi %gather3A_394, %broadcast_in_dim3A_1 : vector<16xi32>
        tpu.vector_store_idx %arg10[%add3A_383], %add3A_396 : memref<512xi32, #tpu.memory_space<vmem>>[vector<16xi32>], vector<16xi32>,
        %add3A_397 = arith.addi %gather3A_395, %broadcast_in_dim3A_1 : vector<16xi32>
        tpu.vector_store_idx %arg16[%add3A_393], %add3A_397 : memref<512xi32, #tpu.memory_space<vmem>>[vector<16xi32>], vector<16xi32>,
      }
      %scan3A_288 = arith.constant 0 : i32
      %scan3A_289 = arith.constant 0 : i32
      %scan3A_290 = arith.constant 32 : i32
      %scan3A_291 = arith.addi %scan3A_289, %scan3A_290 : i32
      %scan3A_292 = arith.constant 1 : i32
      scf.for %scan3A_367 = %scan3A_289 to %scan3A_291 step %scan3A_292  : i32 {
        %mul3A_368 = arith.constant 16 : i32
        %mul3A_369 = arith.muli %scan3A_367, %mul3A_368 : i32
        %swap3A = arith.index_cast %mul3A_369 : i32 to index
        %swap3A_370 = tpu.vector_load %arg9[%swap3A] {strides = array<i32>} : memref<512xi32, #tpu.memory_space<vmem>>, vector<16xi32>,
        tpu.vector_store %arg9[%swap3A], %broadcast_in_dim3A_3 {strides = array<i32>} : memref<512xi32, #tpu.memory_space<vmem>>, vector<16xi32>,
        %mul3A_371 = arith.constant 16 : i32
        %mul3A_372 = arith.muli %scan3A_367, %mul3A_371 : i32
        %swap3A_373 = arith.index_cast %mul3A_372 : i32 to index
        %swap3A_374 = tpu.vector_load %arg15[%swap3A_373] {strides = array<i32>} : memref<512xi32, #tpu.memory_space<vmem>>, vector<16xi32>,
        tpu.vector_store %arg15[%swap3A_373], %broadcast_in_dim3A_3 {strides = array<i32>} : memref<512xi32, #tpu.memory_space<vmem>>, vector<16xi32>,
      }
      %scan3A_293 = arith.constant 32 : i32
      %while3A_294 = arith.constant 0 : i32
      %while3A_295 = arith.constant 0 : i32
      %while3A_296 = arith.subi %max3A, %while3A_295 : i32
      %while3A_297 = arith.addi %while3A_295, %while3A_296 : i32
      %while3A_298 = arith.constant 1 : i32
      %while3A_299 = arith.divsi %while3A_296, %while3A_298 : i32
      %while3A_300 = arith.muli %while3A_299, %while3A_298 : i32
      %while3A_301 = arith.addi %while3A_295, %while3A_300 : i32
      %while3A_302 = arith.constant 1 : i32
      scf.for %while3A_367 = %while3A_295 to %while3A_301 step %while3A_302  : i32 {
        %mul3A_368 = vector.broadcast %max3A : i32 to vector<16xi32>
        %mul3A_369 = arith.muli %iota3A, %mul3A_368 : vector<16xi32>
        %add3A_370 = vector.broadcast %while3A_367 : i32 to vector<16xi32>
        %add3A_371 = arith.addi %mul3A_369, %add3A_370 : vector<16xi32>
        %gather3A = tpu.vector_load_idx %arg5[%add3A_371] : memref<2048xi32, #tpu.memory_space<vmem>>[vector<16xi32>], vector<16xi32>,
        %gather3A_372 = tpu.vector_load_idx %arg11[%add3A_371] : memref<2048xi32, #tpu.memory_space<vmem>>[vector<16xi32>], vector<16xi32>,
        %shift_right_arithmetic3A = arith.constant 30 : i32
        %shift_right_arithmetic3A_373 = vector.broadcast %shift_right_arithmetic3A : i32 to vector<16xi32>
        %shift_right_arithmetic3A_374 = arith.shrsi %gather3A, %shift_right_arithmetic3A_373 : vector<16xi32>
        %and3A_375 = arith.constant 31 : i32
        %and3A_376 = vector.broadcast %and3A_375 : i32 to vector<16xi32>
        %and3A_377 = arith.andi %shift_right_arithmetic3A_374, %and3A_376 : vector<16xi32>
        %mul3A_378 = arith.constant 16 : i32
        %mul3A_379 = vector.broadcast %mul3A_378 : i32 to vector<16xi32>
        %mul3A_380 = arith.muli %and3A_377, %mul3A_379 : vector<16xi32>
        %add3A_381 = arith.addi %mul3A_380, %iota3A : vector<16xi32>
        %shift_right_arithmetic3A_382 = arith.constant 30 : i32
        %shift_right_arithmetic3A_383 = vector.broadcast %shift_right_arithmetic3A_382 : i32 to vector<16xi32>
        %shift_right_arithmetic3A_384 = arith.shrsi %gather3A_372, %shift_right_arithmetic3A_383 : vector<16xi32>
        %and3A_385 = arith.constant 31 : i32
        %and3A_386 = vector.broadcast %and3A_385 : i32 to vector<16xi32>
        %and3A_387 = arith.andi %shift_right_arithmetic3A_384, %and3A_386 : vector<16xi32>
        %mul3A_388 = arith.constant 16 : i32
        %mul3A_389 = vector.broadcast %mul3A_388 : i32 to vector<16xi32>
        %mul3A_390 = arith.muli %and3A_387, %mul3A_389 : vector<16xi32>
        %add3A_391 = arith.addi %mul3A_390, %iota3A : vector<16xi32>
        tpu.vector_store_idx %arg9[%add3A_381], %broadcast_in_dim3A_1 {add = true} : memref<512xi32, #tpu.memory_space<vmem>>[vector<16xi32>], vector<16xi32>,
        tpu.vector_store_idx %arg15[%add3A_391], %broadcast_in_dim3A_1 {add = true} : memref<512xi32, #tpu.memory_space<vmem>>[vector<16xi32>], vector<16xi32>,
      }
      %while3A_303 = arith.constant 1 : i32
      scf.for %while3A_367 = %while3A_301 to %while3A_297 step %while3A_303  : i32 {
        %mul3A_368 = vector.broadcast %max3A : i32 to vector<16xi32>
        %mul3A_369 = arith.muli %iota3A, %mul3A_368 : vector<16xi32>
        %add3A_370 = vector.broadcast %while3A_367 : i32 to vector<16xi32>
        %add3A_371 = arith.addi %mul3A_369, %add3A_370 : vector<16xi32>
        %gather3A = tpu.vector_load_idx %arg5[%add3A_371] : memref<2048xi32, #tpu.memory_space<vmem>>[vector<16xi32>], vector<16xi32>,
        %gather3A_372 = tpu.vector_load_idx %arg11[%add3A_371] : memref<2048xi32, #tpu.memory_space<vmem>>[vector<16xi32>], vector<16xi32>,
        %shift_right_arithmetic3A = arith.constant 30 : i32
        %shift_right_arithmetic3A_373 = vector.broadcast %shift_right_arithmetic3A : i32 to vector<16xi32>
        %shift_right_arithmetic3A_374 = arith.shrsi %gather3A, %shift_right_arithmetic3A_373 : vector<16xi32>
        %and3A_375 = arith.constant 31 : i32
        %and3A_376 = vector.broadcast %and3A_375 : i32 to vector<16xi32>
        %and3A_377 = arith.andi %shift_right_arithmetic3A_374, %and3A_376 : vector<16xi32>
        %mul3A_378 = arith.constant 16 : i32
        %mul3A_379 = vector.broadcast %mul3A_378 : i32 to vector<16xi32>
        %mul3A_380 = arith.muli %and3A_377, %mul3A_379 : vector<16xi32>
        %add3A_381 = arith.addi %mul3A_380, %iota3A : vector<16xi32>
        %shift_right_arithmetic3A_382 = arith.constant 30 : i32
        %shift_right_arithmetic3A_383 = vector.broadcast %shift_right_arithmetic3A_382 : i32 to vector<16xi32>
        %shift_right_arithmetic3A_384 = arith.shrsi %gather3A_372, %shift_right_arithmetic3A_383 : vector<16xi32>
        %and3A_385 = arith.constant 31 : i32
        %and3A_386 = vector.broadcast %and3A_385 : i32 to vector<16xi32>
        %and3A_387 = arith.andi %shift_right_arithmetic3A_384, %and3A_386 : vector<16xi32>
        %mul3A_388 = arith.constant 16 : i32
        %mul3A_389 = vector.broadcast %mul3A_388 : i32 to vector<16xi32>
        %mul3A_390 = arith.muli %and3A_387, %mul3A_389 : vector<16xi32>
        %add3A_391 = arith.addi %mul3A_390, %iota3A : vector<16xi32>
        tpu.vector_store_idx %arg9[%add3A_381], %broadcast_in_dim3A_1 {add = true} : memref<512xi32, #tpu.memory_space<vmem>>[vector<16xi32>], vector<16xi32>,
        tpu.vector_store_idx %arg15[%add3A_391], %broadcast_in_dim3A_1 {add = true} : memref<512xi32, #tpu.memory_space<vmem>>[vector<16xi32>], vector<16xi32>,
      }
      %scan3A_304 = arith.constant 0 : i32
      %scan3A_305 = arith.constant 0 : i32
      %scan3A_306 = arith.constant 0 : i32
      %scan3A_307 = arith.constant 32 : i32
      %scan3A_308 = arith.addi %scan3A_306, %scan3A_307 : i32
      %scan3A_309 = arith.constant 1 : i32
      %scan3A_310:2 = scf.for %scan3A_367 = %scan3A_306 to %scan3A_308 step %scan3A_309 iter_args(%scan3A_368 = %scan3A_304, %scan3A_369 = %scan3A_305) -> (i32, i32)  : i32 {
        %mul3A_370 = arith.constant 16 : i32
        %mul3A_371 = arith.muli %scan3A_367, %mul3A_370 : i32
        %get3A_372 = arith.index_cast %mul3A_371 : i32 to index
        %get3A_373 = tpu.vector_load %arg9[%get3A_372] {strides = array<i32>} : memref<512xi32, #tpu.memory_space<vmem>>, vector<16xi32>,
        %mul3A_374 = arith.constant 16 : i32
        %mul3A_375 = arith.muli %scan3A_367, %mul3A_374 : i32
        %get3A_376 = arith.index_cast %mul3A_375 : i32 to index
        %get3A_377 = tpu.vector_load %arg15[%get3A_376] {strides = array<i32>} : memref<512xi32, #tpu.memory_space<vmem>>, vector<16xi32>,
        %broadcast_in_dim3A_378 = arith.constant true
        %broadcast_in_dim3A_379 = vector.broadcast %broadcast_in_dim3A_378 : i1 to vector<16xi1>
        %masked_cumsum3A = tpu.scan <sum>, %get3A_373 masked %broadcast_in_dim3A_379 : vector<16xi32>, vector<16xi1> -> vector<16xi32>
        %broadcast_in_dim3A_380 = arith.constant true
        %broadcast_in_dim3A_381 = vector.broadcast %broadcast_in_dim3A_380 : i1 to vector<16xi1>
        %masked_cumsum3A_382 = tpu.scan <sum>, %get3A_377 masked %broadcast_in_dim3A_381 : vector<16xi32>, vector<16xi1> -> vector<16xi32>
        %sub3A_383 = arith.subi %masked_cumsum3A, %get3A_373 : vector<16xi32>
        %add3A_384 = vector.broadcast %scan3A_368 : i32 to vector<16xi32>
        %add3A_385 = arith.addi %sub3A_383, %add3A_384 : vector<16xi32>
        %mul3A_386 = arith.constant 16 : i32
        %mul3A_387 = arith.muli %scan3A_367, %mul3A_386 : i32
        %swap3A = arith.index_cast %mul3A_387 : i32 to index
        %swap3A_388 = tpu.vector_load %arg10[%swap3A] {strides = array<i32>} : memref<512xi32, #tpu.memory_space<vmem>>, vector<16xi32>,
        tpu.vector_store %arg10[%swap3A], %add3A_385 {strides = array<i32>} : memref<512xi32, #tpu.memory_space<vmem>>, vector<16xi32>,
        %sub3A_389 = arith.subi %masked_cumsum3A_382, %get3A_377 : vector<16xi32>
        %add3A_390 = vector.broadcast %scan3A_369 : i32 to vector<16xi32>
        %add3A_391 = arith.addi %sub3A_389, %add3A_390 : vector<16xi32>
        %mul3A_392 = arith.constant 16 : i32
        %mul3A_393 = arith.muli %scan3A_367, %mul3A_392 : i32
        %swap3A_394 = arith.index_cast %mul3A_393 : i32 to index
        %swap3A_395 = tpu.vector_load %arg16[%swap3A_394] {strides = array<i32>} : memref<512xi32, #tpu.memory_space<vmem>>, vector<16xi32>,
        tpu.vector_store %arg16[%swap3A_394], %add3A_391 {strides = array<i32>} : memref<512xi32, #tpu.memory_space<vmem>>, vector<16xi32>,
        %reduce_sum3A_396 = arith.constant true
        %reduce_sum3A_397 = vector.broadcast %reduce_sum3A_396 : i1 to vector<16xi1>
        %reduce_sum3A_398 = tpu.scan <sum>, %get3A_373 masked %reduce_sum3A_397 : vector<16xi32>, vector<16xi1> -> vector<16xi32>
        %reduce_sum3A_399 = vector.extract %reduce_sum3A_398[15] : i32 from vector<16xi32>
        %add3A_400 = arith.addi %scan3A_368, %reduce_sum3A_399 : i32
        %reduce_sum3A_401 = arith.constant true
        %reduce_sum3A_402 = vector.broadcast %reduce_sum3A_401 : i1 to vector<16xi1>
        %reduce_sum3A_403 = tpu.scan <sum>, %get3A_377 masked %reduce_sum3A_402 : vector<16xi32>, vector<16xi1> -> vector<16xi32>
        %reduce_sum3A_404 = vector.extract %reduce_sum3A_403[15] : i32 from vector<16xi32>
        %add3A_405 = arith.addi %scan3A_369, %reduce_sum3A_404 : i32
        scf.yield %add3A_400, %add3A_405 : i32, i32
      }
      %scan3A_311 = arith.constant 32 : i32
      %while3A_312 = arith.constant 0 : i32
      %while3A_313 = arith.constant 0 : i32
      %while3A_314 = arith.subi %max3A, %while3A_313 : i32
      %while3A_315 = arith.addi %while3A_313, %while3A_314 : i32
      %while3A_316 = arith.constant 1 : i32
      %while3A_317 = arith.divsi %while3A_314, %while3A_316 : i32
      %while3A_318 = arith.muli %while3A_317, %while3A_316 : i32
      %while3A_319 = arith.addi %while3A_313, %while3A_318 : i32
      %while3A_320 = arith.constant 1 : i32
      scf.for %while3A_367 = %while3A_313 to %while3A_319 step %while3A_320  : i32 {
        %mul3A_368 = vector.broadcast %max3A : i32 to vector<16xi32>
        %mul3A_369 = arith.muli %iota3A, %mul3A_368 : vector<16xi32>
        %add3A_370 = vector.broadcast %while3A_367 : i32 to vector<16xi32>
        %add3A_371 = arith.addi %mul3A_369, %add3A_370 : vector<16xi32>
        %gather3A = tpu.vector_load_idx %arg5[%add3A_371] : memref<2048xi32, #tpu.memory_space<vmem>>[vector<16xi32>], vector<16xi32>,
        %gather3A_372 = tpu.vector_load_idx %arg11[%add3A_371] : memref<2048xi32, #tpu.memory_space<vmem>>[vector<16xi32>], vector<16xi32>,
        %gather3A_373 = tpu.vector_load_idx %arg6[%add3A_371] : memref<2048xi32, #tpu.memory_space<vmem>>[vector<16xi32>], vector<16xi32>,
        %gather3A_374 = tpu.vector_load_idx %arg12[%add3A_371] : memref<2048xi32, #tpu.memory_space<vmem>>[vector<16xi32>], vector<16xi32>,
        %shift_right_arithmetic3A = arith.constant 30 : i32
        %shift_right_arithmetic3A_375 = vector.broadcast %shift_right_arithmetic3A : i32 to vector<16xi32>
        %shift_right_arithmetic3A_376 = arith.shrsi %gather3A, %shift_right_arithmetic3A_375 : vector<16xi32>
        %and3A_377 = arith.constant 31 : i32
        %and3A_378 = vector.broadcast %and3A_377 : i32 to vector<16xi32>
        %and3A_379 = arith.andi %shift_right_arithmetic3A_376, %and3A_378 : vector<16xi32>
        %mul3A_380 = arith.constant 16 : i32
        %mul3A_381 = vector.broadcast %mul3A_380 : i32 to vector<16xi32>
        %mul3A_382 = arith.muli %and3A_379, %mul3A_381 : vector<16xi32>
        %add3A_383 = arith.addi %mul3A_382, %iota3A : vector<16xi32>
        %shift_right_arithmetic3A_384 = arith.constant 30 : i32
        %shift_right_arithmetic3A_385 = vector.broadcast %shift_right_arithmetic3A_384 : i32 to vector<16xi32>
        %shift_right_arithmetic3A_386 = arith.shrsi %gather3A_372, %shift_right_arithmetic3A_385 : vector<16xi32>
        %and3A_387 = arith.constant 31 : i32
        %and3A_388 = vector.broadcast %and3A_387 : i32 to vector<16xi32>
        %and3A_389 = arith.andi %shift_right_arithmetic3A_386, %and3A_388 : vector<16xi32>
        %mul3A_390 = arith.constant 16 : i32
        %mul3A_391 = vector.broadcast %mul3A_390 : i32 to vector<16xi32>
        %mul3A_392 = arith.muli %and3A_389, %mul3A_391 : vector<16xi32>
        %add3A_393 = arith.addi %mul3A_392, %iota3A : vector<16xi32>
        %gather3A_394 = tpu.vector_load_idx %arg10[%add3A_383] : memref<512xi32, #tpu.memory_space<vmem>>[vector<16xi32>], vector<16xi32>,
        %gather3A_395 = tpu.vector_load_idx %arg16[%add3A_393] : memref<512xi32, #tpu.memory_space<vmem>>[vector<16xi32>], vector<16xi32>,
        tpu.vector_store_idx %arg7[%gather3A_394], %gather3A : memref<2048xi32, #tpu.memory_space<vmem>>[vector<16xi32>], vector<16xi32>,
        tpu.vector_store_idx %arg13[%gather3A_395], %gather3A_372 : memref<2048xi32, #tpu.memory_space<vmem>>[vector<16xi32>], vector<16xi32>,
        tpu.vector_store_idx %arg8[%gather3A_394], %gather3A_373 : memref<2048xi32, #tpu.memory_space<vmem>>[vector<16xi32>], vector<16xi32>,
        tpu.vector_store_idx %arg14[%gather3A_395], %gather3A_374 : memref<2048xi32, #tpu.memory_space<vmem>>[vector<16xi32>], vector<16xi32>,
        %add3A_396 = arith.addi %gather3A_394, %broadcast_in_dim3A_1 : vector<16xi32>
        tpu.vector_store_idx %arg10[%add3A_383], %add3A_396 : memref<512xi32, #tpu.memory_space<vmem>>[vector<16xi32>], vector<16xi32>,
        %add3A_397 = arith.addi %gather3A_395, %broadcast_in_dim3A_1 : vector<16xi32>
        tpu.vector_store_idx %arg16[%add3A_393], %add3A_397 : memref<512xi32, #tpu.memory_space<vmem>>[vector<16xi32>], vector<16xi32>,
      }
      %while3A_321 = arith.constant 1 : i32
      scf.for %while3A_367 = %while3A_319 to %while3A_315 step %while3A_321  : i32 {
        %mul3A_368 = vector.broadcast %max3A : i32 to vector<16xi32>
        %mul3A_369 = arith.muli %iota3A, %mul3A_368 : vector<16xi32>
        %add3A_370 = vector.broadcast %while3A_367 : i32 to vector<16xi32>
        %add3A_371 = arith.addi %mul3A_369, %add3A_370 : vector<16xi32>
        %gather3A = tpu.vector_load_idx %arg5[%add3A_371] : memref<2048xi32, #tpu.memory_space<vmem>>[vector<16xi32>], vector<16xi32>,
        %gather3A_372 = tpu.vector_load_idx %arg11[%add3A_371] : memref<2048xi32, #tpu.memory_space<vmem>>[vector<16xi32>], vector<16xi32>,
        %gather3A_373 = tpu.vector_load_idx %arg6[%add3A_371] : memref<2048xi32, #tpu.memory_space<vmem>>[vector<16xi32>], vector<16xi32>,
        %gather3A_374 = tpu.vector_load_idx %arg12[%add3A_371] : memref<2048xi32, #tpu.memory_space<vmem>>[vector<16xi32>], vector<16xi32>,
        %shift_right_arithmetic3A = arith.constant 30 : i32
        %shift_right_arithmetic3A_375 = vector.broadcast %shift_right_arithmetic3A : i32 to vector<16xi32>
        %shift_right_arithmetic3A_376 = arith.shrsi %gather3A, %shift_right_arithmetic3A_375 : vector<16xi32>
        %and3A_377 = arith.constant 31 : i32
        %and3A_378 = vector.broadcast %and3A_377 : i32 to vector<16xi32>
        %and3A_379 = arith.andi %shift_right_arithmetic3A_376, %and3A_378 : vector<16xi32>
        %mul3A_380 = arith.constant 16 : i32
        %mul3A_381 = vector.broadcast %mul3A_380 : i32 to vector<16xi32>
        %mul3A_382 = arith.muli %and3A_379, %mul3A_381 : vector<16xi32>
        %add3A_383 = arith.addi %mul3A_382, %iota3A : vector<16xi32>
        %shift_right_arithmetic3A_384 = arith.constant 30 : i32
        %shift_right_arithmetic3A_385 = vector.broadcast %shift_right_arithmetic3A_384 : i32 to vector<16xi32>
        %shift_right_arithmetic3A_386 = arith.shrsi %gather3A_372, %shift_right_arithmetic3A_385 : vector<16xi32>
        %and3A_387 = arith.constant 31 : i32
        %and3A_388 = vector.broadcast %and3A_387 : i32 to vector<16xi32>
        %and3A_389 = arith.andi %shift_right_arithmetic3A_386, %and3A_388 : vector<16xi32>
        %mul3A_390 = arith.constant 16 : i32
        %mul3A_391 = vector.broadcast %mul3A_390 : i32 to vector<16xi32>
        %mul3A_392 = arith.muli %and3A_389, %mul3A_391 : vector<16xi32>
        %add3A_393 = arith.addi %mul3A_392, %iota3A : vector<16xi32>
        %gather3A_394 = tpu.vector_load_idx %arg10[%add3A_383] : memref<512xi32, #tpu.memory_space<vmem>>[vector<16xi32>], vector<16xi32>,
        %gather3A_395 = tpu.vector_load_idx %arg16[%add3A_393] : memref<512xi32, #tpu.memory_space<vmem>>[vector<16xi32>], vector<16xi32>,
        tpu.vector_store_idx %arg7[%gather3A_394], %gather3A : memref<2048xi32, #tpu.memory_space<vmem>>[vector<16xi32>], vector<16xi32>,
        tpu.vector_store_idx %arg13[%gather3A_395], %gather3A_372 : memref<2048xi32, #tpu.memory_space<vmem>>[vector<16xi32>], vector<16xi32>,
        tpu.vector_store_idx %arg8[%gather3A_394], %gather3A_373 : memref<2048xi32, #tpu.memory_space<vmem>>[vector<16xi32>], vector<16xi32>,
        tpu.vector_store_idx %arg14[%gather3A_395], %gather3A_374 : memref<2048xi32, #tpu.memory_space<vmem>>[vector<16xi32>], vector<16xi32>,
        %add3A_396 = arith.addi %gather3A_394, %broadcast_in_dim3A_1 : vector<16xi32>
        tpu.vector_store_idx %arg10[%add3A_383], %add3A_396 : memref<512xi32, #tpu.memory_space<vmem>>[vector<16xi32>], vector<16xi32>,
        %add3A_397 = arith.addi %gather3A_395, %broadcast_in_dim3A_1 : vector<16xi32>
        tpu.vector_store_idx %arg16[%add3A_393], %add3A_397 : memref<512xi32, #tpu.memory_space<vmem>>[vector<16xi32>], vector<16xi32>,
      }
      %min3A = arith.minsi %select_n3A_58, %max3A : i32
      %min3A_322 = arith.constant 64 : i32
      %min3A_323 = arith.minsi %min3A, %min3A_322 : i32
      %while3A_324 = arith.constant 0 : i32
      %while3A_325 = arith.constant 0 : i32
      %while3A_326 = arith.subi %min3A_323, %while3A_325 : i32
      %while3A_327 = arith.addi %while3A_325, %while3A_326 : i32
      %while3A_328 = arith.constant 1 : i32
      %while3A_329 = arith.divsi %while3A_326, %while3A_328 : i32
      %while3A_330 = arith.muli %while3A_329, %while3A_328 : i32
      %while3A_331 = arith.addi %while3A_325, %while3A_330 : i32
      %while3A_332 = arith.constant 1 : i32
      scf.for %while3A_367 = %while3A_325 to %while3A_331 step %while3A_332  : i32 {
        %mul3A_368 = arith.constant 16 : i32
        %mul3A_369 = arith.muli %while3A_367, %mul3A_368 : i32
        %get3A_370 = arith.index_cast %mul3A_369 : i32 to index
        %get3A_371 = tpu.vector_load %arg7[%get3A_370] {strides = array<i32>} : memref<2048xi32, #tpu.memory_space<vmem>>, vector<16xi32>,
        %mul3A_372 = arith.constant 16 : i32
        %mul3A_373 = arith.muli %while3A_367, %mul3A_372 : i32
        %get3A_374 = arith.index_cast %mul3A_373 : i32 to index
        %get3A_375 = tpu.vector_load %arg8[%get3A_374] {strides = array<i32>} : memref<2048xi32, #tpu.memory_space<vmem>>, vector<16xi32>,
        %ne3A_376 = arith.constant -1 : i32
        %ne3A_377 = vector.broadcast %ne3A_376 : i32 to vector<16xi32>
        %ne3A_378 = arith.cmpi ne, %get3A_371, %ne3A_377 : vector<16xi32>
        %jit3A_379 = arith.constant -1 : i32
        %broadcast_in_dim3A_380 = vector.broadcast %jit3A_379 : i32 to vector<16xi32>
        %select_n3A_381 = arith.select %ne3A_378, %get3A_375, %broadcast_in_dim3A_380 : vector<16xi1>, vector<16xi32>
        %mul3A_382 = arith.constant 16 : i32
        %mul3A_383 = arith.muli %while3A_367, %mul3A_382 : i32
        %swap3A = arith.index_cast %mul3A_383 : i32 to index
        %swap3A_384 = tpu.vector_load %arg17[%swap3A] {strides = array<i32>} : memref<1024xi32, #tpu.memory_space<vmem>>, vector<16xi32>,
        tpu.vector_store %arg17[%swap3A], %select_n3A_381 {strides = array<i32>} : memref<1024xi32, #tpu.memory_space<vmem>>, vector<16xi32>,
      }
      %while3A_333 = arith.constant 1 : i32
      scf.for %while3A_367 = %while3A_331 to %while3A_327 step %while3A_333  : i32 {
        %mul3A_368 = arith.constant 16 : i32
        %mul3A_369 = arith.muli %while3A_367, %mul3A_368 : i32
        %get3A_370 = arith.index_cast %mul3A_369 : i32 to index
        %get3A_371 = tpu.vector_load %arg7[%get3A_370] {strides = array<i32>} : memref<2048xi32, #tpu.memory_space<vmem>>, vector<16xi32>,
        %mul3A_372 = arith.constant 16 : i32
        %mul3A_373 = arith.muli %while3A_367, %mul3A_372 : i32
        %get3A_374 = arith.index_cast %mul3A_373 : i32 to index
        %get3A_375 = tpu.vector_load %arg8[%get3A_374] {strides = array<i32>} : memref<2048xi32, #tpu.memory_space<vmem>>, vector<16xi32>,
        %ne3A_376 = arith.constant -1 : i32
        %ne3A_377 = vector.broadcast %ne3A_376 : i32 to vector<16xi32>
        %ne3A_378 = arith.cmpi ne, %get3A_371, %ne3A_377 : vector<16xi32>
        %jit3A_379 = arith.constant -1 : i32
        %broadcast_in_dim3A_380 = vector.broadcast %jit3A_379 : i32 to vector<16xi32>
        %select_n3A_381 = arith.select %ne3A_378, %get3A_375, %broadcast_in_dim3A_380 : vector<16xi1>, vector<16xi32>
        %mul3A_382 = arith.constant 16 : i32
        %mul3A_383 = arith.muli %while3A_367, %mul3A_382 : i32
        %swap3A = arith.index_cast %mul3A_383 : i32 to index
        %swap3A_384 = tpu.vector_load %arg17[%swap3A] {strides = array<i32>} : memref<1024xi32, #tpu.memory_space<vmem>>, vector<16xi32>,
        tpu.vector_store %arg17[%swap3A], %select_n3A_381 {strides = array<i32>} : memref<1024xi32, #tpu.memory_space<vmem>>, vector<16xi32>,
      }
      %while3A_334 = arith.constant 0 : i32
      %while3A_335 = arith.constant 64 : i32
      %while3A_336 = arith.subi %while3A_335, %min3A_323 : i32
      %while3A_337 = arith.addi %min3A_323, %while3A_336 : i32
      %while3A_338 = arith.constant 1 : i32
      %while3A_339 = arith.divsi %while3A_336, %while3A_338 : i32
      %while3A_340 = arith.muli %while3A_339, %while3A_338 : i32
      %while3A_341 = arith.addi %min3A_323, %while3A_340 : i32
      %while3A_342 = arith.constant 1 : i32
      scf.for %while3A_367 = %min3A_323 to %while3A_341 step %while3A_342  : i32 {
        %broadcast_in_dim3A_368 = arith.constant -1 : i32
        %broadcast_in_dim3A_369 = vector.broadcast %broadcast_in_dim3A_368 : i32 to vector<16xi32>
        %mul3A_370 = arith.constant 16 : i32
        %mul3A_371 = arith.muli %while3A_367, %mul3A_370 : i32
        %swap3A = arith.index_cast %mul3A_371 : i32 to index
        %swap3A_372 = tpu.vector_load %arg17[%swap3A] {strides = array<i32>} : memref<1024xi32, #tpu.memory_space<vmem>>, vector<16xi32>,
        tpu.vector_store %arg17[%swap3A], %broadcast_in_dim3A_369 {strides = array<i32>} : memref<1024xi32, #tpu.memory_space<vmem>>, vector<16xi32>,
      }
      %while3A_343 = arith.constant 1 : i32
      scf.for %while3A_367 = %while3A_341 to %while3A_337 step %while3A_343  : i32 {
        %broadcast_in_dim3A_368 = arith.constant -1 : i32
        %broadcast_in_dim3A_369 = vector.broadcast %broadcast_in_dim3A_368 : i32 to vector<16xi32>
        %mul3A_370 = arith.constant 16 : i32
        %mul3A_371 = arith.muli %while3A_367, %mul3A_370 : i32
        %swap3A = arith.index_cast %mul3A_371 : i32 to index
        %swap3A_372 = tpu.vector_load %arg17[%swap3A] {strides = array<i32>} : memref<1024xi32, #tpu.memory_space<vmem>>, vector<16xi32>,
        tpu.vector_store %arg17[%swap3A], %broadcast_in_dim3A_369 {strides = array<i32>} : memref<1024xi32, #tpu.memory_space<vmem>>, vector<16xi32>,
      }
      "tpu.region"() ({
        %run_scoped3A = tpu.sem_alloc : memref<!tpu.dma_semaphore, #tpu.memory_space<semaphore_mem>>
        %dma_start3A = arith.constant 0 : i32
        %dma_start3A_367 = tpu.memref_slice %arg4[%add3A_14, %dma_start3A] : memref<2048x1024xi32, #tpu.memory_space<hbm>> -> memref<1x1024xi32, #tpu.memory_space<hbm>>
        %dma_start3A_368 = tpu.memref_squeeze %dma_start3A_367 : memref<1x1024xi32, #tpu.memory_space<hbm>> -> memref<1024xi32, #tpu.memory_space<hbm>>
        %dma_start3A_369 = arith.constant 0 : i32
        %dma_start3A_370 = tpu.memref_slice %arg4[%add3A_14, %dma_start3A_369] : memref<2048x1024xi32, #tpu.memory_space<hbm>> -> memref<1x1024xi32, #tpu.memory_space<hbm>>
        %dma_start3A_371 = tpu.memref_squeeze %dma_start3A_370 : memref<1x1024xi32, #tpu.memory_space<hbm>> -> memref<1024xi32, #tpu.memory_space<hbm>>
        tpu.enqueue_dma source(%arg17 : memref<1024xi32, #tpu.memory_space<vmem>>) target(%dma_start3A_371 : memref<1024xi32, #tpu.memory_space<hbm>>) target_semaphore(%run_scoped3A : memref<!tpu.dma_semaphore, #tpu.memory_space<semaphore_mem>>)
        %dma_wait3A = arith.constant 0 : i32
        %dma_wait3A_372 = tpu.memref_slice %arg4[%add3A_14, %dma_wait3A] : memref<2048x1024xi32, #tpu.memory_space<hbm>> -> memref<1x1024xi32, #tpu.memory_space<hbm>>
        %dma_wait3A_373 = tpu.memref_squeeze %dma_wait3A_372 : memref<1x1024xi32, #tpu.memory_space<hbm>> -> memref<1024xi32, #tpu.memory_space<hbm>>
        %dma_wait3A_374 = arith.constant 0 : i32
        %dma_wait3A_375 = tpu.memref_slice %arg4[%add3A_14, %dma_wait3A_374] : memref<2048x1024xi32, #tpu.memory_space<hbm>> -> memref<1x1024xi32, #tpu.memory_space<hbm>>
        %dma_wait3A_376 = tpu.memref_squeeze %dma_wait3A_375 : memref<1x1024xi32, #tpu.memory_space<hbm>> -> memref<1024xi32, #tpu.memory_space<hbm>>
        tpu.wait_dma2 semaphore(%run_scoped3A : memref<!tpu.dma_semaphore, #tpu.memory_space<semaphore_mem>>) src(%arg17 : memref<1024xi32, #tpu.memory_space<vmem>>) dst(%dma_wait3A_376 : memref<1024xi32, #tpu.memory_space<hbm>>)
        tpu.yield
      }) : () -> ()
      %min3A_344 = arith.minsi %select_n3A_84, %max3A : i32
      %min3A_345 = arith.constant 64 : i32
      %min3A_346 = arith.minsi %min3A_344, %min3A_345 : i32
      %while3A_347 = arith.constant 0 : i32
      %while3A_348 = arith.constant 0 : i32
      %while3A_349 = arith.subi %min3A_346, %while3A_348 : i32
      %while3A_350 = arith.addi %while3A_348, %while3A_349 : i32
      %while3A_351 = arith.constant 1 : i32
      %while3A_352 = arith.divsi %while3A_349, %while3A_351 : i32
      %while3A_353 = arith.muli %while3A_352, %while3A_351 : i32
      %while3A_354 = arith.addi %while3A_348, %while3A_353 : i32
      %while3A_355 = arith.constant 1 : i32
      scf.for %while3A_367 = %while3A_348 to %while3A_354 step %while3A_355  : i32 {
        %mul3A_368 = arith.constant 16 : i32
        %mul3A_369 = arith.muli %while3A_367, %mul3A_368 : i32
        %get3A_370 = arith.index_cast %mul3A_369 : i32 to index
        %get3A_371 = tpu.vector_load %arg13[%get3A_370] {strides = array<i32>} : memref<2048xi32, #tpu.memory_space<vmem>>, vector<16xi32>,
        %mul3A_372 = arith.constant 16 : i32
        %mul3A_373 = arith.muli %while3A_367, %mul3A_372 : i32
        %get3A_374 = arith.index_cast %mul3A_373 : i32 to index
        %get3A_375 = tpu.vector_load %arg14[%get3A_374] {strides = array<i32>} : memref<2048xi32, #tpu.memory_space<vmem>>, vector<16xi32>,
        %ne3A_376 = arith.constant -1 : i32
        %ne3A_377 = vector.broadcast %ne3A_376 : i32 to vector<16xi32>
        %ne3A_378 = arith.cmpi ne, %get3A_371, %ne3A_377 : vector<16xi32>
        %jit3A_379 = arith.constant -1 : i32
        %broadcast_in_dim3A_380 = vector.broadcast %jit3A_379 : i32 to vector<16xi32>
        %select_n3A_381 = arith.select %ne3A_378, %get3A_375, %broadcast_in_dim3A_380 : vector<16xi1>, vector<16xi32>
        %mul3A_382 = arith.constant 16 : i32
        %mul3A_383 = arith.muli %while3A_367, %mul3A_382 : i32
        %swap3A = arith.index_cast %mul3A_383 : i32 to index
        %swap3A_384 = tpu.vector_load %arg17[%swap3A] {strides = array<i32>} : memref<1024xi32, #tpu.memory_space<vmem>>, vector<16xi32>,
        tpu.vector_store %arg17[%swap3A], %select_n3A_381 {strides = array<i32>} : memref<1024xi32, #tpu.memory_space<vmem>>, vector<16xi32>,
      }
      %while3A_356 = arith.constant 1 : i32
      scf.for %while3A_367 = %while3A_354 to %while3A_350 step %while3A_356  : i32 {
        %mul3A_368 = arith.constant 16 : i32
        %mul3A_369 = arith.muli %while3A_367, %mul3A_368 : i32
        %get3A_370 = arith.index_cast %mul3A_369 : i32 to index
        %get3A_371 = tpu.vector_load %arg13[%get3A_370] {strides = array<i32>} : memref<2048xi32, #tpu.memory_space<vmem>>, vector<16xi32>,
        %mul3A_372 = arith.constant 16 : i32
        %mul3A_373 = arith.muli %while3A_367, %mul3A_372 : i32
        %get3A_374 = arith.index_cast %mul3A_373 : i32 to index
        %get3A_375 = tpu.vector_load %arg14[%get3A_374] {strides = array<i32>} : memref<2048xi32, #tpu.memory_space<vmem>>, vector<16xi32>,
        %ne3A_376 = arith.constant -1 : i32
        %ne3A_377 = vector.broadcast %ne3A_376 : i32 to vector<16xi32>
        %ne3A_378 = arith.cmpi ne, %get3A_371, %ne3A_377 : vector<16xi32>
        %jit3A_379 = arith.constant -1 : i32
        %broadcast_in_dim3A_380 = vector.broadcast %jit3A_379 : i32 to vector<16xi32>
        %select_n3A_381 = arith.select %ne3A_378, %get3A_375, %broadcast_in_dim3A_380 : vector<16xi1>, vector<16xi32>
        %mul3A_382 = arith.constant 16 : i32
        %mul3A_383 = arith.muli %while3A_367, %mul3A_382 : i32
        %swap3A = arith.index_cast %mul3A_383 : i32 to index
        %swap3A_384 = tpu.vector_load %arg17[%swap3A] {strides = array<i32>} : memref<1024xi32, #tpu.memory_space<vmem>>, vector<16xi32>,
        tpu.vector_store %arg17[%swap3A], %select_n3A_381 {strides = array<i32>} : memref<1024xi32, #tpu.memory_space<vmem>>, vector<16xi32>,
      }
      %while3A_357 = arith.constant 0 : i32
      %while3A_358 = arith.constant 64 : i32
      %while3A_359 = arith.subi %while3A_358, %min3A_346 : i32
      %while3A_360 = arith.addi %min3A_346, %while3A_359 : i32
      %while3A_361 = arith.constant 1 : i32
      %while3A_362 = arith.divsi %while3A_359, %while3A_361 : i32
      %while3A_363 = arith.muli %while3A_362, %while3A_361 : i32
      %while3A_364 = arith.addi %min3A_346, %while3A_363 : i32
      %while3A_365 = arith.constant 1 : i32
      scf.for %while3A_367 = %min3A_346 to %while3A_364 step %while3A_365  : i32 {
        %broadcast_in_dim3A_368 = arith.constant -1 : i32
        %broadcast_in_dim3A_369 = vector.broadcast %broadcast_in_dim3A_368 : i32 to vector<16xi32>
        %mul3A_370 = arith.constant 16 : i32
        %mul3A_371 = arith.muli %while3A_367, %mul3A_370 : i32
        %swap3A = arith.index_cast %mul3A_371 : i32 to index
        %swap3A_372 = tpu.vector_load %arg17[%swap3A] {strides = array<i32>} : memref<1024xi32, #tpu.memory_space<vmem>>, vector<16xi32>,
        tpu.vector_store %arg17[%swap3A], %broadcast_in_dim3A_369 {strides = array<i32>} : memref<1024xi32, #tpu.memory_space<vmem>>, vector<16xi32>,
      }
      %while3A_366 = arith.constant 1 : i32
      scf.for %while3A_367 = %while3A_364 to %while3A_360 step %while3A_366  : i32 {
        %broadcast_in_dim3A_368 = arith.constant -1 : i32
        %broadcast_in_dim3A_369 = vector.broadcast %broadcast_in_dim3A_368 : i32 to vector<16xi32>
        %mul3A_370 = arith.constant 16 : i32
        %mul3A_371 = arith.muli %while3A_367, %mul3A_370 : i32
        %swap3A = arith.index_cast %mul3A_371 : i32 to index
        %swap3A_372 = tpu.vector_load %arg17[%swap3A] {strides = array<i32>} : memref<1024xi32, #tpu.memory_space<vmem>>, vector<16xi32>,
        tpu.vector_store %arg17[%swap3A], %broadcast_in_dim3A_369 {strides = array<i32>} : memref<1024xi32, #tpu.memory_space<vmem>>, vector<16xi32>,
      }
      "tpu.region"() ({
        %run_scoped3A = tpu.sem_alloc : memref<!tpu.dma_semaphore, #tpu.memory_space<semaphore_mem>>
        %dma_start3A = arith.constant 0 : i32
        %dma_start3A_367 = tpu.memref_slice %arg4[%add3A_21, %dma_start3A] : memref<2048x1024xi32, #tpu.memory_space<hbm>> -> memref<1x1024xi32, #tpu.memory_space<hbm>>
        %dma_start3A_368 = tpu.memref_squeeze %dma_start3A_367 : memref<1x1024xi32, #tpu.memory_space<hbm>> -> memref<1024xi32, #tpu.memory_space<hbm>>
        %dma_start3A_369 = arith.constant 0 : i32
        %dma_start3A_370 = tpu.memref_slice %arg4[%add3A_21, %dma_start3A_369] : memref<2048x1024xi32, #tpu.memory_space<hbm>> -> memref<1x1024xi32, #tpu.memory_space<hbm>>
        %dma_start3A_371 = tpu.memref_squeeze %dma_start3A_370 : memref<1x1024xi32, #tpu.memory_space<hbm>> -> memref<1024xi32, #tpu.memory_space<hbm>>
        tpu.enqueue_dma source(%arg17 : memref<1024xi32, #tpu.memory_space<vmem>>) target(%dma_start3A_371 : memref<1024xi32, #tpu.memory_space<hbm>>) target_semaphore(%run_scoped3A : memref<!tpu.dma_semaphore, #tpu.memory_space<semaphore_mem>>)
        %dma_wait3A = arith.constant 0 : i32
        %dma_wait3A_372 = tpu.memref_slice %arg4[%add3A_21, %dma_wait3A] : memref<2048x1024xi32, #tpu.memory_space<hbm>> -> memref<1x1024xi32, #tpu.memory_space<hbm>>
        %dma_wait3A_373 = tpu.memref_squeeze %dma_wait3A_372 : memref<1x1024xi32, #tpu.memory_space<hbm>> -> memref<1024xi32, #tpu.memory_space<hbm>>
        %dma_wait3A_374 = arith.constant 0 : i32
        %dma_wait3A_375 = tpu.memref_slice %arg4[%add3A_21, %dma_wait3A_374] : memref<2048x1024xi32, #tpu.memory_space<hbm>> -> memref<1x1024xi32, #tpu.memory_space<hbm>>
        %dma_wait3A_376 = tpu.memref_squeeze %dma_wait3A_375 : memref<1x1024xi32, #tpu.memory_space<hbm>> -> memref<1024xi32, #tpu.memory_space<hbm>>
        tpu.wait_dma2 semaphore(%run_scoped3A : memref<!tpu.dma_semaphore, #tpu.memory_space<semaphore_mem>>) src(%arg17 : memref<1024xi32, #tpu.memory_space<vmem>>) dst(%dma_wait3A_376 : memref<1024xi32, #tpu.memory_space<hbm>>)
        tpu.yield
      }) : () -> ()
    }
    %scan3A_8 = arith.constant 32 : i32
    return
  }
}

module attributes {stable_mosaic.version = 14 : i64} {
  func.func @_scores_kernel(%arg0: i32, %arg1: memref<256x4096xf32, #tpu.memory_space<vmem>>, %arg2: memref<2048x128xf32, #tpu.memory_space<vmem>>, %arg3: memref<256x32xf32, #tpu.memory_space<vmem>>, %arg4: memref<1x256x1xi32, #tpu.memory_space<vmem>>, %arg5: memref<1x256x1xi32, #tpu.memory_space<vmem>>, %arg6: memref<256x2048xi32, #tpu.memory_space<vmem>>) attributes {dimension_semantics = [#tpu.dimension_semantics<arbitrary>], iteration_bounds = array<i64: 8>, scalar_prefetch = 0 : i64, scratch_operands = 0 : i64, tpu.core_type = #tpu.core_type<tc>, window_params = [{transform_indices = @transform_0, window_bounds = array<i64: 256, 4096>}, {pipeline_mode = #tpu.pipeline_mode<synchronous>, transform_indices = @transform_1, window_bounds = array<i64: 2048, 128>}, {transform_indices = @transform_2, window_bounds = array<i64: 256, 32>}, {transform_indices = @transform_3, window_bounds = array<i64: 1, 256, 1>}, {transform_indices = @transform_4, window_bounds = array<i64: 1, 256, 1>}, {transform_indices = @transform_5, window_bounds = array<i64: 256, 2048>}]} {
    %get3A = arith.constant 0 : index
    %get3A_0 = arith.constant 0 : index
    %get3A_1 = vector.load %arg3[%get3A, %get3A_0] : memref<256x32xf32, #tpu.memory_space<vmem>>, vector<256x32xf32>
    %mul3A = arith.constant 1.562500e-02 : f32
    %mul3A_2 = vector.broadcast %mul3A : f32 to vector<256x32xf32>
    %mul3A_3 = arith.mulf %get3A_1, %mul3A_2 : vector<256x32xf32>
    %convert_element_type3A = arith.truncf %mul3A_3 : vector<256x32xf32> to vector<256x32xbf16>
    %convert_element_type3A_4 = arith.extf %convert_element_type3A : vector<256x32xbf16> to vector<256x32xf32>
    %get3A_5 = arith.constant 0 : index
    %get3A_6 = arith.constant 0 : index
    %get3A_7 = vector.load %arg2[%get3A_5, %get3A_6] : memref<2048x128xf32, #tpu.memory_space<vmem>>, vector<2048x128xf32>
    %get3A_8 = arith.constant 0 : index
    %get3A_9 = arith.constant 0 : index
    %get3A_10 = vector.load %arg1[%get3A_8, %get3A_9] : memref<256x4096xf32, #tpu.memory_space<vmem>>, vector<256x128xf32>
    %dot_general3A = arith.constant dense<0.000000e+00> : vector<256x2048xf32>
    %dot_general3A_11 = tpu.matmul %get3A_10, %get3A_7, %dot_general3A {dimension_numbers = #tpu.dot_dimension_numbers<[1], [1], [0], [0], [0, 0, 1, 0], [], []>, transpose_lhs_hint = false} : vector<256x128xf32>, vector<2048x128xf32>, vector<256x2048xf32> -> vector<256x2048xf32>
    %max3A = arith.constant 0.000000e+00 : f32
    %max3A_12 = vector.broadcast %max3A : f32 to vector<256x2048xf32>
    %max3A_13 = arith.maximumf %dot_general3A_11, %max3A_12 : vector<256x2048xf32>
    %convert_element_type3A_14 = arith.truncf %max3A_13 : vector<256x2048xf32> to vector<256x2048xbf16>
    %convert_element_type3A_15 = arith.extf %convert_element_type3A_14 : vector<256x2048xbf16> to vector<256x2048xf32>
    %slice3A = vector.extract_strided_slice %convert_element_type3A_4 {offsets = [0, 0], sizes = [256, 1], strides = [1, 1]} : vector<256x32xf32> to vector<256x1xf32>
    %mul3A_16 = vector.broadcast %slice3A : vector<256x1xf32> to vector<256x2048xf32>
    %mul3A_17 = arith.mulf %mul3A_16, %convert_element_type3A_15 : vector<256x2048xf32>
    %get3A_18 = arith.constant 0 : index
    %get3A_19 = arith.constant 128 : index
    %get3A_20 = vector.load %arg1[%get3A_18, %get3A_19] : memref<256x4096xf32, #tpu.memory_space<vmem>>, vector<256x128xf32>
    %dot_general3A_21 = arith.constant dense<0.000000e+00> : vector<256x2048xf32>
    %dot_general3A_22 = tpu.matmul %get3A_20, %get3A_7, %dot_general3A_21 {dimension_numbers = #tpu.dot_dimension_numbers<[1], [1], [0], [0], [0, 0, 1, 0], [], []>, transpose_lhs_hint = false} : vector<256x128xf32>, vector<2048x128xf32>, vector<256x2048xf32> -> vector<256x2048xf32>
    %max3A_23 = arith.constant 0.000000e+00 : f32
    %max3A_24 = vector.broadcast %max3A_23 : f32 to vector<256x2048xf32>
    %max3A_25 = arith.maximumf %dot_general3A_22, %max3A_24 : vector<256x2048xf32>
    %convert_element_type3A_26 = arith.truncf %max3A_25 : vector<256x2048xf32> to vector<256x2048xbf16>
    %convert_element_type3A_27 = arith.extf %convert_element_type3A_26 : vector<256x2048xbf16> to vector<256x2048xf32>
    %slice3A_28 = vector.extract_strided_slice %convert_element_type3A_4 {offsets = [0, 1], sizes = [256, 1], strides = [1, 1]} : vector<256x32xf32> to vector<256x1xf32>
    %mul3A_29 = vector.broadcast %slice3A_28 : vector<256x1xf32> to vector<256x2048xf32>
    %mul3A_30 = arith.mulf %mul3A_29, %convert_element_type3A_27 : vector<256x2048xf32>
    %get3A_31 = arith.constant 0 : index
    %get3A_32 = arith.constant 256 : index
    %get3A_33 = vector.load %arg1[%get3A_31, %get3A_32] : memref<256x4096xf32, #tpu.memory_space<vmem>>, vector<256x128xf32>
    %dot_general3A_34 = arith.constant dense<0.000000e+00> : vector<256x2048xf32>
    %dot_general3A_35 = tpu.matmul %get3A_33, %get3A_7, %dot_general3A_34 {dimension_numbers = #tpu.dot_dimension_numbers<[1], [1], [0], [0], [0, 0, 1, 0], [], []>, transpose_lhs_hint = false} : vector<256x128xf32>, vector<2048x128xf32>, vector<256x2048xf32> -> vector<256x2048xf32>
    %max3A_36 = arith.constant 0.000000e+00 : f32
    %max3A_37 = vector.broadcast %max3A_36 : f32 to vector<256x2048xf32>
    %max3A_38 = arith.maximumf %dot_general3A_35, %max3A_37 : vector<256x2048xf32>
    %convert_element_type3A_39 = arith.truncf %max3A_38 : vector<256x2048xf32> to vector<256x2048xbf16>
    %convert_element_type3A_40 = arith.extf %convert_element_type3A_39 : vector<256x2048xbf16> to vector<256x2048xf32>
    %slice3A_41 = vector.extract_strided_slice %convert_element_type3A_4 {offsets = [0, 2], sizes = [256, 1], strides = [1, 1]} : vector<256x32xf32> to vector<256x1xf32>
    %mul3A_42 = vector.broadcast %slice3A_41 : vector<256x1xf32> to vector<256x2048xf32>
    %mul3A_43 = arith.mulf %mul3A_42, %convert_element_type3A_40 : vector<256x2048xf32>
    %get3A_44 = arith.constant 0 : index
    %get3A_45 = arith.constant 384 : index
    %get3A_46 = vector.load %arg1[%get3A_44, %get3A_45] : memref<256x4096xf32, #tpu.memory_space<vmem>>, vector<256x128xf32>
    %dot_general3A_47 = arith.constant dense<0.000000e+00> : vector<256x2048xf32>
    %dot_general3A_48 = tpu.matmul %get3A_46, %get3A_7, %dot_general3A_47 {dimension_numbers = #tpu.dot_dimension_numbers<[1], [1], [0], [0], [0, 0, 1, 0], [], []>, transpose_lhs_hint = false} : vector<256x128xf32>, vector<2048x128xf32>, vector<256x2048xf32> -> vector<256x2048xf32>
    %max3A_49 = arith.constant 0.000000e+00 : f32
    %max3A_50 = vector.broadcast %max3A_49 : f32 to vector<256x2048xf32>
    %max3A_51 = arith.maximumf %dot_general3A_48, %max3A_50 : vector<256x2048xf32>
    %convert_element_type3A_52 = arith.truncf %max3A_51 : vector<256x2048xf32> to vector<256x2048xbf16>
    %convert_element_type3A_53 = arith.extf %convert_element_type3A_52 : vector<256x2048xbf16> to vector<256x2048xf32>
    %slice3A_54 = vector.extract_strided_slice %convert_element_type3A_4 {offsets = [0, 3], sizes = [256, 1], strides = [1, 1]} : vector<256x32xf32> to vector<256x1xf32>
    %mul3A_55 = vector.broadcast %slice3A_54 : vector<256x1xf32> to vector<256x2048xf32>
    %mul3A_56 = arith.mulf %mul3A_55, %convert_element_type3A_53 : vector<256x2048xf32>
    %get3A_57 = arith.constant 0 : index
    %get3A_58 = arith.constant 512 : index
    %get3A_59 = vector.load %arg1[%get3A_57, %get3A_58] : memref<256x4096xf32, #tpu.memory_space<vmem>>, vector<256x128xf32>
    %dot_general3A_60 = arith.constant dense<0.000000e+00> : vector<256x2048xf32>
    %dot_general3A_61 = tpu.matmul %get3A_59, %get3A_7, %dot_general3A_60 {dimension_numbers = #tpu.dot_dimension_numbers<[1], [1], [0], [0], [0, 0, 1, 0], [], []>, transpose_lhs_hint = false} : vector<256x128xf32>, vector<2048x128xf32>, vector<256x2048xf32> -> vector<256x2048xf32>
    %max3A_62 = arith.constant 0.000000e+00 : f32
    %max3A_63 = vector.broadcast %max3A_62 : f32 to vector<256x2048xf32>
    %max3A_64 = arith.maximumf %dot_general3A_61, %max3A_63 : vector<256x2048xf32>
    %convert_element_type3A_65 = arith.truncf %max3A_64 : vector<256x2048xf32> to vector<256x2048xbf16>
    %convert_element_type3A_66 = arith.extf %convert_element_type3A_65 : vector<256x2048xbf16> to vector<256x2048xf32>
    %slice3A_67 = vector.extract_strided_slice %convert_element_type3A_4 {offsets = [0, 4], sizes = [256, 1], strides = [1, 1]} : vector<256x32xf32> to vector<256x1xf32>
    %mul3A_68 = vector.broadcast %slice3A_67 : vector<256x1xf32> to vector<256x2048xf32>
    %mul3A_69 = arith.mulf %mul3A_68, %convert_element_type3A_66 : vector<256x2048xf32>
    %get3A_70 = arith.constant 0 : index
    %get3A_71 = arith.constant 640 : index
    %get3A_72 = vector.load %arg1[%get3A_70, %get3A_71] : memref<256x4096xf32, #tpu.memory_space<vmem>>, vector<256x128xf32>
    %dot_general3A_73 = arith.constant dense<0.000000e+00> : vector<256x2048xf32>
    %dot_general3A_74 = tpu.matmul %get3A_72, %get3A_7, %dot_general3A_73 {dimension_numbers = #tpu.dot_dimension_numbers<[1], [1], [0], [0], [0, 0, 1, 0], [], []>, transpose_lhs_hint = false} : vector<256x128xf32>, vector<2048x128xf32>, vector<256x2048xf32> -> vector<256x2048xf32>
    %max3A_75 = arith.constant 0.000000e+00 : f32
    %max3A_76 = vector.broadcast %max3A_75 : f32 to vector<256x2048xf32>
    %max3A_77 = arith.maximumf %dot_general3A_74, %max3A_76 : vector<256x2048xf32>
    %convert_element_type3A_78 = arith.truncf %max3A_77 : vector<256x2048xf32> to vector<256x2048xbf16>
    %convert_element_type3A_79 = arith.extf %convert_element_type3A_78 : vector<256x2048xbf16> to vector<256x2048xf32>
    %slice3A_80 = vector.extract_strided_slice %convert_element_type3A_4 {offsets = [0, 5], sizes = [256, 1], strides = [1, 1]} : vector<256x32xf32> to vector<256x1xf32>
    %mul3A_81 = vector.broadcast %slice3A_80 : vector<256x1xf32> to vector<256x2048xf32>
    %mul3A_82 = arith.mulf %mul3A_81, %convert_element_type3A_79 : vector<256x2048xf32>
    %get3A_83 = arith.constant 0 : index
    %get3A_84 = arith.constant 768 : index
    %get3A_85 = vector.load %arg1[%get3A_83, %get3A_84] : memref<256x4096xf32, #tpu.memory_space<vmem>>, vector<256x128xf32>
    %dot_general3A_86 = arith.constant dense<0.000000e+00> : vector<256x2048xf32>
    %dot_general3A_87 = tpu.matmul %get3A_85, %get3A_7, %dot_general3A_86 {dimension_numbers = #tpu.dot_dimension_numbers<[1], [1], [0], [0], [0, 0, 1, 0], [], []>, transpose_lhs_hint = false} : vector<256x128xf32>, vector<2048x128xf32>, vector<256x2048xf32> -> vector<256x2048xf32>
    %max3A_88 = arith.constant 0.000000e+00 : f32
    %max3A_89 = vector.broadcast %max3A_88 : f32 to vector<256x2048xf32>
    %max3A_90 = arith.maximumf %dot_general3A_87, %max3A_89 : vector<256x2048xf32>
    %convert_element_type3A_91 = arith.truncf %max3A_90 : vector<256x2048xf32> to vector<256x2048xbf16>
    %convert_element_type3A_92 = arith.extf %convert_element_type3A_91 : vector<256x2048xbf16> to vector<256x2048xf32>
    %slice3A_93 = vector.extract_strided_slice %convert_element_type3A_4 {offsets = [0, 6], sizes = [256, 1], strides = [1, 1]} : vector<256x32xf32> to vector<256x1xf32>
    %mul3A_94 = vector.broadcast %slice3A_93 : vector<256x1xf32> to vector<256x2048xf32>
    %mul3A_95 = arith.mulf %mul3A_94, %convert_element_type3A_92 : vector<256x2048xf32>
    %get3A_96 = arith.constant 0 : index
    %get3A_97 = arith.constant 896 : index
    %get3A_98 = vector.load %arg1[%get3A_96, %get3A_97] : memref<256x4096xf32, #tpu.memory_space<vmem>>, vector<256x128xf32>
    %dot_general3A_99 = arith.constant dense<0.000000e+00> : vector<256x2048xf32>
    %dot_general3A_100 = tpu.matmul %get3A_98, %get3A_7, %dot_general3A_99 {dimension_numbers = #tpu.dot_dimension_numbers<[1], [1], [0], [0], [0, 0, 1, 0], [], []>, transpose_lhs_hint = false} : vector<256x128xf32>, vector<2048x128xf32>, vector<256x2048xf32> -> vector<256x2048xf32>
    %max3A_101 = arith.constant 0.000000e+00 : f32
    %max3A_102 = vector.broadcast %max3A_101 : f32 to vector<256x2048xf32>
    %max3A_103 = arith.maximumf %dot_general3A_100, %max3A_102 : vector<256x2048xf32>
    %convert_element_type3A_104 = arith.truncf %max3A_103 : vector<256x2048xf32> to vector<256x2048xbf16>
    %convert_element_type3A_105 = arith.extf %convert_element_type3A_104 : vector<256x2048xbf16> to vector<256x2048xf32>
    %slice3A_106 = vector.extract_strided_slice %convert_element_type3A_4 {offsets = [0, 7], sizes = [256, 1], strides = [1, 1]} : vector<256x32xf32> to vector<256x1xf32>
    %mul3A_107 = vector.broadcast %slice3A_106 : vector<256x1xf32> to vector<256x2048xf32>
    %mul3A_108 = arith.mulf %mul3A_107, %convert_element_type3A_105 : vector<256x2048xf32>
    %get3A_109 = arith.constant 0 : index
    %get3A_110 = arith.constant 1024 : index
    %get3A_111 = vector.load %arg1[%get3A_109, %get3A_110] : memref<256x4096xf32, #tpu.memory_space<vmem>>, vector<256x128xf32>
    %dot_general3A_112 = arith.constant dense<0.000000e+00> : vector<256x2048xf32>
    %dot_general3A_113 = tpu.matmul %get3A_111, %get3A_7, %dot_general3A_112 {dimension_numbers = #tpu.dot_dimension_numbers<[1], [1], [0], [0], [0, 0, 1, 0], [], []>, transpose_lhs_hint = false} : vector<256x128xf32>, vector<2048x128xf32>, vector<256x2048xf32> -> vector<256x2048xf32>
    %max3A_114 = arith.constant 0.000000e+00 : f32
    %max3A_115 = vector.broadcast %max3A_114 : f32 to vector<256x2048xf32>
    %max3A_116 = arith.maximumf %dot_general3A_113, %max3A_115 : vector<256x2048xf32>
    %convert_element_type3A_117 = arith.truncf %max3A_116 : vector<256x2048xf32> to vector<256x2048xbf16>
    %convert_element_type3A_118 = arith.extf %convert_element_type3A_117 : vector<256x2048xbf16> to vector<256x2048xf32>
    %slice3A_119 = vector.extract_strided_slice %convert_element_type3A_4 {offsets = [0, 8], sizes = [256, 1], strides = [1, 1]} : vector<256x32xf32> to vector<256x1xf32>
    %mul3A_120 = vector.broadcast %slice3A_119 : vector<256x1xf32> to vector<256x2048xf32>
    %mul3A_121 = arith.mulf %mul3A_120, %convert_element_type3A_118 : vector<256x2048xf32>
    %get3A_122 = arith.constant 0 : index
    %get3A_123 = arith.constant 1152 : index
    %get3A_124 = vector.load %arg1[%get3A_122, %get3A_123] : memref<256x4096xf32, #tpu.memory_space<vmem>>, vector<256x128xf32>
    %dot_general3A_125 = arith.constant dense<0.000000e+00> : vector<256x2048xf32>
    %dot_general3A_126 = tpu.matmul %get3A_124, %get3A_7, %dot_general3A_125 {dimension_numbers = #tpu.dot_dimension_numbers<[1], [1], [0], [0], [0, 0, 1, 0], [], []>, transpose_lhs_hint = false} : vector<256x128xf32>, vector<2048x128xf32>, vector<256x2048xf32> -> vector<256x2048xf32>
    %max3A_127 = arith.constant 0.000000e+00 : f32
    %max3A_128 = vector.broadcast %max3A_127 : f32 to vector<256x2048xf32>
    %max3A_129 = arith.maximumf %dot_general3A_126, %max3A_128 : vector<256x2048xf32>
    %convert_element_type3A_130 = arith.truncf %max3A_129 : vector<256x2048xf32> to vector<256x2048xbf16>
    %convert_element_type3A_131 = arith.extf %convert_element_type3A_130 : vector<256x2048xbf16> to vector<256x2048xf32>
    %slice3A_132 = vector.extract_strided_slice %convert_element_type3A_4 {offsets = [0, 9], sizes = [256, 1], strides = [1, 1]} : vector<256x32xf32> to vector<256x1xf32>
    %mul3A_133 = vector.broadcast %slice3A_132 : vector<256x1xf32> to vector<256x2048xf32>
    %mul3A_134 = arith.mulf %mul3A_133, %convert_element_type3A_131 : vector<256x2048xf32>
    %get3A_135 = arith.constant 0 : index
    %get3A_136 = arith.constant 1280 : index
    %get3A_137 = vector.load %arg1[%get3A_135, %get3A_136] : memref<256x4096xf32, #tpu.memory_space<vmem>>, vector<256x128xf32>
    %dot_general3A_138 = arith.constant dense<0.000000e+00> : vector<256x2048xf32>
    %dot_general3A_139 = tpu.matmul %get3A_137, %get3A_7, %dot_general3A_138 {dimension_numbers = #tpu.dot_dimension_numbers<[1], [1], [0], [0], [0, 0, 1, 0], [], []>, transpose_lhs_hint = false} : vector<256x128xf32>, vector<2048x128xf32>, vector<256x2048xf32> -> vector<256x2048xf32>
    %max3A_140 = arith.constant 0.000000e+00 : f32
    %max3A_141 = vector.broadcast %max3A_140 : f32 to vector<256x2048xf32>
    %max3A_142 = arith.maximumf %dot_general3A_139, %max3A_141 : vector<256x2048xf32>
    %convert_element_type3A_143 = arith.truncf %max3A_142 : vector<256x2048xf32> to vector<256x2048xbf16>
    %convert_element_type3A_144 = arith.extf %convert_element_type3A_143 : vector<256x2048xbf16> to vector<256x2048xf32>
    %slice3A_145 = vector.extract_strided_slice %convert_element_type3A_4 {offsets = [0, 10], sizes = [256, 1], strides = [1, 1]} : vector<256x32xf32> to vector<256x1xf32>
    %mul3A_146 = vector.broadcast %slice3A_145 : vector<256x1xf32> to vector<256x2048xf32>
    %mul3A_147 = arith.mulf %mul3A_146, %convert_element_type3A_144 : vector<256x2048xf32>
    %get3A_148 = arith.constant 0 : index
    %get3A_149 = arith.constant 1408 : index
    %get3A_150 = vector.load %arg1[%get3A_148, %get3A_149] : memref<256x4096xf32, #tpu.memory_space<vmem>>, vector<256x128xf32>
    %dot_general3A_151 = arith.constant dense<0.000000e+00> : vector<256x2048xf32>
    %dot_general3A_152 = tpu.matmul %get3A_150, %get3A_7, %dot_general3A_151 {dimension_numbers = #tpu.dot_dimension_numbers<[1], [1], [0], [0], [0, 0, 1, 0], [], []>, transpose_lhs_hint = false} : vector<256x128xf32>, vector<2048x128xf32>, vector<256x2048xf32> -> vector<256x2048xf32>
    %max3A_153 = arith.constant 0.000000e+00 : f32
    %max3A_154 = vector.broadcast %max3A_153 : f32 to vector<256x2048xf32>
    %max3A_155 = arith.maximumf %dot_general3A_152, %max3A_154 : vector<256x2048xf32>
    %convert_element_type3A_156 = arith.truncf %max3A_155 : vector<256x2048xf32> to vector<256x2048xbf16>
    %convert_element_type3A_157 = arith.extf %convert_element_type3A_156 : vector<256x2048xbf16> to vector<256x2048xf32>
    %slice3A_158 = vector.extract_strided_slice %convert_element_type3A_4 {offsets = [0, 11], sizes = [256, 1], strides = [1, 1]} : vector<256x32xf32> to vector<256x1xf32>
    %mul3A_159 = vector.broadcast %slice3A_158 : vector<256x1xf32> to vector<256x2048xf32>
    %mul3A_160 = arith.mulf %mul3A_159, %convert_element_type3A_157 : vector<256x2048xf32>
    %get3A_161 = arith.constant 0 : index
    %get3A_162 = arith.constant 1536 : index
    %get3A_163 = vector.load %arg1[%get3A_161, %get3A_162] : memref<256x4096xf32, #tpu.memory_space<vmem>>, vector<256x128xf32>
    %dot_general3A_164 = arith.constant dense<0.000000e+00> : vector<256x2048xf32>
    %dot_general3A_165 = tpu.matmul %get3A_163, %get3A_7, %dot_general3A_164 {dimension_numbers = #tpu.dot_dimension_numbers<[1], [1], [0], [0], [0, 0, 1, 0], [], []>, transpose_lhs_hint = false} : vector<256x128xf32>, vector<2048x128xf32>, vector<256x2048xf32> -> vector<256x2048xf32>
    %max3A_166 = arith.constant 0.000000e+00 : f32
    %max3A_167 = vector.broadcast %max3A_166 : f32 to vector<256x2048xf32>
    %max3A_168 = arith.maximumf %dot_general3A_165, %max3A_167 : vector<256x2048xf32>
    %convert_element_type3A_169 = arith.truncf %max3A_168 : vector<256x2048xf32> to vector<256x2048xbf16>
    %convert_element_type3A_170 = arith.extf %convert_element_type3A_169 : vector<256x2048xbf16> to vector<256x2048xf32>
    %slice3A_171 = vector.extract_strided_slice %convert_element_type3A_4 {offsets = [0, 12], sizes = [256, 1], strides = [1, 1]} : vector<256x32xf32> to vector<256x1xf32>
    %mul3A_172 = vector.broadcast %slice3A_171 : vector<256x1xf32> to vector<256x2048xf32>
    %mul3A_173 = arith.mulf %mul3A_172, %convert_element_type3A_170 : vector<256x2048xf32>
    %get3A_174 = arith.constant 0 : index
    %get3A_175 = arith.constant 1664 : index
    %get3A_176 = vector.load %arg1[%get3A_174, %get3A_175] : memref<256x4096xf32, #tpu.memory_space<vmem>>, vector<256x128xf32>
    %dot_general3A_177 = arith.constant dense<0.000000e+00> : vector<256x2048xf32>
    %dot_general3A_178 = tpu.matmul %get3A_176, %get3A_7, %dot_general3A_177 {dimension_numbers = #tpu.dot_dimension_numbers<[1], [1], [0], [0], [0, 0, 1, 0], [], []>, transpose_lhs_hint = false} : vector<256x128xf32>, vector<2048x128xf32>, vector<256x2048xf32> -> vector<256x2048xf32>
    %max3A_179 = arith.constant 0.000000e+00 : f32
    %max3A_180 = vector.broadcast %max3A_179 : f32 to vector<256x2048xf32>
    %max3A_181 = arith.maximumf %dot_general3A_178, %max3A_180 : vector<256x2048xf32>
    %convert_element_type3A_182 = arith.truncf %max3A_181 : vector<256x2048xf32> to vector<256x2048xbf16>
    %convert_element_type3A_183 = arith.extf %convert_element_type3A_182 : vector<256x2048xbf16> to vector<256x2048xf32>
    %slice3A_184 = vector.extract_strided_slice %convert_element_type3A_4 {offsets = [0, 13], sizes = [256, 1], strides = [1, 1]} : vector<256x32xf32> to vector<256x1xf32>
    %mul3A_185 = vector.broadcast %slice3A_184 : vector<256x1xf32> to vector<256x2048xf32>
    %mul3A_186 = arith.mulf %mul3A_185, %convert_element_type3A_183 : vector<256x2048xf32>
    %get3A_187 = arith.constant 0 : index
    %get3A_188 = arith.constant 1792 : index
    %get3A_189 = vector.load %arg1[%get3A_187, %get3A_188] : memref<256x4096xf32, #tpu.memory_space<vmem>>, vector<256x128xf32>
    %dot_general3A_190 = arith.constant dense<0.000000e+00> : vector<256x2048xf32>
    %dot_general3A_191 = tpu.matmul %get3A_189, %get3A_7, %dot_general3A_190 {dimension_numbers = #tpu.dot_dimension_numbers<[1], [1], [0], [0], [0, 0, 1, 0], [], []>, transpose_lhs_hint = false} : vector<256x128xf32>, vector<2048x128xf32>, vector<256x2048xf32> -> vector<256x2048xf32>
    %max3A_192 = arith.constant 0.000000e+00 : f32
    %max3A_193 = vector.broadcast %max3A_192 : f32 to vector<256x2048xf32>
    %max3A_194 = arith.maximumf %dot_general3A_191, %max3A_193 : vector<256x2048xf32>
    %convert_element_type3A_195 = arith.truncf %max3A_194 : vector<256x2048xf32> to vector<256x2048xbf16>
    %convert_element_type3A_196 = arith.extf %convert_element_type3A_195 : vector<256x2048xbf16> to vector<256x2048xf32>
    %slice3A_197 = vector.extract_strided_slice %convert_element_type3A_4 {offsets = [0, 14], sizes = [256, 1], strides = [1, 1]} : vector<256x32xf32> to vector<256x1xf32>
    %mul3A_198 = vector.broadcast %slice3A_197 : vector<256x1xf32> to vector<256x2048xf32>
    %mul3A_199 = arith.mulf %mul3A_198, %convert_element_type3A_196 : vector<256x2048xf32>
    %get3A_200 = arith.constant 0 : index
    %get3A_201 = arith.constant 1920 : index
    %get3A_202 = vector.load %arg1[%get3A_200, %get3A_201] : memref<256x4096xf32, #tpu.memory_space<vmem>>, vector<256x128xf32>
    %dot_general3A_203 = arith.constant dense<0.000000e+00> : vector<256x2048xf32>
    %dot_general3A_204 = tpu.matmul %get3A_202, %get3A_7, %dot_general3A_203 {dimension_numbers = #tpu.dot_dimension_numbers<[1], [1], [0], [0], [0, 0, 1, 0], [], []>, transpose_lhs_hint = false} : vector<256x128xf32>, vector<2048x128xf32>, vector<256x2048xf32> -> vector<256x2048xf32>
    %max3A_205 = arith.constant 0.000000e+00 : f32
    %max3A_206 = vector.broadcast %max3A_205 : f32 to vector<256x2048xf32>
    %max3A_207 = arith.maximumf %dot_general3A_204, %max3A_206 : vector<256x2048xf32>
    %convert_element_type3A_208 = arith.truncf %max3A_207 : vector<256x2048xf32> to vector<256x2048xbf16>
    %convert_element_type3A_209 = arith.extf %convert_element_type3A_208 : vector<256x2048xbf16> to vector<256x2048xf32>
    %slice3A_210 = vector.extract_strided_slice %convert_element_type3A_4 {offsets = [0, 15], sizes = [256, 1], strides = [1, 1]} : vector<256x32xf32> to vector<256x1xf32>
    %mul3A_211 = vector.broadcast %slice3A_210 : vector<256x1xf32> to vector<256x2048xf32>
    %mul3A_212 = arith.mulf %mul3A_211, %convert_element_type3A_209 : vector<256x2048xf32>
    %get3A_213 = arith.constant 0 : index
    %get3A_214 = arith.constant 2048 : index
    %get3A_215 = vector.load %arg1[%get3A_213, %get3A_214] : memref<256x4096xf32, #tpu.memory_space<vmem>>, vector<256x128xf32>
    %dot_general3A_216 = arith.constant dense<0.000000e+00> : vector<256x2048xf32>
    %dot_general3A_217 = tpu.matmul %get3A_215, %get3A_7, %dot_general3A_216 {dimension_numbers = #tpu.dot_dimension_numbers<[1], [1], [0], [0], [0, 0, 1, 0], [], []>, transpose_lhs_hint = false} : vector<256x128xf32>, vector<2048x128xf32>, vector<256x2048xf32> -> vector<256x2048xf32>
    %max3A_218 = arith.constant 0.000000e+00 : f32
    %max3A_219 = vector.broadcast %max3A_218 : f32 to vector<256x2048xf32>
    %max3A_220 = arith.maximumf %dot_general3A_217, %max3A_219 : vector<256x2048xf32>
    %convert_element_type3A_221 = arith.truncf %max3A_220 : vector<256x2048xf32> to vector<256x2048xbf16>
    %convert_element_type3A_222 = arith.extf %convert_element_type3A_221 : vector<256x2048xbf16> to vector<256x2048xf32>
    %slice3A_223 = vector.extract_strided_slice %convert_element_type3A_4 {offsets = [0, 16], sizes = [256, 1], strides = [1, 1]} : vector<256x32xf32> to vector<256x1xf32>
    %mul3A_224 = vector.broadcast %slice3A_223 : vector<256x1xf32> to vector<256x2048xf32>
    %mul3A_225 = arith.mulf %mul3A_224, %convert_element_type3A_222 : vector<256x2048xf32>
    %get3A_226 = arith.constant 0 : index
    %get3A_227 = arith.constant 2176 : index
    %get3A_228 = vector.load %arg1[%get3A_226, %get3A_227] : memref<256x4096xf32, #tpu.memory_space<vmem>>, vector<256x128xf32>
    %dot_general3A_229 = arith.constant dense<0.000000e+00> : vector<256x2048xf32>
    %dot_general3A_230 = tpu.matmul %get3A_228, %get3A_7, %dot_general3A_229 {dimension_numbers = #tpu.dot_dimension_numbers<[1], [1], [0], [0], [0, 0, 1, 0], [], []>, transpose_lhs_hint = false} : vector<256x128xf32>, vector<2048x128xf32>, vector<256x2048xf32> -> vector<256x2048xf32>
    %max3A_231 = arith.constant 0.000000e+00 : f32
    %max3A_232 = vector.broadcast %max3A_231 : f32 to vector<256x2048xf32>
    %max3A_233 = arith.maximumf %dot_general3A_230, %max3A_232 : vector<256x2048xf32>
    %convert_element_type3A_234 = arith.truncf %max3A_233 : vector<256x2048xf32> to vector<256x2048xbf16>
    %convert_element_type3A_235 = arith.extf %convert_element_type3A_234 : vector<256x2048xbf16> to vector<256x2048xf32>
    %slice3A_236 = vector.extract_strided_slice %convert_element_type3A_4 {offsets = [0, 17], sizes = [256, 1], strides = [1, 1]} : vector<256x32xf32> to vector<256x1xf32>
    %mul3A_237 = vector.broadcast %slice3A_236 : vector<256x1xf32> to vector<256x2048xf32>
    %mul3A_238 = arith.mulf %mul3A_237, %convert_element_type3A_235 : vector<256x2048xf32>
    %get3A_239 = arith.constant 0 : index
    %get3A_240 = arith.constant 2304 : index
    %get3A_241 = vector.load %arg1[%get3A_239, %get3A_240] : memref<256x4096xf32, #tpu.memory_space<vmem>>, vector<256x128xf32>
    %dot_general3A_242 = arith.constant dense<0.000000e+00> : vector<256x2048xf32>
    %dot_general3A_243 = tpu.matmul %get3A_241, %get3A_7, %dot_general3A_242 {dimension_numbers = #tpu.dot_dimension_numbers<[1], [1], [0], [0], [0, 0, 1, 0], [], []>, transpose_lhs_hint = false} : vector<256x128xf32>, vector<2048x128xf32>, vector<256x2048xf32> -> vector<256x2048xf32>
    %max3A_244 = arith.constant 0.000000e+00 : f32
    %max3A_245 = vector.broadcast %max3A_244 : f32 to vector<256x2048xf32>
    %max3A_246 = arith.maximumf %dot_general3A_243, %max3A_245 : vector<256x2048xf32>
    %convert_element_type3A_247 = arith.truncf %max3A_246 : vector<256x2048xf32> to vector<256x2048xbf16>
    %convert_element_type3A_248 = arith.extf %convert_element_type3A_247 : vector<256x2048xbf16> to vector<256x2048xf32>
    %slice3A_249 = vector.extract_strided_slice %convert_element_type3A_4 {offsets = [0, 18], sizes = [256, 1], strides = [1, 1]} : vector<256x32xf32> to vector<256x1xf32>
    %mul3A_250 = vector.broadcast %slice3A_249 : vector<256x1xf32> to vector<256x2048xf32>
    %mul3A_251 = arith.mulf %mul3A_250, %convert_element_type3A_248 : vector<256x2048xf32>
    %get3A_252 = arith.constant 0 : index
    %get3A_253 = arith.constant 2432 : index
    %get3A_254 = vector.load %arg1[%get3A_252, %get3A_253] : memref<256x4096xf32, #tpu.memory_space<vmem>>, vector<256x128xf32>
    %dot_general3A_255 = arith.constant dense<0.000000e+00> : vector<256x2048xf32>
    %dot_general3A_256 = tpu.matmul %get3A_254, %get3A_7, %dot_general3A_255 {dimension_numbers = #tpu.dot_dimension_numbers<[1], [1], [0], [0], [0, 0, 1, 0], [], []>, transpose_lhs_hint = false} : vector<256x128xf32>, vector<2048x128xf32>, vector<256x2048xf32> -> vector<256x2048xf32>
    %max3A_257 = arith.constant 0.000000e+00 : f32
    %max3A_258 = vector.broadcast %max3A_257 : f32 to vector<256x2048xf32>
    %max3A_259 = arith.maximumf %dot_general3A_256, %max3A_258 : vector<256x2048xf32>
    %convert_element_type3A_260 = arith.truncf %max3A_259 : vector<256x2048xf32> to vector<256x2048xbf16>
    %convert_element_type3A_261 = arith.extf %convert_element_type3A_260 : vector<256x2048xbf16> to vector<256x2048xf32>
    %slice3A_262 = vector.extract_strided_slice %convert_element_type3A_4 {offsets = [0, 19], sizes = [256, 1], strides = [1, 1]} : vector<256x32xf32> to vector<256x1xf32>
    %mul3A_263 = vector.broadcast %slice3A_262 : vector<256x1xf32> to vector<256x2048xf32>
    %mul3A_264 = arith.mulf %mul3A_263, %convert_element_type3A_261 : vector<256x2048xf32>
    %get3A_265 = arith.constant 0 : index
    %get3A_266 = arith.constant 2560 : index
    %get3A_267 = vector.load %arg1[%get3A_265, %get3A_266] : memref<256x4096xf32, #tpu.memory_space<vmem>>, vector<256x128xf32>
    %dot_general3A_268 = arith.constant dense<0.000000e+00> : vector<256x2048xf32>
    %dot_general3A_269 = tpu.matmul %get3A_267, %get3A_7, %dot_general3A_268 {dimension_numbers = #tpu.dot_dimension_numbers<[1], [1], [0], [0], [0, 0, 1, 0], [], []>, transpose_lhs_hint = false} : vector<256x128xf32>, vector<2048x128xf32>, vector<256x2048xf32> -> vector<256x2048xf32>
    %max3A_270 = arith.constant 0.000000e+00 : f32
    %max3A_271 = vector.broadcast %max3A_270 : f32 to vector<256x2048xf32>
    %max3A_272 = arith.maximumf %dot_general3A_269, %max3A_271 : vector<256x2048xf32>
    %convert_element_type3A_273 = arith.truncf %max3A_272 : vector<256x2048xf32> to vector<256x2048xbf16>
    %convert_element_type3A_274 = arith.extf %convert_element_type3A_273 : vector<256x2048xbf16> to vector<256x2048xf32>
    %slice3A_275 = vector.extract_strided_slice %convert_element_type3A_4 {offsets = [0, 20], sizes = [256, 1], strides = [1, 1]} : vector<256x32xf32> to vector<256x1xf32>
    %mul3A_276 = vector.broadcast %slice3A_275 : vector<256x1xf32> to vector<256x2048xf32>
    %mul3A_277 = arith.mulf %mul3A_276, %convert_element_type3A_274 : vector<256x2048xf32>
    %get3A_278 = arith.constant 0 : index
    %get3A_279 = arith.constant 2688 : index
    %get3A_280 = vector.load %arg1[%get3A_278, %get3A_279] : memref<256x4096xf32, #tpu.memory_space<vmem>>, vector<256x128xf32>
    %dot_general3A_281 = arith.constant dense<0.000000e+00> : vector<256x2048xf32>
    %dot_general3A_282 = tpu.matmul %get3A_280, %get3A_7, %dot_general3A_281 {dimension_numbers = #tpu.dot_dimension_numbers<[1], [1], [0], [0], [0, 0, 1, 0], [], []>, transpose_lhs_hint = false} : vector<256x128xf32>, vector<2048x128xf32>, vector<256x2048xf32> -> vector<256x2048xf32>
    %max3A_283 = arith.constant 0.000000e+00 : f32
    %max3A_284 = vector.broadcast %max3A_283 : f32 to vector<256x2048xf32>
    %max3A_285 = arith.maximumf %dot_general3A_282, %max3A_284 : vector<256x2048xf32>
    %convert_element_type3A_286 = arith.truncf %max3A_285 : vector<256x2048xf32> to vector<256x2048xbf16>
    %convert_element_type3A_287 = arith.extf %convert_element_type3A_286 : vector<256x2048xbf16> to vector<256x2048xf32>
    %slice3A_288 = vector.extract_strided_slice %convert_element_type3A_4 {offsets = [0, 21], sizes = [256, 1], strides = [1, 1]} : vector<256x32xf32> to vector<256x1xf32>
    %mul3A_289 = vector.broadcast %slice3A_288 : vector<256x1xf32> to vector<256x2048xf32>
    %mul3A_290 = arith.mulf %mul3A_289, %convert_element_type3A_287 : vector<256x2048xf32>
    %get3A_291 = arith.constant 0 : index
    %get3A_292 = arith.constant 2816 : index
    %get3A_293 = vector.load %arg1[%get3A_291, %get3A_292] : memref<256x4096xf32, #tpu.memory_space<vmem>>, vector<256x128xf32>
    %dot_general3A_294 = arith.constant dense<0.000000e+00> : vector<256x2048xf32>
    %dot_general3A_295 = tpu.matmul %get3A_293, %get3A_7, %dot_general3A_294 {dimension_numbers = #tpu.dot_dimension_numbers<[1], [1], [0], [0], [0, 0, 1, 0], [], []>, transpose_lhs_hint = false} : vector<256x128xf32>, vector<2048x128xf32>, vector<256x2048xf32> -> vector<256x2048xf32>
    %max3A_296 = arith.constant 0.000000e+00 : f32
    %max3A_297 = vector.broadcast %max3A_296 : f32 to vector<256x2048xf32>
    %max3A_298 = arith.maximumf %dot_general3A_295, %max3A_297 : vector<256x2048xf32>
    %convert_element_type3A_299 = arith.truncf %max3A_298 : vector<256x2048xf32> to vector<256x2048xbf16>
    %convert_element_type3A_300 = arith.extf %convert_element_type3A_299 : vector<256x2048xbf16> to vector<256x2048xf32>
    %slice3A_301 = vector.extract_strided_slice %convert_element_type3A_4 {offsets = [0, 22], sizes = [256, 1], strides = [1, 1]} : vector<256x32xf32> to vector<256x1xf32>
    %mul3A_302 = vector.broadcast %slice3A_301 : vector<256x1xf32> to vector<256x2048xf32>
    %mul3A_303 = arith.mulf %mul3A_302, %convert_element_type3A_300 : vector<256x2048xf32>
    %get3A_304 = arith.constant 0 : index
    %get3A_305 = arith.constant 2944 : index
    %get3A_306 = vector.load %arg1[%get3A_304, %get3A_305] : memref<256x4096xf32, #tpu.memory_space<vmem>>, vector<256x128xf32>
    %dot_general3A_307 = arith.constant dense<0.000000e+00> : vector<256x2048xf32>
    %dot_general3A_308 = tpu.matmul %get3A_306, %get3A_7, %dot_general3A_307 {dimension_numbers = #tpu.dot_dimension_numbers<[1], [1], [0], [0], [0, 0, 1, 0], [], []>, transpose_lhs_hint = false} : vector<256x128xf32>, vector<2048x128xf32>, vector<256x2048xf32> -> vector<256x2048xf32>
    %max3A_309 = arith.constant 0.000000e+00 : f32
    %max3A_310 = vector.broadcast %max3A_309 : f32 to vector<256x2048xf32>
    %max3A_311 = arith.maximumf %dot_general3A_308, %max3A_310 : vector<256x2048xf32>
    %convert_element_type3A_312 = arith.truncf %max3A_311 : vector<256x2048xf32> to vector<256x2048xbf16>
    %convert_element_type3A_313 = arith.extf %convert_element_type3A_312 : vector<256x2048xbf16> to vector<256x2048xf32>
    %slice3A_314 = vector.extract_strided_slice %convert_element_type3A_4 {offsets = [0, 23], sizes = [256, 1], strides = [1, 1]} : vector<256x32xf32> to vector<256x1xf32>
    %mul3A_315 = vector.broadcast %slice3A_314 : vector<256x1xf32> to vector<256x2048xf32>
    %mul3A_316 = arith.mulf %mul3A_315, %convert_element_type3A_313 : vector<256x2048xf32>
    %get3A_317 = arith.constant 0 : index
    %get3A_318 = arith.constant 3072 : index
    %get3A_319 = vector.load %arg1[%get3A_317, %get3A_318] : memref<256x4096xf32, #tpu.memory_space<vmem>>, vector<256x128xf32>
    %dot_general3A_320 = arith.constant dense<0.000000e+00> : vector<256x2048xf32>
    %dot_general3A_321 = tpu.matmul %get3A_319, %get3A_7, %dot_general3A_320 {dimension_numbers = #tpu.dot_dimension_numbers<[1], [1], [0], [0], [0, 0, 1, 0], [], []>, transpose_lhs_hint = false} : vector<256x128xf32>, vector<2048x128xf32>, vector<256x2048xf32> -> vector<256x2048xf32>
    %max3A_322 = arith.constant 0.000000e+00 : f32
    %max3A_323 = vector.broadcast %max3A_322 : f32 to vector<256x2048xf32>
    %max3A_324 = arith.maximumf %dot_general3A_321, %max3A_323 : vector<256x2048xf32>
    %convert_element_type3A_325 = arith.truncf %max3A_324 : vector<256x2048xf32> to vector<256x2048xbf16>
    %convert_element_type3A_326 = arith.extf %convert_element_type3A_325 : vector<256x2048xbf16> to vector<256x2048xf32>
    %slice3A_327 = vector.extract_strided_slice %convert_element_type3A_4 {offsets = [0, 24], sizes = [256, 1], strides = [1, 1]} : vector<256x32xf32> to vector<256x1xf32>
    %mul3A_328 = vector.broadcast %slice3A_327 : vector<256x1xf32> to vector<256x2048xf32>
    %mul3A_329 = arith.mulf %mul3A_328, %convert_element_type3A_326 : vector<256x2048xf32>
    %get3A_330 = arith.constant 0 : index
    %get3A_331 = arith.constant 3200 : index
    %get3A_332 = vector.load %arg1[%get3A_330, %get3A_331] : memref<256x4096xf32, #tpu.memory_space<vmem>>, vector<256x128xf32>
    %dot_general3A_333 = arith.constant dense<0.000000e+00> : vector<256x2048xf32>
    %dot_general3A_334 = tpu.matmul %get3A_332, %get3A_7, %dot_general3A_333 {dimension_numbers = #tpu.dot_dimension_numbers<[1], [1], [0], [0], [0, 0, 1, 0], [], []>, transpose_lhs_hint = false} : vector<256x128xf32>, vector<2048x128xf32>, vector<256x2048xf32> -> vector<256x2048xf32>
    %max3A_335 = arith.constant 0.000000e+00 : f32
    %max3A_336 = vector.broadcast %max3A_335 : f32 to vector<256x2048xf32>
    %max3A_337 = arith.maximumf %dot_general3A_334, %max3A_336 : vector<256x2048xf32>
    %convert_element_type3A_338 = arith.truncf %max3A_337 : vector<256x2048xf32> to vector<256x2048xbf16>
    %convert_element_type3A_339 = arith.extf %convert_element_type3A_338 : vector<256x2048xbf16> to vector<256x2048xf32>
    %slice3A_340 = vector.extract_strided_slice %convert_element_type3A_4 {offsets = [0, 25], sizes = [256, 1], strides = [1, 1]} : vector<256x32xf32> to vector<256x1xf32>
    %mul3A_341 = vector.broadcast %slice3A_340 : vector<256x1xf32> to vector<256x2048xf32>
    %mul3A_342 = arith.mulf %mul3A_341, %convert_element_type3A_339 : vector<256x2048xf32>
    %get3A_343 = arith.constant 0 : index
    %get3A_344 = arith.constant 3328 : index
    %get3A_345 = vector.load %arg1[%get3A_343, %get3A_344] : memref<256x4096xf32, #tpu.memory_space<vmem>>, vector<256x128xf32>
    %dot_general3A_346 = arith.constant dense<0.000000e+00> : vector<256x2048xf32>
    %dot_general3A_347 = tpu.matmul %get3A_345, %get3A_7, %dot_general3A_346 {dimension_numbers = #tpu.dot_dimension_numbers<[1], [1], [0], [0], [0, 0, 1, 0], [], []>, transpose_lhs_hint = false} : vector<256x128xf32>, vector<2048x128xf32>, vector<256x2048xf32> -> vector<256x2048xf32>
    %max3A_348 = arith.constant 0.000000e+00 : f32
    %max3A_349 = vector.broadcast %max3A_348 : f32 to vector<256x2048xf32>
    %max3A_350 = arith.maximumf %dot_general3A_347, %max3A_349 : vector<256x2048xf32>
    %convert_element_type3A_351 = arith.truncf %max3A_350 : vector<256x2048xf32> to vector<256x2048xbf16>
    %convert_element_type3A_352 = arith.extf %convert_element_type3A_351 : vector<256x2048xbf16> to vector<256x2048xf32>
    %slice3A_353 = vector.extract_strided_slice %convert_element_type3A_4 {offsets = [0, 26], sizes = [256, 1], strides = [1, 1]} : vector<256x32xf32> to vector<256x1xf32>
    %mul3A_354 = vector.broadcast %slice3A_353 : vector<256x1xf32> to vector<256x2048xf32>
    %mul3A_355 = arith.mulf %mul3A_354, %convert_element_type3A_352 : vector<256x2048xf32>
    %get3A_356 = arith.constant 0 : index
    %get3A_357 = arith.constant 3456 : index
    %get3A_358 = vector.load %arg1[%get3A_356, %get3A_357] : memref<256x4096xf32, #tpu.memory_space<vmem>>, vector<256x128xf32>
    %dot_general3A_359 = arith.constant dense<0.000000e+00> : vector<256x2048xf32>
    %dot_general3A_360 = tpu.matmul %get3A_358, %get3A_7, %dot_general3A_359 {dimension_numbers = #tpu.dot_dimension_numbers<[1], [1], [0], [0], [0, 0, 1, 0], [], []>, transpose_lhs_hint = false} : vector<256x128xf32>, vector<2048x128xf32>, vector<256x2048xf32> -> vector<256x2048xf32>
    %max3A_361 = arith.constant 0.000000e+00 : f32
    %max3A_362 = vector.broadcast %max3A_361 : f32 to vector<256x2048xf32>
    %max3A_363 = arith.maximumf %dot_general3A_360, %max3A_362 : vector<256x2048xf32>
    %convert_element_type3A_364 = arith.truncf %max3A_363 : vector<256x2048xf32> to vector<256x2048xbf16>
    %convert_element_type3A_365 = arith.extf %convert_element_type3A_364 : vector<256x2048xbf16> to vector<256x2048xf32>
    %slice3A_366 = vector.extract_strided_slice %convert_element_type3A_4 {offsets = [0, 27], sizes = [256, 1], strides = [1, 1]} : vector<256x32xf32> to vector<256x1xf32>
    %mul3A_367 = vector.broadcast %slice3A_366 : vector<256x1xf32> to vector<256x2048xf32>
    %mul3A_368 = arith.mulf %mul3A_367, %convert_element_type3A_365 : vector<256x2048xf32>
    %get3A_369 = arith.constant 0 : index
    %get3A_370 = arith.constant 3584 : index
    %get3A_371 = vector.load %arg1[%get3A_369, %get3A_370] : memref<256x4096xf32, #tpu.memory_space<vmem>>, vector<256x128xf32>
    %dot_general3A_372 = arith.constant dense<0.000000e+00> : vector<256x2048xf32>
    %dot_general3A_373 = tpu.matmul %get3A_371, %get3A_7, %dot_general3A_372 {dimension_numbers = #tpu.dot_dimension_numbers<[1], [1], [0], [0], [0, 0, 1, 0], [], []>, transpose_lhs_hint = false} : vector<256x128xf32>, vector<2048x128xf32>, vector<256x2048xf32> -> vector<256x2048xf32>
    %max3A_374 = arith.constant 0.000000e+00 : f32
    %max3A_375 = vector.broadcast %max3A_374 : f32 to vector<256x2048xf32>
    %max3A_376 = arith.maximumf %dot_general3A_373, %max3A_375 : vector<256x2048xf32>
    %convert_element_type3A_377 = arith.truncf %max3A_376 : vector<256x2048xf32> to vector<256x2048xbf16>
    %convert_element_type3A_378 = arith.extf %convert_element_type3A_377 : vector<256x2048xbf16> to vector<256x2048xf32>
    %slice3A_379 = vector.extract_strided_slice %convert_element_type3A_4 {offsets = [0, 28], sizes = [256, 1], strides = [1, 1]} : vector<256x32xf32> to vector<256x1xf32>
    %mul3A_380 = vector.broadcast %slice3A_379 : vector<256x1xf32> to vector<256x2048xf32>
    %mul3A_381 = arith.mulf %mul3A_380, %convert_element_type3A_378 : vector<256x2048xf32>
    %get3A_382 = arith.constant 0 : index
    %get3A_383 = arith.constant 3712 : index
    %get3A_384 = vector.load %arg1[%get3A_382, %get3A_383] : memref<256x4096xf32, #tpu.memory_space<vmem>>, vector<256x128xf32>
    %dot_general3A_385 = arith.constant dense<0.000000e+00> : vector<256x2048xf32>
    %dot_general3A_386 = tpu.matmul %get3A_384, %get3A_7, %dot_general3A_385 {dimension_numbers = #tpu.dot_dimension_numbers<[1], [1], [0], [0], [0, 0, 1, 0], [], []>, transpose_lhs_hint = false} : vector<256x128xf32>, vector<2048x128xf32>, vector<256x2048xf32> -> vector<256x2048xf32>
    %max3A_387 = arith.constant 0.000000e+00 : f32
    %max3A_388 = vector.broadcast %max3A_387 : f32 to vector<256x2048xf32>
    %max3A_389 = arith.maximumf %dot_general3A_386, %max3A_388 : vector<256x2048xf32>
    %convert_element_type3A_390 = arith.truncf %max3A_389 : vector<256x2048xf32> to vector<256x2048xbf16>
    %convert_element_type3A_391 = arith.extf %convert_element_type3A_390 : vector<256x2048xbf16> to vector<256x2048xf32>
    %slice3A_392 = vector.extract_strided_slice %convert_element_type3A_4 {offsets = [0, 29], sizes = [256, 1], strides = [1, 1]} : vector<256x32xf32> to vector<256x1xf32>
    %mul3A_393 = vector.broadcast %slice3A_392 : vector<256x1xf32> to vector<256x2048xf32>
    %mul3A_394 = arith.mulf %mul3A_393, %convert_element_type3A_391 : vector<256x2048xf32>
    %get3A_395 = arith.constant 0 : index
    %get3A_396 = arith.constant 3840 : index
    %get3A_397 = vector.load %arg1[%get3A_395, %get3A_396] : memref<256x4096xf32, #tpu.memory_space<vmem>>, vector<256x128xf32>
    %dot_general3A_398 = arith.constant dense<0.000000e+00> : vector<256x2048xf32>
    %dot_general3A_399 = tpu.matmul %get3A_397, %get3A_7, %dot_general3A_398 {dimension_numbers = #tpu.dot_dimension_numbers<[1], [1], [0], [0], [0, 0, 1, 0], [], []>, transpose_lhs_hint = false} : vector<256x128xf32>, vector<2048x128xf32>, vector<256x2048xf32> -> vector<256x2048xf32>
    %max3A_400 = arith.constant 0.000000e+00 : f32
    %max3A_401 = vector.broadcast %max3A_400 : f32 to vector<256x2048xf32>
    %max3A_402 = arith.maximumf %dot_general3A_399, %max3A_401 : vector<256x2048xf32>
    %convert_element_type3A_403 = arith.truncf %max3A_402 : vector<256x2048xf32> to vector<256x2048xbf16>
    %convert_element_type3A_404 = arith.extf %convert_element_type3A_403 : vector<256x2048xbf16> to vector<256x2048xf32>
    %slice3A_405 = vector.extract_strided_slice %convert_element_type3A_4 {offsets = [0, 30], sizes = [256, 1], strides = [1, 1]} : vector<256x32xf32> to vector<256x1xf32>
    %mul3A_406 = vector.broadcast %slice3A_405 : vector<256x1xf32> to vector<256x2048xf32>
    %mul3A_407 = arith.mulf %mul3A_406, %convert_element_type3A_404 : vector<256x2048xf32>
    %get3A_408 = arith.constant 0 : index
    %get3A_409 = arith.constant 3968 : index
    %get3A_410 = vector.load %arg1[%get3A_408, %get3A_409] : memref<256x4096xf32, #tpu.memory_space<vmem>>, vector<256x128xf32>
    %dot_general3A_411 = arith.constant dense<0.000000e+00> : vector<256x2048xf32>
    %dot_general3A_412 = tpu.matmul %get3A_410, %get3A_7, %dot_general3A_411 {dimension_numbers = #tpu.dot_dimension_numbers<[1], [1], [0], [0], [0, 0, 1, 0], [], []>, transpose_lhs_hint = false} : vector<256x128xf32>, vector<2048x128xf32>, vector<256x2048xf32> -> vector<256x2048xf32>
    %max3A_413 = arith.constant 0.000000e+00 : f32
    %max3A_414 = vector.broadcast %max3A_413 : f32 to vector<256x2048xf32>
    %max3A_415 = arith.maximumf %dot_general3A_412, %max3A_414 : vector<256x2048xf32>
    %convert_element_type3A_416 = arith.truncf %max3A_415 : vector<256x2048xf32> to vector<256x2048xbf16>
    %convert_element_type3A_417 = arith.extf %convert_element_type3A_416 : vector<256x2048xbf16> to vector<256x2048xf32>
    %slice3A_418 = vector.extract_strided_slice %convert_element_type3A_4 {offsets = [0, 31], sizes = [256, 1], strides = [1, 1]} : vector<256x32xf32> to vector<256x1xf32>
    %mul3A_419 = vector.broadcast %slice3A_418 : vector<256x1xf32> to vector<256x2048xf32>
    %mul3A_420 = arith.mulf %mul3A_419, %convert_element_type3A_417 : vector<256x2048xf32>
    %add3A = arith.addf %mul3A_17, %mul3A_30 : vector<256x2048xf32>
    %add3A_421 = arith.addf %mul3A_43, %mul3A_56 : vector<256x2048xf32>
    %add3A_422 = arith.addf %mul3A_69, %mul3A_82 : vector<256x2048xf32>
    %add3A_423 = arith.addf %mul3A_95, %mul3A_108 : vector<256x2048xf32>
    %add3A_424 = arith.addf %add3A, %add3A_421 : vector<256x2048xf32>
    %add3A_425 = arith.addf %add3A_422, %add3A_423 : vector<256x2048xf32>
    %add3A_426 = arith.addf %add3A_424, %add3A_425 : vector<256x2048xf32>
    %add3A_427 = arith.addf %mul3A_121, %mul3A_134 : vector<256x2048xf32>
    %add3A_428 = arith.addf %mul3A_147, %mul3A_160 : vector<256x2048xf32>
    %add3A_429 = arith.addf %mul3A_173, %mul3A_186 : vector<256x2048xf32>
    %add3A_430 = arith.addf %mul3A_199, %mul3A_212 : vector<256x2048xf32>
    %add3A_431 = arith.addf %add3A_427, %add3A_428 : vector<256x2048xf32>
    %add3A_432 = arith.addf %add3A_429, %add3A_430 : vector<256x2048xf32>
    %add3A_433 = arith.addf %add3A_431, %add3A_432 : vector<256x2048xf32>
    %add3A_434 = arith.addf %add3A_426, %add3A_433 : vector<256x2048xf32>
    %add3A_435 = arith.addf %mul3A_225, %mul3A_238 : vector<256x2048xf32>
    %add3A_436 = arith.addf %mul3A_251, %mul3A_264 : vector<256x2048xf32>
    %add3A_437 = arith.addf %mul3A_277, %mul3A_290 : vector<256x2048xf32>
    %add3A_438 = arith.addf %mul3A_303, %mul3A_316 : vector<256x2048xf32>
    %add3A_439 = arith.addf %add3A_435, %add3A_436 : vector<256x2048xf32>
    %add3A_440 = arith.addf %add3A_437, %add3A_438 : vector<256x2048xf32>
    %add3A_441 = arith.addf %add3A_439, %add3A_440 : vector<256x2048xf32>
    %add3A_442 = arith.addf %add3A_434, %add3A_441 : vector<256x2048xf32>
    %add3A_443 = arith.addf %mul3A_329, %mul3A_342 : vector<256x2048xf32>
    %add3A_444 = arith.addf %mul3A_355, %mul3A_368 : vector<256x2048xf32>
    %add3A_445 = arith.addf %mul3A_381, %mul3A_394 : vector<256x2048xf32>
    %add3A_446 = arith.addf %mul3A_407, %mul3A_420 : vector<256x2048xf32>
    %add3A_447 = arith.addf %add3A_443, %add3A_444 : vector<256x2048xf32>
    %add3A_448 = arith.addf %add3A_445, %add3A_446 : vector<256x2048xf32>
    %add3A_449 = arith.addf %add3A_447, %add3A_448 : vector<256x2048xf32>
    %add3A_450 = arith.addf %add3A_442, %add3A_449 : vector<256x2048xf32>
    %iota3A = tpu.iota {dimensions = array<i32: 1>} : vector<256x2048xi32>
    %get3A_451 = arith.constant 0 : index
    %get3A_452 = arith.constant 0 : index
    %get3A_453 = arith.constant 0 : index
    %get3A_454 = vector.load %arg4[%get3A_451, %get3A_452, %get3A_453] : memref<1x256x1xi32, #tpu.memory_space<vmem>>, vector<1x256x1xi32>
    %get3A_455 = vector.shape_cast %get3A_454 : vector<1x256x1xi32> to vector<256x1xi32>
    %ge3A = vector.broadcast %get3A_455 : vector<256x1xi32> to vector<256x2048xi32>
    %ge3A_456 = arith.cmpi sge, %iota3A, %ge3A : vector<256x2048xi32>
    %get3A_457 = arith.constant 0 : index
    %get3A_458 = arith.constant 0 : index
    %get3A_459 = arith.constant 0 : index
    %get3A_460 = vector.load %arg5[%get3A_457, %get3A_458, %get3A_459] : memref<1x256x1xi32, #tpu.memory_space<vmem>>, vector<1x256x1xi32>
    %get3A_461 = vector.shape_cast %get3A_460 : vector<1x256x1xi32> to vector<256x1xi32>
    %lt3A = vector.broadcast %get3A_461 : vector<256x1xi32> to vector<256x2048xi32>
    %lt3A_462 = arith.cmpi slt, %iota3A, %lt3A : vector<256x2048xi32>
    %and3A = arith.andi %ge3A_456, %lt3A_462 : vector<256x2048xi1>
    %bitcast_convert_type3A = tpu.bitcast %add3A_450 : vector<256x2048xf32> -> vector<256x2048xi32>
    %lt3A_463 = arith.constant 0.000000e+00 : f32
    %lt3A_464 = vector.broadcast %lt3A_463 : f32 to vector<256x2048xf32>
    %lt3A_465 = arith.cmpf olt, %add3A_450, %lt3A_464 : vector<256x2048xf32>
    %not3A = arith.constant dense<-1> : vector<256x2048xi32>
    %not3A_466 = arith.xori %bitcast_convert_type3A, %not3A : vector<256x2048xi32>
    %or3A = arith.constant -2147483648 : i32
    %or3A_467 = vector.broadcast %or3A : i32 to vector<256x2048xi32>
    %or3A_468 = arith.ori %bitcast_convert_type3A, %or3A_467 : vector<256x2048xi32>
    %select_n3A = arith.select %lt3A_465, %not3A_466, %or3A_468 : vector<256x2048xi1>, vector<256x2048xi32>
    %not3A_469 = arith.constant dense<-1> : vector<256x2048xi32>
    %not3A_470 = arith.xori %select_n3A, %not3A_469 : vector<256x2048xi32>
    %jit3A = arith.constant -1 : i32
    %broadcast_in_dim3A = vector.broadcast %jit3A : i32 to vector<256x2048xi32>
    %select_n3A_471 = arith.select %and3A, %not3A_470, %broadcast_in_dim3A : vector<256x2048xi1>, vector<256x2048xi32>
    %bitcast_convert_type3A_472 = tpu.bitcast %select_n3A_471 : vector<256x2048xi32> -> vector<256x2048xi32>
    %swap3A = arith.constant 0 : index
    %swap3A_473 = arith.constant 0 : index
    %swap3A_474 = vector.load %arg6[%swap3A, %swap3A_473] : memref<256x2048xi32, #tpu.memory_space<vmem>>, vector<256x2048xi32>
    tpu.vector_store %arg6[%swap3A, %swap3A_473], %bitcast_convert_type3A_472 {strides = array<i32>} : memref<256x2048xi32, #tpu.memory_space<vmem>>, vector<256x2048xi32>,
    return
  }
  func.func @transform_0(%arg0: i32) -> (i32, i32) {
    %c0_i32 = arith.constant 0 : i32
    %c0_i32_0 = arith.constant 0 : i32
    return %arg0, %c0_i32 : i32, i32
  }
  func.func @transform_1(%arg0: i32) -> (i32, i32) {
    %c0_i32 = arith.constant 0 : i32
    %c0_i32_0 = arith.constant 0 : i32
    %c0_i32_1 = arith.constant 0 : i32
    return %c0_i32, %c0_i32_0 : i32, i32
  }
  func.func @transform_2(%arg0: i32) -> (i32, i32) {
    %c0_i32 = arith.constant 0 : i32
    %c0_i32_0 = arith.constant 0 : i32
    return %arg0, %c0_i32 : i32, i32
  }
  func.func @transform_3(%arg0: i32) -> (i32, i32, i32) {
    %c0_i32 = arith.constant 0 : i32
    %c0_i32_0 = arith.constant 0 : i32
    %c0_i32_1 = arith.constant 0 : i32
    return %arg0, %c0_i32, %c0_i32_0 : i32, i32, i32
  }
  func.func @transform_4(%arg0: i32) -> (i32, i32, i32) {
    %c0_i32 = arith.constant 0 : i32
    %c0_i32_0 = arith.constant 0 : i32
    %c0_i32_1 = arith.constant 0 : i32
    return %arg0, %c0_i32, %c0_i32_0 : i32, i32, i32
  }
  func.func @transform_5(%arg0: i32) -> (i32, i32) {
    %c0_i32 = arith.constant 0 : i32
    %c0_i32_0 = arith.constant 0 : i32
    return %arg0, %c0_i32 : i32, i32
  }
}

</mosaic_0001>

<sc_bundles>
// kernel: kernel.4.cloned.1.call-start
scs
__scs_entry_jumppad:
0x0: {  	(pc) =	sbr.rel $0x88, $3  }
0x1: {  	(tag) =	ssettag $0x0;
	lr =	simm.s32 $0x1  }
0x2: {  	[smem:$0x3F95] =	sst lr;
	_ =	strace $0xD0000000  }
0x3: {  	_ = 	snop  }
0x4: {  	_ = 	snop  }
0x5: {  	_ = 	snop  }
0x6: {  	_ = 	snop  }
0x7: {  	_ = 	snop  }
__scs_overlays_trampoline_lowered:
0x8: {  	[smem:$0x3FA4] =	sst s0  }
0x9: {  	[smem:$0x3FA5] =	sst s1  }
0xa: {  	[smem:$0x3FA6] =	sst s2  }
0xb: {  	[smem:$0x3FA7] =	sst s3  }
0xc: {  	[smem:$0x3FA8] =	sst s4  }
0xd: {  	[smem:$0x3FA9] =	sst s5  }
0xe: {  	[smem:$0x3FAA] =	sst s6  }
0xf: {  	[smem:$0x3FAB] =	sst s7  }
0x10: {  	[smem:$0x3FAC] =	sst s8  }
0x11: {  	[smem:$0x3FAD] =	sst s9;
	s0 =	simm.s32 @!p0 $0x0  }
0x12: {  	s1 =	sld [smem:$0x3F93];
	s0 =	simm.s32 @p0 $0x1  }
0x13: {  	[smem:$0x3FAE] =	sst s0;
	s0 =	simm.s32 @!p1 $0x0  }
0x14: {  	s2 =	sld [smem:$0x3F92];
	s0 =	simm.s32 @p1 $0x1  }
0x15: {  	[smem:$0x3FAF] =	sst s0;
	s0 =	simm.s32 @!p2 $0x0  }
0x16: {  	s3 =	sld [smem:$0x3FDB];
	s0 =	simm.s32 @p2 $0x1  }
0x17: {  	s4 =	simm.s32 $0x1BF5;
	[smem:$0x3FB1] =	sst s0  }
0x18: {  	s0 =	sld [smem:$0x3F94];
	_ =	swait.ge [sflag:s4], $0x0  }
0x19: {  	s7 =	sld [smem:$0x3F95]  }
0x1a: {  	s8 =	sadd.s32 $0xFFFFE003, lr  }
0x1b: {  	s9 =	sadd.s32 $0xFFFFFEF7, lr;
	s5 =	simm.s32 $0xFFFFFFFF;
	p2 =	slt.u32 s8, $0xFFFFF086  }
0x1c: {  	p1 =	slt.u32 s9, $0xF7A;
	s5 =	simm.s32 @!p2 $0x0  }
0x1d: {  	s5 =	simm.s32 @p1 $0x1;
	p0 =	seq.s32 s7, s2  }
0x1e: {  	s7 =	smul.u32 @!p0 $0xF7A, s2;
	p2 =	seq.s32 @!p0 s5, $0x0  }
0x1f: {  	s9 =	smul.u32 $0xF7A, s1;
	s8 =	simm.s32 @!p0 $0x1BF5;
	p2 =	por !p2, p0  }
0x20: {  	[sflag:s8] =	ssyncset.s32 @!p0 $0xFFFFF086;
	s6 =	sadd.s32 @!p0 s3, s7;
	s7 =	simm.s32 @!p0 $0x108  }
0x21: {  	s3 =	sadd.s32 s3, s9;
	s6 =	sadd.s32 @!p0 $0x88, s6;
	s7 =	simm.s32 @p2 $0x1082  }
0x22: {  	[simem:s7], [sflag:s8] =	dma.local @!p0 [hbm:s6], $0xF7A  }
0x23: {  	s9 =	sor.u32 $0xD0000000, s2;
	s6 =	simm.s32 $0x108;
	_ =	swait.ge @!p0 [sflag:s8], $0x0  }
0x24: {  	s3 =	sadd.s32 $0x88, s3;
	s6 =	simm.s32 @!p1 $0x1082;
	[sflag:s4] =	ssyncset.s32 $0xFFFFF086  }
0x25: {  	[simem:s6], [sflag:s4] =	dma.local [hbm:s3], $0xF7A  }
0x26: {  	[smem:$0x3F95] =	sst s1;
	(tag) =	ssettag s2;
	_ =	strace s9  }
0x27: {  	s1 =	sld [smem:$0x3FA5]  }
0x28: {  	s2 =	sld [smem:$0x3FA6]  }
0x29: {  	s4 =	sld [smem:$0x3FA8]  }
0x2a: {  	p0 =	seq.s32 s5, $0x0;
	s5 =	sld [smem:$0x3FA9]  }
0x2b: {  	s6 =	sld [smem:$0x3FAA]  }
0x2c: {  	s7 =	sld [smem:$0x3FAB]  }
0x2d: {  	s3 =	simm.s32 $0x108;
	s8 =	sld [smem:$0x3FAC]  }
0x2e: {  	s3 =	simm.s32 @!p0 $0x1082;
	s9 =	sld [smem:$0x3FAD]  }
0x2f: {  	lr =	sadd.s32 s0, s3;
	s0 =	sld [smem:$0x3FA4]  }
0x30: {  	s3 =	sld [smem:$0x3FA7]  }
0x31: {  	[smem:$0x3FB0] =	sst s10  }
0x32: {  	s10 =	sld [smem:$0x3FAE];
	_ =	sdelay $0x3  }
0x33: {  	p0 =	seq.s32 s10, $0x1;
	s10 =	sld [smem:$0x3FB0];
	_ =	sdelay $0x3  }
0x34: {  	[smem:$0x3FB0] =	sst s10  }
0x35: {  	s10 =	sld [smem:$0x3FAF];
	_ =	sdelay $0x3  }
0x36: {  	p1 =	seq.s32 s10, $0x1;
	s10 =	sld [smem:$0x3FB0];
	_ =	sdelay $0x3  }
0x37: {  	[smem:$0x3FB0] =	sst s10  }
0x38: {  	s10 =	sld [smem:$0x3FB1]  }
0x39: {  	_ = 	snop;
	(pc) =	sbr.ind lr, $3  }
0x3a: {  	_ = 	snop  }
0x3b: {  	_ = 	snop  }
0x3c: {  	p2 =	seq.s32 s10, $0x1;
	s10 =	sld [smem:$0x3FB0]  }
0x3d: {  	_ =	shalt  }
0x3e: {  	_ =	shalt  }
0x3f: {  	_ =	shalt  }
0x40: {  	_ =	shalt  }
0x41: {  	_ =	shalt  }
0x42: {  	_ =	shalt  }
0x43: {  	_ =	shalt  }
0x44: {  	_ =	shalt  }
0x45: {  	_ =	shalt  }
0x46: {  	_ =	shalt  }
0x47: {  	_ =	shalt  }
0x48: {  	_ =	shalt  }
0x49: {  	_ =	shalt  }
0x4a: {  	_ =	shalt  }
0x4b: {  	_ =	shalt  }
0x4c: {  	_ =	shalt  }
0x4d: {  	_ =	shalt  }
0x4e: {  	_ =	shalt  }
0x4f: {  	_ =	shalt  }
0x50: {  	_ =	shalt  }
0x51: {  	_ =	shalt  }
0x52: {  	_ =	shalt  }
0x53: {  	_ =	shalt  }
0x54: {  	_ =	shalt  }
0x55: {  	_ =	shalt  }
0x56: {  	_ =	shalt  }
0x57: {  	_ =	shalt  }
0x58: {  	_ =	shalt  }
0x59: {  	_ =	shalt  }
0x5a: {  	_ =	shalt  }
0x5b: {  	_ =	shalt  }
0x5c: {  	_ =	shalt  }
0x5d: {  	_ =	shalt  }
0x5e: {  	_ =	shalt  }
0x5f: {  	_ =	shalt  }
0x60: {  	_ =	shalt  }
0x61: {  	_ =	shalt  }
0x62: {  	_ =	shalt  }
0x63: {  	_ =	shalt  }
0x64: {  	_ =	shalt  }
0x65: {  	_ =	shalt  }
0x66: {  	_ =	shalt  }
0x67: {  	_ =	shalt  }
0x68: {  	_ =	shalt  }
0x69: {  	_ =	shalt  }
0x6a: {  	_ =	shalt  }
0x6b: {  	_ =	shalt  }
0x6c: {  	_ =	shalt  }
0x6d: {  	_ =	shalt  }
0x6e: {  	_ =	shalt  }
0x6f: {  	_ =	shalt  }
0x70: {  	_ =	shalt  }
0x71: {  	_ =	shalt  }
0x72: {  	_ =	shalt  }
0x73: {  	_ =	shalt  }
0x74: {  	_ =	shalt  }
0x75: {  	_ =	shalt  }
0x76: {  	_ =	shalt  }
0x77: {  	_ =	shalt  }
0x78: {  	_ =	shalt  }
0x79: {  	_ =	shalt  }
0x7a: {  	_ =	shalt  }
0x7b: {  	_ =	shalt  }
0x7c: {  	_ =	shalt  }
0x7d: {  	_ =	shalt  }
0x7e: {  	_ =	shalt  }
0x7f: {  	_ =	shalt  }
0x80: {  	_ =	shalt  }
0x81: {  	_ =	shalt  }
0x82: {  	_ =	shalt  }
0x83: {  	_ =	shalt  }
0x84: {  	_ =	shalt  }
0x85: {  	_ =	shalt  }
0x86: {  	_ =	shalt  }
0x87: {  	_ =	shalt  }
.Lfunc_end0:
.L_simem_size_0:
called_computation_lowered:
.L_overlay_start_0:
0x88: {  	s2 =	sld [smem:$0x3FD9]  }
0x89: {  	s3 =	sld [smem:$0x3FFE];
	_ =	sdelay $0x1  }
0x8a: {  	s1 =	srdreg.scid  }
0x8b: {  	s0 =	sand.u32 $0x1, s1  }
0x8c: {  	s17 =	sshll.u32 s0, $0xA;
	s2 =	sadd.s32 s3, s2  }
0x8d: {  	s2 =	sadd.s32 s2, s17  }
0x8e: {  	[smem:$0x3FBC] =	sst s2  }
0x8f: {  	_ = 	snop  }
0x90: {  	s2 =	sld [smem:$0x3FC6]  }
0x91: {  	s18 =	sld [smem:$0x3FD0];
	(tm) =	ssettm $0x1  }
0x92: {  	s4 =	sld [smem:$0x3FFB];
	_ =	sdelay $0x3  }
0x93: {  	_ =	strace s4  }
0x94: {  	s4 =	sld [smem:$0x3FFC];
	_ =	sdelay $0x3  }
0x95: {  	_ =	strace s4  }
0x96: {  	s4 =	sld [smem:$0x3FFD];
	_ =	sdelay $0x3  }
0x97: {  	_ =	strace s4  }
0x98: {  	_ =	strace $0x8FFFFFFF  }
0x99: {  	s19 =	sld [smem:$0x3FDB];
	_ =	sdelay $0x1  }
0x9a: {  	s5 =	simm.s32 $_scs_section_size  }
0x9b: {  	s6 =	simm.s32 $_size__tile_overlayer_lowered;
	s7 =	simm.s32 $_tile_overlayer_lowered  }
0x9c: {  	s22 =	simm.s32 $0x1BFF;
	s21 =	sshll.u32 s7, $0x1;
	s4 =	sadd.s32 s5, s19  }
0x9d: {  	s8 =	simm.s32 $0x0;
	s20 =	sshll.u32 s6, $0x1;
	s6 =	sadd.s32 s21, s4  }
0x9e: {  	[timem:s8], [sflag:s22] =	dma.local [hbm:s6], s20  }
0x9f: {  	_ =	swait.ge [sflag:s22], s20  }
0xa0: {  	s5 =	ssub.s32 $0x0, s20;
	[sflag:s22] =	ssyncset.done $0x0  }
0xa1: {  	[sflag:s22] =	ssyncadd.s32 s5;
	_ =	sdelay $0x1  }
0xa2: {  	s23 =	simm.s32 $0x1B8B  }
0xa3: {  	_ =	swait.ge [sflag:s23], $0x1  }
0xa4: {  	[sflag:s23] =	ssyncset.done $0x0  }
0xa5: {  	s25 =	simm.s32 $0x1B8E;
	s24 =	sld [smem:$0x3FFE];
	[sflag:s23] =	ssyncadd.s32 $0xFFFFFFFF  }
0xa6: {  	s26 =	simm.s32 $execute0_lowered;
	[smem:$0x3FD2] =	sst s25  }
0xa7: {  	s6 =	sshll.u32 s26, $0x1;
	_ =	strace $0x80000046;
	[dreg:$0x1] =	wrdreg $0xFFFFFFFF  }
0xa8: {  	s28 =	simm.s32 $_size_execute0_lowered;
	s4 =	sadd.s32 s4, s6;
	[dreg:$0x0] =	wrdreg $0x0  }
0xa9: {  	s6 =	sshll.u32 s28, $0x1;
	[dreg:$0x2] =	wrdreg s4  }
0xaa: {  	[dreg:$0x3] =	wrdreg s6  }
0xab: {  	[dreg:$0x4] =	wrdreg $0xC0  }
0xac: {  	_ =	task [dreg:s8], $0x5FFFF  }
0xad: {  	[dreg:$0x1] =	wrdreg $0xFFFFFFFF  }
0xae: {  	[dreg:$0x0] =	wrdreg $0x60  }
0xaf: {  	[dreg:$0x2] =	wrdreg s24  }
0xb0: {  	[dreg:$0x3] =	wrdreg s2  }
0xb1: {  	[dreg:$0x4] =	wrdreg s18  }
0xb2: {  	[dreg:$0x5] =	wrdreg $0x9  }
0xb3: {  	_ =	task.clear_ibuf [dreg:s8], $0x6FFFF;
	_ =	strace $0x90000046  }
0xb4: {  	s29 =	simm.s32 $0x9;
	_ =	strace $0x80000048  }
0xb5: {  	_ =	swait.ge [sflag:s29], $0x1  }
0xb6: {  	[sflag:s29] =	ssyncadd.s32 $0xFFFFFFFF  }
0xb7: {  	_ =	strace $0x90000048  }
0xb8: {  	_ =	sfence  }
0xb9: {  	s30 =	sld [smem:$0x0];
	_ =	sdelay $0x2  }
0xba: {  	s31 =	sshll.u32 s1, $0xD;
	s1 =	sshrl.u32 s1, $0x2  }
0xbb: {  	s3 =	sand.u32 $0x4000, s31;
	s1 =	sadd.s32 s1, s30  }
0xbc: {  	s0 =	sor.u32 s3, s0;
	s1 =	sshll.u32 s1, $0x11  }
0xbd: {  	s0 =	sor.u32 s1, s0  }
0xbe: {  	s0 =	sadd.s32 $0x8F2B, s0  }
0xbf: {  	[sflag:s0] =	ssyncadd.remote.s32 $0x1  }
0xc0: {  	_ =	sfence.sel $0xFFFF  }
0xc1: {  	[dreg:$0x0] =	wrdreg $0xFFFFFFFF;
	(pc) =	sbr.abs _section_cstart, $3  }
0xc2: {  	[dreg:$0x1] =	wrdreg $0xFFFFFFFF  }
0xc3: {  	_ =	task.clear_ibuf [dreg:s8], $0x2FFFF;
	_ =	strace $0x9FFFFFFF  }
0xc4: {  	(tm) =	ssettm $0x7FFFFFFF  }
0xc5: {  	_ =	shalt  }
tec
execute0_lowered:
.L_overlay_start_1:
0x0: {  	(tag) =	ssettag $0x1  }
0x1: {  	s0 =	rddreg [dreg:$0x0]  }
0x2: {  	s7 =	rddreg [dreg:$0x2]  }
0x3: {  	s4 =	simm.s32 $0x0;
	s1 =	srdreg.scid;
	s2 =	stileid.u32  }
0x4: {  	s11 =	simm.s32 $0x1;
	s12 =	simm.s32 $0x80;
	s13 =	simm.s32 $0x400  }
0x5: {  	s14 =	simm.s32 $0x2400;
	s15 =	simm.s32 $0x2000;
	s16 =	simm.s32 $0x4400  }
0x6: {  	s17 =	simm.s32 $0x2200;
	s18 =	simm.s32 $0x4600;
	s19 =	simm.s32 $0x1000  }
0x7: {  	s20 =	simm.s32 $0x3400;
	s21 =	simm.s32 $0x1800;
	s22 =	simm.s32 $0x3C00  }
0x8: {  	s23 =	simm.s32 $0x800;
	[smem:$0x7FF] =	sst s4;
	s1 =	sand.u32 $0x1, s1  }
0x9: {  	s2 =	sshll.u32 s2, $0x1;
	s0 =	sadd.s32 $0x2600, s0;
	_ =	strace $0x80000047  }
.Ltmp0:
0xa: {  	s3 =	ssub.s32 $0x2, s1;
	s2 =	sor.u32 s1, s2;
	(pc) =	sbr.rel .LBB2_1-.Ltmp0, $4  }
0xb: {  	[dreg:$0x5] =	wrdreg s0;
	s31 =	sshrl.u32 s3, $0x1;
	s1 =	sshll.u32 s2, $0x7  }
0xc: {  	[dreg:$0x4] =	wrdreg s2;
	s2 =	sand.u32 $0xF, s2;
	s0 =	ssub.s32 s3, s31  }
0xd: {  	v0 =	vimm.s32 $0x0;
	v1 =	vlaneseq.u32;
	s24 =	simm.s32 $0x2C00;
	[dreg:$0x6] =	wrdreg s2;
	v2 =	vmov s2;
	s0 =	smax.u32 s0, $0x1  }
0xe: {  	v3 =	vimm.s32 $0xFFFFFFFF;
	s8 =	sand.u32 $0x380, s1;
	s1 =	simm.s32 $0x0;
	vm0 =	veq.s32 v2, v1;
	v2 =	vimm.s32 $0x1;
	[dreg:$0x7] =	wrdreg s0  }
.LBB2_119:
0xf: {  	s1 =	rddreg [dreg:$0x8]  }
0x10: {  	s0 =	rddreg [dreg:$0x7];
	s1 =	sadd.s32 $0x1, s1  }
0x11: {  	p0 =	sne.s32 s1, s0  }
.Ltmp1:
0x12: {  	_ = 	snop;
	(pc) =	sbr.rel @!p0 .LBB2_120-.Ltmp1, $1  }
0x13: {  	_ =	sdelay $0x3  }
.LBB2_1:
0x14: {  	[dreg:$0x8] =	wrdreg s1  }
.Ltmp2:
0x15: {  	s0 =	rddreg [dreg:$0x1];
	s31 =	simm.s32 $0x4C00;
	(pc) =	sbr.rel .LBB2_2-.Ltmp2, $4  }
0x16: {  	[tilespmem:s31], [sflag:$0x1] =	stream.linear.gather [hbm4b:s0+s4], $0x800, $0x38;
	[tilespmem:$0x5400] =	vst v63  }
0x17: {  	_ =	swait.ge [sflag:s11], $0x800  }
0x18: {  	[sflag:s11] =	ssyncset.done $0x0  }
0x19: {  	s28 =	simm.s32 $0x0;
	[sflag:s11] =	ssyncadd.s32 $0xFFFFF800  }
.LBB2_118:
0x1a: {  	s0 =	sshll.u32 s29, $0xD  }
0x1b: {  	s28 =	sadd.s32 $0x1, s28;
	s0 =	sor.u32 s8, s0  }
0x1c: {  	p0 =	sne.s32 s28, $0x20;
	s0 =	sshrl.u32 s0, $0x3  }
.Ltmp3:
0x1d: {  	s1 =	simm.s32 $0x4800;
	s0 =	sadd.s32 s7, s0;
	(pc) =	sbr.rel @!p0 .LBB2_119-.Ltmp3, $4  }
0x1e: {  	[hbm4b:s0+s12] =	stream.strided.scatter [tilespmem:s1], [sflag:$0x1], $0x400, s13, s12, $0x38;
	[tilespmem:$0x5400] =	vst v63  }
0x1f: {  	_ =	swait.ge [sflag:s11], $0x400  }
0x20: {  	[sflag:s11] =	ssyncset.done $0x0  }
0x21: {  	[sflag:s11] =	ssyncadd.s32 $0xFFFFFC00  }
.LBB2_2:
0x22: {  	s0 =	sshll.u32 s28, $0x6;
	s1 =	rddreg [dreg:$0x4]  }
0x23: {  	s0 =	sor.u32 s1, s0  }
0x24: {  	s3 =	rddreg [dreg:$0x6];
	s30 =	sshrl.u32 s0, $0x3  }
0x25: {  	s10 =	rddreg [dreg:$0x5];
	s6 =	sshll.u32 s30, $0xE  }
0x26: {  	s26 =	simm.s32 $0x0;
	s2 =	sor.u32 $0x20, s0;
	s1 =	sor.u32 s8, s6  }
0x27: {  	s0 =	ssub.s32 s0, s3;
	s29 =	sshrl.u32 s2, $0x3;
	s1 =	sshrl.u32 s1, $0x3  }
0x28: {  	v4 =	vld [tilespmem:s0+$0x4C00];
	s9 =	ssub.s32 s2, s3;
	s31 =	sshll.u32 s29, $0xE;
	s25 =	sadd.s32 s10, s1  }
0x29: {  	v5 =	vld [tilespmem:s9+$0x4C00];
	[tilespmem:s26], [sflag:$0x1] =	stream.strided.gather [hbm4b:s25+s12], $0x800, s13, s12, $0x38  }
0x2a: {  	s0 =	sor.u32 s8, s31;
	_ =	swait.ge [sflag:s11], $0x800  }
0x2b: {  	s0 =	sshrl.u32 s0, $0x3;
	[sflag:s11] =	ssyncset.done $0x0  }
0x2c: {  	s0 =	sadd.s32 s10, s0;
	[sflag:s11] =	ssyncadd.s32 $0xFFFFF800  }
0x2d: {  	[tilespmem:s14], [sflag:$0x1] =	stream.strided.gather [hbm4b:s0+s12], $0x800, s13, s12, $0x38;
	[tilespmem:$0x5400] =	vst v63  }
0x2e: {  	_ =	swait.ge [sflag:s11], $0x800  }
0x2f: {  	[sflag:s11] =	ssyncset.done $0x0  }
0x30: {  	s1 =	simm.s32 $0x0;
	s0 =	simm.s32 $0x40;
	[sflag:s11] =	ssyncadd.s32 $0xFFFFF800  }
.LBB2_3:
0x31: {  	p0 =	seq.s32 s0, $0x7C0;
	[tilespmem:s1+$0x2000] =	vst v0;
	s2 =	smov.u32 s0;
	s0 =	sadd.s32 $0x40, s0  }
.Ltmp4:
0x32: {  	[tilespmem:s1+$0x4400] =	vst v0;
	(pc) =	sbr.rel @!p0 .LBB2_3-.Ltmp4, $2  }
0x33: {  	_ =	sdelay $0x2  }
0x34: {  	s1 =	sshra.s32 s2, $0x2  }
0x35: {  	v4 =	vnsel vm0, $0x0, v4  }
0x36: {  	(xrf0) =	vadd.scan.msk.s32 $0xffff, v4  }
0x37: {  	v4 =	vnsel vm0, $0x0, v5  }
0x38: {  	(xrf0) =	vadd.scan.msk.s32 $0xffff, v4;
	_ =	sdelay $0x3  }
0x39: {  	v4, _, _ =	vpop (xrf0)  }
0x3a: {  	(v2sf) =	vpush v4, $0xF  }
0x3b: {  	v4, _, _ =	vpop (xrf0)  }
0x3c: {  	(v2sf) =	vpush v4, $0xF;
	_ =	sdelay $0xc  }
0x3d: {  	s0 =	spop (v2sf)  }
0x3e: {  	s0 =	sadd.s32 $0xF, s0  }
0x3f: {  	[tilespmem:s1+$0x2000] =	vst v0;
	s2 =	spop (v2sf);
	s9 =	sshra.s32 s0, $0x1F;
	s3 =	sand.u32 $0xF, s0  }
0x40: {  	[tilespmem:s1+$0x4400] =	vst v0;
	s2 =	sadd.s32 $0xF, s2;
	p0 =	slt.s32 s0, $0x1;
	s1 =	sshrl.u32 s9, $0x1C  }
0x41: {  	p1 =	sne.s32 s3, $0x0;
	s10 =	sand.u32 $0xF, s2;
	p6 =	slt.s32 s2, $0x1  }
0x42: {  	s26 =	sshra.s32 s2, $0x1F;
	s3 =	simm.s32 $0x1;
	p2 =	sne.s32 s10, $0x0  }
0x43: {  	s1 =	sadd.s32 s1, s0;
	p0 =	por !p0, !p1;
	p1 =	por !p6, !p2  }
0x44: {  	s25 =	sshra.s32 s1, $0x4;
	p0 =	por !p0, !p0;
	s1 =	sshrl.u32 s26, $0x1C  }
0x45: {  	s1 =	sadd.s32 s1, s2;
	p1 =	por !p1, !p1;
	s2 =	simm.s32 $0x1  }
0x46: {  	s3 =	simm.s32 @!p0 $0x0;
	s1 =	sshra.s32 s1, $0x4;
	s2 =	simm.s32 @!p1 $0x0  }
0x47: {  	s0 =	ssub.s32 s25, s3;
	s2 =	ssub.s32 s1, s2  }
0x48: {  	p0 =	sgt.s32 s0, s2;
	s31 =	smov.u32 s2  }
0x49: {  	s31 =	smov.u32 @p0 s0  }
0x4a: {  	p0 =	sgt.s32 s31, $0x0  }
.Ltmp5:
0x4b: {  	_ = 	snop;
	(pc) =	sbr.rel @!p0 .LBB2_5-.Ltmp5, $2  }
0x4c: {  	_ =	sdelay $0x1  }
0x4d: {  	v4 =	vmul.u32 s31, v1;
	_ =	sdelay $0x1  }
0x4e: {  	s1 =	simm.s32 $0x0  }
0x4f: {  	v5 =	vadd.s32 s1, v4;
	_ =	sdelay $0x4  }
0x50: {  	v6 =	vld.idx.msk [tilespmem:v5+s4+$0x0], $0xffff  }
0x51: {  	v5 =	vld.idx.msk [tilespmem:v5+s14+$0x0], $0xffff;
	_ =	sdelay $0x1  }
0x52: {  	p1 =	seq.s32 s31, $0x1  }
.Ltmp6:
0x53: {  	_ = 	snop;
	(pc) =	sbr.rel @p1 .LBB2_12-.Ltmp6, $4  }
0x54: {  	v6 =	vshll.u32 v6, $0x4  }
0x55: {  	v5 =	vshll.u32 v5, $0x4;
	v6 =	vor.u32 v1, v6  }
0x56: {  	v7 =	vor.u32 v1, v5;
	v5 =	vand.u32 $0x1FF, v6  }
0x57: {  	s1 =	simm.s32 $0x1;
	v6 =	vand.u32 $0x1FF, v7  }
.LBB2_11:
0x58: {  	v7 =	vadd.s32 s1, v4  }
0x59: {  	s1 =	sadd.s32 $0x1, s1  }
0x5a: {  	p1 =	seq.s32 s31, s1  }
0x5b: {  	[tilespmem:v5+s15+$0x0] =	vst.idx.add.s32.msk $0xffff, v2  }
0x5c: {  	[tilespmem:v6+s16+$0x0] =	vst.idx.add.s32.msk $0xffff, v2  }
0x5d: {  	v5 =	vld.idx.msk [tilespmem:v7+s4+$0x0], $0xffff  }
0x5e: {  	v6 =	vld.idx.msk [tilespmem:v7+s14+$0x0], $0xffff;
	_ =	sdelay $0x3  }
.Ltmp7:
0x5f: {  	(pc) =	sbr.rel @!p1 .LBB2_11-.Ltmp7, $4  }
0x60: {  	v5 =	vshll.u32 v5, $0x4  }
0x61: {  	v5 =	vor.u32 v1, v5;
	v6 =	vshll.u32 v6, $0x4  }
0x62: {  	v6 =	vor.u32 v1, v6;
	v5 =	vand.u32 $0x1FF, v5  }
0x63: {  	v6 =	vand.u32 $0x1FF, v6  }
.LBB2_12:
0x64: {  	_ =	sdelay $0x3  }
0x65: {  	[tilespmem:v5+s15+$0x0] =	vst.idx.add.s32.msk $0xffff, v2  }
0x66: {  	[tilespmem:v6+s16+$0x0] =	vst.idx.add.s32.msk $0xffff, v2  }
.LBB2_5:
0x67: {  	s3 =	simm.s32 $0x0  }
0x68: {  	v13 =	vld [tilespmem:s3+$0x4400];
	_ =	sdelay $0x4  }
0x69: {  	(xrf0) =	vadd.scan.msk.s32 $0xffff, v13  }
0x6a: {  	v14 =	vld [tilespmem:s3+$0x2000];
	_ =	sdelay $0x1  }
0x6b: {  	s9 =	simm.s32 $0x10  }
0x6c: {  	v8 =	vld [tilespmem:s9+$0x4400]  }
0x6d: {  	s10 =	simm.s32 $0x20;
	v7 =	vld [tilespmem:s9+$0x2000]  }
0x6e: {  	v6 =	vld [tilespmem:s10+$0x4400];
	v15, _, _ =	vpop (xrf0);
	(xrf0) =	vadd.scan.msk.s32 $0xffff, v14  }
0x6f: {  	v5 =	vld [tilespmem:s10+$0x2000];
	_ =	sdelay $0x1  }
0x70: {  	(xrf0) =	vadd.scan.msk.s32 $0xffff, v8  }
0x71: {  	(xrf0) =	vadd.scan.msk.s32 $0xffff, v7  }
0x72: {  	(xrf0) =	vadd.scan.msk.s32 $0xffff, v6  }
0x73: {  	(v2sf) =	vpush v15, $0xF;
	(xrf0) =	vadd.scan.msk.s32 $0xffff, v5;
	v16, _, _ =	vpop (xrf0)  }
0x74: {  	s26 =	simm.s32 $0x0;
	(v2sf) =	vpush v16, $0xF  }
0x75: {  	v13 =	vsub.s32 s26, v13  }
0x76: {  	v14 =	vsub.s32 s26, v14;
	v12, _, _ =	vpop (xrf0)  }
0x77: {  	v9, _, _ =	vpop (xrf0);
	(v2sf) =	vpush v12, $0xF  }
0x78: {  	v15 =	vadd.s32 v15, v13;
	(v2sf) =	vpush v9, $0xF;
	v13, _, _ =	vpop (xrf0)  }
0x79: {  	v16 =	vadd.s32 v16, v14;
	v14, _, _ =	vpop (xrf0);
	(v2sf) =	vpush v13, $0xF  }
0x7a: {  	(v2sf) =	vpush v14, $0xF  }
0x7b: {  	s1 =	simm.s32 $0x30  }
0x7c: {  	v10 =	vld [tilespmem:s1+$0x4400]  }
0x7d: {  	v11 =	vld [tilespmem:s1+$0x2000];
	_ =	sdelay $0x3  }
0x7e: {  	s25 =	simm.s32 $0x40;
	[tilespmem:s3+$0x4600] =	vst v15;
	(xrf0) =	vadd.scan.msk.s32 $0xffff, v10  }
0x7f: {  	s5 =	simm.s32 $0x140;
	(xrf0) =	vadd.scan.msk.s32 $0xffff, v11;
	[tilespmem:s3+$0x2200] =	vst v16;
	s3 =	simm.s32 $0x0;
	s6 =	spop (v2sf)  }
.LBB2_6:
0x80: {  	p1 =	seq.s32 s5, $0x7C0;
	v15 =	vld [tilespmem:s25+$0x4400];
	s26 =	sadd.s32 s26, s6;
	s6 =	spop (v2sf)  }
0x81: {  	v16 =	vld [tilespmem:s25+$0x2000];
	v17 =	vsub.s32 s26, v8;
	s3 =	sadd.s32 s3, s6;
	v8 =	vmov v6;
	v6 =	vmov v10  }
.Ltmp8:
0x82: {  	v10 =	vsub.s32 s3, v7;
	v17 =	vadd.s32 v12, v17;
	v7 =	vmovc v5;
	v5 =	vmovc v11;
	v12 =	vmov v13;
	(pc) =	sbr.rel @!p1 .LBB2_6-.Ltmp8, $4  }
0x83: {  	v11 =	vadd.s32 v9, v10;
	[tilespmem:s9+$0x4600] =	vst v17;
	v9 =	vmov v14  }
0x84: {  	v13, _, _ =	vpop (xrf0);
	[tilespmem:s9+$0x2200] =	vst v11;
	s9 =	smov.u32 s10;
	s10 =	smov.u32 s1;
	s1 =	smov.u32 s25  }
0x85: {  	(xrf0) =	vadd.scan.msk.s32 $0xffff, v15;
	v14, _, _ =	vpop (xrf0);
	(v2sf) =	vpush v13, $0xF;
	v10 =	vmov v15  }
0x86: {  	s25 =	sshra.s32 s5, $0x2;
	s5 =	sadd.s32 $0x40, s5;
	(xrf0) =	vadd.scan.msk.s32 $0xffff, v16;
	(v2sf) =	vpush v14, $0xF;
	s6 =	spop (v2sf);
	v11 =	vmov v16  }
0x87: {  	v15 =	vld [tilespmem:s25+$0x4400]  }
0x88: {  	v16 =	vld [tilespmem:s25+$0x2000];
	_ =	sdelay $0x3  }
0x89: {  	(xrf0) =	vadd.scan.msk.s32 $0xffff, v15  }
0x8a: {  	(xrf0) =	vadd.scan.msk.s32 $0xffff, v16  }
0x8b: {  	v17, _, _ =	vpop (xrf0)  }
0x8c: {  	v18, _, _ =	vpop (xrf0);
	(v2sf) =	vpush v17, $0xF  }
0x8d: {  	(v2sf) =	vpush v18, $0xF;
	_ =	sdelay $0x1  }
0x8e: {  	v19, _, _ =	vpop (xrf0)  }
0x8f: {  	v20, _, _ =	vpop (xrf0);
	(v2sf) =	vpush v19, $0xF  }
0x90: {  	(v2sf) =	vpush v20, $0xF;
	_ =	sdelay $0x4  }
0x91: {  	s5 =	sadd.s32 s26, s6;
	s26 =	spop (v2sf)  }
0x92: {  	s3 =	sadd.s32 s3, s26;
	s26 =	spop (v2sf);
	v8 =	vsub.s32 s5, v8  }
0x93: {  	v8 =	vadd.s32 v12, v8;
	s5 =	sadd.s32 s5, s26;
	s26 =	spop (v2sf);
	v7 =	vsub.s32 s3, v7  }
0x94: {  	v7 =	vadd.s32 v9, v7;
	[tilespmem:s9+$0x4600] =	vst v8;
	v6 =	vsub.s32 s5, v6;
	s3 =	sadd.s32 s3, s26;
	s26 =	spop (v2sf)  }
0x95: {  	[tilespmem:s9+$0x2200] =	vst v7;
	v5 =	vsub.s32 s3, v5;
	v6 =	vadd.s32 v13, v6;
	s5 =	sadd.s32 s5, s26;
	s9 =	spop (v2sf)  }
0x96: {  	v5 =	vadd.s32 v14, v5;
	[tilespmem:s10+$0x4600] =	vst v6;
	v6 =	vsub.s32 s5, v10;
	s3 =	sadd.s32 s3, s9;
	s26 =	spop (v2sf)  }
.Ltmp9:
0x97: {  	[tilespmem:s10+$0x2200] =	vst v5;
	v5 =	vsub.s32 s3, v11;
	v6 =	vadd.s32 v17, v6;
	s5 =	sadd.s32 s5, s26;
	s9 =	spop (v2sf);
	(pc) =	sbr.rel @!p0 .LBB2_18-.Ltmp9, $4  }
0x98: {  	v5 =	vadd.s32 v18, v5;
	[tilespmem:s1+$0x4600] =	vst v6;
	v6 =	vsub.s32 s5, v15;
	s3 =	sadd.s32 s3, s9  }
0x99: {  	[tilespmem:s1+$0x2200] =	vst v5;
	v5 =	vsub.s32 s3, v16;
	v6 =	vadd.s32 v19, v6  }
0x9a: {  	v5 =	vadd.s32 v20, v5;
	[tilespmem:s25+$0x4600] =	vst v6;
	s10 =	spop (v2sf)  }
0x9b: {  	[tilespmem:s25+$0x2200] =	vst v5;
	s26 =	spop (v2sf)  }
0x9c: {  	p2 =	seq.s32 s31, $0x1  }
.Ltmp10:
0x9d: {  	_ = 	snop;
	(pc) =	sbr.rel @p2 .LBB2_9-.Ltmp10, $3  }
0x9e: {  	_ =	sdelay $0x1  }
0x9f: {  	s3 =	simm.s32 $0x0  }
0xa0: {  	s1 =	simm.s32 $0x1;
	p1 =	por $0x0, $0x0;
	v8 =	vadd.s32 s3, v4  }
0xa1: {  	_ =	sdelay $0x3  }
0xa2: {  	v5 =	vld.idx.msk [tilespmem:v8+s4+$0x0], $0xffff  }
0xa3: {  	v7 =	vld.idx.msk [tilespmem:v8+s14+$0x0], $0xffff;
	_ =	sdelay $0x3  }
0xa4: {  	v6 =	vshll.u32 v5, $0x4  }
0xa5: {  	v9 =	vshll.u32 v7, $0x4;
	v6 =	vor.u32 v1, v6  }
0xa6: {  	v9 =	vor.u32 v1, v9;
	v10 =	vand.u32 $0x1FF, v6  }
0xa7: {  	v6 =	vand.u32 $0x1FF, v9;
	_ =	sdelay $0x3  }
0xa8: {  	v9 =	vld.idx.msk [tilespmem:v10+s17+$0x0], $0xffff  }
0xa9: {  	v11 =	vld.idx.msk [tilespmem:v6+s18+$0x0], $0xffff;
	_ =	sdelay $0x5  }
0xaa: {  	p2 =	seq.s32 s31, $0x2  }
.Ltmp11:
0xab: {  	[tilespmem:v9+s19+$0x0] =	vst.idx.msk $0xffff, v5;
	(pc) =	sbr.rel @p2 .LBB2_14-.Ltmp11, $4  }
0xac: {  	v5 =	vadd.s32 $0x1, v9;
	[tilespmem:v11+s20+$0x0] =	vst.idx.msk $0xffff, v7;
	v7 =	vadd.s32 s1, v4  }
0xad: {  	[tilespmem:v9+s21+$0x0] =	vst.idx.msk $0xffff, v8  }
0xae: {  	[tilespmem:v11+s22+$0x0] =	vst.idx.msk $0xffff, v8  }
0xaf: {  	p1 =	por $0x1, $0x1;
	s1 =	simm.s32 $0x2;
	v9 =	vadd.s32 $0x1, v11;
	[tilespmem:v10+s17+$0x0] =	vst.idx.msk $0xffff, v5;
	v5 =	vmov v7  }
.LBB2_15:
0xb0: {  	[tilespmem:v6+s18+$0x0] =	vst.idx.msk $0xffff, v9;
	s3 =	smov.u32 s1;
	s1 =	sadd.s32 $0x1, s1  }
0xb1: {  	p2 =	seq.s32 s31, s1;
	v8 =	vld.idx.msk [tilespmem:v7+s4+$0x0], $0xffff  }
0xb2: {  	v9 =	vld.idx.msk [tilespmem:v7+s14+$0x0], $0xffff;
	_ =	sdelay $0x4  }
0xb3: {  	v6 =	vshll.u32 v8, $0x4  }
0xb4: {  	v6 =	vor.u32 v1, v6;
	v7 =	vshll.u32 v9, $0x4  }
0xb5: {  	v7 =	vor.u32 v1, v7;
	v10 =	vand.u32 $0x1FF, v6  }
0xb6: {  	v6 =	vand.u32 $0x1FF, v7;
	_ =	sdelay $0x3  }
0xb7: {  	v11 =	vld.idx.msk [tilespmem:v10+s17+$0x0], $0xffff  }
0xb8: {  	v12 =	vld.idx.msk [tilespmem:v6+s18+$0x0], $0xffff;
	_ =	sdelay $0x6  }
.Ltmp12:
0xb9: {  	[tilespmem:v11+s19+$0x0] =	vst.idx.msk $0xffff, v8;
	(pc) =	sbr.rel @!p2 .LBB2_15-.Ltmp12, $4  }
0xba: {  	v7 =	vadd.s32 s3, v4;
	[tilespmem:v12+s20+$0x0] =	vst.idx.msk $0xffff, v9  }
0xbb: {  	[tilespmem:v11+s21+$0x0] =	vst.idx.msk $0xffff, v5  }
0xbc: {  	v8 =	vadd.s32 $0x1, v11;
	[tilespmem:v12+s22+$0x0] =	vst.idx.msk $0xffff, v5;
	v5 =	vmov v7  }
0xbd: {  	v9 =	vadd.s32 $0x1, v12;
	[tilespmem:v10+s17+$0x0] =	vst.idx.msk $0xffff, v8  }
0xbe: {  	v8 =	vmov v7  }
.LBB2_17:
0xbf: {  	_ =	sdelay $0x3  }
0xc0: {  	[tilespmem:v6+s18+$0x0] =	vst.idx.msk @p1 $0xffff, v9  }
0xc1: {  	v6 =	vld.idx.msk [tilespmem:v8+s4+$0x0], $0xffff  }
0xc2: {  	v7 =	vld.idx.msk [tilespmem:v8+s14+$0x0], $0xffff;
	_ =	sdelay $0x3  }
0xc3: {  	v62 =	vshll.u32 v6, $0x4  }
0xc4: {  	v63 =	vshll.u32 v7, $0x4;
	v8 =	vor.u32 v1, v62  }
0xc5: {  	v9 =	vor.u32 v1, v63;
	v8 =	vand.u32 $0x1FF, v8  }
0xc6: {  	v9 =	vand.u32 $0x1FF, v9;
	_ =	sdelay $0x3  }
0xc7: {  	v10 =	vld.idx.msk [tilespmem:v8+s17+$0x0], $0xffff  }
0xc8: {  	v11 =	vld.idx.msk [tilespmem:v9+s18+$0x0], $0xffff;
	_ =	sdelay $0x6  }
0xc9: {  	[tilespmem:v10+s19+$0x0] =	vst.idx.msk $0xffff, v6  }
0xca: {  	[tilespmem:v11+s20+$0x0] =	vst.idx.msk $0xffff, v7  }
0xcb: {  	[tilespmem:v10+s21+$0x0] =	vst.idx.msk $0xffff, v5  }
0xcc: {  	[tilespmem:v11+s22+$0x0] =	vst.idx.msk $0xffff, v5;
	v5 =	vadd.s32 $0x1, v10  }
0xcd: {  	[tilespmem:v8+s17+$0x0] =	vst.idx.msk $0xffff, v5;
	v5 =	vadd.s32 $0x1, v11  }
0xce: {  	[tilespmem:v9+s18+$0x0] =	vst.idx.msk $0xffff, v5  }
.LBB2_18:
0xcf: {  	s1 =	simm.s32 $0x40;
	s3 =	simm.s32 $0x0  }
.LBB2_19:
0xd0: {  	p1 =	seq.s32 s1, $0x7C0;
	[tilespmem:s3+$0x2000] =	vst v0;
	s5 =	smov.u32 s1;
	s1 =	sadd.s32 $0x40, s1  }
.Ltmp13:
0xd1: {  	[tilespmem:s3+$0x4400] =	vst v0;
	(pc) =	sbr.rel @!p1 .LBB2_19-.Ltmp13, $2  }
0xd2: {  	_ =	sdelay $0x2  }
0xd3: {  	s3 =	sshra.s32 s5, $0x2  }
.Ltmp14:
0xd4: {  	(pc) =	sbr.rel @!p0 .LBB2_21-.Ltmp14, $3  }
0xd5: {  	_ =	sdelay $0x1  }
0xd6: {  	[tilespmem:s3+$0x2000] =	vst v0  }
0xd7: {  	[tilespmem:s3+$0x4400] =	vst v0  }
0xd8: {  	s1 =	simm.s32 $0x0  }
0xd9: {  	v5 =	vadd.s32 s1, v4;
	_ =	sdelay $0x4  }
0xda: {  	v6 =	vld.idx.msk [tilespmem:v5+s19+$0x0], $0xffff  }
0xdb: {  	v5 =	vld.idx.msk [tilespmem:v5+s20+$0x0], $0xffff;
	_ =	sdelay $0x1  }
0xdc: {  	p1 =	seq.s32 s31, $0x1  }
.Ltmp15:
0xdd: {  	_ = 	snop;
	(pc) =	sbr.rel @p1 .LBB2_28-.Ltmp15, $4  }
0xde: {  	v6 =	vshrl.u32 v6, $0x1  }
0xdf: {  	v5 =	vshrl.u32 v5, $0x1;
	v6 =	vand.u32 $0x1F0, v6  }
0xe0: {  	v7 =	vand.u32 $0x1F0, v5;
	v5 =	vor.u32 v1, v6  }
0xe1: {  	s1 =	simm.s32 $0x1;
	v6 =	vor.u32 v1, v7  }
.LBB2_27:
0xe2: {  	v7 =	vadd.s32 s1, v4  }
0xe3: {  	s1 =	sadd.s32 $0x1, s1  }
0xe4: {  	p1 =	seq.s32 s31, s1  }
0xe5: {  	[tilespmem:v5+s15+$0x0] =	vst.idx.add.s32.msk $0xffff, v2  }
0xe6: {  	[tilespmem:v6+s16+$0x0] =	vst.idx.add.s32.msk $0xffff, v2  }
0xe7: {  	v5 =	vld.idx.msk [tilespmem:v7+s19+$0x0], $0xffff  }
0xe8: {  	v6 =	vld.idx.msk [tilespmem:v7+s20+$0x0], $0xffff;
	_ =	sdelay $0x3  }
.Ltmp16:
0xe9: {  	(pc) =	sbr.rel @!p1 .LBB2_27-.Ltmp16, $4  }
0xea: {  	v5 =	vshrl.u32 v5, $0x1  }
0xeb: {  	v6 =	vshrl.u32 v6, $0x1;
	v5 =	vand.u32 $0x1F0, v5  }
0xec: {  	v5 =	vor.u32 v1, v5;
	v6 =	vand.u32 $0x1F0, v6  }
0xed: {  	v6 =	vor.u32 v1, v6  }
.LBB2_28:
0xee: {  	_ =	sdelay $0x3  }
0xef: {  	[tilespmem:v5+s15+$0x0] =	vst.idx.add.s32.msk $0xffff, v2  }
0xf0: {  	[tilespmem:v6+s16+$0x0] =	vst.idx.add.s32.msk $0xffff, v2  }
.LBB2_21:
0xf1: {  	s3 =	simm.s32 $0x0  }
0xf2: {  	v13 =	vld [tilespmem:s3+$0x4400];
	_ =	sdelay $0x4  }
0xf3: {  	(xrf0) =	vadd.scan.msk.s32 $0xffff, v13  }
0xf4: {  	v14 =	vld [tilespmem:s3+$0x2000];
	_ =	sdelay $0x1  }
0xf5: {  	s9 =	simm.s32 $0x10  }
0xf6: {  	v8 =	vld [tilespmem:s9+$0x4400]  }
0xf7: {  	s10 =	simm.s32 $0x20;
	v7 =	vld [tilespmem:s9+$0x2000]  }
0xf8: {  	v6 =	vld [tilespmem:s10+$0x4400];
	v15, _, _ =	vpop (xrf0);
	(xrf0) =	vadd.scan.msk.s32 $0xffff, v14  }
0xf9: {  	v5 =	vld [tilespmem:s10+$0x2000];
	_ =	sdelay $0x1  }
0xfa: {  	(xrf0) =	vadd.scan.msk.s32 $0xffff, v8  }
0xfb: {  	(xrf0) =	vadd.scan.msk.s32 $0xffff, v7  }
0xfc: {  	(xrf0) =	vadd.scan.msk.s32 $0xffff, v6  }
0xfd: {  	(v2sf) =	vpush v15, $0xF;
	(xrf0) =	vadd.scan.msk.s32 $0xffff, v5;
	v16, _, _ =	vpop (xrf0)  }
0xfe: {  	s26 =	simm.s32 $0x0;
	(v2sf) =	vpush v16, $0xF  }
0xff: {  	v13 =	vsub.s32 s26, v13  }
0x100: {  	v14 =	vsub.s32 s26, v14;
	v12, _, _ =	vpop (xrf0)  }
0x101: {  	v9, _, _ =	vpop (xrf0);
	(v2sf) =	vpush v12, $0xF  }
0x102: {  	v15 =	vadd.s32 v15, v13;
	(v2sf) =	vpush v9, $0xF;
	v13, _, _ =	vpop (xrf0)  }
0x103: {  	v16 =	vadd.s32 v16, v14;
	v14, _, _ =	vpop (xrf0);
	(v2sf) =	vpush v13, $0xF  }
0x104: {  	(v2sf) =	vpush v14, $0xF  }
0x105: {  	s1 =	simm.s32 $0x30  }
0x106: {  	v10 =	vld [tilespmem:s1+$0x4400]  }
0x107: {  	v11 =	vld [tilespmem:s1+$0x2000];
	_ =	sdelay $0x3  }
0x108: {  	s25 =	simm.s32 $0x40;
	[tilespmem:s3+$0x4600] =	vst v15;
	(xrf0) =	vadd.scan.msk.s32 $0xffff, v10  }
0x109: {  	s5 =	simm.s32 $0x140;
	(xrf0) =	vadd.scan.msk.s32 $0xffff, v11;
	[tilespmem:s3+$0x2200] =	vst v16;
	s3 =	simm.s32 $0x0;
	s6 =	spop (v2sf)  }
.LBB2_22:
0x10a: {  	p1 =	seq.s32 s5, $0x7C0;
	v15 =	vld [tilespmem:s25+$0x4400];
	s26 =	sadd.s32 s26, s6;
	s6 =	spop (v2sf)  }
0x10b: {  	v16 =	vld [tilespmem:s25+$0x2000];
	v17 =	vsub.s32 s26, v8;
	s3 =	sadd.s32 s3, s6;
	v8 =	vmov v6;
	v6 =	vmov v10  }
.Ltmp17:
0x10c: {  	v10 =	vsub.s32 s3, v7;
	v17 =	vadd.s32 v12, v17;
	v7 =	vmovc v5;
	v5 =	vmovc v11;
	v12 =	vmov v13;
	(pc) =	sbr.rel @!p1 .LBB2_22-.Ltmp17, $4  }
0x10d: {  	v11 =	vadd.s32 v9, v10;
	[tilespmem:s9+$0x4600] =	vst v17;
	v9 =	vmov v14  }
0x10e: {  	v13, _, _ =	vpop (xrf0);
	[tilespmem:s9+$0x2200] =	vst v11;
	s9 =	smov.u32 s10;
	s10 =	smov.u32 s1;
	s1 =	smov.u32 s25  }
0x10f: {  	(xrf0) =	vadd.scan.msk.s32 $0xffff, v15;
	v14, _, _ =	vpop (xrf0);
	(v2sf) =	vpush v13, $0xF;
	v10 =	vmov v15  }
0x110: {  	s25 =	sshra.s32 s5, $0x2;
	s5 =	sadd.s32 $0x40, s5;
	(xrf0) =	vadd.scan.msk.s32 $0xffff, v16;
	(v2sf) =	vpush v14, $0xF;
	s6 =	spop (v2sf);
	v11 =	vmov v16  }
0x111: {  	v15 =	vld [tilespmem:s25+$0x4400]  }
0x112: {  	v16 =	vld [tilespmem:s25+$0x2000];
	_ =	sdelay $0x3  }
0x113: {  	(xrf0) =	vadd.scan.msk.s32 $0xffff, v15  }
0x114: {  	(xrf0) =	vadd.scan.msk.s32 $0xffff, v16  }
0x115: {  	v17, _, _ =	vpop (xrf0)  }
0x116: {  	v18, _, _ =	vpop (xrf0);
	(v2sf) =	vpush v17, $0xF  }
0x117: {  	(v2sf) =	vpush v18, $0xF;
	_ =	sdelay $0x1  }
0x118: {  	v19, _, _ =	vpop (xrf0)  }
0x119: {  	v20, _, _ =	vpop (xrf0);
	(v2sf) =	vpush v19, $0xF  }
0x11a: {  	(v2sf) =	vpush v20, $0xF;
	_ =	sdelay $0x4  }
0x11b: {  	s5 =	sadd.s32 s26, s6;
	s26 =	spop (v2sf)  }
0x11c: {  	s3 =	sadd.s32 s3, s26;
	s26 =	spop (v2sf);
	v8 =	vsub.s32 s5, v8  }
0x11d: {  	v8 =	vadd.s32 v12, v8;
	s5 =	sadd.s32 s5, s26;
	s26 =	spop (v2sf);
	v7 =	vsub.s32 s3, v7  }
0x11e: {  	v7 =	vadd.s32 v9, v7;
	[tilespmem:s9+$0x4600] =	vst v8;
	v6 =	vsub.s32 s5, v6;
	s3 =	sadd.s32 s3, s26;
	s26 =	spop (v2sf)  }
0x11f: {  	[tilespmem:s9+$0x2200] =	vst v7;
	v5 =	vsub.s32 s3, v5;
	v6 =	vadd.s32 v13, v6;
	s5 =	sadd.s32 s5, s26;
	s9 =	spop (v2sf)  }
0x120: {  	v5 =	vadd.s32 v14, v5;
	[tilespmem:s10+$0x4600] =	vst v6;
	v6 =	vsub.s32 s5, v10;
	s3 =	sadd.s32 s3, s9;
	s26 =	spop (v2sf)  }
.Ltmp18:
0x121: {  	[tilespmem:s10+$0x2200] =	vst v5;
	v5 =	vsub.s32 s3, v11;
	v6 =	vadd.s32 v17, v6;
	s5 =	sadd.s32 s5, s26;
	s9 =	spop (v2sf);
	(pc) =	sbr.rel @!p0 .LBB2_32-.Ltmp18, $4  }
0x122: {  	v5 =	vadd.s32 v18, v5;
	[tilespmem:s1+$0x4600] =	vst v6;
	v6 =	vsub.s32 s5, v15;
	s3 =	sadd.s32 s3, s9  }
0x123: {  	[tilespmem:s1+$0x2200] =	vst v5;
	v5 =	vsub.s32 s3, v16;
	v6 =	vadd.s32 v19, v6  }
0x124: {  	v5 =	vadd.s32 v20, v5;
	[tilespmem:s25+$0x4600] =	vst v6;
	s10 =	spop (v2sf)  }
0x125: {  	[tilespmem:s25+$0x2200] =	vst v5;
	s26 =	spop (v2sf)  }
0x126: {  	p2 =	seq.s32 s31, $0x1  }
.Ltmp19:
0x127: {  	_ = 	snop;
	(pc) =	sbr.rel @p2 .LBB2_25-.Ltmp19, $3  }
0x128: {  	_ =	sdelay $0x1  }
0x129: {  	s1 =	simm.s32 $0x0  }
0x12a: {  	s3 =	simm.s32 $0x1;
	p1 =	por $0x0, $0x0;
	v5 =	vadd.s32 s1, v4  }
0x12b: {  	_ =	sdelay $0x3  }
0x12c: {  	v7 =	vld.idx.msk [tilespmem:v5+s19+$0x0], $0xffff  }
0x12d: {  	v8 =	vld.idx.msk [tilespmem:v5+s20+$0x0], $0xffff;
	_ =	sdelay $0x3  }
0x12e: {  	v6 =	vshrl.u32 v7, $0x1  }
0x12f: {  	v9 =	vshrl.u32 v8, $0x1;
	v6 =	vand.u32 $0x1F0, v6  }
0x130: {  	v10 =	vor.u32 v1, v6;
	v6 =	vand.u32 $0x1F0, v9  }
0x131: {  	v6 =	vor.u32 v1, v6;
	_ =	sdelay $0x3  }
0x132: {  	v63 =	vld.idx.msk [tilespmem:v10+s17+$0x0], $0xffff  }
0x133: {  	v11 =	vld.idx.msk [tilespmem:v6+s18+$0x0], $0xffff;
	_ =	sdelay $0x3  }
0x134: {  	v12 =	vld.idx.msk [tilespmem:v5+s21+$0x0], $0xffff  }
0x135: {  	v5 =	vld.idx.msk [tilespmem:v5+s22+$0x0], $0xffff;
	_ =	sdelay $0x1  }
0x136: {  	[tilespmem:v63+s4+$0x0] =	vst.idx.msk $0xffff, v7  }
0x137: {  	p2 =	seq.s32 s31, $0x2;
	[tilespmem:v11+s14+$0x0] =	vst.idx.msk $0xffff, v8  }
.Ltmp20:
0x138: {  	[tilespmem:v63+s23+$0x0] =	vst.idx.msk $0xffff, v12;
	(pc) =	sbr.rel @p2 .LBB2_31-.Ltmp20, $3  }
0x139: {  	[tilespmem:v11+s24+$0x0] =	vst.idx.msk $0xffff, v5;
	v5 =	vadd.s32 s3, v4;
	_ =	sdelay $0x1  }
0x13a: {  	v7 =	vadd.s32 $0x1, v63  }
0x13b: {  	s1 =	simm.s32 $0x2;
	p1 =	por $0x1, $0x1;
	[tilespmem:v10+s17+$0x0] =	vst.idx.msk $0xffff, v7;
	v7 =	vadd.s32 $0x1, v11  }
.LBB2_30:
0x13c: {  	[tilespmem:v6+s18+$0x0] =	vst.idx.msk $0xffff, v7;
	s3 =	smov.u32 s1;
	s1 =	sadd.s32 $0x1, s1  }
0x13d: {  	p2 =	seq.s32 s31, s1;
	v7 =	vld.idx.msk [tilespmem:v5+s19+$0x0], $0xffff  }
0x13e: {  	v8 =	vld.idx.msk [tilespmem:v5+s20+$0x0], $0xffff;
	_ =	sdelay $0x4  }
0x13f: {  	v6 =	vshrl.u32 v7, $0x1  }
0x140: {  	v9 =	vshrl.u32 v8, $0x1;
	v6 =	vand.u32 $0x1F0, v6  }
0x141: {  	v10 =	vor.u32 v1, v6;
	v6 =	vand.u32 $0x1F0, v9  }
0x142: {  	v6 =	vor.u32 v1, v6;
	_ =	sdelay $0x3  }
0x143: {  	v9 =	vld.idx.msk [tilespmem:v10+s17+$0x0], $0xffff  }
0x144: {  	v11 =	vld.idx.msk [tilespmem:v6+s18+$0x0], $0xffff;
	_ =	sdelay $0x2  }
0x145: {  	v12 =	vld.idx.msk [tilespmem:v5+s21+$0x0], $0xffff  }
0x146: {  	v13 =	vld.idx.msk [tilespmem:v5+s22+$0x0], $0xffff;
	_ =	sdelay $0x2  }
.Ltmp21:
0x147: {  	[tilespmem:v9+s4+$0x0] =	vst.idx.msk $0xffff, v7;
	(pc) =	sbr.rel @!p2 .LBB2_30-.Ltmp21, $4  }
0x148: {  	v5 =	vadd.s32 s3, v4;
	[tilespmem:v11+s14+$0x0] =	vst.idx.msk $0xffff, v8  }
0x149: {  	[tilespmem:v9+s23+$0x0] =	vst.idx.msk $0xffff, v12  }
0x14a: {  	v7 =	vadd.s32 $0x1, v9;
	[tilespmem:v11+s24+$0x0] =	vst.idx.msk $0xffff, v13  }
0x14b: {  	[tilespmem:v10+s17+$0x0] =	vst.idx.msk $0xffff, v7;
	v7 =	vadd.s32 $0x1, v11  }
.LBB2_31:
0x14c: {  	_ =	sdelay $0x3  }
0x14d: {  	[tilespmem:v6+s18+$0x0] =	vst.idx.msk @p1 $0xffff, v7  }
0x14e: {  	v6 =	vld.idx.msk [tilespmem:v5+s19+$0x0], $0xffff  }
0x14f: {  	v7 =	vld.idx.msk [tilespmem:v5+s20+$0x0], $0xffff;
	_ =	sdelay $0x3  }
0x150: {  	v8 =	vshrl.u32 v6, $0x1  }
0x151: {  	v9 =	vshrl.u32 v7, $0x1;
	v8 =	vand.u32 $0x1F0, v8  }
0x152: {  	v9 =	vand.u32 $0x1F0, v9;
	v8 =	vor.u32 v1, v8  }
0x153: {  	v9 =	vor.u32 v1, v9;
	_ =	sdelay $0x3  }
0x154: {  	v10 =	vld.idx.msk [tilespmem:v8+s17+$0x0], $0xffff  }
0x155: {  	v11 =	vld.idx.msk [tilespmem:v9+s18+$0x0], $0xffff;
	_ =	sdelay $0x3  }
0x156: {  	v12 =	vld.idx.msk [tilespmem:v5+s21+$0x0], $0xffff  }
0x157: {  	v5 =	vld.idx.msk [tilespmem:v5+s22+$0x0], $0xffff;
	_ =	sdelay $0x1  }
0x158: {  	[tilespmem:v10+s4+$0x0] =	vst.idx.msk $0xffff, v6  }
0x159: {  	[tilespmem:v11+s14+$0x0] =	vst.idx.msk $0xffff, v7  }
0x15a: {  	[tilespmem:v10+s23+$0x0] =	vst.idx.msk $0xffff, v12  }
0x15b: {  	[tilespmem:v11+s24+$0x0] =	vst.idx.msk $0xffff, v5;
	v5 =	vadd.s32 $0x1, v10  }
0x15c: {  	[tilespmem:v8+s17+$0x0] =	vst.idx.msk $0xffff, v5;
	v5 =	vadd.s32 $0x1, v11  }
0x15d: {  	[tilespmem:v9+s18+$0x0] =	vst.idx.msk $0xffff, v5  }
.LBB2_32:
0x15e: {  	s1 =	simm.s32 $0x40;
	s3 =	simm.s32 $0x0  }
.LBB2_33:
0x15f: {  	p1 =	seq.s32 s1, $0x7C0;
	[tilespmem:s3+$0x2000] =	vst v0;
	s5 =	smov.u32 s1;
	s1 =	sadd.s32 $0x40, s1  }
.Ltmp22:
0x160: {  	[tilespmem:s3+$0x4400] =	vst v0;
	(pc) =	sbr.rel @!p1 .LBB2_33-.Ltmp22, $2  }
0x161: {  	_ =	sdelay $0x2  }
0x162: {  	s3 =	sshra.s32 s5, $0x2  }
.Ltmp23:
0x163: {  	(pc) =	sbr.rel @!p0 .LBB2_35-.Ltmp23, $3  }
0x164: {  	_ =	sdelay $0x1  }
0x165: {  	[tilespmem:s3+$0x2000] =	vst v0  }
0x166: {  	[tilespmem:s3+$0x4400] =	vst v0  }
0x167: {  	s1 =	simm.s32 $0x0  }
0x168: {  	v5 =	vadd.s32 s1, v4;
	_ =	sdelay $0x4  }
0x169: {  	v6 =	vld.idx.msk [tilespmem:v5+s4+$0x0], $0xffff  }
0x16a: {  	v5 =	vld.idx.msk [tilespmem:v5+s14+$0x0], $0xffff;
	_ =	sdelay $0x1  }
0x16b: {  	p1 =	seq.s32 s31, $0x1  }
.Ltmp24:
0x16c: {  	_ = 	snop;
	(pc) =	sbr.rel @p1 .LBB2_42-.Ltmp24, $4  }
0x16d: {  	v6 =	vshrl.u32 v6, $0x6  }
0x16e: {  	v5 =	vshrl.u32 v5, $0x6;
	v6 =	vand.u32 $0x1F0, v6  }
0x16f: {  	v7 =	vand.u32 $0x1F0, v5;
	v5 =	vor.u32 v1, v6  }
0x170: {  	s1 =	simm.s32 $0x1;
	v6 =	vor.u32 v1, v7  }
.LBB2_41:
0x171: {  	v7 =	vadd.s32 s1, v4  }
0x172: {  	s1 =	sadd.s32 $0x1, s1  }
0x173: {  	p1 =	seq.s32 s31, s1  }
0x174: {  	[tilespmem:v5+s15+$0x0] =	vst.idx.add.s32.msk $0xffff, v2  }
0x175: {  	[tilespmem:v6+s16+$0x0] =	vst.idx.add.s32.msk $0xffff, v2  }
0x176: {  	v5 =	vld.idx.msk [tilespmem:v7+s4+$0x0], $0xffff  }
0x177: {  	v6 =	vld.idx.msk [tilespmem:v7+s14+$0x0], $0xffff;
	_ =	sdelay $0x3  }
.Ltmp25:
0x178: {  	(pc) =	sbr.rel @!p1 .LBB2_41-.Ltmp25, $4  }
0x179: {  	v5 =	vshrl.u32 v5, $0x6  }
0x17a: {  	v6 =	vshrl.u32 v6, $0x6;
	v5 =	vand.u32 $0x1F0, v5  }
0x17b: {  	v5 =	vor.u32 v1, v5;
	v6 =	vand.u32 $0x1F0, v6  }
0x17c: {  	v6 =	vor.u32 v1, v6  }
.LBB2_42:
0x17d: {  	_ =	sdelay $0x3  }
0x17e: {  	[tilespmem:v5+s15+$0x0] =	vst.idx.add.s32.msk $0xffff, v2  }
0x17f: {  	[tilespmem:v6+s16+$0x0] =	vst.idx.add.s32.msk $0xffff, v2  }
.LBB2_35:
0x180: {  	s3 =	simm.s32 $0x0  }
0x181: {  	v13 =	vld [tilespmem:s3+$0x4400];
	_ =	sdelay $0x4  }
0x182: {  	(xrf0) =	vadd.scan.msk.s32 $0xffff, v13  }
0x183: {  	v14 =	vld [tilespmem:s3+$0x2000];
	_ =	sdelay $0x1  }
0x184: {  	s9 =	simm.s32 $0x10  }
0x185: {  	v8 =	vld [tilespmem:s9+$0x4400]  }
0x186: {  	s10 =	simm.s32 $0x20;
	v7 =	vld [tilespmem:s9+$0x2000]  }
0x187: {  	v6 =	vld [tilespmem:s10+$0x4400];
	v15, _, _ =	vpop (xrf0);
	(xrf0) =	vadd.scan.msk.s32 $0xffff, v14  }
0x188: {  	v5 =	vld [tilespmem:s10+$0x2000];
	_ =	sdelay $0x1  }
0x189: {  	(xrf0) =	vadd.scan.msk.s32 $0xffff, v8  }
0x18a: {  	(xrf0) =	vadd.scan.msk.s32 $0xffff, v7  }
0x18b: {  	(xrf0) =	vadd.scan.msk.s32 $0xffff, v6  }
0x18c: {  	(v2sf) =	vpush v15, $0xF;
	(xrf0) =	vadd.scan.msk.s32 $0xffff, v5;
	v16, _, _ =	vpop (xrf0)  }
0x18d: {  	s26 =	simm.s32 $0x0;
	(v2sf) =	vpush v16, $0xF  }
0x18e: {  	v13 =	vsub.s32 s26, v13  }
0x18f: {  	v14 =	vsub.s32 s26, v14;
	v12, _, _ =	vpop (xrf0)  }
0x190: {  	v9, _, _ =	vpop (xrf0);
	(v2sf) =	vpush v12, $0xF  }
0x191: {  	v15 =	vadd.s32 v15, v13;
	(v2sf) =	vpush v9, $0xF;
	v13, _, _ =	vpop (xrf0)  }
0x192: {  	v16 =	vadd.s32 v16, v14;
	v14, _, _ =	vpop (xrf0);
	(v2sf) =	vpush v13, $0xF  }
0x193: {  	(v2sf) =	vpush v14, $0xF  }
0x194: {  	s1 =	simm.s32 $0x30  }
0x195: {  	v10 =	vld [tilespmem:s1+$0x4400]  }
0x196: {  	v11 =	vld [tilespmem:s1+$0x2000];
	_ =	sdelay $0x3  }
0x197: {  	s25 =	simm.s32 $0x40;
	[tilespmem:s3+$0x4600] =	vst v15;
	(xrf0) =	vadd.scan.msk.s32 $0xffff, v10  }
0x198: {  	s5 =	simm.s32 $0x140;
	(xrf0) =	vadd.scan.msk.s32 $0xffff, v11;
	[tilespmem:s3+$0x2200] =	vst v16;
	s3 =	simm.s32 $0x0;
	s6 =	spop (v2sf)  }
.LBB2_36:
0x199: {  	p1 =	seq.s32 s5, $0x7C0;
	v15 =	vld [tilespmem:s25+$0x4400];
	s26 =	sadd.s32 s26, s6;
	s6 =	spop (v2sf)  }
0x19a: {  	v16 =	vld [tilespmem:s25+$0x2000];
	v17 =	vsub.s32 s26, v8;
	s3 =	sadd.s32 s3, s6;
	v8 =	vmov v6;
	v6 =	vmov v10  }
.Ltmp26:
0x19b: {  	v10 =	vsub.s32 s3, v7;
	v17 =	vadd.s32 v12, v17;
	v7 =	vmovc v5;
	v5 =	vmovc v11;
	v12 =	vmov v13;
	(pc) =	sbr.rel @!p1 .LBB2_36-.Ltmp26, $4  }
0x19c: {  	v11 =	vadd.s32 v9, v10;
	[tilespmem:s9+$0x4600] =	vst v17;
	v9 =	vmov v14  }
0x19d: {  	v13, _, _ =	vpop (xrf0);
	[tilespmem:s9+$0x2200] =	vst v11;
	s9 =	smov.u32 s10;
	s10 =	smov.u32 s1;
	s1 =	smov.u32 s25  }
0x19e: {  	(xrf0) =	vadd.scan.msk.s32 $0xffff, v15;
	v14, _, _ =	vpop (xrf0);
	(v2sf) =	vpush v13, $0xF;
	v10 =	vmov v15  }
0x19f: {  	s25 =	sshra.s32 s5, $0x2;
	s5 =	sadd.s32 $0x40, s5;
	(xrf0) =	vadd.scan.msk.s32 $0xffff, v16;
	(v2sf) =	vpush v14, $0xF;
	s6 =	spop (v2sf);
	v11 =	vmov v16  }
0x1a0: {  	v15 =	vld [tilespmem:s25+$0x4400]  }
0x1a1: {  	v16 =	vld [tilespmem:s25+$0x2000];
	_ =	sdelay $0x3  }
0x1a2: {  	(xrf0) =	vadd.scan.msk.s32 $0xffff, v15  }
0x1a3: {  	(xrf0) =	vadd.scan.msk.s32 $0xffff, v16  }
0x1a4: {  	v17, _, _ =	vpop (xrf0)  }
0x1a5: {  	v18, _, _ =	vpop (xrf0);
	(v2sf) =	vpush v17, $0xF  }
0x1a6: {  	(v2sf) =	vpush v18, $0xF;
	_ =	sdelay $0x1  }
0x1a7: {  	v19, _, _ =	vpop (xrf0)  }
0x1a8: {  	v20, _, _ =	vpop (xrf0);
	(v2sf) =	vpush v19, $0xF  }
0x1a9: {  	(v2sf) =	vpush v20, $0xF;
	_ =	sdelay $0x4  }
0x1aa: {  	s5 =	sadd.s32 s26, s6;
	s26 =	spop (v2sf)  }
0x1ab: {  	s3 =	sadd.s32 s3, s26;
	s26 =	spop (v2sf);
	v8 =	vsub.s32 s5, v8  }
0x1ac: {  	v8 =	vadd.s32 v12, v8;
	s5 =	sadd.s32 s5, s26;
	s26 =	spop (v2sf);
	v7 =	vsub.s32 s3, v7  }
0x1ad: {  	v7 =	vadd.s32 v9, v7;
	[tilespmem:s9+$0x4600] =	vst v8;
	v6 =	vsub.s32 s5, v6;
	s3 =	sadd.s32 s3, s26;
	s26 =	spop (v2sf)  }
0x1ae: {  	[tilespmem:s9+$0x2200] =	vst v7;
	v5 =	vsub.s32 s3, v5;
	v6 =	vadd.s32 v13, v6;
	s5 =	sadd.s32 s5, s26;
	s9 =	spop (v2sf)  }
0x1af: {  	v5 =	vadd.s32 v14, v5;
	[tilespmem:s10+$0x4600] =	vst v6;
	v6 =	vsub.s32 s5, v10;
	s3 =	sadd.s32 s3, s9;
	s26 =	spop (v2sf)  }
.Ltmp27:
0x1b0: {  	[tilespmem:s10+$0x2200] =	vst v5;
	v5 =	vsub.s32 s3, v11;
	v6 =	vadd.s32 v17, v6;
	s5 =	sadd.s32 s5, s26;
	s9 =	spop (v2sf);
	(pc) =	sbr.rel @!p0 .LBB2_46-.Ltmp27, $4  }
0x1b1: {  	v5 =	vadd.s32 v18, v5;
	[tilespmem:s1+$0x4600] =	vst v6;
	v6 =	vsub.s32 s5, v15;
	s3 =	sadd.s32 s3, s9  }
0x1b2: {  	[tilespmem:s1+$0x2200] =	vst v5;
	v5 =	vsub.s32 s3, v16;
	v6 =	vadd.s32 v19, v6  }
0x1b3: {  	v5 =	vadd.s32 v20, v5;
	[tilespmem:s25+$0x4600] =	vst v6;
	s10 =	spop (v2sf)  }
0x1b4: {  	[tilespmem:s25+$0x2200] =	vst v5;
	s26 =	spop (v2sf)  }
0x1b5: {  	p2 =	seq.s32 s31, $0x1  }
.Ltmp28:
0x1b6: {  	_ = 	snop;
	(pc) =	sbr.rel @p2 .LBB2_39-.Ltmp28, $3  }
0x1b7: {  	_ =	sdelay $0x1  }
0x1b8: {  	s1 =	simm.s32 $0x0  }
0x1b9: {  	s3 =	simm.s32 $0x1;
	p1 =	por $0x0, $0x0;
	v5 =	vadd.s32 s1, v4  }
0x1ba: {  	_ =	sdelay $0x3  }
0x1bb: {  	v7 =	vld.idx.msk [tilespmem:v5+s4+$0x0], $0xffff  }
0x1bc: {  	v8 =	vld.idx.msk [tilespmem:v5+s14+$0x0], $0xffff;
	_ =	sdelay $0x3  }
0x1bd: {  	v6 =	vshrl.u32 v7, $0x6  }
0x1be: {  	v9 =	vshrl.u32 v8, $0x6;
	v6 =	vand.u32 $0x1F0, v6  }
0x1bf: {  	v10 =	vor.u32 v1, v6;
	v6 =	vand.u32 $0x1F0, v9  }
0x1c0: {  	v6 =	vor.u32 v1, v6;
	_ =	sdelay $0x3  }
0x1c1: {  	v63 =	vld.idx.msk [tilespmem:v10+s17+$0x0], $0xffff  }
0x1c2: {  	v11 =	vld.idx.msk [tilespmem:v6+s18+$0x0], $0xffff;
	_ =	sdelay $0x3  }
0x1c3: {  	v12 =	vld.idx.msk [tilespmem:v5+s23+$0x0], $0xffff  }
0x1c4: {  	v5 =	vld.idx.msk [tilespmem:v5+s24+$0x0], $0xffff;
	_ =	sdelay $0x1  }
0x1c5: {  	[tilespmem:v63+s19+$0x0] =	vst.idx.msk $0xffff, v7  }
0x1c6: {  	p2 =	seq.s32 s31, $0x2;
	[tilespmem:v11+s20+$0x0] =	vst.idx.msk $0xffff, v8  }
.Ltmp29:
0x1c7: {  	[tilespmem:v63+s21+$0x0] =	vst.idx.msk $0xffff, v12;
	(pc) =	sbr.rel @p2 .LBB2_45-.Ltmp29, $3  }
0x1c8: {  	[tilespmem:v11+s22+$0x0] =	vst.idx.msk $0xffff, v5;
	v5 =	vadd.s32 s3, v4;
	_ =	sdelay $0x1  }
0x1c9: {  	v7 =	vadd.s32 $0x1, v63  }
0x1ca: {  	s1 =	simm.s32 $0x2;
	p1 =	por $0x1, $0x1;
	[tilespmem:v10+s17+$0x0] =	vst.idx.msk $0xffff, v7;
	v7 =	vadd.s32 $0x1, v11  }
.LBB2_44:
0x1cb: {  	[tilespmem:v6+s18+$0x0] =	vst.idx.msk $0xffff, v7;
	s3 =	smov.u32 s1;
	s1 =	sadd.s32 $0x1, s1  }
0x1cc: {  	p2 =	seq.s32 s31, s1;
	v7 =	vld.idx.msk [tilespmem:v5+s4+$0x0], $0xffff  }
0x1cd: {  	v8 =	vld.idx.msk [tilespmem:v5+s14+$0x0], $0xffff;
	_ =	sdelay $0x4  }
0x1ce: {  	v6 =	vshrl.u32 v7, $0x6  }
0x1cf: {  	v9 =	vshrl.u32 v8, $0x6;
	v6 =	vand.u32 $0x1F0, v6  }
0x1d0: {  	v10 =	vor.u32 v1, v6;
	v6 =	vand.u32 $0x1F0, v9  }
0x1d1: {  	v6 =	vor.u32 v1, v6;
	_ =	sdelay $0x3  }
0x1d2: {  	v9 =	vld.idx.msk [tilespmem:v10+s17+$0x0], $0xffff  }
0x1d3: {  	v11 =	vld.idx.msk [tilespmem:v6+s18+$0x0], $0xffff;
	_ =	sdelay $0x2  }
0x1d4: {  	v12 =	vld.idx.msk [tilespmem:v5+s23+$0x0], $0xffff  }
0x1d5: {  	v13 =	vld.idx.msk [tilespmem:v5+s24+$0x0], $0xffff;
	_ =	sdelay $0x2  }
.Ltmp30:
0x1d6: {  	[tilespmem:v9+s19+$0x0] =	vst.idx.msk $0xffff, v7;
	(pc) =	sbr.rel @!p2 .LBB2_44-.Ltmp30, $4  }
0x1d7: {  	v5 =	vadd.s32 s3, v4;
	[tilespmem:v11+s20+$0x0] =	vst.idx.msk $0xffff, v8  }
0x1d8: {  	[tilespmem:v9+s21+$0x0] =	vst.idx.msk $0xffff, v12  }
0x1d9: {  	v7 =	vadd.s32 $0x1, v9;
	[tilespmem:v11+s22+$0x0] =	vst.idx.msk $0xffff, v13  }
0x1da: {  	[tilespmem:v10+s17+$0x0] =	vst.idx.msk $0xffff, v7;
	v7 =	vadd.s32 $0x1, v11  }
.LBB2_45:
0x1db: {  	_ =	sdelay $0x3  }
0x1dc: {  	[tilespmem:v6+s18+$0x0] =	vst.idx.msk @p1 $0xffff, v7  }
0x1dd: {  	v6 =	vld.idx.msk [tilespmem:v5+s4+$0x0], $0xffff  }
0x1de: {  	v7 =	vld.idx.msk [tilespmem:v5+s14+$0x0], $0xffff;
	_ =	sdelay $0x3  }
0x1df: {  	v8 =	vshrl.u32 v6, $0x6  }
0x1e0: {  	v9 =	vshrl.u32 v7, $0x6;
	v8 =	vand.u32 $0x1F0, v8  }
0x1e1: {  	v9 =	vand.u32 $0x1F0, v9;
	v8 =	vor.u32 v1, v8  }
0x1e2: {  	v9 =	vor.u32 v1, v9;
	_ =	sdelay $0x3  }
0x1e3: {  	v10 =	vld.idx.msk [tilespmem:v8+s17+$0x0], $0xffff  }
0x1e4: {  	v11 =	vld.idx.msk [tilespmem:v9+s18+$0x0], $0xffff;
	_ =	sdelay $0x3  }
0x1e5: {  	v12 =	vld.idx.msk [tilespmem:v5+s23+$0x0], $0xffff  }
0x1e6: {  	v5 =	vld.idx.msk [tilespmem:v5+s24+$0x0], $0xffff;
	_ =	sdelay $0x1  }
0x1e7: {  	[tilespmem:v10+s19+$0x0] =	vst.idx.msk $0xffff, v6  }
0x1e8: {  	[tilespmem:v11+s20+$0x0] =	vst.idx.msk $0xffff, v7  }
0x1e9: {  	[tilespmem:v10+s21+$0x0] =	vst.idx.msk $0xffff, v12  }
0x1ea: {  	[tilespmem:v11+s22+$0x0] =	vst.idx.msk $0xffff, v5;
	v5 =	vadd.s32 $0x1, v10  }
0x1eb: {  	[tilespmem:v8+s17+$0x0] =	vst.idx.msk $0xffff, v5;
	v5 =	vadd.s32 $0x1, v11  }
0x1ec: {  	[tilespmem:v9+s18+$0x0] =	vst.idx.msk $0xffff, v5  }
.LBB2_46:
0x1ed: {  	s1 =	simm.s32 $0x40;
	s3 =	simm.s32 $0x0  }
.LBB2_47:
0x1ee: {  	p1 =	seq.s32 s1, $0x7C0;
	[tilespmem:s3+$0x2000] =	vst v0;
	s5 =	smov.u32 s1;
	s1 =	sadd.s32 $0x40, s1  }
.Ltmp31:
0x1ef: {  	[tilespmem:s3+$0x4400] =	vst v0;
	(pc) =	sbr.rel @!p1 .LBB2_47-.Ltmp31, $2  }
0x1f0: {  	_ =	sdelay $0x2  }
0x1f1: {  	s3 =	sshra.s32 s5, $0x2  }
.Ltmp32:
0x1f2: {  	(pc) =	sbr.rel @!p0 .LBB2_49-.Ltmp32, $3  }
0x1f3: {  	_ =	sdelay $0x1  }
0x1f4: {  	[tilespmem:s3+$0x2000] =	vst v0  }
0x1f5: {  	[tilespmem:s3+$0x4400] =	vst v0  }
0x1f6: {  	s1 =	simm.s32 $0x0  }
0x1f7: {  	v5 =	vadd.s32 s1, v4;
	_ =	sdelay $0x4  }
0x1f8: {  	v6 =	vld.idx.msk [tilespmem:v5+s19+$0x0], $0xffff  }
0x1f9: {  	v5 =	vld.idx.msk [tilespmem:v5+s20+$0x0], $0xffff;
	_ =	sdelay $0x1  }
0x1fa: {  	p1 =	seq.s32 s31, $0x1  }
.Ltmp33:
0x1fb: {  	_ = 	snop;
	(pc) =	sbr.rel @p1 .LBB2_56-.Ltmp33, $4  }
0x1fc: {  	v6 =	vshrl.u32 v6, $0xB  }
0x1fd: {  	v5 =	vshrl.u32 v5, $0xB;
	v6 =	vand.u32 $0x1F0, v6  }
0x1fe: {  	v7 =	vand.u32 $0x1F0, v5;
	v5 =	vor.u32 v1, v6  }
0x1ff: {  	s1 =	simm.s32 $0x1;
	v6 =	vor.u32 v1, v7  }
.LBB2_55:
0x200: {  	v7 =	vadd.s32 s1, v4  }
0x201: {  	s1 =	sadd.s32 $0x1, s1  }
0x202: {  	p1 =	seq.s32 s31, s1  }
0x203: {  	[tilespmem:v5+s15+$0x0] =	vst.idx.add.s32.msk $0xffff, v2  }
0x204: {  	[tilespmem:v6+s16+$0x0] =	vst.idx.add.s32.msk $0xffff, v2  }
0x205: {  	v5 =	vld.idx.msk [tilespmem:v7+s19+$0x0], $0xffff  }
0x206: {  	v6 =	vld.idx.msk [tilespmem:v7+s20+$0x0], $0xffff;
	_ =	sdelay $0x3  }
.Ltmp34:
0x207: {  	(pc) =	sbr.rel @!p1 .LBB2_55-.Ltmp34, $4  }
0x208: {  	v5 =	vshrl.u32 v5, $0xB  }
0x209: {  	v6 =	vshrl.u32 v6, $0xB;
	v5 =	vand.u32 $0x1F0, v5  }
0x20a: {  	v5 =	vor.u32 v1, v5;
	v6 =	vand.u32 $0x1F0, v6  }
0x20b: {  	v6 =	vor.u32 v1, v6  }
.LBB2_56:
0x20c: {  	_ =	sdelay $0x3  }
0x20d: {  	[tilespmem:v5+s15+$0x0] =	vst.idx.add.s32.msk $0xffff, v2  }
0x20e: {  	[tilespmem:v6+s16+$0x0] =	vst.idx.add.s32.msk $0xffff, v2  }
.LBB2_49:
0x20f: {  	s3 =	simm.s32 $0x0  }
0x210: {  	v13 =	vld [tilespmem:s3+$0x4400];
	_ =	sdelay $0x4  }
0x211: {  	(xrf0) =	vadd.scan.msk.s32 $0xffff, v13  }
0x212: {  	v14 =	vld [tilespmem:s3+$0x2000];
	_ =	sdelay $0x1  }
0x213: {  	s9 =	simm.s32 $0x10  }
0x214: {  	v8 =	vld [tilespmem:s9+$0x4400]  }
0x215: {  	s10 =	simm.s32 $0x20;
	v7 =	vld [tilespmem:s9+$0x2000]  }
0x216: {  	v6 =	vld [tilespmem:s10+$0x4400];
	v15, _, _ =	vpop (xrf0);
	(xrf0) =	vadd.scan.msk.s32 $0xffff, v14  }
0x217: {  	v5 =	vld [tilespmem:s10+$0x2000];
	_ =	sdelay $0x1  }
0x218: {  	(xrf0) =	vadd.scan.msk.s32 $0xffff, v8  }
0x219: {  	(xrf0) =	vadd.scan.msk.s32 $0xffff, v7  }
0x21a: {  	(xrf0) =	vadd.scan.msk.s32 $0xffff, v6  }
0x21b: {  	(v2sf) =	vpush v15, $0xF;
	(xrf0) =	vadd.scan.msk.s32 $0xffff, v5;
	v16, _, _ =	vpop (xrf0)  }
0x21c: {  	s26 =	simm.s32 $0x0;
	(v2sf) =	vpush v16, $0xF  }
0x21d: {  	v13 =	vsub.s32 s26, v13  }
0x21e: {  	v14 =	vsub.s32 s26, v14;
	v12, _, _ =	vpop (xrf0)  }
0x21f: {  	v9, _, _ =	vpop (xrf0);
	(v2sf) =	vpush v12, $0xF  }
0x220: {  	v15 =	vadd.s32 v15, v13;
	(v2sf) =	vpush v9, $0xF;
	v13, _, _ =	vpop (xrf0)  }
0x221: {  	v16 =	vadd.s32 v16, v14;
	v14, _, _ =	vpop (xrf0);
	(v2sf) =	vpush v13, $0xF  }
0x222: {  	(v2sf) =	vpush v14, $0xF  }
0x223: {  	s1 =	simm.s32 $0x30  }
0x224: {  	v10 =	vld [tilespmem:s1+$0x4400]  }
0x225: {  	v11 =	vld [tilespmem:s1+$0x2000];
	_ =	sdelay $0x3  }
0x226: {  	s25 =	simm.s32 $0x40;
	[tilespmem:s3+$0x4600] =	vst v15;
	(xrf0) =	vadd.scan.msk.s32 $0xffff, v10  }
0x227: {  	s5 =	simm.s32 $0x140;
	(xrf0) =	vadd.scan.msk.s32 $0xffff, v11;
	[tilespmem:s3+$0x2200] =	vst v16;
	s3 =	simm.s32 $0x0;
	s6 =	spop (v2sf)  }
.LBB2_50:
0x228: {  	p1 =	seq.s32 s5, $0x7C0;
	v15 =	vld [tilespmem:s25+$0x4400];
	s26 =	sadd.s32 s26, s6;
	s6 =	spop (v2sf)  }
0x229: {  	v16 =	vld [tilespmem:s25+$0x2000];
	v17 =	vsub.s32 s26, v8;
	s3 =	sadd.s32 s3, s6;
	v8 =	vmov v6;
	v6 =	vmov v10  }
.Ltmp35:
0x22a: {  	v10 =	vsub.s32 s3, v7;
	v17 =	vadd.s32 v12, v17;
	v7 =	vmovc v5;
	v5 =	vmovc v11;
	v12 =	vmov v13;
	(pc) =	sbr.rel @!p1 .LBB2_50-.Ltmp35, $4  }
0x22b: {  	v11 =	vadd.s32 v9, v10;
	[tilespmem:s9+$0x4600] =	vst v17;
	v9 =	vmov v14  }
0x22c: {  	v13, _, _ =	vpop (xrf0);
	[tilespmem:s9+$0x2200] =	vst v11;
	s9 =	smov.u32 s10;
	s10 =	smov.u32 s1;
	s1 =	smov.u32 s25  }
0x22d: {  	(xrf0) =	vadd.scan.msk.s32 $0xffff, v15;
	v14, _, _ =	vpop (xrf0);
	(v2sf) =	vpush v13, $0xF;
	v10 =	vmov v15  }
0x22e: {  	s25 =	sshra.s32 s5, $0x2;
	s5 =	sadd.s32 $0x40, s5;
	(xrf0) =	vadd.scan.msk.s32 $0xffff, v16;
	(v2sf) =	vpush v14, $0xF;
	s6 =	spop (v2sf);
	v11 =	vmov v16  }
0x22f: {  	v15 =	vld [tilespmem:s25+$0x4400]  }
0x230: {  	v16 =	vld [tilespmem:s25+$0x2000];
	_ =	sdelay $0x3  }
0x231: {  	(xrf0) =	vadd.scan.msk.s32 $0xffff, v15  }
0x232: {  	(xrf0) =	vadd.scan.msk.s32 $0xffff, v16  }
0x233: {  	v17, _, _ =	vpop (xrf0)  }
0x234: {  	v18, _, _ =	vpop (xrf0);
	(v2sf) =	vpush v17, $0xF  }
0x235: {  	(v2sf) =	vpush v18, $0xF;
	_ =	sdelay $0x1  }
0x236: {  	v19, _, _ =	vpop (xrf0)  }
0x237: {  	v20, _, _ =	vpop (xrf0);
	(v2sf) =	vpush v19, $0xF  }
0x238: {  	(v2sf) =	vpush v20, $0xF;
	_ =	sdelay $0x4  }
0x239: {  	s5 =	sadd.s32 s26, s6;
	s26 =	spop (v2sf)  }
0x23a: {  	s3 =	sadd.s32 s3, s26;
	s26 =	spop (v2sf);
	v8 =	vsub.s32 s5, v8  }
0x23b: {  	v8 =	vadd.s32 v12, v8;
	s5 =	sadd.s32 s5, s26;
	s26 =	spop (v2sf);
	v7 =	vsub.s32 s3, v7  }
0x23c: {  	v7 =	vadd.s32 v9, v7;
	[tilespmem:s9+$0x4600] =	vst v8;
	v6 =	vsub.s32 s5, v6;
	s3 =	sadd.s32 s3, s26;
	s26 =	spop (v2sf)  }
0x23d: {  	[tilespmem:s9+$0x2200] =	vst v7;
	v5 =	vsub.s32 s3, v5;
	v6 =	vadd.s32 v13, v6;
	s5 =	sadd.s32 s5, s26;
	s9 =	spop (v2sf)  }
0x23e: {  	v5 =	vadd.s32 v14, v5;
	[tilespmem:s10+$0x4600] =	vst v6;
	v6 =	vsub.s32 s5, v10;
	s3 =	sadd.s32 s3, s9;
	s26 =	spop (v2sf)  }
.Ltmp36:
0x23f: {  	[tilespmem:s10+$0x2200] =	vst v5;
	v5 =	vsub.s32 s3, v11;
	v6 =	vadd.s32 v17, v6;
	s5 =	sadd.s32 s5, s26;
	s9 =	spop (v2sf);
	(pc) =	sbr.rel @!p0 .LBB2_60-.Ltmp36, $4  }
0x240: {  	v5 =	vadd.s32 v18, v5;
	[tilespmem:s1+$0x4600] =	vst v6;
	v6 =	vsub.s32 s5, v15;
	s3 =	sadd.s32 s3, s9  }
0x241: {  	[tilespmem:s1+$0x2200] =	vst v5;
	v5 =	vsub.s32 s3, v16;
	v6 =	vadd.s32 v19, v6  }
0x242: {  	v5 =	vadd.s32 v20, v5;
	[tilespmem:s25+$0x4600] =	vst v6;
	s10 =	spop (v2sf)  }
0x243: {  	[tilespmem:s25+$0x2200] =	vst v5;
	s26 =	spop (v2sf)  }
0x244: {  	p2 =	seq.s32 s31, $0x1  }
.Ltmp37:
0x245: {  	_ = 	snop;
	(pc) =	sbr.rel @p2 .LBB2_53-.Ltmp37, $3  }
0x246: {  	_ =	sdelay $0x1  }
0x247: {  	s1 =	simm.s32 $0x0  }
0x248: {  	s3 =	simm.s32 $0x1;
	p1 =	por $0x0, $0x0;
	v5 =	vadd.s32 s1, v4  }
0x249: {  	_ =	sdelay $0x3  }
0x24a: {  	v7 =	vld.idx.msk [tilespmem:v5+s19+$0x0], $0xffff  }
0x24b: {  	v8 =	vld.idx.msk [tilespmem:v5+s20+$0x0], $0xffff;
	_ =	sdelay $0x3  }
0x24c: {  	v6 =	vshrl.u32 v7, $0xB  }
0x24d: {  	v9 =	vshrl.u32 v8, $0xB;
	v6 =	vand.u32 $0x1F0, v6  }
0x24e: {  	v10 =	vor.u32 v1, v6;
	v6 =	vand.u32 $0x1F0, v9  }
0x24f: {  	v6 =	vor.u32 v1, v6;
	_ =	sdelay $0x3  }
0x250: {  	v63 =	vld.idx.msk [tilespmem:v10+s17+$0x0], $0xffff  }
0x251: {  	v11 =	vld.idx.msk [tilespmem:v6+s18+$0x0], $0xffff;
	_ =	sdelay $0x3  }
0x252: {  	v12 =	vld.idx.msk [tilespmem:v5+s21+$0x0], $0xffff  }
0x253: {  	v5 =	vld.idx.msk [tilespmem:v5+s22+$0x0], $0xffff;
	_ =	sdelay $0x1  }
0x254: {  	[tilespmem:v63+s4+$0x0] =	vst.idx.msk $0xffff, v7  }
0x255: {  	p2 =	seq.s32 s31, $0x2;
	[tilespmem:v11+s14+$0x0] =	vst.idx.msk $0xffff, v8  }
.Ltmp38:
0x256: {  	[tilespmem:v63+s23+$0x0] =	vst.idx.msk $0xffff, v12;
	(pc) =	sbr.rel @p2 .LBB2_59-.Ltmp38, $3  }
0x257: {  	[tilespmem:v11+s24+$0x0] =	vst.idx.msk $0xffff, v5;
	v5 =	vadd.s32 s3, v4;
	_ =	sdelay $0x1  }
0x258: {  	v7 =	vadd.s32 $0x1, v63  }
0x259: {  	s1 =	simm.s32 $0x2;
	p1 =	por $0x1, $0x1;
	[tilespmem:v10+s17+$0x0] =	vst.idx.msk $0xffff, v7;
	v7 =	vadd.s32 $0x1, v11  }
.LBB2_58:
0x25a: {  	[tilespmem:v6+s18+$0x0] =	vst.idx.msk $0xffff, v7;
	s3 =	smov.u32 s1;
	s1 =	sadd.s32 $0x1, s1  }
0x25b: {  	p2 =	seq.s32 s31, s1;
	v7 =	vld.idx.msk [tilespmem:v5+s19+$0x0], $0xffff  }
0x25c: {  	v8 =	vld.idx.msk [tilespmem:v5+s20+$0x0], $0xffff;
	_ =	sdelay $0x4  }
0x25d: {  	v6 =	vshrl.u32 v7, $0xB  }
0x25e: {  	v9 =	vshrl.u32 v8, $0xB;
	v6 =	vand.u32 $0x1F0, v6  }
0x25f: {  	v10 =	vor.u32 v1, v6;
	v6 =	vand.u32 $0x1F0, v9  }
0x260: {  	v6 =	vor.u32 v1, v6;
	_ =	sdelay $0x3  }
0x261: {  	v9 =	vld.idx.msk [tilespmem:v10+s17+$0x0], $0xffff  }
0x262: {  	v11 =	vld.idx.msk [tilespmem:v6+s18+$0x0], $0xffff;
	_ =	sdelay $0x2  }
0x263: {  	v12 =	vld.idx.msk [tilespmem:v5+s21+$0x0], $0xffff  }
0x264: {  	v13 =	vld.idx.msk [tilespmem:v5+s22+$0x0], $0xffff;
	_ =	sdelay $0x2  }
.Ltmp39:
0x265: {  	[tilespmem:v9+s4+$0x0] =	vst.idx.msk $0xffff, v7;
	(pc) =	sbr.rel @!p2 .LBB2_58-.Ltmp39, $4  }
0x266: {  	v5 =	vadd.s32 s3, v4;
	[tilespmem:v11+s14+$0x0] =	vst.idx.msk $0xffff, v8  }
0x267: {  	[tilespmem:v9+s23+$0x0] =	vst.idx.msk $0xffff, v12  }
0x268: {  	v7 =	vadd.s32 $0x1, v9;
	[tilespmem:v11+s24+$0x0] =	vst.idx.msk $0xffff, v13  }
0x269: {  	[tilespmem:v10+s17+$0x0] =	vst.idx.msk $0xffff, v7;
	v7 =	vadd.s32 $0x1, v11  }
.LBB2_59:
0x26a: {  	_ =	sdelay $0x3  }
0x26b: {  	[tilespmem:v6+s18+$0x0] =	vst.idx.msk @p1 $0xffff, v7  }
0x26c: {  	v6 =	vld.idx.msk [tilespmem:v5+s19+$0x0], $0xffff  }
0x26d: {  	v7 =	vld.idx.msk [tilespmem:v5+s20+$0x0], $0xffff;
	_ =	sdelay $0x3  }
0x26e: {  	v8 =	vshrl.u32 v6, $0xB  }
0x26f: {  	v9 =	vshrl.u32 v7, $0xB;
	v8 =	vand.u32 $0x1F0, v8  }
0x270: {  	v9 =	vand.u32 $0x1F0, v9;
	v8 =	vor.u32 v1, v8  }
0x271: {  	v9 =	vor.u32 v1, v9;
	_ =	sdelay $0x3  }
0x272: {  	v10 =	vld.idx.msk [tilespmem:v8+s17+$0x0], $0xffff  }
0x273: {  	v11 =	vld.idx.msk [tilespmem:v9+s18+$0x0], $0xffff;
	_ =	sdelay $0x3  }
0x274: {  	v12 =	vld.idx.msk [tilespmem:v5+s21+$0x0], $0xffff  }
0x275: {  	v5 =	vld.idx.msk [tilespmem:v5+s22+$0x0], $0xffff;
	_ =	sdelay $0x1  }
0x276: {  	[tilespmem:v10+s4+$0x0] =	vst.idx.msk $0xffff, v6  }
0x277: {  	[tilespmem:v11+s14+$0x0] =	vst.idx.msk $0xffff, v7  }
0x278: {  	[tilespmem:v10+s23+$0x0] =	vst.idx.msk $0xffff, v12  }
0x279: {  	[tilespmem:v11+s24+$0x0] =	vst.idx.msk $0xffff, v5;
	v5 =	vadd.s32 $0x1, v10  }
0x27a: {  	[tilespmem:v8+s17+$0x0] =	vst.idx.msk $0xffff, v5;
	v5 =	vadd.s32 $0x1, v11  }
0x27b: {  	[tilespmem:v9+s18+$0x0] =	vst.idx.msk $0xffff, v5  }
.LBB2_60:
0x27c: {  	s1 =	simm.s32 $0x40;
	s3 =	simm.s32 $0x0  }
.LBB2_61:
0x27d: {  	p1 =	seq.s32 s1, $0x7C0;
	[tilespmem:s3+$0x2000] =	vst v0;
	s5 =	smov.u32 s1;
	s1 =	sadd.s32 $0x40, s1  }
.Ltmp40:
0x27e: {  	[tilespmem:s3+$0x4400] =	vst v0;
	(pc) =	sbr.rel @!p1 .LBB2_61-.Ltmp40, $2  }
0x27f: {  	_ =	sdelay $0x2  }
0x280: {  	s3 =	sshra.s32 s5, $0x2  }
.Ltmp41:
0x281: {  	(pc) =	sbr.rel @!p0 .LBB2_63-.Ltmp41, $3  }
0x282: {  	_ =	sdelay $0x1  }
0x283: {  	[tilespmem:s3+$0x2000] =	vst v0  }
0x284: {  	[tilespmem:s3+$0x4400] =	vst v0  }
0x285: {  	s1 =	simm.s32 $0x0  }
0x286: {  	v5 =	vadd.s32 s1, v4;
	_ =	sdelay $0x4  }
0x287: {  	v6 =	vld.idx.msk [tilespmem:v5+s4+$0x0], $0xffff  }
0x288: {  	v5 =	vld.idx.msk [tilespmem:v5+s14+$0x0], $0xffff;
	_ =	sdelay $0x1  }
0x289: {  	p1 =	seq.s32 s31, $0x1  }
.Ltmp42:
0x28a: {  	_ = 	snop;
	(pc) =	sbr.rel @p1 .LBB2_70-.Ltmp42, $4  }
0x28b: {  	v6 =	vshrl.u32 v6, $0x10  }
0x28c: {  	v5 =	vshrl.u32 v5, $0x10;
	v6 =	vand.u32 $0x1F0, v6  }
0x28d: {  	v7 =	vand.u32 $0x1F0, v5;
	v5 =	vor.u32 v1, v6  }
0x28e: {  	s1 =	simm.s32 $0x1;
	v6 =	vor.u32 v1, v7  }
.LBB2_69:
0x28f: {  	v7 =	vadd.s32 s1, v4  }
0x290: {  	s1 =	sadd.s32 $0x1, s1  }
0x291: {  	p1 =	seq.s32 s31, s1  }
0x292: {  	[tilespmem:v5+s15+$0x0] =	vst.idx.add.s32.msk $0xffff, v2  }
0x293: {  	[tilespmem:v6+s16+$0x0] =	vst.idx.add.s32.msk $0xffff, v2  }
0x294: {  	v5 =	vld.idx.msk [tilespmem:v7+s4+$0x0], $0xffff  }
0x295: {  	v6 =	vld.idx.msk [tilespmem:v7+s14+$0x0], $0xffff;
	_ =	sdelay $0x3  }
.Ltmp43:
0x296: {  	(pc) =	sbr.rel @!p1 .LBB2_69-.Ltmp43, $4  }
0x297: {  	v5 =	vshrl.u32 v5, $0x10  }
0x298: {  	v6 =	vshrl.u32 v6, $0x10;
	v5 =	vand.u32 $0x1F0, v5  }
0x299: {  	v5 =	vor.u32 v1, v5;
	v6 =	vand.u32 $0x1F0, v6  }
0x29a: {  	v6 =	vor.u32 v1, v6  }
.LBB2_70:
0x29b: {  	_ =	sdelay $0x3  }
0x29c: {  	[tilespmem:v5+s15+$0x0] =	vst.idx.add.s32.msk $0xffff, v2  }
0x29d: {  	[tilespmem:v6+s16+$0x0] =	vst.idx.add.s32.msk $0xffff, v2  }
.LBB2_63:
0x29e: {  	s3 =	simm.s32 $0x0  }
0x29f: {  	v13 =	vld [tilespmem:s3+$0x4400];
	_ =	sdelay $0x4  }
0x2a0: {  	(xrf0) =	vadd.scan.msk.s32 $0xffff, v13  }
0x2a1: {  	v14 =	vld [tilespmem:s3+$0x2000];
	_ =	sdelay $0x1  }
0x2a2: {  	s9 =	simm.s32 $0x10  }
0x2a3: {  	v8 =	vld [tilespmem:s9+$0x4400]  }
0x2a4: {  	s10 =	simm.s32 $0x20;
	v7 =	vld [tilespmem:s9+$0x2000]  }
0x2a5: {  	v6 =	vld [tilespmem:s10+$0x4400];
	v15, _, _ =	vpop (xrf0);
	(xrf0) =	vadd.scan.msk.s32 $0xffff, v14  }
0x2a6: {  	v5 =	vld [tilespmem:s10+$0x2000];
	_ =	sdelay $0x1  }
0x2a7: {  	(xrf0) =	vadd.scan.msk.s32 $0xffff, v8  }
0x2a8: {  	(xrf0) =	vadd.scan.msk.s32 $0xffff, v7  }
0x2a9: {  	(xrf0) =	vadd.scan.msk.s32 $0xffff, v6  }
0x2aa: {  	(v2sf) =	vpush v15, $0xF;
	(xrf0) =	vadd.scan.msk.s32 $0xffff, v5;
	v16, _, _ =	vpop (xrf0)  }
0x2ab: {  	s26 =	simm.s32 $0x0;
	(v2sf) =	vpush v16, $0xF  }
0x2ac: {  	v13 =	vsub.s32 s26, v13  }
0x2ad: {  	v14 =	vsub.s32 s26, v14;
	v12, _, _ =	vpop (xrf0)  }
0x2ae: {  	v9, _, _ =	vpop (xrf0);
	(v2sf) =	vpush v12, $0xF  }
0x2af: {  	v15 =	vadd.s32 v15, v13;
	(v2sf) =	vpush v9, $0xF;
	v13, _, _ =	vpop (xrf0)  }
0x2b0: {  	v16 =	vadd.s32 v16, v14;
	v14, _, _ =	vpop (xrf0);
	(v2sf) =	vpush v13, $0xF  }
0x2b1: {  	(v2sf) =	vpush v14, $0xF  }
0x2b2: {  	s1 =	simm.s32 $0x30  }
0x2b3: {  	v10 =	vld [tilespmem:s1+$0x4400]  }
0x2b4: {  	v11 =	vld [tilespmem:s1+$0x2000];
	_ =	sdelay $0x3  }
0x2b5: {  	s25 =	simm.s32 $0x40;
	[tilespmem:s3+$0x4600] =	vst v15;
	(xrf0) =	vadd.scan.msk.s32 $0xffff, v10  }
0x2b6: {  	s5 =	simm.s32 $0x140;
	(xrf0) =	vadd.scan.msk.s32 $0xffff, v11;
	[tilespmem:s3+$0x2200] =	vst v16;
	s3 =	simm.s32 $0x0;
	s6 =	spop (v2sf)  }
.LBB2_64:
0x2b7: {  	p1 =	seq.s32 s5, $0x7C0;
	v15 =	vld [tilespmem:s25+$0x4400];
	s26 =	sadd.s32 s26, s6;
	s6 =	spop (v2sf)  }
0x2b8: {  	v16 =	vld [tilespmem:s25+$0x2000];
	v17 =	vsub.s32 s26, v8;
	s3 =	sadd.s32 s3, s6;
	v8 =	vmov v6;
	v6 =	vmov v10  }
.Ltmp44:
0x2b9: {  	v10 =	vsub.s32 s3, v7;
	v17 =	vadd.s32 v12, v17;
	v7 =	vmovc v5;
	v5 =	vmovc v11;
	v12 =	vmov v13;
	(pc) =	sbr.rel @!p1 .LBB2_64-.Ltmp44, $4  }
0x2ba: {  	v11 =	vadd.s32 v9, v10;
	[tilespmem:s9+$0x4600] =	vst v17;
	v9 =	vmov v14  }
0x2bb: {  	v13, _, _ =	vpop (xrf0);
	[tilespmem:s9+$0x2200] =	vst v11;
	s9 =	smov.u32 s10;
	s10 =	smov.u32 s1;
	s1 =	smov.u32 s25  }
0x2bc: {  	(xrf0) =	vadd.scan.msk.s32 $0xffff, v15;
	v14, _, _ =	vpop (xrf0);
	(v2sf) =	vpush v13, $0xF;
	v10 =	vmov v15  }
0x2bd: {  	s25 =	sshra.s32 s5, $0x2;
	s5 =	sadd.s32 $0x40, s5;
	(xrf0) =	vadd.scan.msk.s32 $0xffff, v16;
	(v2sf) =	vpush v14, $0xF;
	s6 =	spop (v2sf);
	v11 =	vmov v16  }
0x2be: {  	v15 =	vld [tilespmem:s25+$0x4400]  }
0x2bf: {  	v16 =	vld [tilespmem:s25+$0x2000];
	_ =	sdelay $0x3  }
0x2c0: {  	(xrf0) =	vadd.scan.msk.s32 $0xffff, v15  }
0x2c1: {  	(xrf0) =	vadd.scan.msk.s32 $0xffff, v16  }
0x2c2: {  	v17, _, _ =	vpop (xrf0)  }
0x2c3: {  	v18, _, _ =	vpop (xrf0);
	(v2sf) =	vpush v17, $0xF  }
0x2c4: {  	(v2sf) =	vpush v18, $0xF;
	_ =	sdelay $0x1  }
0x2c5: {  	v19, _, _ =	vpop (xrf0)  }
0x2c6: {  	v20, _, _ =	vpop (xrf0);
	(v2sf) =	vpush v19, $0xF  }
0x2c7: {  	(v2sf) =	vpush v20, $0xF;
	_ =	sdelay $0x4  }
0x2c8: {  	s5 =	sadd.s32 s26, s6;
	s26 =	spop (v2sf)  }
0x2c9: {  	s3 =	sadd.s32 s3, s26;
	s26 =	spop (v2sf);
	v8 =	vsub.s32 s5, v8  }
0x2ca: {  	v8 =	vadd.s32 v12, v8;
	s5 =	sadd.s32 s5, s26;
	s26 =	spop (v2sf);
	v7 =	vsub.s32 s3, v7  }
0x2cb: {  	v7 =	vadd.s32 v9, v7;
	[tilespmem:s9+$0x4600] =	vst v8;
	v6 =	vsub.s32 s5, v6;
	s3 =	sadd.s32 s3, s26;
	s26 =	spop (v2sf)  }
0x2cc: {  	[tilespmem:s9+$0x2200] =	vst v7;
	v5 =	vsub.s32 s3, v5;
	v6 =	vadd.s32 v13, v6;
	s5 =	sadd.s32 s5, s26;
	s9 =	spop (v2sf)  }
0x2cd: {  	v5 =	vadd.s32 v14, v5;
	[tilespmem:s10+$0x4600] =	vst v6;
	v6 =	vsub.s32 s5, v10;
	s3 =	sadd.s32 s3, s9;
	s26 =	spop (v2sf)  }
.Ltmp45:
0x2ce: {  	[tilespmem:s10+$0x2200] =	vst v5;
	v5 =	vsub.s32 s3, v11;
	v6 =	vadd.s32 v17, v6;
	s5 =	sadd.s32 s5, s26;
	s9 =	spop (v2sf);
	(pc) =	sbr.rel @!p0 .LBB2_74-.Ltmp45, $4  }
0x2cf: {  	v5 =	vadd.s32 v18, v5;
	[tilespmem:s1+$0x4600] =	vst v6;
	v6 =	vsub.s32 s5, v15;
	s3 =	sadd.s32 s3, s9  }
0x2d0: {  	[tilespmem:s1+$0x2200] =	vst v5;
	v5 =	vsub.s32 s3, v16;
	v6 =	vadd.s32 v19, v6  }
0x2d1: {  	v5 =	vadd.s32 v20, v5;
	[tilespmem:s25+$0x4600] =	vst v6;
	s10 =	spop (v2sf)  }
0x2d2: {  	[tilespmem:s25+$0x2200] =	vst v5;
	s26 =	spop (v2sf)  }
0x2d3: {  	p2 =	seq.s32 s31, $0x1  }
.Ltmp46:
0x2d4: {  	_ = 	snop;
	(pc) =	sbr.rel @p2 .LBB2_67-.Ltmp46, $3  }
0x2d5: {  	_ =	sdelay $0x1  }
0x2d6: {  	s1 =	simm.s32 $0x0  }
0x2d7: {  	s3 =	simm.s32 $0x1;
	p1 =	por $0x0, $0x0;
	v5 =	vadd.s32 s1, v4  }
0x2d8: {  	_ =	sdelay $0x3  }
0x2d9: {  	v7 =	vld.idx.msk [tilespmem:v5+s4+$0x0], $0xffff  }
0x2da: {  	v8 =	vld.idx.msk [tilespmem:v5+s14+$0x0], $0xffff;
	_ =	sdelay $0x3  }
0x2db: {  	v6 =	vshrl.u32 v7, $0x10  }
0x2dc: {  	v9 =	vshrl.u32 v8, $0x10;
	v6 =	vand.u32 $0x1F0, v6  }
0x2dd: {  	v10 =	vor.u32 v1, v6;
	v6 =	vand.u32 $0x1F0, v9  }
0x2de: {  	v6 =	vor.u32 v1, v6;
	_ =	sdelay $0x3  }
0x2df: {  	v63 =	vld.idx.msk [tilespmem:v10+s17+$0x0], $0xffff  }
0x2e0: {  	v11 =	vld.idx.msk [tilespmem:v6+s18+$0x0], $0xffff;
	_ =	sdelay $0x3  }
0x2e1: {  	v12 =	vld.idx.msk [tilespmem:v5+s23+$0x0], $0xffff  }
0x2e2: {  	v5 =	vld.idx.msk [tilespmem:v5+s24+$0x0], $0xffff;
	_ =	sdelay $0x1  }
0x2e3: {  	[tilespmem:v63+s19+$0x0] =	vst.idx.msk $0xffff, v7  }
0x2e4: {  	p2 =	seq.s32 s31, $0x2;
	[tilespmem:v11+s20+$0x0] =	vst.idx.msk $0xffff, v8  }
.Ltmp47:
0x2e5: {  	[tilespmem:v63+s21+$0x0] =	vst.idx.msk $0xffff, v12;
	(pc) =	sbr.rel @p2 .LBB2_73-.Ltmp47, $3  }
0x2e6: {  	[tilespmem:v11+s22+$0x0] =	vst.idx.msk $0xffff, v5;
	v5 =	vadd.s32 s3, v4;
	_ =	sdelay $0x1  }
0x2e7: {  	v7 =	vadd.s32 $0x1, v63  }
0x2e8: {  	s1 =	simm.s32 $0x2;
	p1 =	por $0x1, $0x1;
	[tilespmem:v10+s17+$0x0] =	vst.idx.msk $0xffff, v7;
	v7 =	vadd.s32 $0x1, v11  }
.LBB2_72:
0x2e9: {  	[tilespmem:v6+s18+$0x0] =	vst.idx.msk $0xffff, v7;
	s3 =	smov.u32 s1;
	s1 =	sadd.s32 $0x1, s1  }
0x2ea: {  	p2 =	seq.s32 s31, s1;
	v7 =	vld.idx.msk [tilespmem:v5+s4+$0x0], $0xffff  }
0x2eb: {  	v8 =	vld.idx.msk [tilespmem:v5+s14+$0x0], $0xffff;
	_ =	sdelay $0x4  }
0x2ec: {  	v6 =	vshrl.u32 v7, $0x10  }
0x2ed: {  	v9 =	vshrl.u32 v8, $0x10;
	v6 =	vand.u32 $0x1F0, v6  }
0x2ee: {  	v10 =	vor.u32 v1, v6;
	v6 =	vand.u32 $0x1F0, v9  }
0x2ef: {  	v6 =	vor.u32 v1, v6;
	_ =	sdelay $0x3  }
0x2f0: {  	v9 =	vld.idx.msk [tilespmem:v10+s17+$0x0], $0xffff  }
0x2f1: {  	v11 =	vld.idx.msk [tilespmem:v6+s18+$0x0], $0xffff;
	_ =	sdelay $0x2  }
0x2f2: {  	v12 =	vld.idx.msk [tilespmem:v5+s23+$0x0], $0xffff  }
0x2f3: {  	v13 =	vld.idx.msk [tilespmem:v5+s24+$0x0], $0xffff;
	_ =	sdelay $0x2  }
.Ltmp48:
0x2f4: {  	[tilespmem:v9+s19+$0x0] =	vst.idx.msk $0xffff, v7;
	(pc) =	sbr.rel @!p2 .LBB2_72-.Ltmp48, $4  }
0x2f5: {  	v5 =	vadd.s32 s3, v4;
	[tilespmem:v11+s20+$0x0] =	vst.idx.msk $0xffff, v8  }
0x2f6: {  	[tilespmem:v9+s21+$0x0] =	vst.idx.msk $0xffff, v12  }
0x2f7: {  	v7 =	vadd.s32 $0x1, v9;
	[tilespmem:v11+s22+$0x0] =	vst.idx.msk $0xffff, v13  }
0x2f8: {  	[tilespmem:v10+s17+$0x0] =	vst.idx.msk $0xffff, v7;
	v7 =	vadd.s32 $0x1, v11  }
.LBB2_73:
0x2f9: {  	_ =	sdelay $0x3  }
0x2fa: {  	[tilespmem:v6+s18+$0x0] =	vst.idx.msk @p1 $0xffff, v7  }
0x2fb: {  	v6 =	vld.idx.msk [tilespmem:v5+s4+$0x0], $0xffff  }
0x2fc: {  	v7 =	vld.idx.msk [tilespmem:v5+s14+$0x0], $0xffff;
	_ =	sdelay $0x3  }
0x2fd: {  	v8 =	vshrl.u32 v6, $0x10  }
0x2fe: {  	v9 =	vshrl.u32 v7, $0x10;
	v8 =	vand.u32 $0x1F0, v8  }
0x2ff: {  	v9 =	vand.u32 $0x1F0, v9;
	v8 =	vor.u32 v1, v8  }
0x300: {  	v9 =	vor.u32 v1, v9;
	_ =	sdelay $0x3  }
0x301: {  	v10 =	vld.idx.msk [tilespmem:v8+s17+$0x0], $0xffff  }
0x302: {  	v11 =	vld.idx.msk [tilespmem:v9+s18+$0x0], $0xffff;
	_ =	sdelay $0x3  }
0x303: {  	v12 =	vld.idx.msk [tilespmem:v5+s23+$0x0], $0xffff  }
0x304: {  	v5 =	vld.idx.msk [tilespmem:v5+s24+$0x0], $0xffff;
	_ =	sdelay $0x1  }
0x305: {  	[tilespmem:v10+s19+$0x0] =	vst.idx.msk $0xffff, v6  }
0x306: {  	[tilespmem:v11+s20+$0x0] =	vst.idx.msk $0xffff, v7  }
0x307: {  	[tilespmem:v10+s21+$0x0] =	vst.idx.msk $0xffff, v12  }
0x308: {  	[tilespmem:v11+s22+$0x0] =	vst.idx.msk $0xffff, v5;
	v5 =	vadd.s32 $0x1, v10  }
0x309: {  	[tilespmem:v8+s17+$0x0] =	vst.idx.msk $0xffff, v5;
	v5 =	vadd.s32 $0x1, v11  }
0x30a: {  	[tilespmem:v9+s18+$0x0] =	vst.idx.msk $0xffff, v5  }
.LBB2_74:
0x30b: {  	s1 =	simm.s32 $0x40;
	s3 =	simm.s32 $0x0  }
.LBB2_75:
0x30c: {  	p1 =	seq.s32 s1, $0x7C0;
	[tilespmem:s3+$0x2000] =	vst v0;
	s5 =	smov.u32 s1;
	s1 =	sadd.s32 $0x40, s1  }
.Ltmp49:
0x30d: {  	[tilespmem:s3+$0x4400] =	vst v0;
	(pc) =	sbr.rel @!p1 .LBB2_75-.Ltmp49, $2  }
0x30e: {  	_ =	sdelay $0x2  }
0x30f: {  	s3 =	sshra.s32 s5, $0x2  }
.Ltmp50:
0x310: {  	(pc) =	sbr.rel @!p0 .LBB2_77-.Ltmp50, $3  }
0x311: {  	_ =	sdelay $0x1  }
0x312: {  	[tilespmem:s3+$0x2000] =	vst v0  }
0x313: {  	[tilespmem:s3+$0x4400] =	vst v0  }
0x314: {  	s1 =	simm.s32 $0x0  }
0x315: {  	v5 =	vadd.s32 s1, v4;
	_ =	sdelay $0x4  }
0x316: {  	v6 =	vld.idx.msk [tilespmem:v5+s19+$0x0], $0xffff  }
0x317: {  	v5 =	vld.idx.msk [tilespmem:v5+s20+$0x0], $0xffff;
	_ =	sdelay $0x1  }
0x318: {  	p1 =	seq.s32 s31, $0x1  }
.Ltmp51:
0x319: {  	_ = 	snop;
	(pc) =	sbr.rel @p1 .LBB2_84-.Ltmp51, $4  }
0x31a: {  	v6 =	vshrl.u32 v6, $0x15  }
0x31b: {  	v5 =	vshrl.u32 v5, $0x15;
	v6 =	vand.u32 $0x1F0, v6  }
0x31c: {  	v7 =	vand.u32 $0x1F0, v5;
	v5 =	vor.u32 v1, v6  }
0x31d: {  	s1 =	simm.s32 $0x1;
	v6 =	vor.u32 v1, v7  }
.LBB2_83:
0x31e: {  	v7 =	vadd.s32 s1, v4  }
0x31f: {  	s1 =	sadd.s32 $0x1, s1  }
0x320: {  	p1 =	seq.s32 s31, s1  }
0x321: {  	[tilespmem:v5+s15+$0x0] =	vst.idx.add.s32.msk $0xffff, v2  }
0x322: {  	[tilespmem:v6+s16+$0x0] =	vst.idx.add.s32.msk $0xffff, v2  }
0x323: {  	v5 =	vld.idx.msk [tilespmem:v7+s19+$0x0], $0xffff  }
0x324: {  	v6 =	vld.idx.msk [tilespmem:v7+s20+$0x0], $0xffff;
	_ =	sdelay $0x3  }
.Ltmp52:
0x325: {  	(pc) =	sbr.rel @!p1 .LBB2_83-.Ltmp52, $4  }
0x326: {  	v5 =	vshrl.u32 v5, $0x15  }
0x327: {  	v6 =	vshrl.u32 v6, $0x15;
	v5 =	vand.u32 $0x1F0, v5  }
0x328: {  	v5 =	vor.u32 v1, v5;
	v6 =	vand.u32 $0x1F0, v6  }
0x329: {  	v6 =	vor.u32 v1, v6  }
.LBB2_84:
0x32a: {  	_ =	sdelay $0x3  }
0x32b: {  	[tilespmem:v5+s15+$0x0] =	vst.idx.add.s32.msk $0xffff, v2  }
0x32c: {  	[tilespmem:v6+s16+$0x0] =	vst.idx.add.s32.msk $0xffff, v2  }
.LBB2_77:
0x32d: {  	s3 =	simm.s32 $0x0  }
0x32e: {  	v13 =	vld [tilespmem:s3+$0x4400];
	_ =	sdelay $0x4  }
0x32f: {  	(xrf0) =	vadd.scan.msk.s32 $0xffff, v13  }
0x330: {  	v14 =	vld [tilespmem:s3+$0x2000];
	_ =	sdelay $0x1  }
0x331: {  	s9 =	simm.s32 $0x10  }
0x332: {  	v8 =	vld [tilespmem:s9+$0x4400]  }
0x333: {  	s10 =	simm.s32 $0x20;
	v7 =	vld [tilespmem:s9+$0x2000]  }
0x334: {  	v6 =	vld [tilespmem:s10+$0x4400];
	v15, _, _ =	vpop (xrf0);
	(xrf0) =	vadd.scan.msk.s32 $0xffff, v14  }
0x335: {  	v5 =	vld [tilespmem:s10+$0x2000];
	_ =	sdelay $0x1  }
0x336: {  	(xrf0) =	vadd.scan.msk.s32 $0xffff, v8  }
0x337: {  	(xrf0) =	vadd.scan.msk.s32 $0xffff, v7  }
0x338: {  	(xrf0) =	vadd.scan.msk.s32 $0xffff, v6  }
0x339: {  	(v2sf) =	vpush v15, $0xF;
	(xrf0) =	vadd.scan.msk.s32 $0xffff, v5;
	v16, _, _ =	vpop (xrf0)  }
0x33a: {  	s26 =	simm.s32 $0x0;
	(v2sf) =	vpush v16, $0xF  }
0x33b: {  	v13 =	vsub.s32 s26, v13  }
0x33c: {  	v14 =	vsub.s32 s26, v14;
	v12, _, _ =	vpop (xrf0)  }
0x33d: {  	v9, _, _ =	vpop (xrf0);
	(v2sf) =	vpush v12, $0xF  }
0x33e: {  	v15 =	vadd.s32 v15, v13;
	(v2sf) =	vpush v9, $0xF;
	v13, _, _ =	vpop (xrf0)  }
0x33f: {  	v16 =	vadd.s32 v16, v14;
	v14, _, _ =	vpop (xrf0);
	(v2sf) =	vpush v13, $0xF  }
0x340: {  	(v2sf) =	vpush v14, $0xF  }
0x341: {  	s1 =	simm.s32 $0x30  }
0x342: {  	v10 =	vld [tilespmem:s1+$0x4400]  }
0x343: {  	v11 =	vld [tilespmem:s1+$0x2000];
	_ =	sdelay $0x3  }
0x344: {  	s25 =	simm.s32 $0x40;
	[tilespmem:s3+$0x4600] =	vst v15;
	(xrf0) =	vadd.scan.msk.s32 $0xffff, v10  }
0x345: {  	s5 =	simm.s32 $0x140;
	(xrf0) =	vadd.scan.msk.s32 $0xffff, v11;
	[tilespmem:s3+$0x2200] =	vst v16;
	s3 =	simm.s32 $0x0;
	s6 =	spop (v2sf)  }
.LBB2_78:
0x346: {  	p1 =	seq.s32 s5, $0x7C0;
	v15 =	vld [tilespmem:s25+$0x4400];
	s26 =	sadd.s32 s26, s6;
	s6 =	spop (v2sf)  }
0x347: {  	v16 =	vld [tilespmem:s25+$0x2000];
	v17 =	vsub.s32 s26, v8;
	s3 =	sadd.s32 s3, s6;
	v8 =	vmov v6;
	v6 =	vmov v10  }
.Ltmp53:
0x348: {  	v10 =	vsub.s32 s3, v7;
	v17 =	vadd.s32 v12, v17;
	v7 =	vmovc v5;
	v5 =	vmovc v11;
	v12 =	vmov v13;
	(pc) =	sbr.rel @!p1 .LBB2_78-.Ltmp53, $4  }
0x349: {  	v11 =	vadd.s32 v9, v10;
	[tilespmem:s9+$0x4600] =	vst v17;
	v9 =	vmov v14  }
0x34a: {  	v13, _, _ =	vpop (xrf0);
	[tilespmem:s9+$0x2200] =	vst v11;
	s9 =	smov.u32 s10;
	s10 =	smov.u32 s1;
	s1 =	smov.u32 s25  }
0x34b: {  	(xrf0) =	vadd.scan.msk.s32 $0xffff, v15;
	v14, _, _ =	vpop (xrf0);
	(v2sf) =	vpush v13, $0xF;
	v10 =	vmov v15  }
0x34c: {  	s25 =	sshra.s32 s5, $0x2;
	s5 =	sadd.s32 $0x40, s5;
	(xrf0) =	vadd.scan.msk.s32 $0xffff, v16;
	(v2sf) =	vpush v14, $0xF;
	s6 =	spop (v2sf);
	v11 =	vmov v16  }
0x34d: {  	v15 =	vld [tilespmem:s25+$0x4400]  }
0x34e: {  	v16 =	vld [tilespmem:s25+$0x2000];
	_ =	sdelay $0x3  }
0x34f: {  	(xrf0) =	vadd.scan.msk.s32 $0xffff, v15  }
0x350: {  	(xrf0) =	vadd.scan.msk.s32 $0xffff, v16  }
0x351: {  	v17, _, _ =	vpop (xrf0)  }
0x352: {  	v18, _, _ =	vpop (xrf0);
	(v2sf) =	vpush v17, $0xF  }
0x353: {  	(v2sf) =	vpush v18, $0xF;
	_ =	sdelay $0x1  }
0x354: {  	v19, _, _ =	vpop (xrf0)  }
0x355: {  	v20, _, _ =	vpop (xrf0);
	(v2sf) =	vpush v19, $0xF  }
0x356: {  	(v2sf) =	vpush v20, $0xF;
	_ =	sdelay $0x4  }
0x357: {  	s5 =	sadd.s32 s26, s6;
	s26 =	spop (v2sf)  }
0x358: {  	s3 =	sadd.s32 s3, s26;
	s26 =	spop (v2sf);
	v8 =	vsub.s32 s5, v8  }
0x359: {  	v8 =	vadd.s32 v12, v8;
	s5 =	sadd.s32 s5, s26;
	s26 =	spop (v2sf);
	v7 =	vsub.s32 s3, v7  }
0x35a: {  	v7 =	vadd.s32 v9, v7;
	[tilespmem:s9+$0x4600] =	vst v8;
	v6 =	vsub.s32 s5, v6;
	s3 =	sadd.s32 s3, s26;
	s26 =	spop (v2sf)  }
0x35b: {  	[tilespmem:s9+$0x2200] =	vst v7;
	v5 =	vsub.s32 s3, v5;
	v6 =	vadd.s32 v13, v6;
	s5 =	sadd.s32 s5, s26;
	s9 =	spop (v2sf)  }
0x35c: {  	v5 =	vadd.s32 v14, v5;
	[tilespmem:s10+$0x4600] =	vst v6;
	v6 =	vsub.s32 s5, v10;
	s3 =	sadd.s32 s3, s9;
	s26 =	spop (v2sf)  }
.Ltmp54:
0x35d: {  	[tilespmem:s10+$0x2200] =	vst v5;
	v5 =	vsub.s32 s3, v11;
	v6 =	vadd.s32 v17, v6;
	s5 =	sadd.s32 s5, s26;
	s9 =	spop (v2sf);
	(pc) =	sbr.rel @!p0 .LBB2_88-.Ltmp54, $4  }
0x35e: {  	v5 =	vadd.s32 v18, v5;
	[tilespmem:s1+$0x4600] =	vst v6;
	v6 =	vsub.s32 s5, v15;
	s3 =	sadd.s32 s3, s9  }
0x35f: {  	[tilespmem:s1+$0x2200] =	vst v5;
	v5 =	vsub.s32 s3, v16;
	v6 =	vadd.s32 v19, v6  }
0x360: {  	v5 =	vadd.s32 v20, v5;
	[tilespmem:s25+$0x4600] =	vst v6;
	s10 =	spop (v2sf)  }
0x361: {  	[tilespmem:s25+$0x2200] =	vst v5;
	s26 =	spop (v2sf)  }
0x362: {  	p2 =	seq.s32 s31, $0x1  }
.Ltmp55:
0x363: {  	_ = 	snop;
	(pc) =	sbr.rel @p2 .LBB2_81-.Ltmp55, $3  }
0x364: {  	_ =	sdelay $0x1  }
0x365: {  	s1 =	simm.s32 $0x0  }
0x366: {  	s3 =	simm.s32 $0x1;
	p1 =	por $0x0, $0x0;
	v5 =	vadd.s32 s1, v4  }
0x367: {  	_ =	sdelay $0x3  }
0x368: {  	v7 =	vld.idx.msk [tilespmem:v5+s19+$0x0], $0xffff  }
0x369: {  	v8 =	vld.idx.msk [tilespmem:v5+s20+$0x0], $0xffff;
	_ =	sdelay $0x3  }
0x36a: {  	v6 =	vshrl.u32 v7, $0x15  }
0x36b: {  	v9 =	vshrl.u32 v8, $0x15;
	v6 =	vand.u32 $0x1F0, v6  }
0x36c: {  	v10 =	vor.u32 v1, v6;
	v6 =	vand.u32 $0x1F0, v9  }
0x36d: {  	v6 =	vor.u32 v1, v6;
	_ =	sdelay $0x3  }
0x36e: {  	v63 =	vld.idx.msk [tilespmem:v10+s17+$0x0], $0xffff  }
0x36f: {  	v11 =	vld.idx.msk [tilespmem:v6+s18+$0x0], $0xffff;
	_ =	sdelay $0x3  }
0x370: {  	v12 =	vld.idx.msk [tilespmem:v5+s21+$0x0], $0xffff  }
0x371: {  	v5 =	vld.idx.msk [tilespmem:v5+s22+$0x0], $0xffff;
	_ =	sdelay $0x1  }
0x372: {  	[tilespmem:v63+s4+$0x0] =	vst.idx.msk $0xffff, v7  }
0x373: {  	p2 =	seq.s32 s31, $0x2;
	[tilespmem:v11+s14+$0x0] =	vst.idx.msk $0xffff, v8  }
.Ltmp56:
0x374: {  	[tilespmem:v63+s23+$0x0] =	vst.idx.msk $0xffff, v12;
	(pc) =	sbr.rel @p2 .LBB2_87-.Ltmp56, $3  }
0x375: {  	[tilespmem:v11+s24+$0x0] =	vst.idx.msk $0xffff, v5;
	v5 =	vadd.s32 s3, v4;
	_ =	sdelay $0x1  }
0x376: {  	v7 =	vadd.s32 $0x1, v63  }
0x377: {  	s1 =	simm.s32 $0x2;
	p1 =	por $0x1, $0x1;
	[tilespmem:v10+s17+$0x0] =	vst.idx.msk $0xffff, v7;
	v7 =	vadd.s32 $0x1, v11  }
.LBB2_86:
0x378: {  	[tilespmem:v6+s18+$0x0] =	vst.idx.msk $0xffff, v7;
	s3 =	smov.u32 s1;
	s1 =	sadd.s32 $0x1, s1  }
0x379: {  	p2 =	seq.s32 s31, s1;
	v7 =	vld.idx.msk [tilespmem:v5+s19+$0x0], $0xffff  }
0x37a: {  	v8 =	vld.idx.msk [tilespmem:v5+s20+$0x0], $0xffff;
	_ =	sdelay $0x4  }
0x37b: {  	v6 =	vshrl.u32 v7, $0x15  }
0x37c: {  	v9 =	vshrl.u32 v8, $0x15;
	v6 =	vand.u32 $0x1F0, v6  }
0x37d: {  	v10 =	vor.u32 v1, v6;
	v6 =	vand.u32 $0x1F0, v9  }
0x37e: {  	v6 =	vor.u32 v1, v6;
	_ =	sdelay $0x3  }
0x37f: {  	v9 =	vld.idx.msk [tilespmem:v10+s17+$0x0], $0xffff  }
0x380: {  	v11 =	vld.idx.msk [tilespmem:v6+s18+$0x0], $0xffff;
	_ =	sdelay $0x2  }
0x381: {  	v12 =	vld.idx.msk [tilespmem:v5+s21+$0x0], $0xffff  }
0x382: {  	v13 =	vld.idx.msk [tilespmem:v5+s22+$0x0], $0xffff;
	_ =	sdelay $0x2  }
.Ltmp57:
0x383: {  	[tilespmem:v9+s4+$0x0] =	vst.idx.msk $0xffff, v7;
	(pc) =	sbr.rel @!p2 .LBB2_86-.Ltmp57, $4  }
0x384: {  	v5 =	vadd.s32 s3, v4;
	[tilespmem:v11+s14+$0x0] =	vst.idx.msk $0xffff, v8  }
0x385: {  	[tilespmem:v9+s23+$0x0] =	vst.idx.msk $0xffff, v12  }
0x386: {  	v7 =	vadd.s32 $0x1, v9;
	[tilespmem:v11+s24+$0x0] =	vst.idx.msk $0xffff, v13  }
0x387: {  	[tilespmem:v10+s17+$0x0] =	vst.idx.msk $0xffff, v7;
	v7 =	vadd.s32 $0x1, v11  }
.LBB2_87:
0x388: {  	_ =	sdelay $0x3  }
0x389: {  	[tilespmem:v6+s18+$0x0] =	vst.idx.msk @p1 $0xffff, v7  }
0x38a: {  	v6 =	vld.idx.msk [tilespmem:v5+s19+$0x0], $0xffff  }
0x38b: {  	v7 =	vld.idx.msk [tilespmem:v5+s20+$0x0], $0xffff;
	_ =	sdelay $0x3  }
0x38c: {  	v8 =	vshrl.u32 v6, $0x15  }
0x38d: {  	v9 =	vshrl.u32 v7, $0x15;
	v8 =	vand.u32 $0x1F0, v8  }
0x38e: {  	v9 =	vand.u32 $0x1F0, v9;
	v8 =	vor.u32 v1, v8  }
0x38f: {  	v9 =	vor.u32 v1, v9;
	_ =	sdelay $0x3  }
0x390: {  	v10 =	vld.idx.msk [tilespmem:v8+s17+$0x0], $0xffff  }
0x391: {  	v11 =	vld.idx.msk [tilespmem:v9+s18+$0x0], $0xffff;
	_ =	sdelay $0x3  }
0x392: {  	v12 =	vld.idx.msk [tilespmem:v5+s21+$0x0], $0xffff  }
0x393: {  	v5 =	vld.idx.msk [tilespmem:v5+s22+$0x0], $0xffff;
	_ =	sdelay $0x1  }
0x394: {  	[tilespmem:v10+s4+$0x0] =	vst.idx.msk $0xffff, v6  }
0x395: {  	[tilespmem:v11+s14+$0x0] =	vst.idx.msk $0xffff, v7  }
0x396: {  	[tilespmem:v10+s23+$0x0] =	vst.idx.msk $0xffff, v12  }
0x397: {  	[tilespmem:v11+s24+$0x0] =	vst.idx.msk $0xffff, v5;
	v5 =	vadd.s32 $0x1, v10  }
0x398: {  	[tilespmem:v8+s17+$0x0] =	vst.idx.msk $0xffff, v5;
	v5 =	vadd.s32 $0x1, v11  }
0x399: {  	[tilespmem:v9+s18+$0x0] =	vst.idx.msk $0xffff, v5  }
.LBB2_88:
0x39a: {  	s1 =	simm.s32 $0x40;
	s3 =	simm.s32 $0x0  }
.LBB2_89:
0x39b: {  	p1 =	seq.s32 s1, $0x7C0;
	[tilespmem:s3+$0x2000] =	vst v0;
	s5 =	smov.u32 s1;
	s1 =	sadd.s32 $0x40, s1  }
.Ltmp58:
0x39c: {  	[tilespmem:s3+$0x4400] =	vst v0;
	(pc) =	sbr.rel @!p1 .LBB2_89-.Ltmp58, $2  }
0x39d: {  	_ =	sdelay $0x2  }
0x39e: {  	s3 =	sshra.s32 s5, $0x2  }
.Ltmp59:
0x39f: {  	(pc) =	sbr.rel @!p0 .LBB2_91-.Ltmp59, $3  }
0x3a0: {  	_ =	sdelay $0x1  }
0x3a1: {  	[tilespmem:s3+$0x2000] =	vst v0  }
0x3a2: {  	[tilespmem:s3+$0x4400] =	vst v0  }
0x3a3: {  	s1 =	simm.s32 $0x0  }
0x3a4: {  	v5 =	vadd.s32 s1, v4;
	_ =	sdelay $0x4  }
0x3a5: {  	v6 =	vld.idx.msk [tilespmem:v5+s4+$0x0], $0xffff  }
0x3a6: {  	v5 =	vld.idx.msk [tilespmem:v5+s14+$0x0], $0xffff;
	_ =	sdelay $0x1  }
0x3a7: {  	p0 =	seq.s32 s31, $0x1  }
.Ltmp60:
0x3a8: {  	_ = 	snop;
	(pc) =	sbr.rel @p0 .LBB2_98-.Ltmp60, $4  }
0x3a9: {  	v6 =	vshra.s32 v6, $0x1A  }
0x3aa: {  	v5 =	vshra.s32 v5, $0x1A;
	v6 =	vand.u32 $0x1F0, v6  }
0x3ab: {  	v7 =	vand.u32 $0x1F0, v5;
	v5 =	vor.u32 v1, v6  }
0x3ac: {  	s1 =	simm.s32 $0x1;
	v6 =	vor.u32 v1, v7  }
.LBB2_97:
0x3ad: {  	v7 =	vadd.s32 s1, v4  }
0x3ae: {  	s1 =	sadd.s32 $0x1, s1  }
0x3af: {  	p0 =	seq.s32 s31, s1  }
0x3b0: {  	[tilespmem:v5+s15+$0x0] =	vst.idx.add.s32.msk $0xffff, v2  }
0x3b1: {  	[tilespmem:v6+s16+$0x0] =	vst.idx.add.s32.msk $0xffff, v2  }
0x3b2: {  	v5 =	vld.idx.msk [tilespmem:v7+s4+$0x0], $0xffff  }
0x3b3: {  	v6 =	vld.idx.msk [tilespmem:v7+s14+$0x0], $0xffff;
	_ =	sdelay $0x3  }
.Ltmp61:
0x3b4: {  	(pc) =	sbr.rel @!p0 .LBB2_97-.Ltmp61, $4  }
0x3b5: {  	v5 =	vshra.s32 v5, $0x1A  }
0x3b6: {  	v6 =	vshra.s32 v6, $0x1A;
	v5 =	vand.u32 $0x1F0, v5  }
0x3b7: {  	v5 =	vor.u32 v1, v5;
	v6 =	vand.u32 $0x1F0, v6  }
0x3b8: {  	v6 =	vor.u32 v1, v6  }
.LBB2_98:
0x3b9: {  	_ =	sdelay $0x3  }
0x3ba: {  	[tilespmem:v5+s15+$0x0] =	vst.idx.add.s32.msk $0xffff, v2  }
0x3bb: {  	[tilespmem:v6+s16+$0x0] =	vst.idx.add.s32.msk $0xffff, v2  }
.LBB2_91:
0x3bc: {  	s3 =	simm.s32 $0x0  }
0x3bd: {  	v13 =	vld [tilespmem:s3+$0x4400];
	_ =	sdelay $0x4  }
0x3be: {  	(xrf0) =	vadd.scan.msk.s32 $0xffff, v13  }
0x3bf: {  	v14 =	vld [tilespmem:s3+$0x2000];
	_ =	sdelay $0x1  }
0x3c0: {  	s9 =	simm.s32 $0x10  }
0x3c1: {  	v8 =	vld [tilespmem:s9+$0x4400]  }
0x3c2: {  	s10 =	simm.s32 $0x20;
	v7 =	vld [tilespmem:s9+$0x2000]  }
0x3c3: {  	v6 =	vld [tilespmem:s10+$0x4400];
	v15, _, _ =	vpop (xrf0);
	(xrf0) =	vadd.scan.msk.s32 $0xffff, v14  }
0x3c4: {  	v5 =	vld [tilespmem:s10+$0x2000];
	_ =	sdelay $0x1  }
0x3c5: {  	(xrf0) =	vadd.scan.msk.s32 $0xffff, v8  }
0x3c6: {  	(xrf0) =	vadd.scan.msk.s32 $0xffff, v7  }
0x3c7: {  	(xrf0) =	vadd.scan.msk.s32 $0xffff, v6  }
0x3c8: {  	(v2sf) =	vpush v15, $0xF;
	(xrf0) =	vadd.scan.msk.s32 $0xffff, v5;
	v16, _, _ =	vpop (xrf0)  }
0x3c9: {  	s26 =	simm.s32 $0x0;
	(v2sf) =	vpush v16, $0xF  }
0x3ca: {  	v13 =	vsub.s32 s26, v13  }
0x3cb: {  	v14 =	vsub.s32 s26, v14;
	v12, _, _ =	vpop (xrf0)  }
0x3cc: {  	v9, _, _ =	vpop (xrf0);
	(v2sf) =	vpush v12, $0xF  }
0x3cd: {  	v15 =	vadd.s32 v15, v13;
	(v2sf) =	vpush v9, $0xF;
	v13, _, _ =	vpop (xrf0)  }
0x3ce: {  	v16 =	vadd.s32 v16, v14;
	v14, _, _ =	vpop (xrf0);
	(v2sf) =	vpush v13, $0xF  }
0x3cf: {  	(v2sf) =	vpush v14, $0xF  }
0x3d0: {  	s1 =	simm.s32 $0x30  }
0x3d1: {  	v10 =	vld [tilespmem:s1+$0x4400]  }
0x3d2: {  	v11 =	vld [tilespmem:s1+$0x2000];
	_ =	sdelay $0x3  }
0x3d3: {  	s25 =	simm.s32 $0x40;
	[tilespmem:s3+$0x4600] =	vst v15;
	(xrf0) =	vadd.scan.msk.s32 $0xffff, v10  }
0x3d4: {  	s5 =	simm.s32 $0x140;
	(xrf0) =	vadd.scan.msk.s32 $0xffff, v11;
	[tilespmem:s3+$0x2200] =	vst v16;
	s3 =	simm.s32 $0x0;
	s6 =	spop (v2sf)  }
.LBB2_92:
0x3d5: {  	p0 =	seq.s32 s5, $0x7C0;
	v15 =	vld [tilespmem:s25+$0x4400];
	s26 =	sadd.s32 s26, s6;
	s6 =	spop (v2sf)  }
0x3d6: {  	v16 =	vld [tilespmem:s25+$0x2000];
	v17 =	vsub.s32 s26, v8;
	s3 =	sadd.s32 s3, s6;
	v8 =	vmov v6;
	v6 =	vmov v10  }
.Ltmp62:
0x3d7: {  	v10 =	vsub.s32 s3, v7;
	v17 =	vadd.s32 v12, v17;
	v7 =	vmovc v5;
	v5 =	vmovc v11;
	v12 =	vmov v13;
	(pc) =	sbr.rel @!p0 .LBB2_92-.Ltmp62, $4  }
0x3d8: {  	v11 =	vadd.s32 v9, v10;
	[tilespmem:s9+$0x4600] =	vst v17;
	v9 =	vmov v14  }
0x3d9: {  	v13, _, _ =	vpop (xrf0);
	[tilespmem:s9+$0x2200] =	vst v11;
	s9 =	smov.u32 s10;
	s10 =	smov.u32 s1;
	s1 =	smov.u32 s25  }
0x3da: {  	(xrf0) =	vadd.scan.msk.s32 $0xffff, v15;
	v14, _, _ =	vpop (xrf0);
	(v2sf) =	vpush v13, $0xF;
	v10 =	vmov v15  }
0x3db: {  	s25 =	sshra.s32 s5, $0x2;
	s5 =	sadd.s32 $0x40, s5;
	(xrf0) =	vadd.scan.msk.s32 $0xffff, v16;
	(v2sf) =	vpush v14, $0xF;
	s6 =	spop (v2sf);
	v11 =	vmov v16  }
0x3dc: {  	v15 =	vld [tilespmem:s25+$0x4400]  }
0x3dd: {  	v16 =	vld [tilespmem:s25+$0x2000];
	_ =	sdelay $0x3  }
0x3de: {  	(xrf0) =	vadd.scan.msk.s32 $0xffff, v15  }
0x3df: {  	(xrf0) =	vadd.scan.msk.s32 $0xffff, v16  }
0x3e0: {  	v17, _, _ =	vpop (xrf0)  }
0x3e1: {  	v18, _, _ =	vpop (xrf0);
	(v2sf) =	vpush v17, $0xF  }
0x3e2: {  	(v2sf) =	vpush v18, $0xF;
	_ =	sdelay $0x1  }
0x3e3: {  	v19, _, _ =	vpop (xrf0)  }
0x3e4: {  	v20, _, _ =	vpop (xrf0);
	(v2sf) =	vpush v19, $0xF  }
0x3e5: {  	(v2sf) =	vpush v20, $0xF;
	_ =	sdelay $0x4  }
0x3e6: {  	s5 =	sadd.s32 s26, s6;
	s26 =	spop (v2sf)  }
0x3e7: {  	s3 =	sadd.s32 s3, s26;
	s26 =	spop (v2sf);
	v8 =	vsub.s32 s5, v8  }
0x3e8: {  	v8 =	vadd.s32 v12, v8;
	s5 =	sadd.s32 s5, s26;
	s26 =	spop (v2sf);
	v7 =	vsub.s32 s3, v7  }
0x3e9: {  	v7 =	vadd.s32 v9, v7;
	[tilespmem:s9+$0x4600] =	vst v8;
	v6 =	vsub.s32 s5, v6;
	s3 =	sadd.s32 s3, s26;
	s26 =	spop (v2sf)  }
0x3ea: {  	[tilespmem:s9+$0x2200] =	vst v7;
	v5 =	vsub.s32 s3, v5;
	v6 =	vadd.s32 v13, v6;
	s5 =	sadd.s32 s5, s26;
	s9 =	spop (v2sf)  }
0x3eb: {  	p0 =	slt.s32 s31, $0x1;
	v5 =	vadd.s32 v14, v5;
	[tilespmem:s10+$0x4600] =	vst v6;
	v6 =	vsub.s32 s5, v10;
	s3 =	sadd.s32 s3, s9;
	s26 =	spop (v2sf)  }
.Ltmp63:
0x3ec: {  	[tilespmem:s10+$0x2200] =	vst v5;
	v5 =	vsub.s32 s3, v11;
	v6 =	vadd.s32 v17, v6;
	s5 =	sadd.s32 s5, s26;
	s9 =	spop (v2sf);
	(pc) =	sbr.rel @p0 .LBB2_102-.Ltmp63, $4  }
0x3ed: {  	v5 =	vadd.s32 v18, v5;
	[tilespmem:s1+$0x4600] =	vst v6;
	v6 =	vsub.s32 s5, v15;
	s3 =	sadd.s32 s3, s9  }
0x3ee: {  	[tilespmem:s1+$0x2200] =	vst v5;
	v5 =	vsub.s32 s3, v16;
	v6 =	vadd.s32 v19, v6  }
0x3ef: {  	v5 =	vadd.s32 v20, v5;
	[tilespmem:s25+$0x4600] =	vst v6;
	s10 =	spop (v2sf)  }
0x3f0: {  	[tilespmem:s25+$0x2200] =	vst v5;
	s26 =	spop (v2sf)  }
0x3f1: {  	p1 =	sne.s32 s31, $0x1  }
.Ltmp64:
0x3f2: {  	_ = 	snop;
	(pc) =	sbr.rel @!p1 .LBB2_95-.Ltmp64, $3  }
0x3f3: {  	_ =	sdelay $0x1  }
0x3f4: {  	s1 =	simm.s32 $0x0  }
0x3f5: {  	s3 =	simm.s32 $0x1;
	p0 =	por $0x0, $0x0;
	v5 =	vadd.s32 s1, v4  }
0x3f6: {  	_ =	sdelay $0x3  }
0x3f7: {  	v7 =	vld.idx.msk [tilespmem:v5+s4+$0x0], $0xffff  }
0x3f8: {  	v8 =	vld.idx.msk [tilespmem:v5+s14+$0x0], $0xffff;
	_ =	sdelay $0x3  }
0x3f9: {  	v6 =	vshra.s32 v7, $0x1A  }
0x3fa: {  	v9 =	vshra.s32 v8, $0x1A;
	v6 =	vand.u32 $0x1F0, v6  }
0x3fb: {  	v10 =	vor.u32 v1, v6;
	v6 =	vand.u32 $0x1F0, v9  }
0x3fc: {  	v6 =	vor.u32 v1, v6;
	_ =	sdelay $0x3  }
0x3fd: {  	v63 =	vld.idx.msk [tilespmem:v10+s17+$0x0], $0xffff  }
0x3fe: {  	v11 =	vld.idx.msk [tilespmem:v6+s18+$0x0], $0xffff;
	_ =	sdelay $0x3  }
0x3ff: {  	v12 =	vld.idx.msk [tilespmem:v5+s23+$0x0], $0xffff  }
0x400: {  	v5 =	vld.idx.msk [tilespmem:v5+s24+$0x0], $0xffff;
	_ =	sdelay $0x1  }
0x401: {  	[tilespmem:v63+s19+$0x0] =	vst.idx.msk $0xffff, v7  }
0x402: {  	p1 =	sne.s32 s31, $0x2;
	[tilespmem:v11+s20+$0x0] =	vst.idx.msk $0xffff, v8  }
.Ltmp65:
0x403: {  	[tilespmem:v63+s21+$0x0] =	vst.idx.msk $0xffff, v12;
	(pc) =	sbr.rel @!p1 .LBB2_101-.Ltmp65, $3  }
0x404: {  	[tilespmem:v11+s22+$0x0] =	vst.idx.msk $0xffff, v5;
	v5 =	vadd.s32 s3, v4;
	_ =	sdelay $0x1  }
0x405: {  	v7 =	vadd.s32 $0x1, v63  }
0x406: {  	s1 =	simm.s32 $0x2;
	p0 =	por $0x1, $0x1;
	[tilespmem:v10+s17+$0x0] =	vst.idx.msk $0xffff, v7;
	v7 =	vadd.s32 $0x1, v11  }
.LBB2_100:
0x407: {  	[tilespmem:v6+s18+$0x0] =	vst.idx.msk $0xffff, v7;
	s3 =	smov.u32 s1;
	s1 =	sadd.s32 $0x1, s1  }
0x408: {  	p1 =	sne.s32 s31, s1;
	v7 =	vld.idx.msk [tilespmem:v5+s4+$0x0], $0xffff  }
0x409: {  	v8 =	vld.idx.msk [tilespmem:v5+s14+$0x0], $0xffff;
	_ =	sdelay $0x4  }
0x40a: {  	v6 =	vshra.s32 v7, $0x1A  }
0x40b: {  	v9 =	vshra.s32 v8, $0x1A;
	v6 =	vand.u32 $0x1F0, v6  }
0x40c: {  	v10 =	vor.u32 v1, v6;
	v6 =	vand.u32 $0x1F0, v9  }
0x40d: {  	v6 =	vor.u32 v1, v6;
	_ =	sdelay $0x3  }
0x40e: {  	v9 =	vld.idx.msk [tilespmem:v10+s17+$0x0], $0xffff  }
0x40f: {  	v11 =	vld.idx.msk [tilespmem:v6+s18+$0x0], $0xffff;
	_ =	sdelay $0x2  }
0x410: {  	v12 =	vld.idx.msk [tilespmem:v5+s23+$0x0], $0xffff  }
0x411: {  	v13 =	vld.idx.msk [tilespmem:v5+s24+$0x0], $0xffff;
	_ =	sdelay $0x2  }
.Ltmp66:
0x412: {  	[tilespmem:v9+s19+$0x0] =	vst.idx.msk $0xffff, v7;
	(pc) =	sbr.rel @p1 .LBB2_100-.Ltmp66, $4  }
0x413: {  	v5 =	vadd.s32 s3, v4;
	[tilespmem:v11+s20+$0x0] =	vst.idx.msk $0xffff, v8  }
0x414: {  	[tilespmem:v9+s21+$0x0] =	vst.idx.msk $0xffff, v12  }
0x415: {  	v7 =	vadd.s32 $0x1, v9;
	[tilespmem:v11+s22+$0x0] =	vst.idx.msk $0xffff, v13  }
0x416: {  	[tilespmem:v10+s17+$0x0] =	vst.idx.msk $0xffff, v7;
	v7 =	vadd.s32 $0x1, v11  }
.LBB2_101:
0x417: {  	_ =	sdelay $0x3  }
0x418: {  	[tilespmem:v6+s18+$0x0] =	vst.idx.msk @p0 $0xffff, v7  }
0x419: {  	v4 =	vld.idx.msk [tilespmem:v5+s4+$0x0], $0xffff  }
0x41a: {  	v6 =	vld.idx.msk [tilespmem:v5+s14+$0x0], $0xffff;
	_ =	sdelay $0x3  }
0x41b: {  	v63 =	vshra.s32 v4, $0x1A  }
0x41c: {  	v8 =	vshra.s32 v6, $0x1A;
	v7 =	vand.u32 $0x1F0, v63  }
0x41d: {  	v8 =	vand.u32 $0x1F0, v8;
	v7 =	vor.u32 v1, v7  }
0x41e: {  	v8 =	vor.u32 v1, v8;
	_ =	sdelay $0x3  }
0x41f: {  	v9 =	vld.idx.msk [tilespmem:v7+s17+$0x0], $0xffff  }
0x420: {  	v10 =	vld.idx.msk [tilespmem:v8+s18+$0x0], $0xffff;
	_ =	sdelay $0x3  }
0x421: {  	v11 =	vld.idx.msk [tilespmem:v5+s23+$0x0], $0xffff  }
0x422: {  	v5 =	vld.idx.msk [tilespmem:v5+s24+$0x0], $0xffff;
	_ =	sdelay $0x1  }
0x423: {  	[tilespmem:v9+s19+$0x0] =	vst.idx.msk $0xffff, v4  }
0x424: {  	[tilespmem:v10+s20+$0x0] =	vst.idx.msk $0xffff, v6  }
0x425: {  	[tilespmem:v9+s21+$0x0] =	vst.idx.msk $0xffff, v11  }
0x426: {  	v4 =	vadd.s32 $0x1, v9;
	[tilespmem:v10+s22+$0x0] =	vst.idx.msk $0xffff, v5  }
0x427: {  	[tilespmem:v7+s17+$0x0] =	vst.idx.msk $0xffff, v4;
	v4 =	vadd.s32 $0x1, v10  }
0x428: {  	[tilespmem:v8+s18+$0x0] =	vst.idx.msk $0xffff, v4  }
.LBB2_102:
0x429: {  	p1 =	sgt.s32 s0, $0x0  }
.Ltmp67:
0x42a: {  	_ = 	snop;
	(pc) =	sbr.rel @!p1 .LBB2_106-.Ltmp67, $3  }
0x42b: {  	_ =	sdelay $0x1  }
0x42c: {  	p0 =	slt.s32 s0, $0x40;
	s1 =	smov.u32 s0  }
0x42d: {  	s1 =	simm.s32 @!p0 $0x40  }
0x42e: {  	p1 =	seq.s32 s1, $0x1  }
.Ltmp68:
0x42f: {  	_ = 	snop;
	(pc) =	sbr.rel @p1 .LBB2_104-.Ltmp68, $3  }
0x430: {  	_ =	sdelay $0x1  }
0x431: {  	s6 =	simm.s32 $0x1000;
	s5 =	simm.s32 $0x1800  }
0x432: {  	s3 =	simm.s32 $0x4800;
	s9 =	sadd.s32 $0xFFFFFFFF, s1;
	p0 =	por $0x0, $0x0;
	v4 =	vld [tilespmem:s6+$0x0]  }
0x433: {  	v5 =	vld [tilespmem:s5+$0x0];
	_ =	sdelay $0x1  }
0x434: {  	p1 =	seq.s32 s9, $0x1  }
.Ltmp69:
0x435: {  	_ = 	snop;
	(pc) =	sbr.rel @p1 .LBB2_112-.Ltmp69, $4  }
0x436: {  	vm1 =	veq.s32 v4, $0xFFFFFFFF  }
0x437: {  	v4 =	vsel vm1, $0xFFFFFFFF, v5  }
0x438: {  	s6 =	simm.s32 $0x1010;
	s10 =	sadd.s32 $0xFFFFFFFF, s9;
	[tilespmem:s3+$0x0] =	vst v4  }
0x439: {  	s5 =	simm.s32 $0x1810;
	p0 =	por $0x1, $0x1;
	s9 =	simm.s32 $0x4800;
	v4 =	vld [tilespmem:s6+$0x0]  }
.LBB2_113:
0x43a: {  	p1 =	seq.s32 s10, $0x1;
	v5 =	vld [tilespmem:s5+$0x0];
	_ =	sdelay $0x2  }
.Ltmp70:
0x43b: {  	(pc) =	sbr.rel @!p1 .LBB2_113-.Ltmp70, $4  }
0x43c: {  	vm1 =	veq.s32 v4, $0xFFFFFFFF  }
0x43d: {  	s9 =	sadd.s32 $0x10, s9;
	v4 =	vsel vm1, $0xFFFFFFFF, v5  }
0x43e: {  	s6 =	sadd.s32 $0x10, s6;
	[tilespmem:s9+$0x0] =	vst v4  }
0x43f: {  	s10 =	sadd.s32 $0xFFFFFFFF, s10;
	s5 =	sadd.s32 $0x10, s5;
	v4 =	vld [tilespmem:s6+$0x0]  }
.LBB2_114:
0x440: {  	v5 =	vld [tilespmem:s5+$0x0];
	_ =	sdelay $0x3  }
0x441: {  	s5 =	sadd.s32 @p0 $0x10, s9;
	vm1 =	veq.s32 v4, $0xFFFFFFFF  }
0x442: {  	s3 =	smov.u32 @p0 s5;
	v4 =	vsel vm1, $0xFFFFFFFF, v5  }
0x443: {  	[tilespmem:s3+$0x0] =	vst v4  }
0x444: {  	p0 =	sgt.u32 s0, $0x3F  }
.Ltmp71:
0x445: {  	_ = 	snop;
	(pc) =	sbr.rel @p0 .LBB2_108-.Ltmp71, $1  }
0x446: {  	_ =	sdelay $0x3  }
.LBB2_106:
0x447: {  	s31 =	ssub.s32 $0x40, s1  }
0x448: {  	p0 =	sne.s32 s31, $0x1  }
.Ltmp72:
0x449: {  	_ = 	snop;
	(pc) =	sbr.rel @!p0 .LBB2_108-.Ltmp72, $4  }
0x44a: {  	s0 =	sshll.u32 s1, $0x6  }
0x44b: {  	s0 =	sshra.s32 s0, $0x2  }
0x44c: {  	s0 =	sadd.s32 $0x4800, s0  }
0x44d: {  	s1 =	sadd.s32 $0xFFFFFFFF, s31;
	[tilespmem:s0+$0x0] =	vst v3  }
.LBB2_107:
0x44e: {  	p0 =	sne.s32 s1, $0x1  }
.Ltmp73:
0x44f: {  	_ = 	snop;
	(pc) =	sbr.rel @p0 .LBB2_107-.Ltmp73, $3  }
0x450: {  	_ =	sdelay $0x1  }
0x451: {  	s1 =	sadd.s32 $0xFFFFFFFF, s1;
	s0 =	sadd.s32 $0x10, s0  }
0x452: {  	[tilespmem:s0+$0x0] =	vst v3  }
.LBB2_108:
0x453: {  	s0 =	sshll.u32 s30, $0xD  }
0x454: {  	s0 =	sor.u32 s8, s0  }
0x455: {  	p1 =	sgt.s32 s2, $0x0;
	s0 =	sshrl.u32 s0, $0x3  }
.Ltmp74:
0x456: {  	s1 =	simm.s32 $0x4800;
	s0 =	sadd.s32 s7, s0;
	(pc) =	sbr.rel @!p1 .LBB2_116-.Ltmp74, $4  }
0x457: {  	[hbm4b:s0+s12] =	stream.strided.scatter [tilespmem:s1], [sflag:$0x1], $0x400, s13, s12, $0x38;
	[tilespmem:$0x5400] =	vst v63  }
0x458: {  	_ =	swait.ge [sflag:s11], $0x400  }
0x459: {  	p0 =	slt.s32 s2, $0x40;
	s0 =	smov.u32 s2;
	[sflag:s11] =	ssyncset.done $0x0  }
0x45a: {  	s0 =	simm.s32 @!p0 $0x40;
	[sflag:s11] =	ssyncadd.s32 $0xFFFFFC00  }
0x45b: {  	p1 =	seq.s32 s0, $0x1  }
.Ltmp75:
0x45c: {  	_ = 	snop;
	(pc) =	sbr.rel @p1 .LBB2_110-.Ltmp75, $3  }
0x45d: {  	_ =	sdelay $0x1  }
0x45e: {  	s5 =	simm.s32 $0x3400  }
0x45f: {  	s3 =	simm.s32 $0x3C00;
	p0 =	por $0x0, $0x0;
	v4 =	vld [tilespmem:s5+$0x0];
	s5 =	sadd.s32 $0xFFFFFFFF, s0  }
0x460: {  	v5 =	vld [tilespmem:s3+$0x0];
	_ =	sdelay $0x1  }
0x461: {  	p1 =	seq.s32 s5, $0x1  }
.Ltmp76:
0x462: {  	_ = 	snop;
	(pc) =	sbr.rel @p1 .LBB2_122-.Ltmp76, $4  }
0x463: {  	vm1 =	veq.s32 v4, $0xFFFFFFFF  }
0x464: {  	v4 =	vsel vm1, $0xFFFFFFFF, v5  }
0x465: {  	s6 =	simm.s32 $0x3410;
	s9 =	sadd.s32 $0xFFFFFFFF, s5;
	[tilespmem:s1+$0x0] =	vst v4  }
0x466: {  	s3 =	simm.s32 $0x3C10;
	p0 =	por $0x1, $0x1;
	s5 =	simm.s32 $0x4800;
	v4 =	vld [tilespmem:s6+$0x0]  }
.LBB2_123:
0x467: {  	p1 =	seq.s32 s9, $0x1;
	v5 =	vld [tilespmem:s3+$0x0];
	_ =	sdelay $0x2  }
.Ltmp77:
0x468: {  	(pc) =	sbr.rel @!p1 .LBB2_123-.Ltmp77, $4  }
0x469: {  	vm1 =	veq.s32 v4, $0xFFFFFFFF  }
0x46a: {  	s5 =	sadd.s32 $0x10, s5;
	v4 =	vsel vm1, $0xFFFFFFFF, v5  }
0x46b: {  	s6 =	sadd.s32 $0x10, s6;
	[tilespmem:s5+$0x0] =	vst v4  }
0x46c: {  	s9 =	sadd.s32 $0xFFFFFFFF, s9;
	s3 =	sadd.s32 $0x10, s3;
	v4 =	vld [tilespmem:s6+$0x0]  }
.LBB2_124:
0x46d: {  	v5 =	vld [tilespmem:s3+$0x0];
	_ =	sdelay $0x3  }
0x46e: {  	s3 =	sadd.s32 @p0 $0x10, s5;
	vm1 =	veq.s32 v4, $0xFFFFFFFF  }
0x46f: {  	s1 =	smov.u32 @p0 s3;
	v4 =	vsel vm1, $0xFFFFFFFF, v5  }
0x470: {  	[tilespmem:s1+$0x0] =	vst v4  }
0x471: {  	p0 =	sgt.u32 s2, $0x3F  }
.Ltmp78:
0x472: {  	_ = 	snop;
	(pc) =	sbr.rel @p0 .LBB2_118-.Ltmp78, $1  }
0x473: {  	_ =	sdelay $0x3  }
.LBB2_116:
0x474: {  	s31 =	ssub.s32 $0x40, s0  }
0x475: {  	p0 =	sne.s32 s31, $0x1  }
.Ltmp79:
0x476: {  	_ = 	snop;
	(pc) =	sbr.rel @!p0 .LBB2_118-.Ltmp79, $4  }
0x477: {  	s1 =	sshll.u32 s0, $0x6  }
0x478: {  	s2 =	sshra.s32 s1, $0x2  }
0x479: {  	s0 =	sadd.s32 $0x4800, s2  }
0x47a: {  	s1 =	sadd.s32 $0xFFFFFFFF, s31;
	[tilespmem:s0+$0x0] =	vst v3  }
.LBB2_117:
0x47b: {  	p0 =	sne.s32 s1, $0x1  }
.Ltmp80:
0x47c: {  	_ = 	snop;
	(pc) =	sbr.rel @p0 .LBB2_117-.Ltmp80, $3  }
0x47d: {  	_ =	sdelay $0x1  }
0x47e: {  	s1 =	sadd.s32 $0xFFFFFFFF, s1;
	s0 =	sadd.s32 $0x10, s0  }
0x47f: {  	[tilespmem:s0+$0x0] =	vst v3  }
.Ltmp81:
0x480: {  	_ = 	snop;
	(pc) =	sbr.rel .LBB2_118-.Ltmp81, $1  }
0x481: {  	_ =	sdelay $0x3  }
.LBB2_9:
.Ltmp82:
0x482: {  	(pc) =	sbr.rel .LBB2_17-.Ltmp82, $2  }
0x483: {  	_ =	sdelay $0x2  }
0x484: {  	v5 =	vmov v8  }
.LBB2_25:
.Ltmp83:
0x485: {  	(pc) =	sbr.rel .LBB2_31-.Ltmp83, $2  }
0x486: {  	_ =	sdelay $0x2  }
0x487: {  	_ = 	snop  }
.LBB2_39:
.Ltmp84:
0x488: {  	(pc) =	sbr.rel .LBB2_45-.Ltmp84, $2  }
0x489: {  	_ =	sdelay $0x2  }
0x48a: {  	_ = 	snop  }
.LBB2_53:
.Ltmp85:
0x48b: {  	(pc) =	sbr.rel .LBB2_59-.Ltmp85, $2  }
0x48c: {  	_ =	sdelay $0x2  }
0x48d: {  	_ = 	snop  }
.LBB2_67:
.Ltmp86:
0x48e: {  	(pc) =	sbr.rel .LBB2_73-.Ltmp86, $2  }
0x48f: {  	_ =	sdelay $0x2  }
0x490: {  	_ = 	snop  }
.LBB2_81:
.Ltmp87:
0x491: {  	(pc) =	sbr.rel .LBB2_87-.Ltmp87, $2  }
0x492: {  	_ =	sdelay $0x2  }
0x493: {  	_ = 	snop  }
.LBB2_95:
.Ltmp88:
0x494: {  	(pc) =	sbr.rel .LBB2_101-.Ltmp88, $2  }
0x495: {  	_ =	sdelay $0x2  }
0x496: {  	_ = 	snop  }
.LBB2_104:
.Ltmp89:
0x497: {  	(pc) =	sbr.rel .LBB2_114-.Ltmp89, $2  }
0x498: {  	_ =	sdelay $0x2  }
0x499: {  	s9 =	simm.s32 $0x4800  }
.LBB2_110:
.Ltmp90:
0x49a: {  	(pc) =	sbr.rel .LBB2_124-.Ltmp90, $2  }
0x49b: {  	_ =	sdelay $0x2  }
0x49c: {  	s5 =	simm.s32 $0x4800  }
.LBB2_14:
.Ltmp91:
0x49d: {  	(pc) =	sbr.rel .LBB2_17-.Ltmp91, $2  }
0x49e: {  	_ =	sdelay $0x2  }
0x49f: {  	v8 =	vmov v7;
	v5 =	vmov v7  }
.LBB2_112:
.Ltmp92:
0x4a0: {  	(pc) =	sbr.rel .LBB2_114-.Ltmp92, $2  }
0x4a1: {  	_ =	sdelay $0x2  }
0x4a2: {  	s9 =	simm.s32 $0x4800  }
.LBB2_122:
.Ltmp93:
0x4a3: {  	(pc) =	sbr.rel .LBB2_124-.Ltmp93, $2  }
0x4a4: {  	_ =	sdelay $0x2  }
0x4a5: {  	s5 =	simm.s32 $0x4800  }
.LBB2_120:
0x4a6: {  	_ =	sfence.sel $0x180000  }
0x4a7: {  	[bflag:$0x0] =	sbarrier.arrive $0xFFFF  }
0x4a8: {  	_ =	strace $0x90000047  }
0x4a9: {  	s0 =	stileid.u32;
	[bflag:$0x2] =	sbarrier.arrive $0xFFFF  }
0x4aa: {  	p0 =	sne.s32 s0, $0x0;
	s0 =	rddreg [dreg:$0x3]  }
0x4ab: {  	s0 =	sadd.s32 @!p0 $0x100000, s0  }
0x4ac: {  	[sflag:s0] =	ssyncadd.tile.s32 @!p0 $0x1;
	_ =	shalt  }
.Lfunc_end2:
_tile_overlayer_lowered:
.L_overlay_start_2:
0x4ad: {  	(tag) =	ssettag $0x2  }
0x4ae: {  	s0 =	rddreg [dreg:$0x0];
	s2 =	stileid.u32  }
0x4af: {  	s1 =	rddreg [dreg:$0x1];
	p0 =	sne.s32 s2, $0x0  }
0x4b0: {  	s3 =	rddreg [dreg:$0x2];
	[bflag:$0x3] =	sbarrier.arrive $0xFFFF;
	s2 =	simm.s32 @!p0 $0x1C01  }
0x4b1: {  	[timem:s3], [sflag:s2] =	dma.local @!p0 [hbm:s0], s1  }
0x4b2: {  	s0 =	simm.s32 @!p0 $0x1  }
0x4b3: {  	_ =	swait.ge @!p0 [sflag:s0], s1  }
0x4b4: {  	s1 =	ssub.s32 @!p0 $0x0, s1;
	[sflag:s0] =	ssyncset.done @!p0 $0x0  }
0x4b5: {  	[sflag:s0] =	ssyncadd.s32 @!p0 s1  }
0x4b6: {  	[bflag:$0x3] =	sbarrier.arrive $0xFFFF  }
0x4b7: {  	_ =	shalt  }

</sc_bundles>
